<compile_context>
chip_gen: v7x
topology: tpu7x:2x2x1
jax: 0.10.2.dev20260603
libtpu: 0.0.44.dev20260713+nightly
codegen_flags: <defaults>
</compile_context>

<pallas_src>
import functools

import jax
import jax.numpy as jnp
from jax import lax
from jax.experimental import pallas as pl
from jax.experimental.pallas import tpu as pltpu
from jax.experimental.pallas import tpu_sc as plsc

_NC = 2
_NS = 16
_CHUNK = 80


_NBUF = 4


def _sc_segment_sum(h, edge_index, zeros):
    N, D = h.shape
    E = edge_index.shape[1]
    NW = _NC * _NS
    EW = E // NW
    NCH = EW // _CHUNK
    npad = -(-N // (8 * _NS)) * (8 * _NS)
    rpt = npad // _NS
    assert EW * NW == E and NCH * _CHUNK == EW
    assert NCH >= 2 * _NBUF
    nch_pad = -(-NCH // (2 * _NBUF)) * (2 * _NBUF)

    mesh = plsc.VectorSubcoreMesh(core_axis_name="c", subcore_axis_name="s")
    rows_t = [pltpu.VMEM((_CHUNK, D), jnp.float32) for _ in range(_NBUF)]
    gsem_t = [pltpu.SemaphoreType.DMA for _ in range(_NBUF)]
    sbuf_t = [pltpu.VMEM((_CHUNK,), jnp.int32) for _ in range(2 * _NBUF)]
    dbuf_t = [pltpu.VMEM((_CHUNK,), jnp.int32) for _ in range(2 * _NBUF)]
    ssem_t = [pltpu.SemaphoreType.DMA for _ in range(2 * _NBUF)]
    dsem_t = [pltpu.SemaphoreType.DMA for _ in range(2 * _NBUF)]

    @functools.partial(
        pl.kernel,
        out_type=jax.ShapeDtypeStruct((_NC, npad, D), jnp.float32),
        mesh=mesh,
        scratch_types=(
            [pltpu.VMEM_SHARED((npad, D), jnp.float32)]
            + rows_t + gsem_t + sbuf_t + dbuf_t + ssem_t + dsem_t
        ),
    )
    def seg_sum(h_hbm, src_hbm, dst_hbm, z_hbm, out_hbm, agg_sh, *rest):
        rows = rest[:_NBUF]
        gsem = rest[_NBUF:2 * _NBUF]
        o = 2 * _NBUF
        sbuf = rest[o:o + 2 * _NBUF]
        dbuf = rest[o + 2 * _NBUF:o + 4 * _NBUF]
        ssem = rest[o + 4 * _NBUF:o + 6 * _NBUF]
        dsem = rest[o + 6 * _NBUF:o + 8 * _NBUF]
        c = lax.axis_index("c")
        s = lax.axis_index("s")
        wid = c * _NS + s

        def idx_copy(q, b, p):
            pltpu.async_copy(src_hbm.at[wid, q], sbuf[2 * b + p],
                             ssem[2 * b + p])
            pltpu.async_copy(dst_hbm.at[wid, q], dbuf[2 * b + p],
                             dsem[2 * b + p])

        def swait(b, p):
            pltpu.make_async_copy(src_hbm.at[wid, 0], sbuf[2 * b + p],
                                  ssem[2 * b + p]).wait()

        def dwait(b, p):
            pltpu.make_async_copy(dst_hbm.at[wid, 0], dbuf[2 * b + p],
                                  dsem[2 * b + p]).wait()

        def gather(b, p):
            pltpu.async_copy(h_hbm.at[sbuf[2 * b + p]], rows[b], gsem[b])

        def gather_wait(b):
            pltpu.make_async_copy(h_hbm.at[sbuf[0]], rows[b], gsem[b]).wait()

        for b in range(_NBUF):
            idx_copy(b, b, 0)
        for b in range(_NBUF):
            idx_copy(b + _NBUF, b, 1)
        for b in range(_NBUF):
            swait(b, 0)
            gather(b, 0)
        pltpu.sync_copy(z_hbm, agg_sh.at[pl.ds(s * rpt, rpt)])
        plsc.subcore_barrier()

        @pl.loop(0, nch_pad, step=2 * _NBUF)
        def _(j):
            for k in range(2 * _NBUF):
                b, p = k % _NBUF, k // _NBUF
                q = j + k

                @pl.when(q < NCH)
                def _():
                    gather_wait(b)
                    dwait(b, p)
                    pltpu.sync_copy(rows[b], agg_sh.at[dbuf[2 * b + p]],
                                    add=True)

                @pl.when(q + 2 * _NBUF < NCH)
                def _():
                    idx_copy(q + 2 * _NBUF, b, p)

                @pl.when(q + _NBUF < NCH)
                def _():
                    swait(b, 1 - p)
                    gather(b, 1 - p)

        plsc.subcore_barrier()
        pltpu.sync_copy(agg_sh.at[pl.ds(s * rpt, rpt)],
                        out_hbm.at[c, pl.ds(s * rpt, rpt)])

    src3 = edge_index[0].reshape(NW, NCH, _CHUNK)
    dst3 = edge_index[1].reshape(NW, NCH, _CHUNK)
    return seg_sum(h, src3, dst3, zeros)


def _tc_layer(h, agg, W1, W2, mg, mb, g, b, pW, pb, score):
    N, D = h.shape
    H = W1.shape[1]
    O = pW.shape[1]

    def body(h_ref, agg_ref, W1_ref, W2_ref, mg_ref, mb_ref, g_ref, b_ref,
             pW_ref, pb_ref, sc_ref, hout_ref, scout_ref):
        z = h_ref[...] + agg_ref[0, :N] + agg_ref[1, :N]
        y = jnp.dot(z, W1_ref[...], preferred_element_type=jnp.float32,
                    precision=lax.Precision.DEFAULT)
        m = jnp.mean(y, axis=0, keepdims=True)
        v = jnp.mean(y * y, axis=0, keepdims=True) - m * m
        a = jnp.maximum((y - m) * lax.rsqrt(v + 1e-5) * mg_ref[...]
                        + mb_ref[...], 0.0)
        z2 = jnp.dot(a, W2_ref[...], preferred_element_type=jnp.float32,
                     precision=lax.Precision.DEFAULT)
        m2 = jnp.mean(z2, axis=0, keepdims=True)
        v2 = jnp.mean(z2 * z2, axis=0, keepdims=True) - m2 * m2
        hn = jnp.maximum((z2 - m2) * lax.rsqrt(v2 + 1e-5) * g_ref[...]
                         + b_ref[...], 0.0)
        hout_ref[...] = hn
        pooled = jnp.mean(hn, axis=0, keepdims=True)
        scout_ref[...] = (sc_ref[...]
                          + jnp.dot(pooled, pW_ref[...],
                                    preferred_element_type=jnp.float32,
                                    precision=lax.Precision.DEFAULT)
                          + pb_ref[...])

    return pl.pallas_call(
        body,
        out_shape=(jax.ShapeDtypeStruct((N, H), jnp.float32),
                   jax.ShapeDtypeStruct((1, O), jnp.float32)),
    )(h, agg, W1, W2, mg.reshape(1, H), mb.reshape(1, H),
      g.reshape(1, H), b.reshape(1, H), pW, pb.reshape(1, O), score)


def kernel(h, edge_index,
           W1_0, W2_0, mbn_g_0, mbn_b_0, bn_g_0, bn_b_0, pred_W_0, pred_b_0,
           W1_1, W2_1, mbn_g_1, mbn_b_1, bn_g_1, bn_b_1, pred_W_1, pred_b_1,
           W1_2, W2_2, mbn_g_2, mbn_b_2, bn_g_2, bn_b_2, pred_W_2, pred_b_2):
    params = [
        (W1_0, W2_0, mbn_g_0, mbn_b_0, bn_g_0, bn_b_0, pred_W_0, pred_b_0),
        (W1_1, W2_1, mbn_g_1, mbn_b_1, bn_g_1, bn_b_1, pred_W_1, pred_b_1),
        (W1_2, W2_2, mbn_g_2, mbn_b_2, bn_g_2, bn_b_2, pred_W_2, pred_b_2),
    ]
    N, D = h.shape
    npad = -(-N // (8 * _NS)) * (8 * _NS)
    zeros = jnp.zeros((npad // _NS, D), dtype=jnp.float32)
    score = jnp.zeros((1, pred_W_0.shape[1]), dtype=jnp.float32)
    for (W1, W2, mg, mb, g, b, pW, pb) in params:
        agg = _sc_segment_sum(h, edge_index, zeros)
        h, score = _tc_layer(h, agg, W1, W2, mg, mb, g, b, pW, pb, score)
    return score

# --- scband reference (transcript-rebuilt; emitter-appended) ---
"""Pipeline reference for scband-gin-43782896615722 (READ-ONLY COPY).

The authoritative reference and input builder live on the scoring server;
editing this copy changes nothing except your own understanding.
"""

import jax, jax.numpy as jnp
import numpy as np

N = 10000
E = 320000
D = 128
H = 128
O = 128

def setup_inputs(seed: int = 0) -> dict:
    key = jax.random.key(seed)
    ks = jax.random.split(key, 16)
    inp = {}
    inp["h"] = jax.random.normal(ks[0], (N, D), dtype=jnp.float32)
    inp["edge_index"] = jax.random.randint(ks[1], (2, E), 0, N, dtype=jnp.int32)
    k = 2
    for i in range(3):
        din = D if i == 0 else H
        inp[f"W1_{i}"] = jax.random.normal(ks[k], (din, H), dtype=jnp.float32) * 0.05; k += 1
        inp[f"W2_{i}"] = jax.random.normal(ks[k], (H, H), dtype=jnp.float32) * 0.05; k += 1
        inp[f"mbn_g_{i}"] = jnp.ones((H,), dtype=jnp.float32)
        inp[f"mbn_b_{i}"] = jnp.zeros((H,), dtype=jnp.float32)
        inp[f"bn_g_{i}"] = jnp.ones((H,), dtype=jnp.float32)
        inp[f"bn_b_{i}"] = jnp.zeros((H,), dtype=jnp.float32)
        inp[f"pred_W_{i}"] = jax.random.normal(ks[k], (H, O), dtype=jnp.float32) * 0.05; k += 1
        inp[f"pred_b_{i}"] = jnp.zeros((O,), dtype=jnp.float32)
    return inp

def _bn(x, g, b):
    m = jnp.mean(x, axis=0)
    v = jnp.var(x, axis=0)
    return (x - m) / jnp.sqrt(v + 1e-5) * g + b

def _forward(h, edge_index, params):
    src = edge_index[0]
    dst = edge_index[1]
    score = jnp.zeros((1, O), dtype=jnp.float32)
    for i in range(3):
        W1, W2, mg, mb, g, b, pW, pb = params[i]
        # GINConv (learn_eps=False, eps=0): (1+eps)*h + sum over in-neighbors
        agg = jax.ops.segment_sum(h[src], dst, num_segments=N)
        z = h + agg
        # two-layer MLP: relu(BN(lin1(z))) -> lin2 (both linears bias-free)
        z = jnp.maximum(_bn(z @ W1, mg, mb), 0.0) @ W2
        # outer batch norm + relu
        h = jnp.maximum(_bn(z, g, b), 0.0)
        # AvgPooling over the (single) graph, then prediction head (dropout is identity in eval)
        pooled = jnp.mean(h, axis=0, keepdims=True)
        score = score + pooled @ pW + pb
    return score

def reference(h, edge_index,
              W1_0, W2_0, mbn_g_0, mbn_b_0, bn_g_0, bn_b_0, pred_W_0, pred_b_0,
              W1_1, W2_1, mbn_g_1, mbn_b_1, bn_g_1, bn_b_1, pred_W_1, pred_b_1,
              W1_2, W2_2, mbn_g_2, mbn_b_2, bn_g_2, bn_b_2, pred_W_2, pred_b_2):
    params = [
        (W1_0, W2_0, mbn_g_0, mbn_b_0, bn_g_0, bn_b_0, pred_W_0, pred_b_0),
        (W1_1, W2_1, mbn_g_1, mbn_b_1, bn_g_1, bn_b_1, pred_W_1, pred_b_1),
        (W1_2, W2_2, mbn_g_2, mbn_b_2, bn_g_2, bn_b_2, pred_W_2, pred_b_2),
    ]
    return _forward(h, edge_index, params)

if __name__ == "__main__":
    import jax
    _d = setup_inputs()
    print(jax.jit(kernel)(*tuple(_d.values())))

</pallas_src>

<mosaic_0001>
#map = affine_map<(d0, d1) -> (0, 0)>
#map1 = affine_map<(d0, d1) -> (0, 0, 0)>
module attributes {stable_mosaic.version = 14 : i64} {
  func.func @seg_sum(%arg0: i32, %arg1: i32, %arg2: memref<10000x128xf32, #tpu.memory_space<hbm>>, %arg3: memref<32x125x80xi32, #tpu.memory_space<hbm>>, %arg4: memref<32x125x80xi32, #tpu.memory_space<hbm>>, %arg5: memref<632x128xf32, #tpu.memory_space<hbm>>, %arg6: memref<2x10112x128xf32, #tpu.memory_space<hbm>>, %arg7: memref<10112x128xf32, #tpu.memory_space<vmem_shared>>, %arg8: memref<80x128xf32, #tpu.memory_space<vmem>>, %arg9: memref<80x128xf32, #tpu.memory_space<vmem>>, %arg10: memref<80x128xf32, #tpu.memory_space<vmem>>, %arg11: memref<80x128xf32, #tpu.memory_space<vmem>>, %arg12: memref<!tpu.dma_semaphore, #tpu.memory_space<semaphore_mem>>, %arg13: memref<!tpu.dma_semaphore, #tpu.memory_space<semaphore_mem>>, %arg14: memref<!tpu.dma_semaphore, #tpu.memory_space<semaphore_mem>>, %arg15: memref<!tpu.dma_semaphore, #tpu.memory_space<semaphore_mem>>, %arg16: memref<80xi32, #tpu.memory_space<vmem>>, %arg17: memref<80xi32, #tpu.memory_space<vmem>>, %arg18: memref<80xi32, #tpu.memory_space<vmem>>, %arg19: memref<80xi32, #tpu.memory_space<vmem>>, %arg20: memref<80xi32, #tpu.memory_space<vmem>>, %arg21: memref<80xi32, #tpu.memory_space<vmem>>, %arg22: memref<80xi32, #tpu.memory_space<vmem>>, %arg23: memref<80xi32, #tpu.memory_space<vmem>>, %arg24: memref<80xi32, #tpu.memory_space<vmem>>, %arg25: memref<80xi32, #tpu.memory_space<vmem>>, %arg26: memref<80xi32, #tpu.memory_space<vmem>>, %arg27: memref<80xi32, #tpu.memory_space<vmem>>, %arg28: memref<80xi32, #tpu.memory_space<vmem>>, %arg29: memref<80xi32, #tpu.memory_space<vmem>>, %arg30: memref<80xi32, #tpu.memory_space<vmem>>, %arg31: memref<80xi32, #tpu.memory_space<vmem>>, %arg32: memref<!tpu.dma_semaphore, #tpu.memory_space<semaphore_mem>>, %arg33: memref<!tpu.dma_semaphore, #tpu.memory_space<semaphore_mem>>, %arg34: memref<!tpu.dma_semaphore, #tpu.memory_space<semaphore_mem>>, %arg35: memref<!tpu.dma_semaphore, #tpu.memory_space<semaphore_mem>>, %arg36: memref<!tpu.dma_semaphore, #tpu.memory_space<semaphore_mem>>, %arg37: memref<!tpu.dma_semaphore, #tpu.memory_space<semaphore_mem>>, %arg38: memref<!tpu.dma_semaphore, #tpu.memory_space<semaphore_mem>>, %arg39: memref<!tpu.dma_semaphore, #tpu.memory_space<semaphore_mem>>, %arg40: memref<!tpu.dma_semaphore, #tpu.memory_space<semaphore_mem>>, %arg41: memref<!tpu.dma_semaphore, #tpu.memory_space<semaphore_mem>>, %arg42: memref<!tpu.dma_semaphore, #tpu.memory_space<semaphore_mem>>, %arg43: memref<!tpu.dma_semaphore, #tpu.memory_space<semaphore_mem>>, %arg44: memref<!tpu.dma_semaphore, #tpu.memory_space<semaphore_mem>>, %arg45: memref<!tpu.dma_semaphore, #tpu.memory_space<semaphore_mem>>, %arg46: memref<!tpu.dma_semaphore, #tpu.memory_space<semaphore_mem>>, %arg47: memref<!tpu.dma_semaphore, #tpu.memory_space<semaphore_mem>>) attributes {dimension_semantics = [#tpu.dimension_semantics<core_parallel>, #tpu.dimension_semantics<subcore_parallel>], iteration_bounds = array<i64: 2, 16>, scalar_prefetch = 0 : i64, scratch_operands = 41 : i64, tpu.core_type = #tpu.core_type<sc_vector_subcore>, window_params = [{transform_indices = #map}, {transform_indices = #map1}, {transform_indices = #map1}, {transform_indices = #map}, {transform_indices = #map1}]} {
    %mul3A = arith.constant 16 : i32
    %mul3A_0 = arith.muli %arg0, %mul3A : i32
    %add3A = arith.addi %mul3A_0, %arg1 : i32
    %dma_start3A = arith.constant 0 : i32
    %dma_start3A_1 = arith.constant 0 : i32
    %dma_start3A_2 = tpu.memref_slice %arg3[%add3A, %dma_start3A, %dma_start3A_1] : memref<32x125x80xi32, #tpu.memory_space<hbm>> -> memref<1x1x80xi32, #tpu.memory_space<hbm>>
    %dma_start3A_3 = tpu.memref_squeeze %dma_start3A_2 : memref<1x1x80xi32, #tpu.memory_space<hbm>> -> memref<80xi32, #tpu.memory_space<hbm>>
    %dma_start3A_4 = arith.constant 0 : i32
    %dma_start3A_5 = tpu.memref_slice %arg3[%add3A, %dma_start3A, %dma_start3A_4] : memref<32x125x80xi32, #tpu.memory_space<hbm>> -> memref<1x1x80xi32, #tpu.memory_space<hbm>>
    %dma_start3A_6 = tpu.memref_squeeze %dma_start3A_5 : memref<1x1x80xi32, #tpu.memory_space<hbm>> -> memref<80xi32, #tpu.memory_space<hbm>>
    tpu.enqueue_dma source(%dma_start3A_6 : memref<80xi32, #tpu.memory_space<hbm>>) target(%arg16 : memref<80xi32, #tpu.memory_space<vmem>>) target_semaphore(%arg32 : memref<!tpu.dma_semaphore, #tpu.memory_space<semaphore_mem>>)
    %dma_start3A_7 = arith.constant 0 : i32
    %dma_start3A_8 = arith.constant 0 : i32
    %dma_start3A_9 = tpu.memref_slice %arg4[%add3A, %dma_start3A_7, %dma_start3A_8] : memref<32x125x80xi32, #tpu.memory_space<hbm>> -> memref<1x1x80xi32, #tpu.memory_space<hbm>>
    %dma_start3A_10 = tpu.memref_squeeze %dma_start3A_9 : memref<1x1x80xi32, #tpu.memory_space<hbm>> -> memref<80xi32, #tpu.memory_space<hbm>>
    %dma_start3A_11 = arith.constant 0 : i32
    %dma_start3A_12 = tpu.memref_slice %arg4[%add3A, %dma_start3A_7, %dma_start3A_11] : memref<32x125x80xi32, #tpu.memory_space<hbm>> -> memref<1x1x80xi32, #tpu.memory_space<hbm>>
    %dma_start3A_13 = tpu.memref_squeeze %dma_start3A_12 : memref<1x1x80xi32, #tpu.memory_space<hbm>> -> memref<80xi32, #tpu.memory_space<hbm>>
    tpu.enqueue_dma source(%dma_start3A_13 : memref<80xi32, #tpu.memory_space<hbm>>) target(%arg24 : memref<80xi32, #tpu.memory_space<vmem>>) target_semaphore(%arg40 : memref<!tpu.dma_semaphore, #tpu.memory_space<semaphore_mem>>)
    %dma_start3A_14 = arith.constant 1 : i32
    %dma_start3A_15 = arith.constant 0 : i32
    %dma_start3A_16 = tpu.memref_slice %arg3[%add3A, %dma_start3A_14, %dma_start3A_15] : memref<32x125x80xi32, #tpu.memory_space<hbm>> -> memref<1x1x80xi32, #tpu.memory_space<hbm>>
    %dma_start3A_17 = tpu.memref_squeeze %dma_start3A_16 : memref<1x1x80xi32, #tpu.memory_space<hbm>> -> memref<80xi32, #tpu.memory_space<hbm>>
    %dma_start3A_18 = arith.constant 0 : i32
    %dma_start3A_19 = tpu.memref_slice %arg3[%add3A, %dma_start3A_14, %dma_start3A_18] : memref<32x125x80xi32, #tpu.memory_space<hbm>> -> memref<1x1x80xi32, #tpu.memory_space<hbm>>
    %dma_start3A_20 = tpu.memref_squeeze %dma_start3A_19 : memref<1x1x80xi32, #tpu.memory_space<hbm>> -> memref<80xi32, #tpu.memory_space<hbm>>
    tpu.enqueue_dma source(%dma_start3A_20 : memref<80xi32, #tpu.memory_space<hbm>>) target(%arg18 : memref<80xi32, #tpu.memory_space<vmem>>) target_semaphore(%arg34 : memref<!tpu.dma_semaphore, #tpu.memory_space<semaphore_mem>>)
    %dma_start3A_21 = arith.constant 1 : i32
    %dma_start3A_22 = arith.constant 0 : i32
    %dma_start3A_23 = tpu.memref_slice %arg4[%add3A, %dma_start3A_21, %dma_start3A_22] : memref<32x125x80xi32, #tpu.memory_space<hbm>> -> memref<1x1x80xi32, #tpu.memory_space<hbm>>
    %dma_start3A_24 = tpu.memref_squeeze %dma_start3A_23 : memref<1x1x80xi32, #tpu.memory_space<hbm>> -> memref<80xi32, #tpu.memory_space<hbm>>
    %dma_start3A_25 = arith.constant 0 : i32
    %dma_start3A_26 = tpu.memref_slice %arg4[%add3A, %dma_start3A_21, %dma_start3A_25] : memref<32x125x80xi32, #tpu.memory_space<hbm>> -> memref<1x1x80xi32, #tpu.memory_space<hbm>>
    %dma_start3A_27 = tpu.memref_squeeze %dma_start3A_26 : memref<1x1x80xi32, #tpu.memory_space<hbm>> -> memref<80xi32, #tpu.memory_space<hbm>>
    tpu.enqueue_dma source(%dma_start3A_27 : memref<80xi32, #tpu.memory_space<hbm>>) target(%arg26 : memref<80xi32, #tpu.memory_space<vmem>>) target_semaphore(%arg42 : memref<!tpu.dma_semaphore, #tpu.memory_space<semaphore_mem>>)
    %dma_start3A_28 = arith.constant 2 : i32
    %dma_start3A_29 = arith.constant 0 : i32
    %dma_start3A_30 = tpu.memref_slice %arg3[%add3A, %dma_start3A_28, %dma_start3A_29] : memref<32x125x80xi32, #tpu.memory_space<hbm>> -> memref<1x1x80xi32, #tpu.memory_space<hbm>>
    %dma_start3A_31 = tpu.memref_squeeze %dma_start3A_30 : memref<1x1x80xi32, #tpu.memory_space<hbm>> -> memref<80xi32, #tpu.memory_space<hbm>>
    %dma_start3A_32 = arith.constant 0 : i32
    %dma_start3A_33 = tpu.memref_slice %arg3[%add3A, %dma_start3A_28, %dma_start3A_32] : memref<32x125x80xi32, #tpu.memory_space<hbm>> -> memref<1x1x80xi32, #tpu.memory_space<hbm>>
    %dma_start3A_34 = tpu.memref_squeeze %dma_start3A_33 : memref<1x1x80xi32, #tpu.memory_space<hbm>> -> memref<80xi32, #tpu.memory_space<hbm>>
    tpu.enqueue_dma source(%dma_start3A_34 : memref<80xi32, #tpu.memory_space<hbm>>) target(%arg20 : memref<80xi32, #tpu.memory_space<vmem>>) target_semaphore(%arg36 : memref<!tpu.dma_semaphore, #tpu.memory_space<semaphore_mem>>)
    %dma_start3A_35 = arith.constant 2 : i32
    %dma_start3A_36 = arith.constant 0 : i32
    %dma_start3A_37 = tpu.memref_slice %arg4[%add3A, %dma_start3A_35, %dma_start3A_36] : memref<32x125x80xi32, #tpu.memory_space<hbm>> -> memref<1x1x80xi32, #tpu.memory_space<hbm>>
    %dma_start3A_38 = tpu.memref_squeeze %dma_start3A_37 : memref<1x1x80xi32, #tpu.memory_space<hbm>> -> memref<80xi32, #tpu.memory_space<hbm>>
    %dma_start3A_39 = arith.constant 0 : i32
    %dma_start3A_40 = tpu.memref_slice %arg4[%add3A, %dma_start3A_35, %dma_start3A_39] : memref<32x125x80xi32, #tpu.memory_space<hbm>> -> memref<1x1x80xi32, #tpu.memory_space<hbm>>
    %dma_start3A_41 = tpu.memref_squeeze %dma_start3A_40 : memref<1x1x80xi32, #tpu.memory_space<hbm>> -> memref<80xi32, #tpu.memory_space<hbm>>
    tpu.enqueue_dma source(%dma_start3A_41 : memref<80xi32, #tpu.memory_space<hbm>>) target(%arg28 : memref<80xi32, #tpu.memory_space<vmem>>) target_semaphore(%arg44 : memref<!tpu.dma_semaphore, #tpu.memory_space<semaphore_mem>>)
    %dma_start3A_42 = arith.constant 3 : i32
    %dma_start3A_43 = arith.constant 0 : i32
    %dma_start3A_44 = tpu.memref_slice %arg3[%add3A, %dma_start3A_42, %dma_start3A_43] : memref<32x125x80xi32, #tpu.memory_space<hbm>> -> memref<1x1x80xi32, #tpu.memory_space<hbm>>
    %dma_start3A_45 = tpu.memref_squeeze %dma_start3A_44 : memref<1x1x80xi32, #tpu.memory_space<hbm>> -> memref<80xi32, #tpu.memory_space<hbm>>
    %dma_start3A_46 = arith.constant 0 : i32
    %dma_start3A_47 = tpu.memref_slice %arg3[%add3A, %dma_start3A_42, %dma_start3A_46] : memref<32x125x80xi32, #tpu.memory_space<hbm>> -> memref<1x1x80xi32, #tpu.memory_space<hbm>>
    %dma_start3A_48 = tpu.memref_squeeze %dma_start3A_47 : memref<1x1x80xi32, #tpu.memory_space<hbm>> -> memref<80xi32, #tpu.memory_space<hbm>>
    tpu.enqueue_dma source(%dma_start3A_48 : memref<80xi32, #tpu.memory_space<hbm>>) target(%arg22 : memref<80xi32, #tpu.memory_space<vmem>>) target_semaphore(%arg38 : memref<!tpu.dma_semaphore, #tpu.memory_space<semaphore_mem>>)
    %dma_start3A_49 = arith.constant 3 : i32
    %dma_start3A_50 = arith.constant 0 : i32
    %dma_start3A_51 = tpu.memref_slice %arg4[%add3A, %dma_start3A_49, %dma_start3A_50] : memref<32x125x80xi32, #tpu.memory_space<hbm>> -> memref<1x1x80xi32, #tpu.memory_space<hbm>>
    %dma_start3A_52 = tpu.memref_squeeze %dma_start3A_51 : memref<1x1x80xi32, #tpu.memory_space<hbm>> -> memref<80xi32, #tpu.memory_space<hbm>>
    %dma_start3A_53 = arith.constant 0 : i32
    %dma_start3A_54 = tpu.memref_slice %arg4[%add3A, %dma_start3A_49, %dma_start3A_53] : memref<32x125x80xi32, #tpu.memory_space<hbm>> -> memref<1x1x80xi32, #tpu.memory_space<hbm>>
    %dma_start3A_55 = tpu.memref_squeeze %dma_start3A_54 : memref<1x1x80xi32, #tpu.memory_space<hbm>> -> memref<80xi32, #tpu.memory_space<hbm>>
    tpu.enqueue_dma source(%dma_start3A_55 : memref<80xi32, #tpu.memory_space<hbm>>) target(%arg30 : memref<80xi32, #tpu.memory_space<vmem>>) target_semaphore(%arg46 : memref<!tpu.dma_semaphore, #tpu.memory_space<semaphore_mem>>)
    %dma_start3A_56 = arith.constant 4 : i32
    %dma_start3A_57 = arith.constant 0 : i32
    %dma_start3A_58 = tpu.memref_slice %arg3[%add3A, %dma_start3A_56, %dma_start3A_57] : memref<32x125x80xi32, #tpu.memory_space<hbm>> -> memref<1x1x80xi32, #tpu.memory_space<hbm>>
    %dma_start3A_59 = tpu.memref_squeeze %dma_start3A_58 : memref<1x1x80xi32, #tpu.memory_space<hbm>> -> memref<80xi32, #tpu.memory_space<hbm>>
    %dma_start3A_60 = arith.constant 0 : i32
    %dma_start3A_61 = tpu.memref_slice %arg3[%add3A, %dma_start3A_56, %dma_start3A_60] : memref<32x125x80xi32, #tpu.memory_space<hbm>> -> memref<1x1x80xi32, #tpu.memory_space<hbm>>
    %dma_start3A_62 = tpu.memref_squeeze %dma_start3A_61 : memref<1x1x80xi32, #tpu.memory_space<hbm>> -> memref<80xi32, #tpu.memory_space<hbm>>
    tpu.enqueue_dma source(%dma_start3A_62 : memref<80xi32, #tpu.memory_space<hbm>>) target(%arg17 : memref<80xi32, #tpu.memory_space<vmem>>) target_semaphore(%arg33 : memref<!tpu.dma_semaphore, #tpu.memory_space<semaphore_mem>>)
    %dma_start3A_63 = arith.constant 4 : i32
    %dma_start3A_64 = arith.constant 0 : i32
    %dma_start3A_65 = tpu.memref_slice %arg4[%add3A, %dma_start3A_63, %dma_start3A_64] : memref<32x125x80xi32, #tpu.memory_space<hbm>> -> memref<1x1x80xi32, #tpu.memory_space<hbm>>
    %dma_start3A_66 = tpu.memref_squeeze %dma_start3A_65 : memref<1x1x80xi32, #tpu.memory_space<hbm>> -> memref<80xi32, #tpu.memory_space<hbm>>
    %dma_start3A_67 = arith.constant 0 : i32
    %dma_start3A_68 = tpu.memref_slice %arg4[%add3A, %dma_start3A_63, %dma_start3A_67] : memref<32x125x80xi32, #tpu.memory_space<hbm>> -> memref<1x1x80xi32, #tpu.memory_space<hbm>>
    %dma_start3A_69 = tpu.memref_squeeze %dma_start3A_68 : memref<1x1x80xi32, #tpu.memory_space<hbm>> -> memref<80xi32, #tpu.memory_space<hbm>>
    tpu.enqueue_dma source(%dma_start3A_69 : memref<80xi32, #tpu.memory_space<hbm>>) target(%arg25 : memref<80xi32, #tpu.memory_space<vmem>>) target_semaphore(%arg41 : memref<!tpu.dma_semaphore, #tpu.memory_space<semaphore_mem>>)
    %dma_start3A_70 = arith.constant 5 : i32
    %dma_start3A_71 = arith.constant 0 : i32
    %dma_start3A_72 = tpu.memref_slice %arg3[%add3A, %dma_start3A_70, %dma_start3A_71] : memref<32x125x80xi32, #tpu.memory_space<hbm>> -> memref<1x1x80xi32, #tpu.memory_space<hbm>>
    %dma_start3A_73 = tpu.memref_squeeze %dma_start3A_72 : memref<1x1x80xi32, #tpu.memory_space<hbm>> -> memref<80xi32, #tpu.memory_space<hbm>>
    %dma_start3A_74 = arith.constant 0 : i32
    %dma_start3A_75 = tpu.memref_slice %arg3[%add3A, %dma_start3A_70, %dma_start3A_74] : memref<32x125x80xi32, #tpu.memory_space<hbm>> -> memref<1x1x80xi32, #tpu.memory_space<hbm>>
    %dma_start3A_76 = tpu.memref_squeeze %dma_start3A_75 : memref<1x1x80xi32, #tpu.memory_space<hbm>> -> memref<80xi32, #tpu.memory_space<hbm>>
    tpu.enqueue_dma source(%dma_start3A_76 : memref<80xi32, #tpu.memory_space<hbm>>) target(%arg19 : memref<80xi32, #tpu.memory_space<vmem>>) target_semaphore(%arg35 : memref<!tpu.dma_semaphore, #tpu.memory_space<semaphore_mem>>)
    %dma_start3A_77 = arith.constant 5 : i32
    %dma_start3A_78 = arith.constant 0 : i32
    %dma_start3A_79 = tpu.memref_slice %arg4[%add3A, %dma_start3A_77, %dma_start3A_78] : memref<32x125x80xi32, #tpu.memory_space<hbm>> -> memref<1x1x80xi32, #tpu.memory_space<hbm>>
    %dma_start3A_80 = tpu.memref_squeeze %dma_start3A_79 : memref<1x1x80xi32, #tpu.memory_space<hbm>> -> memref<80xi32, #tpu.memory_space<hbm>>
    %dma_start3A_81 = arith.constant 0 : i32
    %dma_start3A_82 = tpu.memref_slice %arg4[%add3A, %dma_start3A_77, %dma_start3A_81] : memref<32x125x80xi32, #tpu.memory_space<hbm>> -> memref<1x1x80xi32, #tpu.memory_space<hbm>>
    %dma_start3A_83 = tpu.memref_squeeze %dma_start3A_82 : memref<1x1x80xi32, #tpu.memory_space<hbm>> -> memref<80xi32, #tpu.memory_space<hbm>>
    tpu.enqueue_dma source(%dma_start3A_83 : memref<80xi32, #tpu.memory_space<hbm>>) target(%arg27 : memref<80xi32, #tpu.memory_space<vmem>>) target_semaphore(%arg43 : memref<!tpu.dma_semaphore, #tpu.memory_space<semaphore_mem>>)
    %dma_start3A_84 = arith.constant 6 : i32
    %dma_start3A_85 = arith.constant 0 : i32
    %dma_start3A_86 = tpu.memref_slice %arg3[%add3A, %dma_start3A_84, %dma_start3A_85] : memref<32x125x80xi32, #tpu.memory_space<hbm>> -> memref<1x1x80xi32, #tpu.memory_space<hbm>>
    %dma_start3A_87 = tpu.memref_squeeze %dma_start3A_86 : memref<1x1x80xi32, #tpu.memory_space<hbm>> -> memref<80xi32, #tpu.memory_space<hbm>>
    %dma_start3A_88 = arith.constant 0 : i32
    %dma_start3A_89 = tpu.memref_slice %arg3[%add3A, %dma_start3A_84, %dma_start3A_88] : memref<32x125x80xi32, #tpu.memory_space<hbm>> -> memref<1x1x80xi32, #tpu.memory_space<hbm>>
    %dma_start3A_90 = tpu.memref_squeeze %dma_start3A_89 : memref<1x1x80xi32, #tpu.memory_space<hbm>> -> memref<80xi32, #tpu.memory_space<hbm>>
    tpu.enqueue_dma source(%dma_start3A_90 : memref<80xi32, #tpu.memory_space<hbm>>) target(%arg21 : memref<80xi32, #tpu.memory_space<vmem>>) target_semaphore(%arg37 : memref<!tpu.dma_semaphore, #tpu.memory_space<semaphore_mem>>)
    %dma_start3A_91 = arith.constant 6 : i32
    %dma_start3A_92 = arith.constant 0 : i32
    %dma_start3A_93 = tpu.memref_slice %arg4[%add3A, %dma_start3A_91, %dma_start3A_92] : memref<32x125x80xi32, #tpu.memory_space<hbm>> -> memref<1x1x80xi32, #tpu.memory_space<hbm>>
    %dma_start3A_94 = tpu.memref_squeeze %dma_start3A_93 : memref<1x1x80xi32, #tpu.memory_space<hbm>> -> memref<80xi32, #tpu.memory_space<hbm>>
    %dma_start3A_95 = arith.constant 0 : i32
    %dma_start3A_96 = tpu.memref_slice %arg4[%add3A, %dma_start3A_91, %dma_start3A_95] : memref<32x125x80xi32, #tpu.memory_space<hbm>> -> memref<1x1x80xi32, #tpu.memory_space<hbm>>
    %dma_start3A_97 = tpu.memref_squeeze %dma_start3A_96 : memref<1x1x80xi32, #tpu.memory_space<hbm>> -> memref<80xi32, #tpu.memory_space<hbm>>
    tpu.enqueue_dma source(%dma_start3A_97 : memref<80xi32, #tpu.memory_space<hbm>>) target(%arg29 : memref<80xi32, #tpu.memory_space<vmem>>) target_semaphore(%arg45 : memref<!tpu.dma_semaphore, #tpu.memory_space<semaphore_mem>>)
    %dma_start3A_98 = arith.constant 7 : i32
    %dma_start3A_99 = arith.constant 0 : i32
    %dma_start3A_100 = tpu.memref_slice %arg3[%add3A, %dma_start3A_98, %dma_start3A_99] : memref<32x125x80xi32, #tpu.memory_space<hbm>> -> memref<1x1x80xi32, #tpu.memory_space<hbm>>
    %dma_start3A_101 = tpu.memref_squeeze %dma_start3A_100 : memref<1x1x80xi32, #tpu.memory_space<hbm>> -> memref<80xi32, #tpu.memory_space<hbm>>
    %dma_start3A_102 = arith.constant 0 : i32
    %dma_start3A_103 = tpu.memref_slice %arg3[%add3A, %dma_start3A_98, %dma_start3A_102] : memref<32x125x80xi32, #tpu.memory_space<hbm>> -> memref<1x1x80xi32, #tpu.memory_space<hbm>>
    %dma_start3A_104 = tpu.memref_squeeze %dma_start3A_103 : memref<1x1x80xi32, #tpu.memory_space<hbm>> -> memref<80xi32, #tpu.memory_space<hbm>>
    tpu.enqueue_dma source(%dma_start3A_104 : memref<80xi32, #tpu.memory_space<hbm>>) target(%arg23 : memref<80xi32, #tpu.memory_space<vmem>>) target_semaphore(%arg39 : memref<!tpu.dma_semaphore, #tpu.memory_space<semaphore_mem>>)
    %dma_start3A_105 = arith.constant 7 : i32
    %dma_start3A_106 = arith.constant 0 : i32
    %dma_start3A_107 = tpu.memref_slice %arg4[%add3A, %dma_start3A_105, %dma_start3A_106] : memref<32x125x80xi32, #tpu.memory_space<hbm>> -> memref<1x1x80xi32, #tpu.memory_space<hbm>>
    %dma_start3A_108 = tpu.memref_squeeze %dma_start3A_107 : memref<1x1x80xi32, #tpu.memory_space<hbm>> -> memref<80xi32, #tpu.memory_space<hbm>>
    %dma_start3A_109 = arith.constant 0 : i32
    %dma_start3A_110 = tpu.memref_slice %arg4[%add3A, %dma_start3A_105, %dma_start3A_109] : memref<32x125x80xi32, #tpu.memory_space<hbm>> -> memref<1x1x80xi32, #tpu.memory_space<hbm>>
    %dma_start3A_111 = tpu.memref_squeeze %dma_start3A_110 : memref<1x1x80xi32, #tpu.memory_space<hbm>> -> memref<80xi32, #tpu.memory_space<hbm>>
    tpu.enqueue_dma source(%dma_start3A_111 : memref<80xi32, #tpu.memory_space<hbm>>) target(%arg31 : memref<80xi32, #tpu.memory_space<vmem>>) target_semaphore(%arg47 : memref<!tpu.dma_semaphore, #tpu.memory_space<semaphore_mem>>)
    %dma_wait3A = arith.constant 0 : i32
    %dma_wait3A_112 = arith.constant 0 : i32
    %dma_wait3A_113 = tpu.memref_slice %arg3[%add3A, %dma_wait3A, %dma_wait3A_112] : memref<32x125x80xi32, #tpu.memory_space<hbm>> -> memref<1x1x80xi32, #tpu.memory_space<hbm>>
    %dma_wait3A_114 = tpu.memref_squeeze %dma_wait3A_113 : memref<1x1x80xi32, #tpu.memory_space<hbm>> -> memref<80xi32, #tpu.memory_space<hbm>>
    %dma_wait3A_115 = arith.constant 0 : i32
    %dma_wait3A_116 = tpu.memref_slice %arg3[%add3A, %dma_wait3A, %dma_wait3A_115] : memref<32x125x80xi32, #tpu.memory_space<hbm>> -> memref<1x1x80xi32, #tpu.memory_space<hbm>>
    %dma_wait3A_117 = tpu.memref_squeeze %dma_wait3A_116 : memref<1x1x80xi32, #tpu.memory_space<hbm>> -> memref<80xi32, #tpu.memory_space<hbm>>
    tpu.wait_dma2 semaphore(%arg32 : memref<!tpu.dma_semaphore, #tpu.memory_space<semaphore_mem>>) src(%dma_wait3A_117 : memref<80xi32, #tpu.memory_space<hbm>>) dst(%arg16 : memref<80xi32, #tpu.memory_space<vmem>>)
    %dma_start3A_118 = arith.constant 0 : i32
    %dma_start3A_119 = arith.constant 0 : i32
    %dma_start3A_120 = tpu.memref_slice %arg2[%dma_start3A_118, %dma_start3A_119] : memref<10000x128xf32, #tpu.memory_space<hbm>> -> memref<10000x128xf32, #tpu.memory_space<hbm>>
    tpu.enqueue_indirect_dma source(%dma_start3A_120 : memref<10000x128xf32, #tpu.memory_space<hbm>>) target(%arg8 : memref<80x128xf32, #tpu.memory_space<vmem>>) offsets(%arg16 : memref<80xi32, #tpu.memory_space<vmem>>) semaphore(%arg12 : memref<!tpu.dma_semaphore, #tpu.memory_space<semaphore_mem>>)
    %dma_wait3A_121 = arith.constant 0 : i32
    %dma_wait3A_122 = arith.constant 0 : i32
    %dma_wait3A_123 = tpu.memref_slice %arg3[%add3A, %dma_wait3A_121, %dma_wait3A_122] : memref<32x125x80xi32, #tpu.memory_space<hbm>> -> memref<1x1x80xi32, #tpu.memory_space<hbm>>
    %dma_wait3A_124 = tpu.memref_squeeze %dma_wait3A_123 : memref<1x1x80xi32, #tpu.memory_space<hbm>> -> memref<80xi32, #tpu.memory_space<hbm>>
    %dma_wait3A_125 = arith.constant 0 : i32
    %dma_wait3A_126 = tpu.memref_slice %arg3[%add3A, %dma_wait3A_121, %dma_wait3A_125] : memref<32x125x80xi32, #tpu.memory_space<hbm>> -> memref<1x1x80xi32, #tpu.memory_space<hbm>>
    %dma_wait3A_127 = tpu.memref_squeeze %dma_wait3A_126 : memref<1x1x80xi32, #tpu.memory_space<hbm>> -> memref<80xi32, #tpu.memory_space<hbm>>
    tpu.wait_dma2 semaphore(%arg34 : memref<!tpu.dma_semaphore, #tpu.memory_space<semaphore_mem>>) src(%dma_wait3A_127 : memref<80xi32, #tpu.memory_space<hbm>>) dst(%arg18 : memref<80xi32, #tpu.memory_space<vmem>>)
    %dma_start3A_128 = arith.constant 0 : i32
    %dma_start3A_129 = arith.constant 0 : i32
    %dma_start3A_130 = tpu.memref_slice %arg2[%dma_start3A_128, %dma_start3A_129] : memref<10000x128xf32, #tpu.memory_space<hbm>> -> memref<10000x128xf32, #tpu.memory_space<hbm>>
    tpu.enqueue_indirect_dma source(%dma_start3A_130 : memref<10000x128xf32, #tpu.memory_space<hbm>>) target(%arg9 : memref<80x128xf32, #tpu.memory_space<vmem>>) offsets(%arg18 : memref<80xi32, #tpu.memory_space<vmem>>) semaphore(%arg13 : memref<!tpu.dma_semaphore, #tpu.memory_space<semaphore_mem>>)
    %dma_wait3A_131 = arith.constant 0 : i32
    %dma_wait3A_132 = arith.constant 0 : i32
    %dma_wait3A_133 = tpu.memref_slice %arg3[%add3A, %dma_wait3A_131, %dma_wait3A_132] : memref<32x125x80xi32, #tpu.memory_space<hbm>> -> memref<1x1x80xi32, #tpu.memory_space<hbm>>
    %dma_wait3A_134 = tpu.memref_squeeze %dma_wait3A_133 : memref<1x1x80xi32, #tpu.memory_space<hbm>> -> memref<80xi32, #tpu.memory_space<hbm>>
    %dma_wait3A_135 = arith.constant 0 : i32
    %dma_wait3A_136 = tpu.memref_slice %arg3[%add3A, %dma_wait3A_131, %dma_wait3A_135] : memref<32x125x80xi32, #tpu.memory_space<hbm>> -> memref<1x1x80xi32, #tpu.memory_space<hbm>>
    %dma_wait3A_137 = tpu.memref_squeeze %dma_wait3A_136 : memref<1x1x80xi32, #tpu.memory_space<hbm>> -> memref<80xi32, #tpu.memory_space<hbm>>
    tpu.wait_dma2 semaphore(%arg36 : memref<!tpu.dma_semaphore, #tpu.memory_space<semaphore_mem>>) src(%dma_wait3A_137 : memref<80xi32, #tpu.memory_space<hbm>>) dst(%arg20 : memref<80xi32, #tpu.memory_space<vmem>>)
    %dma_start3A_138 = arith.constant 0 : i32
    %dma_start3A_139 = arith.constant 0 : i32
    %dma_start3A_140 = tpu.memref_slice %arg2[%dma_start3A_138, %dma_start3A_139] : memref<10000x128xf32, #tpu.memory_space<hbm>> -> memref<10000x128xf32, #tpu.memory_space<hbm>>
    tpu.enqueue_indirect_dma source(%dma_start3A_140 : memref<10000x128xf32, #tpu.memory_space<hbm>>) target(%arg10 : memref<80x128xf32, #tpu.memory_space<vmem>>) offsets(%arg20 : memref<80xi32, #tpu.memory_space<vmem>>) semaphore(%arg14 : memref<!tpu.dma_semaphore, #tpu.memory_space<semaphore_mem>>)
    %dma_wait3A_141 = arith.constant 0 : i32
    %dma_wait3A_142 = arith.constant 0 : i32
    %dma_wait3A_143 = tpu.memref_slice %arg3[%add3A, %dma_wait3A_141, %dma_wait3A_142] : memref<32x125x80xi32, #tpu.memory_space<hbm>> -> memref<1x1x80xi32, #tpu.memory_space<hbm>>
    %dma_wait3A_144 = tpu.memref_squeeze %dma_wait3A_143 : memref<1x1x80xi32, #tpu.memory_space<hbm>> -> memref<80xi32, #tpu.memory_space<hbm>>
    %dma_wait3A_145 = arith.constant 0 : i32
    %dma_wait3A_146 = tpu.memref_slice %arg3[%add3A, %dma_wait3A_141, %dma_wait3A_145] : memref<32x125x80xi32, #tpu.memory_space<hbm>> -> memref<1x1x80xi32, #tpu.memory_space<hbm>>
    %dma_wait3A_147 = tpu.memref_squeeze %dma_wait3A_146 : memref<1x1x80xi32, #tpu.memory_space<hbm>> -> memref<80xi32, #tpu.memory_space<hbm>>
    tpu.wait_dma2 semaphore(%arg38 : memref<!tpu.dma_semaphore, #tpu.memory_space<semaphore_mem>>) src(%dma_wait3A_147 : memref<80xi32, #tpu.memory_space<hbm>>) dst(%arg22 : memref<80xi32, #tpu.memory_space<vmem>>)
    %dma_start3A_148 = arith.constant 0 : i32
    %dma_start3A_149 = arith.constant 0 : i32
    %dma_start3A_150 = tpu.memref_slice %arg2[%dma_start3A_148, %dma_start3A_149] : memref<10000x128xf32, #tpu.memory_space<hbm>> -> memref<10000x128xf32, #tpu.memory_space<hbm>>
    tpu.enqueue_indirect_dma source(%dma_start3A_150 : memref<10000x128xf32, #tpu.memory_space<hbm>>) target(%arg11 : memref<80x128xf32, #tpu.memory_space<vmem>>) offsets(%arg22 : memref<80xi32, #tpu.memory_space<vmem>>) semaphore(%arg15 : memref<!tpu.dma_semaphore, #tpu.memory_space<semaphore_mem>>)
    %mul3A_151 = arith.constant 632 : i32
    %mul3A_152 = arith.muli %arg1, %mul3A_151 : i32
    "tpu.region"() ({
      %run_scoped3A = tpu.sem_alloc : memref<!tpu.dma_semaphore, #tpu.memory_space<semaphore_mem>>
      %dma_start3A_162 = arith.constant 0 : i32
      %dma_start3A_163 = tpu.memref_slice %arg7[%mul3A_152, %dma_start3A_162] : memref<10112x128xf32, #tpu.memory_space<vmem_shared>> -> memref<632x128xf32, #tpu.memory_space<vmem_shared>>
      tpu.enqueue_dma source(%arg5 : memref<632x128xf32, #tpu.memory_space<hbm>>) target(%dma_start3A_163 : memref<632x128xf32, #tpu.memory_space<vmem_shared>>) target_semaphore(%run_scoped3A : memref<!tpu.dma_semaphore, #tpu.memory_space<semaphore_mem>>)
      %dma_wait3A_164 = arith.constant 0 : i32
      %dma_wait3A_165 = tpu.memref_slice %arg7[%mul3A_152, %dma_wait3A_164] : memref<10112x128xf32, #tpu.memory_space<vmem_shared>> -> memref<632x128xf32, #tpu.memory_space<vmem_shared>>
      tpu.wait_dma2 semaphore(%run_scoped3A : memref<!tpu.dma_semaphore, #tpu.memory_space<semaphore_mem>>) src(%arg5 : memref<632x128xf32, #tpu.memory_space<hbm>>) dst(%dma_wait3A_165 : memref<632x128xf32, #tpu.memory_space<vmem_shared>>)
      tpu.yield
    }) : () -> ()
    %barrier3A = arith.constant 0 : index
    tpu.barrier barrier_id(%barrier3A)
    %scan3A = arith.constant 0 : i32
    %scan3A_153 = arith.constant 16 : i32
    %scan3A_154 = arith.addi %scan3A, %scan3A_153 : i32
    %scan3A_155 = arith.constant 1 : i32
    scf.for %scan3A_162 = %scan3A to %scan3A_154 step %scan3A_155  : i32 {
      %mul3A_163 = arith.constant 8 : i32
      %mul3A_164 = arith.muli %scan3A_162, %mul3A_163 : i32
      %add3A_165 = arith.constant 0 : i32
      %add3A_166 = arith.addi %add3A_165, %mul3A_164 : i32
      %add3A_167 = arith.constant 0 : i32
      %add3A_168 = arith.addi %add3A_166, %add3A_167 : i32
      %lt3A = arith.constant 125 : i32
      %lt3A_169 = arith.cmpi slt, %add3A_168, %lt3A : i32
      %convert_element_type3A = arith.extui %lt3A_169 : i1 to i32
      %cond3A = arith.constant 0 : i32
      %cond3A_170 = arith.cmpi ne, %convert_element_type3A, %cond3A : i32
      scf.if %cond3A_170 {
        %dma_wait3A_332 = arith.constant 0 : i32
        %dma_wait3A_333 = arith.constant 0 : i32
        %dma_wait3A_334 = tpu.memref_slice %arg2[%dma_wait3A_332, %dma_wait3A_333] : memref<10000x128xf32, #tpu.memory_space<hbm>> -> memref<10000x128xf32, #tpu.memory_space<hbm>>
        tpu.wait_indirect_dma semaphore(%arg12 : memref<!tpu.dma_semaphore, #tpu.memory_space<semaphore_mem>>) src(%dma_wait3A_334 : memref<10000x128xf32, #tpu.memory_space<hbm>>) dst(%arg8 : memref<80x128xf32, #tpu.memory_space<vmem>>)
        %dma_wait3A_335 = arith.constant 0 : i32
        %dma_wait3A_336 = arith.constant 0 : i32
        %dma_wait3A_337 = tpu.memref_slice %arg4[%add3A, %dma_wait3A_335, %dma_wait3A_336] : memref<32x125x80xi32, #tpu.memory_space<hbm>> -> memref<1x1x80xi32, #tpu.memory_space<hbm>>
        %dma_wait3A_338 = tpu.memref_squeeze %dma_wait3A_337 : memref<1x1x80xi32, #tpu.memory_space<hbm>> -> memref<80xi32, #tpu.memory_space<hbm>>
        %dma_wait3A_339 = arith.constant 0 : i32
        %dma_wait3A_340 = tpu.memref_slice %arg4[%add3A, %dma_wait3A_335, %dma_wait3A_339] : memref<32x125x80xi32, #tpu.memory_space<hbm>> -> memref<1x1x80xi32, #tpu.memory_space<hbm>>
        %dma_wait3A_341 = tpu.memref_squeeze %dma_wait3A_340 : memref<1x1x80xi32, #tpu.memory_space<hbm>> -> memref<80xi32, #tpu.memory_space<hbm>>
        tpu.wait_dma2 semaphore(%arg40 : memref<!tpu.dma_semaphore, #tpu.memory_space<semaphore_mem>>) src(%dma_wait3A_341 : memref<80xi32, #tpu.memory_space<hbm>>) dst(%arg24 : memref<80xi32, #tpu.memory_space<vmem>>)
        "tpu.region"() ({
          %run_scoped3A = tpu.sem_alloc : memref<!tpu.dma_semaphore, #tpu.memory_space<semaphore_mem>>
          %dma_start3A_342 = arith.constant 0 : i32
          %dma_start3A_343 = arith.constant 0 : i32
          %dma_start3A_344 = tpu.memref_slice %arg7[%dma_start3A_342, %dma_start3A_343] : memref<10112x128xf32, #tpu.memory_space<vmem_shared>> -> memref<10112x128xf32, #tpu.memory_space<vmem_shared>>
          tpu.enqueue_indirect_dma source(%arg8 : memref<80x128xf32, #tpu.memory_space<vmem>>) target(%dma_start3A_344 : memref<10112x128xf32, #tpu.memory_space<vmem_shared>>) offsets(%arg24 : memref<80xi32, #tpu.memory_space<vmem>>) semaphore(%run_scoped3A : memref<!tpu.dma_semaphore, #tpu.memory_space<semaphore_mem>>) {add = true}
          %dma_wait3A_345 = arith.constant 0 : i32
          %dma_wait3A_346 = arith.constant 0 : i32
          %dma_wait3A_347 = tpu.memref_slice %arg7[%dma_wait3A_345, %dma_wait3A_346] : memref<10112x128xf32, #tpu.memory_space<vmem_shared>> -> memref<10112x128xf32, #tpu.memory_space<vmem_shared>>
          tpu.wait_indirect_dma semaphore(%run_scoped3A : memref<!tpu.dma_semaphore, #tpu.memory_space<semaphore_mem>>) src(%arg8 : memref<80x128xf32, #tpu.memory_space<vmem>>) dst(%dma_wait3A_347 : memref<10112x128xf32, #tpu.memory_space<vmem_shared>>)
          tpu.yield
        }) : () -> ()
      } else {
      }
      %add3A_171 = arith.constant 8 : i32
      %add3A_172 = arith.addi %add3A_168, %add3A_171 : i32
      %lt3A_173 = arith.constant 125 : i32
      %lt3A_174 = arith.cmpi slt, %add3A_172, %lt3A_173 : i32
      %convert_element_type3A_175 = arith.extui %lt3A_174 : i1 to i32
      %cond3A_176 = arith.constant 0 : i32
      %cond3A_177 = arith.cmpi ne, %convert_element_type3A_175, %cond3A_176 : i32
      scf.if %cond3A_177 {
        %add3A_332 = arith.constant 8 : i32
        %add3A_333 = arith.addi %add3A_168, %add3A_332 : i32
        %dma_start3A_334 = arith.constant 0 : i32
        %dma_start3A_335 = tpu.memref_slice %arg3[%add3A, %add3A_333, %dma_start3A_334] : memref<32x125x80xi32, #tpu.memory_space<hbm>> -> memref<1x1x80xi32, #tpu.memory_space<hbm>>
        %dma_start3A_336 = tpu.memref_squeeze %dma_start3A_335 : memref<1x1x80xi32, #tpu.memory_space<hbm>> -> memref<80xi32, #tpu.memory_space<hbm>>
        %dma_start3A_337 = arith.constant 0 : i32
        %dma_start3A_338 = tpu.memref_slice %arg3[%add3A, %add3A_333, %dma_start3A_337] : memref<32x125x80xi32, #tpu.memory_space<hbm>> -> memref<1x1x80xi32, #tpu.memory_space<hbm>>
        %dma_start3A_339 = tpu.memref_squeeze %dma_start3A_338 : memref<1x1x80xi32, #tpu.memory_space<hbm>> -> memref<80xi32, #tpu.memory_space<hbm>>
        tpu.enqueue_dma source(%dma_start3A_339 : memref<80xi32, #tpu.memory_space<hbm>>) target(%arg16 : memref<80xi32, #tpu.memory_space<vmem>>) target_semaphore(%arg32 : memref<!tpu.dma_semaphore, #tpu.memory_space<semaphore_mem>>)
        %dma_start3A_340 = arith.constant 0 : i32
        %dma_start3A_341 = tpu.memref_slice %arg4[%add3A, %add3A_333, %dma_start3A_340] : memref<32x125x80xi32, #tpu.memory_space<hbm>> -> memref<1x1x80xi32, #tpu.memory_space<hbm>>
        %dma_start3A_342 = tpu.memref_squeeze %dma_start3A_341 : memref<1x1x80xi32, #tpu.memory_space<hbm>> -> memref<80xi32, #tpu.memory_space<hbm>>
        %dma_start3A_343 = arith.constant 0 : i32
        %dma_start3A_344 = tpu.memref_slice %arg4[%add3A, %add3A_333, %dma_start3A_343] : memref<32x125x80xi32, #tpu.memory_space<hbm>> -> memref<1x1x80xi32, #tpu.memory_space<hbm>>
        %dma_start3A_345 = tpu.memref_squeeze %dma_start3A_344 : memref<1x1x80xi32, #tpu.memory_space<hbm>> -> memref<80xi32, #tpu.memory_space<hbm>>
        tpu.enqueue_dma source(%dma_start3A_345 : memref<80xi32, #tpu.memory_space<hbm>>) target(%arg24 : memref<80xi32, #tpu.memory_space<vmem>>) target_semaphore(%arg40 : memref<!tpu.dma_semaphore, #tpu.memory_space<semaphore_mem>>)
      } else {
      }
      %add3A_178 = arith.constant 4 : i32
      %add3A_179 = arith.addi %add3A_168, %add3A_178 : i32
      %lt3A_180 = arith.constant 125 : i32
      %lt3A_181 = arith.cmpi slt, %add3A_179, %lt3A_180 : i32
      %convert_element_type3A_182 = arith.extui %lt3A_181 : i1 to i32
      %cond3A_183 = arith.constant 0 : i32
      %cond3A_184 = arith.cmpi ne, %convert_element_type3A_182, %cond3A_183 : i32
      scf.if %cond3A_184 {
        %dma_wait3A_332 = arith.constant 0 : i32
        %dma_wait3A_333 = arith.constant 0 : i32
        %dma_wait3A_334 = tpu.memref_slice %arg3[%add3A, %dma_wait3A_332, %dma_wait3A_333] : memref<32x125x80xi32, #tpu.memory_space<hbm>> -> memref<1x1x80xi32, #tpu.memory_space<hbm>>
        %dma_wait3A_335 = tpu.memref_squeeze %dma_wait3A_334 : memref<1x1x80xi32, #tpu.memory_space<hbm>> -> memref<80xi32, #tpu.memory_space<hbm>>
        %dma_wait3A_336 = arith.constant 0 : i32
        %dma_wait3A_337 = tpu.memref_slice %arg3[%add3A, %dma_wait3A_332, %dma_wait3A_336] : memref<32x125x80xi32, #tpu.memory_space<hbm>> -> memref<1x1x80xi32, #tpu.memory_space<hbm>>
        %dma_wait3A_338 = tpu.memref_squeeze %dma_wait3A_337 : memref<1x1x80xi32, #tpu.memory_space<hbm>> -> memref<80xi32, #tpu.memory_space<hbm>>
        tpu.wait_dma2 semaphore(%arg33 : memref<!tpu.dma_semaphore, #tpu.memory_space<semaphore_mem>>) src(%dma_wait3A_338 : memref<80xi32, #tpu.memory_space<hbm>>) dst(%arg17 : memref<80xi32, #tpu.memory_space<vmem>>)
        %dma_start3A_339 = arith.constant 0 : i32
        %dma_start3A_340 = arith.constant 0 : i32
        %dma_start3A_341 = tpu.memref_slice %arg2[%dma_start3A_339, %dma_start3A_340] : memref<10000x128xf32, #tpu.memory_space<hbm>> -> memref<10000x128xf32, #tpu.memory_space<hbm>>
        tpu.enqueue_indirect_dma source(%dma_start3A_341 : memref<10000x128xf32, #tpu.memory_space<hbm>>) target(%arg8 : memref<80x128xf32, #tpu.memory_space<vmem>>) offsets(%arg17 : memref<80xi32, #tpu.memory_space<vmem>>) semaphore(%arg12 : memref<!tpu.dma_semaphore, #tpu.memory_space<semaphore_mem>>)
      } else {
      }
      %add3A_185 = arith.constant 1 : i32
      %add3A_186 = arith.addi %add3A_166, %add3A_185 : i32
      %lt3A_187 = arith.constant 125 : i32
      %lt3A_188 = arith.cmpi slt, %add3A_186, %lt3A_187 : i32
      %convert_element_type3A_189 = arith.extui %lt3A_188 : i1 to i32
      %cond3A_190 = arith.constant 0 : i32
      %cond3A_191 = arith.cmpi ne, %convert_element_type3A_189, %cond3A_190 : i32
      scf.if %cond3A_191 {
        %dma_wait3A_332 = arith.constant 0 : i32
        %dma_wait3A_333 = arith.constant 0 : i32
        %dma_wait3A_334 = tpu.memref_slice %arg2[%dma_wait3A_332, %dma_wait3A_333] : memref<10000x128xf32, #tpu.memory_space<hbm>> -> memref<10000x128xf32, #tpu.memory_space<hbm>>
        tpu.wait_indirect_dma semaphore(%arg13 : memref<!tpu.dma_semaphore, #tpu.memory_space<semaphore_mem>>) src(%dma_wait3A_334 : memref<10000x128xf32, #tpu.memory_space<hbm>>) dst(%arg9 : memref<80x128xf32, #tpu.memory_space<vmem>>)
        %dma_wait3A_335 = arith.constant 0 : i32
        %dma_wait3A_336 = arith.constant 0 : i32
        %dma_wait3A_337 = tpu.memref_slice %arg4[%add3A, %dma_wait3A_335, %dma_wait3A_336] : memref<32x125x80xi32, #tpu.memory_space<hbm>> -> memref<1x1x80xi32, #tpu.memory_space<hbm>>
        %dma_wait3A_338 = tpu.memref_squeeze %dma_wait3A_337 : memref<1x1x80xi32, #tpu.memory_space<hbm>> -> memref<80xi32, #tpu.memory_space<hbm>>
        %dma_wait3A_339 = arith.constant 0 : i32
        %dma_wait3A_340 = tpu.memref_slice %arg4[%add3A, %dma_wait3A_335, %dma_wait3A_339] : memref<32x125x80xi32, #tpu.memory_space<hbm>> -> memref<1x1x80xi32, #tpu.memory_space<hbm>>
        %dma_wait3A_341 = tpu.memref_squeeze %dma_wait3A_340 : memref<1x1x80xi32, #tpu.memory_space<hbm>> -> memref<80xi32, #tpu.memory_space<hbm>>
        tpu.wait_dma2 semaphore(%arg42 : memref<!tpu.dma_semaphore, #tpu.memory_space<semaphore_mem>>) src(%dma_wait3A_341 : memref<80xi32, #tpu.memory_space<hbm>>) dst(%arg26 : memref<80xi32, #tpu.memory_space<vmem>>)
        "tpu.region"() ({
          %run_scoped3A = tpu.sem_alloc : memref<!tpu.dma_semaphore, #tpu.memory_space<semaphore_mem>>
          %dma_start3A_342 = arith.constant 0 : i32
          %dma_start3A_343 = arith.constant 0 : i32
          %dma_start3A_344 = tpu.memref_slice %arg7[%dma_start3A_342, %dma_start3A_343] : memref<10112x128xf32, #tpu.memory_space<vmem_shared>> -> memref<10112x128xf32, #tpu.memory_space<vmem_shared>>
          tpu.enqueue_indirect_dma source(%arg9 : memref<80x128xf32, #tpu.memory_space<vmem>>) target(%dma_start3A_344 : memref<10112x128xf32, #tpu.memory_space<vmem_shared>>) offsets(%arg26 : memref<80xi32, #tpu.memory_space<vmem>>) semaphore(%run_scoped3A : memref<!tpu.dma_semaphore, #tpu.memory_space<semaphore_mem>>) {add = true}
          %dma_wait3A_345 = arith.constant 0 : i32
          %dma_wait3A_346 = arith.constant 0 : i32
          %dma_wait3A_347 = tpu.memref_slice %arg7[%dma_wait3A_345, %dma_wait3A_346] : memref<10112x128xf32, #tpu.memory_space<vmem_shared>> -> memref<10112x128xf32, #tpu.memory_space<vmem_shared>>
          tpu.wait_indirect_dma semaphore(%run_scoped3A : memref<!tpu.dma_semaphore, #tpu.memory_space<semaphore_mem>>) src(%arg9 : memref<80x128xf32, #tpu.memory_space<vmem>>) dst(%dma_wait3A_347 : memref<10112x128xf32, #tpu.memory_space<vmem_shared>>)
          tpu.yield
        }) : () -> ()
      } else {
      }
      %add3A_192 = arith.constant 8 : i32
      %add3A_193 = arith.addi %add3A_186, %add3A_192 : i32
      %lt3A_194 = arith.constant 125 : i32
      %lt3A_195 = arith.cmpi slt, %add3A_193, %lt3A_194 : i32
      %convert_element_type3A_196 = arith.extui %lt3A_195 : i1 to i32
      %cond3A_197 = arith.constant 0 : i32
      %cond3A_198 = arith.cmpi ne, %convert_element_type3A_196, %cond3A_197 : i32
      scf.if %cond3A_198 {
        %add3A_332 = arith.constant 8 : i32
        %add3A_333 = arith.addi %add3A_186, %add3A_332 : i32
        %dma_start3A_334 = arith.constant 0 : i32
        %dma_start3A_335 = tpu.memref_slice %arg3[%add3A, %add3A_333, %dma_start3A_334] : memref<32x125x80xi32, #tpu.memory_space<hbm>> -> memref<1x1x80xi32, #tpu.memory_space<hbm>>
        %dma_start3A_336 = tpu.memref_squeeze %dma_start3A_335 : memref<1x1x80xi32, #tpu.memory_space<hbm>> -> memref<80xi32, #tpu.memory_space<hbm>>
        %dma_start3A_337 = arith.constant 0 : i32
        %dma_start3A_338 = tpu.memref_slice %arg3[%add3A, %add3A_333, %dma_start3A_337] : memref<32x125x80xi32, #tpu.memory_space<hbm>> -> memref<1x1x80xi32, #tpu.memory_space<hbm>>
        %dma_start3A_339 = tpu.memref_squeeze %dma_start3A_338 : memref<1x1x80xi32, #tpu.memory_space<hbm>> -> memref<80xi32, #tpu.memory_space<hbm>>
        tpu.enqueue_dma source(%dma_start3A_339 : memref<80xi32, #tpu.memory_space<hbm>>) target(%arg18 : memref<80xi32, #tpu.memory_space<vmem>>) target_semaphore(%arg34 : memref<!tpu.dma_semaphore, #tpu.memory_space<semaphore_mem>>)
        %dma_start3A_340 = arith.constant 0 : i32
        %dma_start3A_341 = tpu.memref_slice %arg4[%add3A, %add3A_333, %dma_start3A_340] : memref<32x125x80xi32, #tpu.memory_space<hbm>> -> memref<1x1x80xi32, #tpu.memory_space<hbm>>
        %dma_start3A_342 = tpu.memref_squeeze %dma_start3A_341 : memref<1x1x80xi32, #tpu.memory_space<hbm>> -> memref<80xi32, #tpu.memory_space<hbm>>
        %dma_start3A_343 = arith.constant 0 : i32
        %dma_start3A_344 = tpu.memref_slice %arg4[%add3A, %add3A_333, %dma_start3A_343] : memref<32x125x80xi32, #tpu.memory_space<hbm>> -> memref<1x1x80xi32, #tpu.memory_space<hbm>>
        %dma_start3A_345 = tpu.memref_squeeze %dma_start3A_344 : memref<1x1x80xi32, #tpu.memory_space<hbm>> -> memref<80xi32, #tpu.memory_space<hbm>>
        tpu.enqueue_dma source(%dma_start3A_345 : memref<80xi32, #tpu.memory_space<hbm>>) target(%arg26 : memref<80xi32, #tpu.memory_space<vmem>>) target_semaphore(%arg42 : memref<!tpu.dma_semaphore, #tpu.memory_space<semaphore_mem>>)
      } else {
      }
      %add3A_199 = arith.constant 4 : i32
      %add3A_200 = arith.addi %add3A_186, %add3A_199 : i32
      %lt3A_201 = arith.constant 125 : i32
      %lt3A_202 = arith.cmpi slt, %add3A_200, %lt3A_201 : i32
      %convert_element_type3A_203 = arith.extui %lt3A_202 : i1 to i32
      %cond3A_204 = arith.constant 0 : i32
      %cond3A_205 = arith.cmpi ne, %convert_element_type3A_203, %cond3A_204 : i32
      scf.if %cond3A_205 {
        %dma_wait3A_332 = arith.constant 0 : i32
        %dma_wait3A_333 = arith.constant 0 : i32
        %dma_wait3A_334 = tpu.memref_slice %arg3[%add3A, %dma_wait3A_332, %dma_wait3A_333] : memref<32x125x80xi32, #tpu.memory_space<hbm>> -> memref<1x1x80xi32, #tpu.memory_space<hbm>>
        %dma_wait3A_335 = tpu.memref_squeeze %dma_wait3A_334 : memref<1x1x80xi32, #tpu.memory_space<hbm>> -> memref<80xi32, #tpu.memory_space<hbm>>
        %dma_wait3A_336 = arith.constant 0 : i32
        %dma_wait3A_337 = tpu.memref_slice %arg3[%add3A, %dma_wait3A_332, %dma_wait3A_336] : memref<32x125x80xi32, #tpu.memory_space<hbm>> -> memref<1x1x80xi32, #tpu.memory_space<hbm>>
        %dma_wait3A_338 = tpu.memref_squeeze %dma_wait3A_337 : memref<1x1x80xi32, #tpu.memory_space<hbm>> -> memref<80xi32, #tpu.memory_space<hbm>>
        tpu.wait_dma2 semaphore(%arg35 : memref<!tpu.dma_semaphore, #tpu.memory_space<semaphore_mem>>) src(%dma_wait3A_338 : memref<80xi32, #tpu.memory_space<hbm>>) dst(%arg19 : memref<80xi32, #tpu.memory_space<vmem>>)
        %dma_start3A_339 = arith.constant 0 : i32
        %dma_start3A_340 = arith.constant 0 : i32
        %dma_start3A_341 = tpu.memref_slice %arg2[%dma_start3A_339, %dma_start3A_340] : memref<10000x128xf32, #tpu.memory_space<hbm>> -> memref<10000x128xf32, #tpu.memory_space<hbm>>
        tpu.enqueue_indirect_dma source(%dma_start3A_341 : memref<10000x128xf32, #tpu.memory_space<hbm>>) target(%arg9 : memref<80x128xf32, #tpu.memory_space<vmem>>) offsets(%arg19 : memref<80xi32, #tpu.memory_space<vmem>>) semaphore(%arg13 : memref<!tpu.dma_semaphore, #tpu.memory_space<semaphore_mem>>)
      } else {
      }
      %add3A_206 = arith.constant 2 : i32
      %add3A_207 = arith.addi %add3A_166, %add3A_206 : i32
      %lt3A_208 = arith.constant 125 : i32
      %lt3A_209 = arith.cmpi slt, %add3A_207, %lt3A_208 : i32
      %convert_element_type3A_210 = arith.extui %lt3A_209 : i1 to i32
      %cond3A_211 = arith.constant 0 : i32
      %cond3A_212 = arith.cmpi ne, %convert_element_type3A_210, %cond3A_211 : i32
      scf.if %cond3A_212 {
        %dma_wait3A_332 = arith.constant 0 : i32
        %dma_wait3A_333 = arith.constant 0 : i32
        %dma_wait3A_334 = tpu.memref_slice %arg2[%dma_wait3A_332, %dma_wait3A_333] : memref<10000x128xf32, #tpu.memory_space<hbm>> -> memref<10000x128xf32, #tpu.memory_space<hbm>>
        tpu.wait_indirect_dma semaphore(%arg14 : memref<!tpu.dma_semaphore, #tpu.memory_space<semaphore_mem>>) src(%dma_wait3A_334 : memref<10000x128xf32, #tpu.memory_space<hbm>>) dst(%arg10 : memref<80x128xf32, #tpu.memory_space<vmem>>)
        %dma_wait3A_335 = arith.constant 0 : i32
        %dma_wait3A_336 = arith.constant 0 : i32
        %dma_wait3A_337 = tpu.memref_slice %arg4[%add3A, %dma_wait3A_335, %dma_wait3A_336] : memref<32x125x80xi32, #tpu.memory_space<hbm>> -> memref<1x1x80xi32, #tpu.memory_space<hbm>>
        %dma_wait3A_338 = tpu.memref_squeeze %dma_wait3A_337 : memref<1x1x80xi32, #tpu.memory_space<hbm>> -> memref<80xi32, #tpu.memory_space<hbm>>
        %dma_wait3A_339 = arith.constant 0 : i32
        %dma_wait3A_340 = tpu.memref_slice %arg4[%add3A, %dma_wait3A_335, %dma_wait3A_339] : memref<32x125x80xi32, #tpu.memory_space<hbm>> -> memref<1x1x80xi32, #tpu.memory_space<hbm>>
        %dma_wait3A_341 = tpu.memref_squeeze %dma_wait3A_340 : memref<1x1x80xi32, #tpu.memory_space<hbm>> -> memref<80xi32, #tpu.memory_space<hbm>>
        tpu.wait_dma2 semaphore(%arg44 : memref<!tpu.dma_semaphore, #tpu.memory_space<semaphore_mem>>) src(%dma_wait3A_341 : memref<80xi32, #tpu.memory_space<hbm>>) dst(%arg28 : memref<80xi32, #tpu.memory_space<vmem>>)
        "tpu.region"() ({
          %run_scoped3A = tpu.sem_alloc : memref<!tpu.dma_semaphore, #tpu.memory_space<semaphore_mem>>
          %dma_start3A_342 = arith.constant 0 : i32
          %dma_start3A_343 = arith.constant 0 : i32
          %dma_start3A_344 = tpu.memref_slice %arg7[%dma_start3A_342, %dma_start3A_343] : memref<10112x128xf32, #tpu.memory_space<vmem_shared>> -> memref<10112x128xf32, #tpu.memory_space<vmem_shared>>
          tpu.enqueue_indirect_dma source(%arg10 : memref<80x128xf32, #tpu.memory_space<vmem>>) target(%dma_start3A_344 : memref<10112x128xf32, #tpu.memory_space<vmem_shared>>) offsets(%arg28 : memref<80xi32, #tpu.memory_space<vmem>>) semaphore(%run_scoped3A : memref<!tpu.dma_semaphore, #tpu.memory_space<semaphore_mem>>) {add = true}
          %dma_wait3A_345 = arith.constant 0 : i32
          %dma_wait3A_346 = arith.constant 0 : i32
          %dma_wait3A_347 = tpu.memref_slice %arg7[%dma_wait3A_345, %dma_wait3A_346] : memref<10112x128xf32, #tpu.memory_space<vmem_shared>> -> memref<10112x128xf32, #tpu.memory_space<vmem_shared>>
          tpu.wait_indirect_dma semaphore(%run_scoped3A : memref<!tpu.dma_semaphore, #tpu.memory_space<semaphore_mem>>) src(%arg10 : memref<80x128xf32, #tpu.memory_space<vmem>>) dst(%dma_wait3A_347 : memref<10112x128xf32, #tpu.memory_space<vmem_shared>>)
          tpu.yield
        }) : () -> ()
      } else {
      }
      %add3A_213 = arith.constant 8 : i32
      %add3A_214 = arith.addi %add3A_207, %add3A_213 : i32
      %lt3A_215 = arith.constant 125 : i32
      %lt3A_216 = arith.cmpi slt, %add3A_214, %lt3A_215 : i32
      %convert_element_type3A_217 = arith.extui %lt3A_216 : i1 to i32
      %cond3A_218 = arith.constant 0 : i32
      %cond3A_219 = arith.cmpi ne, %convert_element_type3A_217, %cond3A_218 : i32
      scf.if %cond3A_219 {
        %add3A_332 = arith.constant 8 : i32
        %add3A_333 = arith.addi %add3A_207, %add3A_332 : i32
        %dma_start3A_334 = arith.constant 0 : i32
        %dma_start3A_335 = tpu.memref_slice %arg3[%add3A, %add3A_333, %dma_start3A_334] : memref<32x125x80xi32, #tpu.memory_space<hbm>> -> memref<1x1x80xi32, #tpu.memory_space<hbm>>
        %dma_start3A_336 = tpu.memref_squeeze %dma_start3A_335 : memref<1x1x80xi32, #tpu.memory_space<hbm>> -> memref<80xi32, #tpu.memory_space<hbm>>
        %dma_start3A_337 = arith.constant 0 : i32
        %dma_start3A_338 = tpu.memref_slice %arg3[%add3A, %add3A_333, %dma_start3A_337] : memref<32x125x80xi32, #tpu.memory_space<hbm>> -> memref<1x1x80xi32, #tpu.memory_space<hbm>>
        %dma_start3A_339 = tpu.memref_squeeze %dma_start3A_338 : memref<1x1x80xi32, #tpu.memory_space<hbm>> -> memref<80xi32, #tpu.memory_space<hbm>>
        tpu.enqueue_dma source(%dma_start3A_339 : memref<80xi32, #tpu.memory_space<hbm>>) target(%arg20 : memref<80xi32, #tpu.memory_space<vmem>>) target_semaphore(%arg36 : memref<!tpu.dma_semaphore, #tpu.memory_space<semaphore_mem>>)
        %dma_start3A_340 = arith.constant 0 : i32
        %dma_start3A_341 = tpu.memref_slice %arg4[%add3A, %add3A_333, %dma_start3A_340] : memref<32x125x80xi32, #tpu.memory_space<hbm>> -> memref<1x1x80xi32, #tpu.memory_space<hbm>>
        %dma_start3A_342 = tpu.memref_squeeze %dma_start3A_341 : memref<1x1x80xi32, #tpu.memory_space<hbm>> -> memref<80xi32, #tpu.memory_space<hbm>>
        %dma_start3A_343 = arith.constant 0 : i32
        %dma_start3A_344 = tpu.memref_slice %arg4[%add3A, %add3A_333, %dma_start3A_343] : memref<32x125x80xi32, #tpu.memory_space<hbm>> -> memref<1x1x80xi32, #tpu.memory_space<hbm>>
        %dma_start3A_345 = tpu.memref_squeeze %dma_start3A_344 : memref<1x1x80xi32, #tpu.memory_space<hbm>> -> memref<80xi32, #tpu.memory_space<hbm>>
        tpu.enqueue_dma source(%dma_start3A_345 : memref<80xi32, #tpu.memory_space<hbm>>) target(%arg28 : memref<80xi32, #tpu.memory_space<vmem>>) target_semaphore(%arg44 : memref<!tpu.dma_semaphore, #tpu.memory_space<semaphore_mem>>)
      } else {
      }
      %add3A_220 = arith.constant 4 : i32
      %add3A_221 = arith.addi %add3A_207, %add3A_220 : i32
      %lt3A_222 = arith.constant 125 : i32
      %lt3A_223 = arith.cmpi slt, %add3A_221, %lt3A_222 : i32
      %convert_element_type3A_224 = arith.extui %lt3A_223 : i1 to i32
      %cond3A_225 = arith.constant 0 : i32
      %cond3A_226 = arith.cmpi ne, %convert_element_type3A_224, %cond3A_225 : i32
      scf.if %cond3A_226 {
        %dma_wait3A_332 = arith.constant 0 : i32
        %dma_wait3A_333 = arith.constant 0 : i32
        %dma_wait3A_334 = tpu.memref_slice %arg3[%add3A, %dma_wait3A_332, %dma_wait3A_333] : memref<32x125x80xi32, #tpu.memory_space<hbm>> -> memref<1x1x80xi32, #tpu.memory_space<hbm>>
        %dma_wait3A_335 = tpu.memref_squeeze %dma_wait3A_334 : memref<1x1x80xi32, #tpu.memory_space<hbm>> -> memref<80xi32, #tpu.memory_space<hbm>>
        %dma_wait3A_336 = arith.constant 0 : i32
        %dma_wait3A_337 = tpu.memref_slice %arg3[%add3A, %dma_wait3A_332, %dma_wait3A_336] : memref<32x125x80xi32, #tpu.memory_space<hbm>> -> memref<1x1x80xi32, #tpu.memory_space<hbm>>
        %dma_wait3A_338 = tpu.memref_squeeze %dma_wait3A_337 : memref<1x1x80xi32, #tpu.memory_space<hbm>> -> memref<80xi32, #tpu.memory_space<hbm>>
        tpu.wait_dma2 semaphore(%arg37 : memref<!tpu.dma_semaphore, #tpu.memory_space<semaphore_mem>>) src(%dma_wait3A_338 : memref<80xi32, #tpu.memory_space<hbm>>) dst(%arg21 : memref<80xi32, #tpu.memory_space<vmem>>)
        %dma_start3A_339 = arith.constant 0 : i32
        %dma_start3A_340 = arith.constant 0 : i32
        %dma_start3A_341 = tpu.memref_slice %arg2[%dma_start3A_339, %dma_start3A_340] : memref<10000x128xf32, #tpu.memory_space<hbm>> -> memref<10000x128xf32, #tpu.memory_space<hbm>>
        tpu.enqueue_indirect_dma source(%dma_start3A_341 : memref<10000x128xf32, #tpu.memory_space<hbm>>) target(%arg10 : memref<80x128xf32, #tpu.memory_space<vmem>>) offsets(%arg21 : memref<80xi32, #tpu.memory_space<vmem>>) semaphore(%arg14 : memref<!tpu.dma_semaphore, #tpu.memory_space<semaphore_mem>>)
      } else {
      }
      %add3A_227 = arith.constant 3 : i32
      %add3A_228 = arith.addi %add3A_166, %add3A_227 : i32
      %lt3A_229 = arith.constant 125 : i32
      %lt3A_230 = arith.cmpi slt, %add3A_228, %lt3A_229 : i32
      %convert_element_type3A_231 = arith.extui %lt3A_230 : i1 to i32
      %cond3A_232 = arith.constant 0 : i32
      %cond3A_233 = arith.cmpi ne, %convert_element_type3A_231, %cond3A_232 : i32
      scf.if %cond3A_233 {
        %dma_wait3A_332 = arith.constant 0 : i32
        %dma_wait3A_333 = arith.constant 0 : i32
        %dma_wait3A_334 = tpu.memref_slice %arg2[%dma_wait3A_332, %dma_wait3A_333] : memref<10000x128xf32, #tpu.memory_space<hbm>> -> memref<10000x128xf32, #tpu.memory_space<hbm>>
        tpu.wait_indirect_dma semaphore(%arg15 : memref<!tpu.dma_semaphore, #tpu.memory_space<semaphore_mem>>) src(%dma_wait3A_334 : memref<10000x128xf32, #tpu.memory_space<hbm>>) dst(%arg11 : memref<80x128xf32, #tpu.memory_space<vmem>>)
        %dma_wait3A_335 = arith.constant 0 : i32
        %dma_wait3A_336 = arith.constant 0 : i32
        %dma_wait3A_337 = tpu.memref_slice %arg4[%add3A, %dma_wait3A_335, %dma_wait3A_336] : memref<32x125x80xi32, #tpu.memory_space<hbm>> -> memref<1x1x80xi32, #tpu.memory_space<hbm>>
        %dma_wait3A_338 = tpu.memref_squeeze %dma_wait3A_337 : memref<1x1x80xi32, #tpu.memory_space<hbm>> -> memref<80xi32, #tpu.memory_space<hbm>>
        %dma_wait3A_339 = arith.constant 0 : i32
        %dma_wait3A_340 = tpu.memref_slice %arg4[%add3A, %dma_wait3A_335, %dma_wait3A_339] : memref<32x125x80xi32, #tpu.memory_space<hbm>> -> memref<1x1x80xi32, #tpu.memory_space<hbm>>
        %dma_wait3A_341 = tpu.memref_squeeze %dma_wait3A_340 : memref<1x1x80xi32, #tpu.memory_space<hbm>> -> memref<80xi32, #tpu.memory_space<hbm>>
        tpu.wait_dma2 semaphore(%arg46 : memref<!tpu.dma_semaphore, #tpu.memory_space<semaphore_mem>>) src(%dma_wait3A_341 : memref<80xi32, #tpu.memory_space<hbm>>) dst(%arg30 : memref<80xi32, #tpu.memory_space<vmem>>)
        "tpu.region"() ({
          %run_scoped3A = tpu.sem_alloc : memref<!tpu.dma_semaphore, #tpu.memory_space<semaphore_mem>>
          %dma_start3A_342 = arith.constant 0 : i32
          %dma_start3A_343 = arith.constant 0 : i32
          %dma_start3A_344 = tpu.memref_slice %arg7[%dma_start3A_342, %dma_start3A_343] : memref<10112x128xf32, #tpu.memory_space<vmem_shared>> -> memref<10112x128xf32, #tpu.memory_space<vmem_shared>>
          tpu.enqueue_indirect_dma source(%arg11 : memref<80x128xf32, #tpu.memory_space<vmem>>) target(%dma_start3A_344 : memref<10112x128xf32, #tpu.memory_space<vmem_shared>>) offsets(%arg30 : memref<80xi32, #tpu.memory_space<vmem>>) semaphore(%run_scoped3A : memref<!tpu.dma_semaphore, #tpu.memory_space<semaphore_mem>>) {add = true}
          %dma_wait3A_345 = arith.constant 0 : i32
          %dma_wait3A_346 = arith.constant 0 : i32
          %dma_wait3A_347 = tpu.memref_slice %arg7[%dma_wait3A_345, %dma_wait3A_346] : memref<10112x128xf32, #tpu.memory_space<vmem_shared>> -> memref<10112x128xf32, #tpu.memory_space<vmem_shared>>
          tpu.wait_indirect_dma semaphore(%run_scoped3A : memref<!tpu.dma_semaphore, #tpu.memory_space<semaphore_mem>>) src(%arg11 : memref<80x128xf32, #tpu.memory_space<vmem>>) dst(%dma_wait3A_347 : memref<10112x128xf32, #tpu.memory_space<vmem_shared>>)
          tpu.yield
        }) : () -> ()
      } else {
      }
      %add3A_234 = arith.constant 8 : i32
      %add3A_235 = arith.addi %add3A_228, %add3A_234 : i32
      %lt3A_236 = arith.constant 125 : i32
      %lt3A_237 = arith.cmpi slt, %add3A_235, %lt3A_236 : i32
      %convert_element_type3A_238 = arith.extui %lt3A_237 : i1 to i32
      %cond3A_239 = arith.constant 0 : i32
      %cond3A_240 = arith.cmpi ne, %convert_element_type3A_238, %cond3A_239 : i32
      scf.if %cond3A_240 {
        %add3A_332 = arith.constant 8 : i32
        %add3A_333 = arith.addi %add3A_228, %add3A_332 : i32
        %dma_start3A_334 = arith.constant 0 : i32
        %dma_start3A_335 = tpu.memref_slice %arg3[%add3A, %add3A_333, %dma_start3A_334] : memref<32x125x80xi32, #tpu.memory_space<hbm>> -> memref<1x1x80xi32, #tpu.memory_space<hbm>>
        %dma_start3A_336 = tpu.memref_squeeze %dma_start3A_335 : memref<1x1x80xi32, #tpu.memory_space<hbm>> -> memref<80xi32, #tpu.memory_space<hbm>>
        %dma_start3A_337 = arith.constant 0 : i32
        %dma_start3A_338 = tpu.memref_slice %arg3[%add3A, %add3A_333, %dma_start3A_337] : memref<32x125x80xi32, #tpu.memory_space<hbm>> -> memref<1x1x80xi32, #tpu.memory_space<hbm>>
        %dma_start3A_339 = tpu.memref_squeeze %dma_start3A_338 : memref<1x1x80xi32, #tpu.memory_space<hbm>> -> memref<80xi32, #tpu.memory_space<hbm>>
        tpu.enqueue_dma source(%dma_start3A_339 : memref<80xi32, #tpu.memory_space<hbm>>) target(%arg22 : memref<80xi32, #tpu.memory_space<vmem>>) target_semaphore(%arg38 : memref<!tpu.dma_semaphore, #tpu.memory_space<semaphore_mem>>)
        %dma_start3A_340 = arith.constant 0 : i32
        %dma_start3A_341 = tpu.memref_slice %arg4[%add3A, %add3A_333, %dma_start3A_340] : memref<32x125x80xi32, #tpu.memory_space<hbm>> -> memref<1x1x80xi32, #tpu.memory_space<hbm>>
        %dma_start3A_342 = tpu.memref_squeeze %dma_start3A_341 : memref<1x1x80xi32, #tpu.memory_space<hbm>> -> memref<80xi32, #tpu.memory_space<hbm>>
        %dma_start3A_343 = arith.constant 0 : i32
        %dma_start3A_344 = tpu.memref_slice %arg4[%add3A, %add3A_333, %dma_start3A_343] : memref<32x125x80xi32, #tpu.memory_space<hbm>> -> memref<1x1x80xi32, #tpu.memory_space<hbm>>
        %dma_start3A_345 = tpu.memref_squeeze %dma_start3A_344 : memref<1x1x80xi32, #tpu.memory_space<hbm>> -> memref<80xi32, #tpu.memory_space<hbm>>
        tpu.enqueue_dma source(%dma_start3A_345 : memref<80xi32, #tpu.memory_space<hbm>>) target(%arg30 : memref<80xi32, #tpu.memory_space<vmem>>) target_semaphore(%arg46 : memref<!tpu.dma_semaphore, #tpu.memory_space<semaphore_mem>>)
      } else {
      }
      %add3A_241 = arith.constant 4 : i32
      %add3A_242 = arith.addi %add3A_228, %add3A_241 : i32
      %lt3A_243 = arith.constant 125 : i32
      %lt3A_244 = arith.cmpi slt, %add3A_242, %lt3A_243 : i32
      %convert_element_type3A_245 = arith.extui %lt3A_244 : i1 to i32
      %cond3A_246 = arith.constant 0 : i32
      %cond3A_247 = arith.cmpi ne, %convert_element_type3A_245, %cond3A_246 : i32
      scf.if %cond3A_247 {
        %dma_wait3A_332 = arith.constant 0 : i32
        %dma_wait3A_333 = arith.constant 0 : i32
        %dma_wait3A_334 = tpu.memref_slice %arg3[%add3A, %dma_wait3A_332, %dma_wait3A_333] : memref<32x125x80xi32, #tpu.memory_space<hbm>> -> memref<1x1x80xi32, #tpu.memory_space<hbm>>
        %dma_wait3A_335 = tpu.memref_squeeze %dma_wait3A_334 : memref<1x1x80xi32, #tpu.memory_space<hbm>> -> memref<80xi32, #tpu.memory_space<hbm>>
        %dma_wait3A_336 = arith.constant 0 : i32
        %dma_wait3A_337 = tpu.memref_slice %arg3[%add3A, %dma_wait3A_332, %dma_wait3A_336] : memref<32x125x80xi32, #tpu.memory_space<hbm>> -> memref<1x1x80xi32, #tpu.memory_space<hbm>>
        %dma_wait3A_338 = tpu.memref_squeeze %dma_wait3A_337 : memref<1x1x80xi32, #tpu.memory_space<hbm>> -> memref<80xi32, #tpu.memory_space<hbm>>
        tpu.wait_dma2 semaphore(%arg39 : memref<!tpu.dma_semaphore, #tpu.memory_space<semaphore_mem>>) src(%dma_wait3A_338 : memref<80xi32, #tpu.memory_space<hbm>>) dst(%arg23 : memref<80xi32, #tpu.memory_space<vmem>>)
        %dma_start3A_339 = arith.constant 0 : i32
        %dma_start3A_340 = arith.constant 0 : i32
        %dma_start3A_341 = tpu.memref_slice %arg2[%dma_start3A_339, %dma_start3A_340] : memref<10000x128xf32, #tpu.memory_space<hbm>> -> memref<10000x128xf32, #tpu.memory_space<hbm>>
        tpu.enqueue_indirect_dma source(%dma_start3A_341 : memref<10000x128xf32, #tpu.memory_space<hbm>>) target(%arg11 : memref<80x128xf32, #tpu.memory_space<vmem>>) offsets(%arg23 : memref<80xi32, #tpu.memory_space<vmem>>) semaphore(%arg15 : memref<!tpu.dma_semaphore, #tpu.memory_space<semaphore_mem>>)
      } else {
      }
      %add3A_248 = arith.constant 4 : i32
      %add3A_249 = arith.addi %add3A_166, %add3A_248 : i32
      %lt3A_250 = arith.constant 125 : i32
      %lt3A_251 = arith.cmpi slt, %add3A_249, %lt3A_250 : i32
      %convert_element_type3A_252 = arith.extui %lt3A_251 : i1 to i32
      %cond3A_253 = arith.constant 0 : i32
      %cond3A_254 = arith.cmpi ne, %convert_element_type3A_252, %cond3A_253 : i32
      scf.if %cond3A_254 {
        %dma_wait3A_332 = arith.constant 0 : i32
        %dma_wait3A_333 = arith.constant 0 : i32
        %dma_wait3A_334 = tpu.memref_slice %arg2[%dma_wait3A_332, %dma_wait3A_333] : memref<10000x128xf32, #tpu.memory_space<hbm>> -> memref<10000x128xf32, #tpu.memory_space<hbm>>
        tpu.wait_indirect_dma semaphore(%arg12 : memref<!tpu.dma_semaphore, #tpu.memory_space<semaphore_mem>>) src(%dma_wait3A_334 : memref<10000x128xf32, #tpu.memory_space<hbm>>) dst(%arg8 : memref<80x128xf32, #tpu.memory_space<vmem>>)
        %dma_wait3A_335 = arith.constant 0 : i32
        %dma_wait3A_336 = arith.constant 0 : i32
        %dma_wait3A_337 = tpu.memref_slice %arg4[%add3A, %dma_wait3A_335, %dma_wait3A_336] : memref<32x125x80xi32, #tpu.memory_space<hbm>> -> memref<1x1x80xi32, #tpu.memory_space<hbm>>
        %dma_wait3A_338 = tpu.memref_squeeze %dma_wait3A_337 : memref<1x1x80xi32, #tpu.memory_space<hbm>> -> memref<80xi32, #tpu.memory_space<hbm>>
        %dma_wait3A_339 = arith.constant 0 : i32
        %dma_wait3A_340 = tpu.memref_slice %arg4[%add3A, %dma_wait3A_335, %dma_wait3A_339] : memref<32x125x80xi32, #tpu.memory_space<hbm>> -> memref<1x1x80xi32, #tpu.memory_space<hbm>>
        %dma_wait3A_341 = tpu.memref_squeeze %dma_wait3A_340 : memref<1x1x80xi32, #tpu.memory_space<hbm>> -> memref<80xi32, #tpu.memory_space<hbm>>
        tpu.wait_dma2 semaphore(%arg41 : memref<!tpu.dma_semaphore, #tpu.memory_space<semaphore_mem>>) src(%dma_wait3A_341 : memref<80xi32, #tpu.memory_space<hbm>>) dst(%arg25 : memref<80xi32, #tpu.memory_space<vmem>>)
        "tpu.region"() ({
          %run_scoped3A = tpu.sem_alloc : memref<!tpu.dma_semaphore, #tpu.memory_space<semaphore_mem>>
          %dma_start3A_342 = arith.constant 0 : i32
          %dma_start3A_343 = arith.constant 0 : i32
          %dma_start3A_344 = tpu.memref_slice %arg7[%dma_start3A_342, %dma_start3A_343] : memref<10112x128xf32, #tpu.memory_space<vmem_shared>> -> memref<10112x128xf32, #tpu.memory_space<vmem_shared>>
          tpu.enqueue_indirect_dma source(%arg8 : memref<80x128xf32, #tpu.memory_space<vmem>>) target(%dma_start3A_344 : memref<10112x128xf32, #tpu.memory_space<vmem_shared>>) offsets(%arg25 : memref<80xi32, #tpu.memory_space<vmem>>) semaphore(%run_scoped3A : memref<!tpu.dma_semaphore, #tpu.memory_space<semaphore_mem>>) {add = true}
          %dma_wait3A_345 = arith.constant 0 : i32
          %dma_wait3A_346 = arith.constant 0 : i32
          %dma_wait3A_347 = tpu.memref_slice %arg7[%dma_wait3A_345, %dma_wait3A_346] : memref<10112x128xf32, #tpu.memory_space<vmem_shared>> -> memref<10112x128xf32, #tpu.memory_space<vmem_shared>>
          tpu.wait_indirect_dma semaphore(%run_scoped3A : memref<!tpu.dma_semaphore, #tpu.memory_space<semaphore_mem>>) src(%arg8 : memref<80x128xf32, #tpu.memory_space<vmem>>) dst(%dma_wait3A_347 : memref<10112x128xf32, #tpu.memory_space<vmem_shared>>)
          tpu.yield
        }) : () -> ()
      } else {
      }
      %add3A_255 = arith.constant 8 : i32
      %add3A_256 = arith.addi %add3A_249, %add3A_255 : i32
      %lt3A_257 = arith.constant 125 : i32
      %lt3A_258 = arith.cmpi slt, %add3A_256, %lt3A_257 : i32
      %convert_element_type3A_259 = arith.extui %lt3A_258 : i1 to i32
      %cond3A_260 = arith.constant 0 : i32
      %cond3A_261 = arith.cmpi ne, %convert_element_type3A_259, %cond3A_260 : i32
      scf.if %cond3A_261 {
        %add3A_332 = arith.constant 8 : i32
        %add3A_333 = arith.addi %add3A_249, %add3A_332 : i32
        %dma_start3A_334 = arith.constant 0 : i32
        %dma_start3A_335 = tpu.memref_slice %arg3[%add3A, %add3A_333, %dma_start3A_334] : memref<32x125x80xi32, #tpu.memory_space<hbm>> -> memref<1x1x80xi32, #tpu.memory_space<hbm>>
        %dma_start3A_336 = tpu.memref_squeeze %dma_start3A_335 : memref<1x1x80xi32, #tpu.memory_space<hbm>> -> memref<80xi32, #tpu.memory_space<hbm>>
        %dma_start3A_337 = arith.constant 0 : i32
        %dma_start3A_338 = tpu.memref_slice %arg3[%add3A, %add3A_333, %dma_start3A_337] : memref<32x125x80xi32, #tpu.memory_space<hbm>> -> memref<1x1x80xi32, #tpu.memory_space<hbm>>
        %dma_start3A_339 = tpu.memref_squeeze %dma_start3A_338 : memref<1x1x80xi32, #tpu.memory_space<hbm>> -> memref<80xi32, #tpu.memory_space<hbm>>
        tpu.enqueue_dma source(%dma_start3A_339 : memref<80xi32, #tpu.memory_space<hbm>>) target(%arg17 : memref<80xi32, #tpu.memory_space<vmem>>) target_semaphore(%arg33 : memref<!tpu.dma_semaphore, #tpu.memory_space<semaphore_mem>>)
        %dma_start3A_340 = arith.constant 0 : i32
        %dma_start3A_341 = tpu.memref_slice %arg4[%add3A, %add3A_333, %dma_start3A_340] : memref<32x125x80xi32, #tpu.memory_space<hbm>> -> memref<1x1x80xi32, #tpu.memory_space<hbm>>
        %dma_start3A_342 = tpu.memref_squeeze %dma_start3A_341 : memref<1x1x80xi32, #tpu.memory_space<hbm>> -> memref<80xi32, #tpu.memory_space<hbm>>
        %dma_start3A_343 = arith.constant 0 : i32
        %dma_start3A_344 = tpu.memref_slice %arg4[%add3A, %add3A_333, %dma_start3A_343] : memref<32x125x80xi32, #tpu.memory_space<hbm>> -> memref<1x1x80xi32, #tpu.memory_space<hbm>>
        %dma_start3A_345 = tpu.memref_squeeze %dma_start3A_344 : memref<1x1x80xi32, #tpu.memory_space<hbm>> -> memref<80xi32, #tpu.memory_space<hbm>>
        tpu.enqueue_dma source(%dma_start3A_345 : memref<80xi32, #tpu.memory_space<hbm>>) target(%arg25 : memref<80xi32, #tpu.memory_space<vmem>>) target_semaphore(%arg41 : memref<!tpu.dma_semaphore, #tpu.memory_space<semaphore_mem>>)
      } else {
      }
      %add3A_262 = arith.constant 4 : i32
      %add3A_263 = arith.addi %add3A_249, %add3A_262 : i32
      %lt3A_264 = arith.constant 125 : i32
      %lt3A_265 = arith.cmpi slt, %add3A_263, %lt3A_264 : i32
      %convert_element_type3A_266 = arith.extui %lt3A_265 : i1 to i32
      %cond3A_267 = arith.constant 0 : i32
      %cond3A_268 = arith.cmpi ne, %convert_element_type3A_266, %cond3A_267 : i32
      scf.if %cond3A_268 {
        %dma_wait3A_332 = arith.constant 0 : i32
        %dma_wait3A_333 = arith.constant 0 : i32
        %dma_wait3A_334 = tpu.memref_slice %arg3[%add3A, %dma_wait3A_332, %dma_wait3A_333] : memref<32x125x80xi32, #tpu.memory_space<hbm>> -> memref<1x1x80xi32, #tpu.memory_space<hbm>>
        %dma_wait3A_335 = tpu.memref_squeeze %dma_wait3A_334 : memref<1x1x80xi32, #tpu.memory_space<hbm>> -> memref<80xi32, #tpu.memory_space<hbm>>
        %dma_wait3A_336 = arith.constant 0 : i32
        %dma_wait3A_337 = tpu.memref_slice %arg3[%add3A, %dma_wait3A_332, %dma_wait3A_336] : memref<32x125x80xi32, #tpu.memory_space<hbm>> -> memref<1x1x80xi32, #tpu.memory_space<hbm>>
        %dma_wait3A_338 = tpu.memref_squeeze %dma_wait3A_337 : memref<1x1x80xi32, #tpu.memory_space<hbm>> -> memref<80xi32, #tpu.memory_space<hbm>>
        tpu.wait_dma2 semaphore(%arg32 : memref<!tpu.dma_semaphore, #tpu.memory_space<semaphore_mem>>) src(%dma_wait3A_338 : memref<80xi32, #tpu.memory_space<hbm>>) dst(%arg16 : memref<80xi32, #tpu.memory_space<vmem>>)
        %dma_start3A_339 = arith.constant 0 : i32
        %dma_start3A_340 = arith.constant 0 : i32
        %dma_start3A_341 = tpu.memref_slice %arg2[%dma_start3A_339, %dma_start3A_340] : memref<10000x128xf32, #tpu.memory_space<hbm>> -> memref<10000x128xf32, #tpu.memory_space<hbm>>
        tpu.enqueue_indirect_dma source(%dma_start3A_341 : memref<10000x128xf32, #tpu.memory_space<hbm>>) target(%arg8 : memref<80x128xf32, #tpu.memory_space<vmem>>) offsets(%arg16 : memref<80xi32, #tpu.memory_space<vmem>>) semaphore(%arg12 : memref<!tpu.dma_semaphore, #tpu.memory_space<semaphore_mem>>)
      } else {
      }
      %add3A_269 = arith.constant 5 : i32
      %add3A_270 = arith.addi %add3A_166, %add3A_269 : i32
      %lt3A_271 = arith.constant 125 : i32
      %lt3A_272 = arith.cmpi slt, %add3A_270, %lt3A_271 : i32
      %convert_element_type3A_273 = arith.extui %lt3A_272 : i1 to i32
      %cond3A_274 = arith.constant 0 : i32
      %cond3A_275 = arith.cmpi ne, %convert_element_type3A_273, %cond3A_274 : i32
      scf.if %cond3A_275 {
        %dma_wait3A_332 = arith.constant 0 : i32
        %dma_wait3A_333 = arith.constant 0 : i32
        %dma_wait3A_334 = tpu.memref_slice %arg2[%dma_wait3A_332, %dma_wait3A_333] : memref<10000x128xf32, #tpu.memory_space<hbm>> -> memref<10000x128xf32, #tpu.memory_space<hbm>>
        tpu.wait_indirect_dma semaphore(%arg13 : memref<!tpu.dma_semaphore, #tpu.memory_space<semaphore_mem>>) src(%dma_wait3A_334 : memref<10000x128xf32, #tpu.memory_space<hbm>>) dst(%arg9 : memref<80x128xf32, #tpu.memory_space<vmem>>)
        %dma_wait3A_335 = arith.constant 0 : i32
        %dma_wait3A_336 = arith.constant 0 : i32
        %dma_wait3A_337 = tpu.memref_slice %arg4[%add3A, %dma_wait3A_335, %dma_wait3A_336] : memref<32x125x80xi32, #tpu.memory_space<hbm>> -> memref<1x1x80xi32, #tpu.memory_space<hbm>>
        %dma_wait3A_338 = tpu.memref_squeeze %dma_wait3A_337 : memref<1x1x80xi32, #tpu.memory_space<hbm>> -> memref<80xi32, #tpu.memory_space<hbm>>
        %dma_wait3A_339 = arith.constant 0 : i32
        %dma_wait3A_340 = tpu.memref_slice %arg4[%add3A, %dma_wait3A_335, %dma_wait3A_339] : memref<32x125x80xi32, #tpu.memory_space<hbm>> -> memref<1x1x80xi32, #tpu.memory_space<hbm>>
        %dma_wait3A_341 = tpu.memref_squeeze %dma_wait3A_340 : memref<1x1x80xi32, #tpu.memory_space<hbm>> -> memref<80xi32, #tpu.memory_space<hbm>>
        tpu.wait_dma2 semaphore(%arg43 : memref<!tpu.dma_semaphore, #tpu.memory_space<semaphore_mem>>) src(%dma_wait3A_341 : memref<80xi32, #tpu.memory_space<hbm>>) dst(%arg27 : memref<80xi32, #tpu.memory_space<vmem>>)
        "tpu.region"() ({
          %run_scoped3A = tpu.sem_alloc : memref<!tpu.dma_semaphore, #tpu.memory_space<semaphore_mem>>
          %dma_start3A_342 = arith.constant 0 : i32
          %dma_start3A_343 = arith.constant 0 : i32
          %dma_start3A_344 = tpu.memref_slice %arg7[%dma_start3A_342, %dma_start3A_343] : memref<10112x128xf32, #tpu.memory_space<vmem_shared>> -> memref<10112x128xf32, #tpu.memory_space<vmem_shared>>
          tpu.enqueue_indirect_dma source(%arg9 : memref<80x128xf32, #tpu.memory_space<vmem>>) target(%dma_start3A_344 : memref<10112x128xf32, #tpu.memory_space<vmem_shared>>) offsets(%arg27 : memref<80xi32, #tpu.memory_space<vmem>>) semaphore(%run_scoped3A : memref<!tpu.dma_semaphore, #tpu.memory_space<semaphore_mem>>) {add = true}
          %dma_wait3A_345 = arith.constant 0 : i32
          %dma_wait3A_346 = arith.constant 0 : i32
          %dma_wait3A_347 = tpu.memref_slice %arg7[%dma_wait3A_345, %dma_wait3A_346] : memref<10112x128xf32, #tpu.memory_space<vmem_shared>> -> memref<10112x128xf32, #tpu.memory_space<vmem_shared>>
          tpu.wait_indirect_dma semaphore(%run_scoped3A : memref<!tpu.dma_semaphore, #tpu.memory_space<semaphore_mem>>) src(%arg9 : memref<80x128xf32, #tpu.memory_space<vmem>>) dst(%dma_wait3A_347 : memref<10112x128xf32, #tpu.memory_space<vmem_shared>>)
          tpu.yield
        }) : () -> ()
      } else {
      }
      %add3A_276 = arith.constant 8 : i32
      %add3A_277 = arith.addi %add3A_270, %add3A_276 : i32
      %lt3A_278 = arith.constant 125 : i32
      %lt3A_279 = arith.cmpi slt, %add3A_277, %lt3A_278 : i32
      %convert_element_type3A_280 = arith.extui %lt3A_279 : i1 to i32
      %cond3A_281 = arith.constant 0 : i32
      %cond3A_282 = arith.cmpi ne, %convert_element_type3A_280, %cond3A_281 : i32
      scf.if %cond3A_282 {
        %add3A_332 = arith.constant 8 : i32
        %add3A_333 = arith.addi %add3A_270, %add3A_332 : i32
        %dma_start3A_334 = arith.constant 0 : i32
        %dma_start3A_335 = tpu.memref_slice %arg3[%add3A, %add3A_333, %dma_start3A_334] : memref<32x125x80xi32, #tpu.memory_space<hbm>> -> memref<1x1x80xi32, #tpu.memory_space<hbm>>
        %dma_start3A_336 = tpu.memref_squeeze %dma_start3A_335 : memref<1x1x80xi32, #tpu.memory_space<hbm>> -> memref<80xi32, #tpu.memory_space<hbm>>
        %dma_start3A_337 = arith.constant 0 : i32
        %dma_start3A_338 = tpu.memref_slice %arg3[%add3A, %add3A_333, %dma_start3A_337] : memref<32x125x80xi32, #tpu.memory_space<hbm>> -> memref<1x1x80xi32, #tpu.memory_space<hbm>>
        %dma_start3A_339 = tpu.memref_squeeze %dma_start3A_338 : memref<1x1x80xi32, #tpu.memory_space<hbm>> -> memref<80xi32, #tpu.memory_space<hbm>>
        tpu.enqueue_dma source(%dma_start3A_339 : memref<80xi32, #tpu.memory_space<hbm>>) target(%arg19 : memref<80xi32, #tpu.memory_space<vmem>>) target_semaphore(%arg35 : memref<!tpu.dma_semaphore, #tpu.memory_space<semaphore_mem>>)
        %dma_start3A_340 = arith.constant 0 : i32
        %dma_start3A_341 = tpu.memref_slice %arg4[%add3A, %add3A_333, %dma_start3A_340] : memref<32x125x80xi32, #tpu.memory_space<hbm>> -> memref<1x1x80xi32, #tpu.memory_space<hbm>>
        %dma_start3A_342 = tpu.memref_squeeze %dma_start3A_341 : memref<1x1x80xi32, #tpu.memory_space<hbm>> -> memref<80xi32, #tpu.memory_space<hbm>>
        %dma_start3A_343 = arith.constant 0 : i32
        %dma_start3A_344 = tpu.memref_slice %arg4[%add3A, %add3A_333, %dma_start3A_343] : memref<32x125x80xi32, #tpu.memory_space<hbm>> -> memref<1x1x80xi32, #tpu.memory_space<hbm>>
        %dma_start3A_345 = tpu.memref_squeeze %dma_start3A_344 : memref<1x1x80xi32, #tpu.memory_space<hbm>> -> memref<80xi32, #tpu.memory_space<hbm>>
        tpu.enqueue_dma source(%dma_start3A_345 : memref<80xi32, #tpu.memory_space<hbm>>) target(%arg27 : memref<80xi32, #tpu.memory_space<vmem>>) target_semaphore(%arg43 : memref<!tpu.dma_semaphore, #tpu.memory_space<semaphore_mem>>)
      } else {
      }
      %add3A_283 = arith.constant 4 : i32
      %add3A_284 = arith.addi %add3A_270, %add3A_283 : i32
      %lt3A_285 = arith.constant 125 : i32
      %lt3A_286 = arith.cmpi slt, %add3A_284, %lt3A_285 : i32
      %convert_element_type3A_287 = arith.extui %lt3A_286 : i1 to i32
      %cond3A_288 = arith.constant 0 : i32
      %cond3A_289 = arith.cmpi ne, %convert_element_type3A_287, %cond3A_288 : i32
      scf.if %cond3A_289 {
        %dma_wait3A_332 = arith.constant 0 : i32
        %dma_wait3A_333 = arith.constant 0 : i32
        %dma_wait3A_334 = tpu.memref_slice %arg3[%add3A, %dma_wait3A_332, %dma_wait3A_333] : memref<32x125x80xi32, #tpu.memory_space<hbm>> -> memref<1x1x80xi32, #tpu.memory_space<hbm>>
        %dma_wait3A_335 = tpu.memref_squeeze %dma_wait3A_334 : memref<1x1x80xi32, #tpu.memory_space<hbm>> -> memref<80xi32, #tpu.memory_space<hbm>>
        %dma_wait3A_336 = arith.constant 0 : i32
        %dma_wait3A_337 = tpu.memref_slice %arg3[%add3A, %dma_wait3A_332, %dma_wait3A_336] : memref<32x125x80xi32, #tpu.memory_space<hbm>> -> memref<1x1x80xi32, #tpu.memory_space<hbm>>
        %dma_wait3A_338 = tpu.memref_squeeze %dma_wait3A_337 : memref<1x1x80xi32, #tpu.memory_space<hbm>> -> memref<80xi32, #tpu.memory_space<hbm>>
        tpu.wait_dma2 semaphore(%arg34 : memref<!tpu.dma_semaphore, #tpu.memory_space<semaphore_mem>>) src(%dma_wait3A_338 : memref<80xi32, #tpu.memory_space<hbm>>) dst(%arg18 : memref<80xi32, #tpu.memory_space<vmem>>)
        %dma_start3A_339 = arith.constant 0 : i32
        %dma_start3A_340 = arith.constant 0 : i32
        %dma_start3A_341 = tpu.memref_slice %arg2[%dma_start3A_339, %dma_start3A_340] : memref<10000x128xf32, #tpu.memory_space<hbm>> -> memref<10000x128xf32, #tpu.memory_space<hbm>>
        tpu.enqueue_indirect_dma source(%dma_start3A_341 : memref<10000x128xf32, #tpu.memory_space<hbm>>) target(%arg9 : memref<80x128xf32, #tpu.memory_space<vmem>>) offsets(%arg18 : memref<80xi32, #tpu.memory_space<vmem>>) semaphore(%arg13 : memref<!tpu.dma_semaphore, #tpu.memory_space<semaphore_mem>>)
      } else {
      }
      %add3A_290 = arith.constant 6 : i32
      %add3A_291 = arith.addi %add3A_166, %add3A_290 : i32
      %lt3A_292 = arith.constant 125 : i32
      %lt3A_293 = arith.cmpi slt, %add3A_291, %lt3A_292 : i32
      %convert_element_type3A_294 = arith.extui %lt3A_293 : i1 to i32
      %cond3A_295 = arith.constant 0 : i32
      %cond3A_296 = arith.cmpi ne, %convert_element_type3A_294, %cond3A_295 : i32
      scf.if %cond3A_296 {
        %dma_wait3A_332 = arith.constant 0 : i32
        %dma_wait3A_333 = arith.constant 0 : i32
        %dma_wait3A_334 = tpu.memref_slice %arg2[%dma_wait3A_332, %dma_wait3A_333] : memref<10000x128xf32, #tpu.memory_space<hbm>> -> memref<10000x128xf32, #tpu.memory_space<hbm>>
        tpu.wait_indirect_dma semaphore(%arg14 : memref<!tpu.dma_semaphore, #tpu.memory_space<semaphore_mem>>) src(%dma_wait3A_334 : memref<10000x128xf32, #tpu.memory_space<hbm>>) dst(%arg10 : memref<80x128xf32, #tpu.memory_space<vmem>>)
        %dma_wait3A_335 = arith.constant 0 : i32
        %dma_wait3A_336 = arith.constant 0 : i32
        %dma_wait3A_337 = tpu.memref_slice %arg4[%add3A, %dma_wait3A_335, %dma_wait3A_336] : memref<32x125x80xi32, #tpu.memory_space<hbm>> -> memref<1x1x80xi32, #tpu.memory_space<hbm>>
        %dma_wait3A_338 = tpu.memref_squeeze %dma_wait3A_337 : memref<1x1x80xi32, #tpu.memory_space<hbm>> -> memref<80xi32, #tpu.memory_space<hbm>>
        %dma_wait3A_339 = arith.constant 0 : i32
        %dma_wait3A_340 = tpu.memref_slice %arg4[%add3A, %dma_wait3A_335, %dma_wait3A_339] : memref<32x125x80xi32, #tpu.memory_space<hbm>> -> memref<1x1x80xi32, #tpu.memory_space<hbm>>
        %dma_wait3A_341 = tpu.memref_squeeze %dma_wait3A_340 : memref<1x1x80xi32, #tpu.memory_space<hbm>> -> memref<80xi32, #tpu.memory_space<hbm>>
        tpu.wait_dma2 semaphore(%arg45 : memref<!tpu.dma_semaphore, #tpu.memory_space<semaphore_mem>>) src(%dma_wait3A_341 : memref<80xi32, #tpu.memory_space<hbm>>) dst(%arg29 : memref<80xi32, #tpu.memory_space<vmem>>)
        "tpu.region"() ({
          %run_scoped3A = tpu.sem_alloc : memref<!tpu.dma_semaphore, #tpu.memory_space<semaphore_mem>>
          %dma_start3A_342 = arith.constant 0 : i32
          %dma_start3A_343 = arith.constant 0 : i32
          %dma_start3A_344 = tpu.memref_slice %arg7[%dma_start3A_342, %dma_start3A_343] : memref<10112x128xf32, #tpu.memory_space<vmem_shared>> -> memref<10112x128xf32, #tpu.memory_space<vmem_shared>>
          tpu.enqueue_indirect_dma source(%arg10 : memref<80x128xf32, #tpu.memory_space<vmem>>) target(%dma_start3A_344 : memref<10112x128xf32, #tpu.memory_space<vmem_shared>>) offsets(%arg29 : memref<80xi32, #tpu.memory_space<vmem>>) semaphore(%run_scoped3A : memref<!tpu.dma_semaphore, #tpu.memory_space<semaphore_mem>>) {add = true}
          %dma_wait3A_345 = arith.constant 0 : i32
          %dma_wait3A_346 = arith.constant 0 : i32
          %dma_wait3A_347 = tpu.memref_slice %arg7[%dma_wait3A_345, %dma_wait3A_346] : memref<10112x128xf32, #tpu.memory_space<vmem_shared>> -> memref<10112x128xf32, #tpu.memory_space<vmem_shared>>
          tpu.wait_indirect_dma semaphore(%run_scoped3A : memref<!tpu.dma_semaphore, #tpu.memory_space<semaphore_mem>>) src(%arg10 : memref<80x128xf32, #tpu.memory_space<vmem>>) dst(%dma_wait3A_347 : memref<10112x128xf32, #tpu.memory_space<vmem_shared>>)
          tpu.yield
        }) : () -> ()
      } else {
      }
      %add3A_297 = arith.constant 8 : i32
      %add3A_298 = arith.addi %add3A_291, %add3A_297 : i32
      %lt3A_299 = arith.constant 125 : i32
      %lt3A_300 = arith.cmpi slt, %add3A_298, %lt3A_299 : i32
      %convert_element_type3A_301 = arith.extui %lt3A_300 : i1 to i32
      %cond3A_302 = arith.constant 0 : i32
      %cond3A_303 = arith.cmpi ne, %convert_element_type3A_301, %cond3A_302 : i32
      scf.if %cond3A_303 {
        %add3A_332 = arith.constant 8 : i32
        %add3A_333 = arith.addi %add3A_291, %add3A_332 : i32
        %dma_start3A_334 = arith.constant 0 : i32
        %dma_start3A_335 = tpu.memref_slice %arg3[%add3A, %add3A_333, %dma_start3A_334] : memref<32x125x80xi32, #tpu.memory_space<hbm>> -> memref<1x1x80xi32, #tpu.memory_space<hbm>>
        %dma_start3A_336 = tpu.memref_squeeze %dma_start3A_335 : memref<1x1x80xi32, #tpu.memory_space<hbm>> -> memref<80xi32, #tpu.memory_space<hbm>>
        %dma_start3A_337 = arith.constant 0 : i32
        %dma_start3A_338 = tpu.memref_slice %arg3[%add3A, %add3A_333, %dma_start3A_337] : memref<32x125x80xi32, #tpu.memory_space<hbm>> -> memref<1x1x80xi32, #tpu.memory_space<hbm>>
        %dma_start3A_339 = tpu.memref_squeeze %dma_start3A_338 : memref<1x1x80xi32, #tpu.memory_space<hbm>> -> memref<80xi32, #tpu.memory_space<hbm>>
        tpu.enqueue_dma source(%dma_start3A_339 : memref<80xi32, #tpu.memory_space<hbm>>) target(%arg21 : memref<80xi32, #tpu.memory_space<vmem>>) target_semaphore(%arg37 : memref<!tpu.dma_semaphore, #tpu.memory_space<semaphore_mem>>)
        %dma_start3A_340 = arith.constant 0 : i32
        %dma_start3A_341 = tpu.memref_slice %arg4[%add3A, %add3A_333, %dma_start3A_340] : memref<32x125x80xi32, #tpu.memory_space<hbm>> -> memref<1x1x80xi32, #tpu.memory_space<hbm>>
        %dma_start3A_342 = tpu.memref_squeeze %dma_start3A_341 : memref<1x1x80xi32, #tpu.memory_space<hbm>> -> memref<80xi32, #tpu.memory_space<hbm>>
        %dma_start3A_343 = arith.constant 0 : i32
        %dma_start3A_344 = tpu.memref_slice %arg4[%add3A, %add3A_333, %dma_start3A_343] : memref<32x125x80xi32, #tpu.memory_space<hbm>> -> memref<1x1x80xi32, #tpu.memory_space<hbm>>
        %dma_start3A_345 = tpu.memref_squeeze %dma_start3A_344 : memref<1x1x80xi32, #tpu.memory_space<hbm>> -> memref<80xi32, #tpu.memory_space<hbm>>
        tpu.enqueue_dma source(%dma_start3A_345 : memref<80xi32, #tpu.memory_space<hbm>>) target(%arg29 : memref<80xi32, #tpu.memory_space<vmem>>) target_semaphore(%arg45 : memref<!tpu.dma_semaphore, #tpu.memory_space<semaphore_mem>>)
      } else {
      }
      %add3A_304 = arith.constant 4 : i32
      %add3A_305 = arith.addi %add3A_291, %add3A_304 : i32
      %lt3A_306 = arith.constant 125 : i32
      %lt3A_307 = arith.cmpi slt, %add3A_305, %lt3A_306 : i32
      %convert_element_type3A_308 = arith.extui %lt3A_307 : i1 to i32
      %cond3A_309 = arith.constant 0 : i32
      %cond3A_310 = arith.cmpi ne, %convert_element_type3A_308, %cond3A_309 : i32
      scf.if %cond3A_310 {
        %dma_wait3A_332 = arith.constant 0 : i32
        %dma_wait3A_333 = arith.constant 0 : i32
        %dma_wait3A_334 = tpu.memref_slice %arg3[%add3A, %dma_wait3A_332, %dma_wait3A_333] : memref<32x125x80xi32, #tpu.memory_space<hbm>> -> memref<1x1x80xi32, #tpu.memory_space<hbm>>
        %dma_wait3A_335 = tpu.memref_squeeze %dma_wait3A_334 : memref<1x1x80xi32, #tpu.memory_space<hbm>> -> memref<80xi32, #tpu.memory_space<hbm>>
        %dma_wait3A_336 = arith.constant 0 : i32
        %dma_wait3A_337 = tpu.memref_slice %arg3[%add3A, %dma_wait3A_332, %dma_wait3A_336] : memref<32x125x80xi32, #tpu.memory_space<hbm>> -> memref<1x1x80xi32, #tpu.memory_space<hbm>>
        %dma_wait3A_338 = tpu.memref_squeeze %dma_wait3A_337 : memref<1x1x80xi32, #tpu.memory_space<hbm>> -> memref<80xi32, #tpu.memory_space<hbm>>
        tpu.wait_dma2 semaphore(%arg36 : memref<!tpu.dma_semaphore, #tpu.memory_space<semaphore_mem>>) src(%dma_wait3A_338 : memref<80xi32, #tpu.memory_space<hbm>>) dst(%arg20 : memref<80xi32, #tpu.memory_space<vmem>>)
        %dma_start3A_339 = arith.constant 0 : i32
        %dma_start3A_340 = arith.constant 0 : i32
        %dma_start3A_341 = tpu.memref_slice %arg2[%dma_start3A_339, %dma_start3A_340] : memref<10000x128xf32, #tpu.memory_space<hbm>> -> memref<10000x128xf32, #tpu.memory_space<hbm>>
        tpu.enqueue_indirect_dma source(%dma_start3A_341 : memref<10000x128xf32, #tpu.memory_space<hbm>>) target(%arg10 : memref<80x128xf32, #tpu.memory_space<vmem>>) offsets(%arg20 : memref<80xi32, #tpu.memory_space<vmem>>) semaphore(%arg14 : memref<!tpu.dma_semaphore, #tpu.memory_space<semaphore_mem>>)
      } else {
      }
      %add3A_311 = arith.constant 7 : i32
      %add3A_312 = arith.addi %add3A_166, %add3A_311 : i32
      %lt3A_313 = arith.constant 125 : i32
      %lt3A_314 = arith.cmpi slt, %add3A_312, %lt3A_313 : i32
      %convert_element_type3A_315 = arith.extui %lt3A_314 : i1 to i32
      %cond3A_316 = arith.constant 0 : i32
      %cond3A_317 = arith.cmpi ne, %convert_element_type3A_315, %cond3A_316 : i32
      scf.if %cond3A_317 {
        %dma_wait3A_332 = arith.constant 0 : i32
        %dma_wait3A_333 = arith.constant 0 : i32
        %dma_wait3A_334 = tpu.memref_slice %arg2[%dma_wait3A_332, %dma_wait3A_333] : memref<10000x128xf32, #tpu.memory_space<hbm>> -> memref<10000x128xf32, #tpu.memory_space<hbm>>
        tpu.wait_indirect_dma semaphore(%arg15 : memref<!tpu.dma_semaphore, #tpu.memory_space<semaphore_mem>>) src(%dma_wait3A_334 : memref<10000x128xf32, #tpu.memory_space<hbm>>) dst(%arg11 : memref<80x128xf32, #tpu.memory_space<vmem>>)
        %dma_wait3A_335 = arith.constant 0 : i32
        %dma_wait3A_336 = arith.constant 0 : i32
        %dma_wait3A_337 = tpu.memref_slice %arg4[%add3A, %dma_wait3A_335, %dma_wait3A_336] : memref<32x125x80xi32, #tpu.memory_space<hbm>> -> memref<1x1x80xi32, #tpu.memory_space<hbm>>
        %dma_wait3A_338 = tpu.memref_squeeze %dma_wait3A_337 : memref<1x1x80xi32, #tpu.memory_space<hbm>> -> memref<80xi32, #tpu.memory_space<hbm>>
        %dma_wait3A_339 = arith.constant 0 : i32
        %dma_wait3A_340 = tpu.memref_slice %arg4[%add3A, %dma_wait3A_335, %dma_wait3A_339] : memref<32x125x80xi32, #tpu.memory_space<hbm>> -> memref<1x1x80xi32, #tpu.memory_space<hbm>>
        %dma_wait3A_341 = tpu.memref_squeeze %dma_wait3A_340 : memref<1x1x80xi32, #tpu.memory_space<hbm>> -> memref<80xi32, #tpu.memory_space<hbm>>
        tpu.wait_dma2 semaphore(%arg47 : memref<!tpu.dma_semaphore, #tpu.memory_space<semaphore_mem>>) src(%dma_wait3A_341 : memref<80xi32, #tpu.memory_space<hbm>>) dst(%arg31 : memref<80xi32, #tpu.memory_space<vmem>>)
        "tpu.region"() ({
          %run_scoped3A = tpu.sem_alloc : memref<!tpu.dma_semaphore, #tpu.memory_space<semaphore_mem>>
          %dma_start3A_342 = arith.constant 0 : i32
          %dma_start3A_343 = arith.constant 0 : i32
          %dma_start3A_344 = tpu.memref_slice %arg7[%dma_start3A_342, %dma_start3A_343] : memref<10112x128xf32, #tpu.memory_space<vmem_shared>> -> memref<10112x128xf32, #tpu.memory_space<vmem_shared>>
          tpu.enqueue_indirect_dma source(%arg11 : memref<80x128xf32, #tpu.memory_space<vmem>>) target(%dma_start3A_344 : memref<10112x128xf32, #tpu.memory_space<vmem_shared>>) offsets(%arg31 : memref<80xi32, #tpu.memory_space<vmem>>) semaphore(%run_scoped3A : memref<!tpu.dma_semaphore, #tpu.memory_space<semaphore_mem>>) {add = true}
          %dma_wait3A_345 = arith.constant 0 : i32
          %dma_wait3A_346 = arith.constant 0 : i32
          %dma_wait3A_347 = tpu.memref_slice %arg7[%dma_wait3A_345, %dma_wait3A_346] : memref<10112x128xf32, #tpu.memory_space<vmem_shared>> -> memref<10112x128xf32, #tpu.memory_space<vmem_shared>>
          tpu.wait_indirect_dma semaphore(%run_scoped3A : memref<!tpu.dma_semaphore, #tpu.memory_space<semaphore_mem>>) src(%arg11 : memref<80x128xf32, #tpu.memory_space<vmem>>) dst(%dma_wait3A_347 : memref<10112x128xf32, #tpu.memory_space<vmem_shared>>)
          tpu.yield
        }) : () -> ()
      } else {
      }
      %add3A_318 = arith.constant 8 : i32
      %add3A_319 = arith.addi %add3A_312, %add3A_318 : i32
      %lt3A_320 = arith.constant 125 : i32
      %lt3A_321 = arith.cmpi slt, %add3A_319, %lt3A_320 : i32
      %convert_element_type3A_322 = arith.extui %lt3A_321 : i1 to i32
      %cond3A_323 = arith.constant 0 : i32
      %cond3A_324 = arith.cmpi ne, %convert_element_type3A_322, %cond3A_323 : i32
      scf.if %cond3A_324 {
        %add3A_332 = arith.constant 8 : i32
        %add3A_333 = arith.addi %add3A_312, %add3A_332 : i32
        %dma_start3A_334 = arith.constant 0 : i32
        %dma_start3A_335 = tpu.memref_slice %arg3[%add3A, %add3A_333, %dma_start3A_334] : memref<32x125x80xi32, #tpu.memory_space<hbm>> -> memref<1x1x80xi32, #tpu.memory_space<hbm>>
        %dma_start3A_336 = tpu.memref_squeeze %dma_start3A_335 : memref<1x1x80xi32, #tpu.memory_space<hbm>> -> memref<80xi32, #tpu.memory_space<hbm>>
        %dma_start3A_337 = arith.constant 0 : i32
        %dma_start3A_338 = tpu.memref_slice %arg3[%add3A, %add3A_333, %dma_start3A_337] : memref<32x125x80xi32, #tpu.memory_space<hbm>> -> memref<1x1x80xi32, #tpu.memory_space<hbm>>
        %dma_start3A_339 = tpu.memref_squeeze %dma_start3A_338 : memref<1x1x80xi32, #tpu.memory_space<hbm>> -> memref<80xi32, #tpu.memory_space<hbm>>
        tpu.enqueue_dma source(%dma_start3A_339 : memref<80xi32, #tpu.memory_space<hbm>>) target(%arg23 : memref<80xi32, #tpu.memory_space<vmem>>) target_semaphore(%arg39 : memref<!tpu.dma_semaphore, #tpu.memory_space<semaphore_mem>>)
        %dma_start3A_340 = arith.constant 0 : i32
        %dma_start3A_341 = tpu.memref_slice %arg4[%add3A, %add3A_333, %dma_start3A_340] : memref<32x125x80xi32, #tpu.memory_space<hbm>> -> memref<1x1x80xi32, #tpu.memory_space<hbm>>
        %dma_start3A_342 = tpu.memref_squeeze %dma_start3A_341 : memref<1x1x80xi32, #tpu.memory_space<hbm>> -> memref<80xi32, #tpu.memory_space<hbm>>
        %dma_start3A_343 = arith.constant 0 : i32
        %dma_start3A_344 = tpu.memref_slice %arg4[%add3A, %add3A_333, %dma_start3A_343] : memref<32x125x80xi32, #tpu.memory_space<hbm>> -> memref<1x1x80xi32, #tpu.memory_space<hbm>>
        %dma_start3A_345 = tpu.memref_squeeze %dma_start3A_344 : memref<1x1x80xi32, #tpu.memory_space<hbm>> -> memref<80xi32, #tpu.memory_space<hbm>>
        tpu.enqueue_dma source(%dma_start3A_345 : memref<80xi32, #tpu.memory_space<hbm>>) target(%arg31 : memref<80xi32, #tpu.memory_space<vmem>>) target_semaphore(%arg47 : memref<!tpu.dma_semaphore, #tpu.memory_space<semaphore_mem>>)
      } else {
      }
      %add3A_325 = arith.constant 4 : i32
      %add3A_326 = arith.addi %add3A_312, %add3A_325 : i32
      %lt3A_327 = arith.constant 125 : i32
      %lt3A_328 = arith.cmpi slt, %add3A_326, %lt3A_327 : i32
      %convert_element_type3A_329 = arith.extui %lt3A_328 : i1 to i32
      %cond3A_330 = arith.constant 0 : i32
      %cond3A_331 = arith.cmpi ne, %convert_element_type3A_329, %cond3A_330 : i32
      scf.if %cond3A_331 {
        %dma_wait3A_332 = arith.constant 0 : i32
        %dma_wait3A_333 = arith.constant 0 : i32
        %dma_wait3A_334 = tpu.memref_slice %arg3[%add3A, %dma_wait3A_332, %dma_wait3A_333] : memref<32x125x80xi32, #tpu.memory_space<hbm>> -> memref<1x1x80xi32, #tpu.memory_space<hbm>>
        %dma_wait3A_335 = tpu.memref_squeeze %dma_wait3A_334 : memref<1x1x80xi32, #tpu.memory_space<hbm>> -> memref<80xi32, #tpu.memory_space<hbm>>
        %dma_wait3A_336 = arith.constant 0 : i32
        %dma_wait3A_337 = tpu.memref_slice %arg3[%add3A, %dma_wait3A_332, %dma_wait3A_336] : memref<32x125x80xi32, #tpu.memory_space<hbm>> -> memref<1x1x80xi32, #tpu.memory_space<hbm>>
        %dma_wait3A_338 = tpu.memref_squeeze %dma_wait3A_337 : memref<1x1x80xi32, #tpu.memory_space<hbm>> -> memref<80xi32, #tpu.memory_space<hbm>>
        tpu.wait_dma2 semaphore(%arg38 : memref<!tpu.dma_semaphore, #tpu.memory_space<semaphore_mem>>) src(%dma_wait3A_338 : memref<80xi32, #tpu.memory_space<hbm>>) dst(%arg22 : memref<80xi32, #tpu.memory_space<vmem>>)
        %dma_start3A_339 = arith.constant 0 : i32
        %dma_start3A_340 = arith.constant 0 : i32
        %dma_start3A_341 = tpu.memref_slice %arg2[%dma_start3A_339, %dma_start3A_340] : memref<10000x128xf32, #tpu.memory_space<hbm>> -> memref<10000x128xf32, #tpu.memory_space<hbm>>
        tpu.enqueue_indirect_dma source(%dma_start3A_341 : memref<10000x128xf32, #tpu.memory_space<hbm>>) target(%arg11 : memref<80x128xf32, #tpu.memory_space<vmem>>) offsets(%arg22 : memref<80xi32, #tpu.memory_space<vmem>>) semaphore(%arg15 : memref<!tpu.dma_semaphore, #tpu.memory_space<semaphore_mem>>)
      } else {
      }
    }
    %scan3A_156 = arith.constant 16 : i32
    %barrier3A_157 = arith.constant 0 : index
    tpu.barrier barrier_id(%barrier3A_157)
    %mul3A_158 = arith.constant 632 : i32
    %mul3A_159 = arith.muli %arg1, %mul3A_158 : i32
    %mul3A_160 = arith.constant 632 : i32
    %mul3A_161 = arith.muli %arg1, %mul3A_160 : i32
    "tpu.region"() ({
      %run_scoped3A = tpu.sem_alloc : memref<!tpu.dma_semaphore, #tpu.memory_space<semaphore_mem>>
      %dma_start3A_162 = arith.constant 0 : i32
      %dma_start3A_163 = tpu.memref_slice %arg6[%arg0, %mul3A_161, %dma_start3A_162] : memref<2x10112x128xf32, #tpu.memory_space<hbm>> -> memref<1x632x128xf32, #tpu.memory_space<hbm>>
      %dma_start3A_164 = tpu.memref_squeeze %dma_start3A_163 : memref<1x632x128xf32, #tpu.memory_space<hbm>> -> memref<632x128xf32, #tpu.memory_space<hbm>>
      %dma_start3A_165 = arith.constant 0 : i32
      %dma_start3A_166 = tpu.memref_slice %arg7[%mul3A_159, %dma_start3A_165] : memref<10112x128xf32, #tpu.memory_space<vmem_shared>> -> memref<632x128xf32, #tpu.memory_space<vmem_shared>>
      tpu.enqueue_dma source(%dma_start3A_166 : memref<632x128xf32, #tpu.memory_space<vmem_shared>>) target(%dma_start3A_164 : memref<632x128xf32, #tpu.memory_space<hbm>>) target_semaphore(%run_scoped3A : memref<!tpu.dma_semaphore, #tpu.memory_space<semaphore_mem>>)
      %dma_wait3A_167 = arith.constant 0 : i32
      %dma_wait3A_168 = tpu.memref_slice %arg6[%arg0, %mul3A_161, %dma_wait3A_167] : memref<2x10112x128xf32, #tpu.memory_space<hbm>> -> memref<1x632x128xf32, #tpu.memory_space<hbm>>
      %dma_wait3A_169 = tpu.memref_squeeze %dma_wait3A_168 : memref<1x632x128xf32, #tpu.memory_space<hbm>> -> memref<632x128xf32, #tpu.memory_space<hbm>>
      %dma_wait3A_170 = arith.constant 0 : i32
      %dma_wait3A_171 = tpu.memref_slice %arg7[%mul3A_159, %dma_wait3A_170] : memref<10112x128xf32, #tpu.memory_space<vmem_shared>> -> memref<632x128xf32, #tpu.memory_space<vmem_shared>>
      tpu.wait_dma2 semaphore(%run_scoped3A : memref<!tpu.dma_semaphore, #tpu.memory_space<semaphore_mem>>) src(%dma_wait3A_171 : memref<632x128xf32, #tpu.memory_space<vmem_shared>>) dst(%dma_wait3A_169 : memref<632x128xf32, #tpu.memory_space<hbm>>)
      tpu.yield
    }) : () -> ()
    return
  }
}

#map = affine_map<(d0, d1) -> (0, 0)>
#map1 = affine_map<(d0, d1) -> (0, 0, 0)>
module attributes {stable_mosaic.version = 14 : i64} {
  func.func @seg_sum(%arg0: i32, %arg1: i32, %arg2: memref<10000x128xf32, #tpu.memory_space<hbm>>, %arg3: memref<32x125x80xi32, #tpu.memory_space<hbm>>, %arg4: memref<32x125x80xi32, #tpu.memory_space<hbm>>, %arg5: memref<632x128xf32, #tpu.memory_space<hbm>>, %arg6: memref<2x10112x128xf32, #tpu.memory_space<hbm>>, %arg7: memref<10112x128xf32, #tpu.memory_space<vmem_shared>>, %arg8: memref<80x128xf32, #tpu.memory_space<vmem>>, %arg9: memref<80x128xf32, #tpu.memory_space<vmem>>, %arg10: memref<80x128xf32, #tpu.memory_space<vmem>>, %arg11: memref<80x128xf32, #tpu.memory_space<vmem>>, %arg12: memref<!tpu.dma_semaphore, #tpu.memory_space<semaphore_mem>>, %arg13: memref<!tpu.dma_semaphore, #tpu.memory_space<semaphore_mem>>, %arg14: memref<!tpu.dma_semaphore, #tpu.memory_space<semaphore_mem>>, %arg15: memref<!tpu.dma_semaphore, #tpu.memory_space<semaphore_mem>>, %arg16: memref<80xi32, #tpu.memory_space<vmem>>, %arg17: memref<80xi32, #tpu.memory_space<vmem>>, %arg18: memref<80xi32, #tpu.memory_space<vmem>>, %arg19: memref<80xi32, #tpu.memory_space<vmem>>, %arg20: memref<80xi32, #tpu.memory_space<vmem>>, %arg21: memref<80xi32, #tpu.memory_space<vmem>>, %arg22: memref<80xi32, #tpu.memory_space<vmem>>, %arg23: memref<80xi32, #tpu.memory_space<vmem>>, %arg24: memref<80xi32, #tpu.memory_space<vmem>>, %arg25: memref<80xi32, #tpu.memory_space<vmem>>, %arg26: memref<80xi32, #tpu.memory_space<vmem>>, %arg27: memref<80xi32, #tpu.memory_space<vmem>>, %arg28: memref<80xi32, #tpu.memory_space<vmem>>, %arg29: memref<80xi32, #tpu.memory_space<vmem>>, %arg30: memref<80xi32, #tpu.memory_space<vmem>>, %arg31: memref<80xi32, #tpu.memory_space<vmem>>, %arg32: memref<!tpu.dma_semaphore, #tpu.memory_space<semaphore_mem>>, %arg33: memref<!tpu.dma_semaphore, #tpu.memory_space<semaphore_mem>>, %arg34: memref<!tpu.dma_semaphore, #tpu.memory_space<semaphore_mem>>, %arg35: memref<!tpu.dma_semaphore, #tpu.memory_space<semaphore_mem>>, %arg36: memref<!tpu.dma_semaphore, #tpu.memory_space<semaphore_mem>>, %arg37: memref<!tpu.dma_semaphore, #tpu.memory_space<semaphore_mem>>, %arg38: memref<!tpu.dma_semaphore, #tpu.memory_space<semaphore_mem>>, %arg39: memref<!tpu.dma_semaphore, #tpu.memory_space<semaphore_mem>>, %arg40: memref<!tpu.dma_semaphore, #tpu.memory_space<semaphore_mem>>, %arg41: memref<!tpu.dma_semaphore, #tpu.memory_space<semaphore_mem>>, %arg42: memref<!tpu.dma_semaphore, #tpu.memory_space<semaphore_mem>>, %arg43: memref<!tpu.dma_semaphore, #tpu.memory_space<semaphore_mem>>, %arg44: memref<!tpu.dma_semaphore, #tpu.memory_space<semaphore_mem>>, %arg45: memref<!tpu.dma_semaphore, #tpu.memory_space<semaphore_mem>>, %arg46: memref<!tpu.dma_semaphore, #tpu.memory_space<semaphore_mem>>, %arg47: memref<!tpu.dma_semaphore, #tpu.memory_space<semaphore_mem>>) attributes {dimension_semantics = [#tpu.dimension_semantics<core_parallel>, #tpu.dimension_semantics<subcore_parallel>], iteration_bounds = array<i64: 2, 16>, scalar_prefetch = 0 : i64, scratch_operands = 41 : i64, tpu.core_type = #tpu.core_type<sc_vector_subcore>, window_params = [{transform_indices = #map}, {transform_indices = #map1}, {transform_indices = #map1}, {transform_indices = #map}, {transform_indices = #map1}]} {
    %mul3A = arith.constant 16 : i32
    %mul3A_0 = arith.muli %arg0, %mul3A : i32
    %add3A = arith.addi %mul3A_0, %arg1 : i32
    %dma_start3A = arith.constant 0 : i32
    %dma_start3A_1 = arith.constant 0 : i32
    %dma_start3A_2 = tpu.memref_slice %arg3[%add3A, %dma_start3A, %dma_start3A_1] : memref<32x125x80xi32, #tpu.memory_space<hbm>> -> memref<1x1x80xi32, #tpu.memory_space<hbm>>
    %dma_start3A_3 = tpu.memref_squeeze %dma_start3A_2 : memref<1x1x80xi32, #tpu.memory_space<hbm>> -> memref<80xi32, #tpu.memory_space<hbm>>
    %dma_start3A_4 = arith.constant 0 : i32
    %dma_start3A_5 = tpu.memref_slice %arg3[%add3A, %dma_start3A, %dma_start3A_4] : memref<32x125x80xi32, #tpu.memory_space<hbm>> -> memref<1x1x80xi32, #tpu.memory_space<hbm>>
    %dma_start3A_6 = tpu.memref_squeeze %dma_start3A_5 : memref<1x1x80xi32, #tpu.memory_space<hbm>> -> memref<80xi32, #tpu.memory_space<hbm>>
    tpu.enqueue_dma source(%dma_start3A_6 : memref<80xi32, #tpu.memory_space<hbm>>) target(%arg16 : memref<80xi32, #tpu.memory_space<vmem>>) target_semaphore(%arg32 : memref<!tpu.dma_semaphore, #tpu.memory_space<semaphore_mem>>)
    %dma_start3A_7 = arith.constant 0 : i32
    %dma_start3A_8 = arith.constant 0 : i32
    %dma_start3A_9 = tpu.memref_slice %arg4[%add3A, %dma_start3A_7, %dma_start3A_8] : memref<32x125x80xi32, #tpu.memory_space<hbm>> -> memref<1x1x80xi32, #tpu.memory_space<hbm>>
    %dma_start3A_10 = tpu.memref_squeeze %dma_start3A_9 : memref<1x1x80xi32, #tpu.memory_space<hbm>> -> memref<80xi32, #tpu.memory_space<hbm>>
    %dma_start3A_11 = arith.constant 0 : i32
    %dma_start3A_12 = tpu.memref_slice %arg4[%add3A, %dma_start3A_7, %dma_start3A_11] : memref<32x125x80xi32, #tpu.memory_space<hbm>> -> memref<1x1x80xi32, #tpu.memory_space<hbm>>
    %dma_start3A_13 = tpu.memref_squeeze %dma_start3A_12 : memref<1x1x80xi32, #tpu.memory_space<hbm>> -> memref<80xi32, #tpu.memory_space<hbm>>
    tpu.enqueue_dma source(%dma_start3A_13 : memref<80xi32, #tpu.memory_space<hbm>>) target(%arg24 : memref<80xi32, #tpu.memory_space<vmem>>) target_semaphore(%arg40 : memref<!tpu.dma_semaphore, #tpu.memory_space<semaphore_mem>>)
    %dma_start3A_14 = arith.constant 1 : i32
    %dma_start3A_15 = arith.constant 0 : i32
    %dma_start3A_16 = tpu.memref_slice %arg3[%add3A, %dma_start3A_14, %dma_start3A_15] : memref<32x125x80xi32, #tpu.memory_space<hbm>> -> memref<1x1x80xi32, #tpu.memory_space<hbm>>
    %dma_start3A_17 = tpu.memref_squeeze %dma_start3A_16 : memref<1x1x80xi32, #tpu.memory_space<hbm>> -> memref<80xi32, #tpu.memory_space<hbm>>
    %dma_start3A_18 = arith.constant 0 : i32
    %dma_start3A_19 = tpu.memref_slice %arg3[%add3A, %dma_start3A_14, %dma_start3A_18] : memref<32x125x80xi32, #tpu.memory_space<hbm>> -> memref<1x1x80xi32, #tpu.memory_space<hbm>>
    %dma_start3A_20 = tpu.memref_squeeze %dma_start3A_19 : memref<1x1x80xi32, #tpu.memory_space<hbm>> -> memref<80xi32, #tpu.memory_space<hbm>>
    tpu.enqueue_dma source(%dma_start3A_20 : memref<80xi32, #tpu.memory_space<hbm>>) target(%arg18 : memref<80xi32, #tpu.memory_space<vmem>>) target_semaphore(%arg34 : memref<!tpu.dma_semaphore, #tpu.memory_space<semaphore_mem>>)
    %dma_start3A_21 = arith.constant 1 : i32
    %dma_start3A_22 = arith.constant 0 : i32
    %dma_start3A_23 = tpu.memref_slice %arg4[%add3A, %dma_start3A_21, %dma_start3A_22] : memref<32x125x80xi32, #tpu.memory_space<hbm>> -> memref<1x1x80xi32, #tpu.memory_space<hbm>>
    %dma_start3A_24 = tpu.memref_squeeze %dma_start3A_23 : memref<1x1x80xi32, #tpu.memory_space<hbm>> -> memref<80xi32, #tpu.memory_space<hbm>>
    %dma_start3A_25 = arith.constant 0 : i32
    %dma_start3A_26 = tpu.memref_slice %arg4[%add3A, %dma_start3A_21, %dma_start3A_25] : memref<32x125x80xi32, #tpu.memory_space<hbm>> -> memref<1x1x80xi32, #tpu.memory_space<hbm>>
    %dma_start3A_27 = tpu.memref_squeeze %dma_start3A_26 : memref<1x1x80xi32, #tpu.memory_space<hbm>> -> memref<80xi32, #tpu.memory_space<hbm>>
    tpu.enqueue_dma source(%dma_start3A_27 : memref<80xi32, #tpu.memory_space<hbm>>) target(%arg26 : memref<80xi32, #tpu.memory_space<vmem>>) target_semaphore(%arg42 : memref<!tpu.dma_semaphore, #tpu.memory_space<semaphore_mem>>)
    %dma_start3A_28 = arith.constant 2 : i32
    %dma_start3A_29 = arith.constant 0 : i32
    %dma_start3A_30 = tpu.memref_slice %arg3[%add3A, %dma_start3A_28, %dma_start3A_29] : memref<32x125x80xi32, #tpu.memory_space<hbm>> -> memref<1x1x80xi32, #tpu.memory_space<hbm>>
    %dma_start3A_31 = tpu.memref_squeeze %dma_start3A_30 : memref<1x1x80xi32, #tpu.memory_space<hbm>> -> memref<80xi32, #tpu.memory_space<hbm>>
    %dma_start3A_32 = arith.constant 0 : i32
    %dma_start3A_33 = tpu.memref_slice %arg3[%add3A, %dma_start3A_28, %dma_start3A_32] : memref<32x125x80xi32, #tpu.memory_space<hbm>> -> memref<1x1x80xi32, #tpu.memory_space<hbm>>
    %dma_start3A_34 = tpu.memref_squeeze %dma_start3A_33 : memref<1x1x80xi32, #tpu.memory_space<hbm>> -> memref<80xi32, #tpu.memory_space<hbm>>
    tpu.enqueue_dma source(%dma_start3A_34 : memref<80xi32, #tpu.memory_space<hbm>>) target(%arg20 : memref<80xi32, #tpu.memory_space<vmem>>) target_semaphore(%arg36 : memref<!tpu.dma_semaphore, #tpu.memory_space<semaphore_mem>>)
    %dma_start3A_35 = arith.constant 2 : i32
    %dma_start3A_36 = arith.constant 0 : i32
    %dma_start3A_37 = tpu.memref_slice %arg4[%add3A, %dma_start3A_35, %dma_start3A_36] : memref<32x125x80xi32, #tpu.memory_space<hbm>> -> memref<1x1x80xi32, #tpu.memory_space<hbm>>
    %dma_start3A_38 = tpu.memref_squeeze %dma_start3A_37 : memref<1x1x80xi32, #tpu.memory_space<hbm>> -> memref<80xi32, #tpu.memory_space<hbm>>
    %dma_start3A_39 = arith.constant 0 : i32
    %dma_start3A_40 = tpu.memref_slice %arg4[%add3A, %dma_start3A_35, %dma_start3A_39] : memref<32x125x80xi32, #tpu.memory_space<hbm>> -> memref<1x1x80xi32, #tpu.memory_space<hbm>>
    %dma_start3A_41 = tpu.memref_squeeze %dma_start3A_40 : memref<1x1x80xi32, #tpu.memory_space<hbm>> -> memref<80xi32, #tpu.memory_space<hbm>>
    tpu.enqueue_dma source(%dma_start3A_41 : memref<80xi32, #tpu.memory_space<hbm>>) target(%arg28 : memref<80xi32, #tpu.memory_space<vmem>>) target_semaphore(%arg44 : memref<!tpu.dma_semaphore, #tpu.memory_space<semaphore_mem>>)
    %dma_start3A_42 = arith.constant 3 : i32
    %dma_start3A_43 = arith.constant 0 : i32
    %dma_start3A_44 = tpu.memref_slice %arg3[%add3A, %dma_start3A_42, %dma_start3A_43] : memref<32x125x80xi32, #tpu.memory_space<hbm>> -> memref<1x1x80xi32, #tpu.memory_space<hbm>>
    %dma_start3A_45 = tpu.memref_squeeze %dma_start3A_44 : memref<1x1x80xi32, #tpu.memory_space<hbm>> -> memref<80xi32, #tpu.memory_space<hbm>>
    %dma_start3A_46 = arith.constant 0 : i32
    %dma_start3A_47 = tpu.memref_slice %arg3[%add3A, %dma_start3A_42, %dma_start3A_46] : memref<32x125x80xi32, #tpu.memory_space<hbm>> -> memref<1x1x80xi32, #tpu.memory_space<hbm>>
    %dma_start3A_48 = tpu.memref_squeeze %dma_start3A_47 : memref<1x1x80xi32, #tpu.memory_space<hbm>> -> memref<80xi32, #tpu.memory_space<hbm>>
    tpu.enqueue_dma source(%dma_start3A_48 : memref<80xi32, #tpu.memory_space<hbm>>) target(%arg22 : memref<80xi32, #tpu.memory_space<vmem>>) target_semaphore(%arg38 : memref<!tpu.dma_semaphore, #tpu.memory_space<semaphore_mem>>)
    %dma_start3A_49 = arith.constant 3 : i32
    %dma_start3A_50 = arith.constant 0 : i32
    %dma_start3A_51 = tpu.memref_slice %arg4[%add3A, %dma_start3A_49, %dma_start3A_50] : memref<32x125x80xi32, #tpu.memory_space<hbm>> -> memref<1x1x80xi32, #tpu.memory_space<hbm>>
    %dma_start3A_52 = tpu.memref_squeeze %dma_start3A_51 : memref<1x1x80xi32, #tpu.memory_space<hbm>> -> memref<80xi32, #tpu.memory_space<hbm>>
    %dma_start3A_53 = arith.constant 0 : i32
    %dma_start3A_54 = tpu.memref_slice %arg4[%add3A, %dma_start3A_49, %dma_start3A_53] : memref<32x125x80xi32, #tpu.memory_space<hbm>> -> memref<1x1x80xi32, #tpu.memory_space<hbm>>
    %dma_start3A_55 = tpu.memref_squeeze %dma_start3A_54 : memref<1x1x80xi32, #tpu.memory_space<hbm>> -> memref<80xi32, #tpu.memory_space<hbm>>
    tpu.enqueue_dma source(%dma_start3A_55 : memref<80xi32, #tpu.memory_space<hbm>>) target(%arg30 : memref<80xi32, #tpu.memory_space<vmem>>) target_semaphore(%arg46 : memref<!tpu.dma_semaphore, #tpu.memory_space<semaphore_mem>>)
    %dma_start3A_56 = arith.constant 4 : i32
    %dma_start3A_57 = arith.constant 0 : i32
    %dma_start3A_58 = tpu.memref_slice %arg3[%add3A, %dma_start3A_56, %dma_start3A_57] : memref<32x125x80xi32, #tpu.memory_space<hbm>> -> memref<1x1x80xi32, #tpu.memory_space<hbm>>
    %dma_start3A_59 = tpu.memref_squeeze %dma_start3A_58 : memref<1x1x80xi32, #tpu.memory_space<hbm>> -> memref<80xi32, #tpu.memory_space<hbm>>
    %dma_start3A_60 = arith.constant 0 : i32
    %dma_start3A_61 = tpu.memref_slice %arg3[%add3A, %dma_start3A_56, %dma_start3A_60] : memref<32x125x80xi32, #tpu.memory_space<hbm>> -> memref<1x1x80xi32, #tpu.memory_space<hbm>>
    %dma_start3A_62 = tpu.memref_squeeze %dma_start3A_61 : memref<1x1x80xi32, #tpu.memory_space<hbm>> -> memref<80xi32, #tpu.memory_space<hbm>>
    tpu.enqueue_dma source(%dma_start3A_62 : memref<80xi32, #tpu.memory_space<hbm>>) target(%arg17 : memref<80xi32, #tpu.memory_space<vmem>>) target_semaphore(%arg33 : memref<!tpu.dma_semaphore, #tpu.memory_space<semaphore_mem>>)
    %dma_start3A_63 = arith.constant 4 : i32
    %dma_start3A_64 = arith.constant 0 : i32
    %dma_start3A_65 = tpu.memref_slice %arg4[%add3A, %dma_start3A_63, %dma_start3A_64] : memref<32x125x80xi32, #tpu.memory_space<hbm>> -> memref<1x1x80xi32, #tpu.memory_space<hbm>>
    %dma_start3A_66 = tpu.memref_squeeze %dma_start3A_65 : memref<1x1x80xi32, #tpu.memory_space<hbm>> -> memref<80xi32, #tpu.memory_space<hbm>>
    %dma_start3A_67 = arith.constant 0 : i32
    %dma_start3A_68 = tpu.memref_slice %arg4[%add3A, %dma_start3A_63, %dma_start3A_67] : memref<32x125x80xi32, #tpu.memory_space<hbm>> -> memref<1x1x80xi32, #tpu.memory_space<hbm>>
    %dma_start3A_69 = tpu.memref_squeeze %dma_start3A_68 : memref<1x1x80xi32, #tpu.memory_space<hbm>> -> memref<80xi32, #tpu.memory_space<hbm>>
    tpu.enqueue_dma source(%dma_start3A_69 : memref<80xi32, #tpu.memory_space<hbm>>) target(%arg25 : memref<80xi32, #tpu.memory_space<vmem>>) target_semaphore(%arg41 : memref<!tpu.dma_semaphore, #tpu.memory_space<semaphore_mem>>)
    %dma_start3A_70 = arith.constant 5 : i32
    %dma_start3A_71 = arith.constant 0 : i32
    %dma_start3A_72 = tpu.memref_slice %arg3[%add3A, %dma_start3A_70, %dma_start3A_71] : memref<32x125x80xi32, #tpu.memory_space<hbm>> -> memref<1x1x80xi32, #tpu.memory_space<hbm>>
    %dma_start3A_73 = tpu.memref_squeeze %dma_start3A_72 : memref<1x1x80xi32, #tpu.memory_space<hbm>> -> memref<80xi32, #tpu.memory_space<hbm>>
    %dma_start3A_74 = arith.constant 0 : i32
    %dma_start3A_75 = tpu.memref_slice %arg3[%add3A, %dma_start3A_70, %dma_start3A_74] : memref<32x125x80xi32, #tpu.memory_space<hbm>> -> memref<1x1x80xi32, #tpu.memory_space<hbm>>
    %dma_start3A_76 = tpu.memref_squeeze %dma_start3A_75 : memref<1x1x80xi32, #tpu.memory_space<hbm>> -> memref<80xi32, #tpu.memory_space<hbm>>
    tpu.enqueue_dma source(%dma_start3A_76 : memref<80xi32, #tpu.memory_space<hbm>>) target(%arg19 : memref<80xi32, #tpu.memory_space<vmem>>) target_semaphore(%arg35 : memref<!tpu.dma_semaphore, #tpu.memory_space<semaphore_mem>>)
    %dma_start3A_77 = arith.constant 5 : i32
    %dma_start3A_78 = arith.constant 0 : i32
    %dma_start3A_79 = tpu.memref_slice %arg4[%add3A, %dma_start3A_77, %dma_start3A_78] : memref<32x125x80xi32, #tpu.memory_space<hbm>> -> memref<1x1x80xi32, #tpu.memory_space<hbm>>
    %dma_start3A_80 = tpu.memref_squeeze %dma_start3A_79 : memref<1x1x80xi32, #tpu.memory_space<hbm>> -> memref<80xi32, #tpu.memory_space<hbm>>
    %dma_start3A_81 = arith.constant 0 : i32
    %dma_start3A_82 = tpu.memref_slice %arg4[%add3A, %dma_start3A_77, %dma_start3A_81] : memref<32x125x80xi32, #tpu.memory_space<hbm>> -> memref<1x1x80xi32, #tpu.memory_space<hbm>>
    %dma_start3A_83 = tpu.memref_squeeze %dma_start3A_82 : memref<1x1x80xi32, #tpu.memory_space<hbm>> -> memref<80xi32, #tpu.memory_space<hbm>>
    tpu.enqueue_dma source(%dma_start3A_83 : memref<80xi32, #tpu.memory_space<hbm>>) target(%arg27 : memref<80xi32, #tpu.memory_space<vmem>>) target_semaphore(%arg43 : memref<!tpu.dma_semaphore, #tpu.memory_space<semaphore_mem>>)
    %dma_start3A_84 = arith.constant 6 : i32
    %dma_start3A_85 = arith.constant 0 : i32
    %dma_start3A_86 = tpu.memref_slice %arg3[%add3A, %dma_start3A_84, %dma_start3A_85] : memref<32x125x80xi32, #tpu.memory_space<hbm>> -> memref<1x1x80xi32, #tpu.memory_space<hbm>>
    %dma_start3A_87 = tpu.memref_squeeze %dma_start3A_86 : memref<1x1x80xi32, #tpu.memory_space<hbm>> -> memref<80xi32, #tpu.memory_space<hbm>>
    %dma_start3A_88 = arith.constant 0 : i32
    %dma_start3A_89 = tpu.memref_slice %arg3[%add3A, %dma_start3A_84, %dma_start3A_88] : memref<32x125x80xi32, #tpu.memory_space<hbm>> -> memref<1x1x80xi32, #tpu.memory_space<hbm>>
    %dma_start3A_90 = tpu.memref_squeeze %dma_start3A_89 : memref<1x1x80xi32, #tpu.memory_space<hbm>> -> memref<80xi32, #tpu.memory_space<hbm>>
    tpu.enqueue_dma source(%dma_start3A_90 : memref<80xi32, #tpu.memory_space<hbm>>) target(%arg21 : memref<80xi32, #tpu.memory_space<vmem>>) target_semaphore(%arg37 : memref<!tpu.dma_semaphore, #tpu.memory_space<semaphore_mem>>)
    %dma_start3A_91 = arith.constant 6 : i32
    %dma_start3A_92 = arith.constant 0 : i32
    %dma_start3A_93 = tpu.memref_slice %arg4[%add3A, %dma_start3A_91, %dma_start3A_92] : memref<32x125x80xi32, #tpu.memory_space<hbm>> -> memref<1x1x80xi32, #tpu.memory_space<hbm>>
    %dma_start3A_94 = tpu.memref_squeeze %dma_start3A_93 : memref<1x1x80xi32, #tpu.memory_space<hbm>> -> memref<80xi32, #tpu.memory_space<hbm>>
    %dma_start3A_95 = arith.constant 0 : i32
    %dma_start3A_96 = tpu.memref_slice %arg4[%add3A, %dma_start3A_91, %dma_start3A_95] : memref<32x125x80xi32, #tpu.memory_space<hbm>> -> memref<1x1x80xi32, #tpu.memory_space<hbm>>
    %dma_start3A_97 = tpu.memref_squeeze %dma_start3A_96 : memref<1x1x80xi32, #tpu.memory_space<hbm>> -> memref<80xi32, #tpu.memory_space<hbm>>
    tpu.enqueue_dma source(%dma_start3A_97 : memref<80xi32, #tpu.memory_space<hbm>>) target(%arg29 : memref<80xi32, #tpu.memory_space<vmem>>) target_semaphore(%arg45 : memref<!tpu.dma_semaphore, #tpu.memory_space<semaphore_mem>>)
    %dma_start3A_98 = arith.constant 7 : i32
    %dma_start3A_99 = arith.constant 0 : i32
    %dma_start3A_100 = tpu.memref_slice %arg3[%add3A, %dma_start3A_98, %dma_start3A_99] : memref<32x125x80xi32, #tpu.memory_space<hbm>> -> memref<1x1x80xi32, #tpu.memory_space<hbm>>
    %dma_start3A_101 = tpu.memref_squeeze %dma_start3A_100 : memref<1x1x80xi32, #tpu.memory_space<hbm>> -> memref<80xi32, #tpu.memory_space<hbm>>
    %dma_start3A_102 = arith.constant 0 : i32
    %dma_start3A_103 = tpu.memref_slice %arg3[%add3A, %dma_start3A_98, %dma_start3A_102] : memref<32x125x80xi32, #tpu.memory_space<hbm>> -> memref<1x1x80xi32, #tpu.memory_space<hbm>>
    %dma_start3A_104 = tpu.memref_squeeze %dma_start3A_103 : memref<1x1x80xi32, #tpu.memory_space<hbm>> -> memref<80xi32, #tpu.memory_space<hbm>>
    tpu.enqueue_dma source(%dma_start3A_104 : memref<80xi32, #tpu.memory_space<hbm>>) target(%arg23 : memref<80xi32, #tpu.memory_space<vmem>>) target_semaphore(%arg39 : memref<!tpu.dma_semaphore, #tpu.memory_space<semaphore_mem>>)
    %dma_start3A_105 = arith.constant 7 : i32
    %dma_start3A_106 = arith.constant 0 : i32
    %dma_start3A_107 = tpu.memref_slice %arg4[%add3A, %dma_start3A_105, %dma_start3A_106] : memref<32x125x80xi32, #tpu.memory_space<hbm>> -> memref<1x1x80xi32, #tpu.memory_space<hbm>>
    %dma_start3A_108 = tpu.memref_squeeze %dma_start3A_107 : memref<1x1x80xi32, #tpu.memory_space<hbm>> -> memref<80xi32, #tpu.memory_space<hbm>>
    %dma_start3A_109 = arith.constant 0 : i32
    %dma_start3A_110 = tpu.memref_slice %arg4[%add3A, %dma_start3A_105, %dma_start3A_109] : memref<32x125x80xi32, #tpu.memory_space<hbm>> -> memref<1x1x80xi32, #tpu.memory_space<hbm>>
    %dma_start3A_111 = tpu.memref_squeeze %dma_start3A_110 : memref<1x1x80xi32, #tpu.memory_space<hbm>> -> memref<80xi32, #tpu.memory_space<hbm>>
    tpu.enqueue_dma source(%dma_start3A_111 : memref<80xi32, #tpu.memory_space<hbm>>) target(%arg31 : memref<80xi32, #tpu.memory_space<vmem>>) target_semaphore(%arg47 : memref<!tpu.dma_semaphore, #tpu.memory_space<semaphore_mem>>)
    %dma_wait3A = arith.constant 0 : i32
    %dma_wait3A_112 = arith.constant 0 : i32
    %dma_wait3A_113 = tpu.memref_slice %arg3[%add3A, %dma_wait3A, %dma_wait3A_112] : memref<32x125x80xi32, #tpu.memory_space<hbm>> -> memref<1x1x80xi32, #tpu.memory_space<hbm>>
    %dma_wait3A_114 = tpu.memref_squeeze %dma_wait3A_113 : memref<1x1x80xi32, #tpu.memory_space<hbm>> -> memref<80xi32, #tpu.memory_space<hbm>>
    %dma_wait3A_115 = arith.constant 0 : i32
    %dma_wait3A_116 = tpu.memref_slice %arg3[%add3A, %dma_wait3A, %dma_wait3A_115] : memref<32x125x80xi32, #tpu.memory_space<hbm>> -> memref<1x1x80xi32, #tpu.memory_space<hbm>>
    %dma_wait3A_117 = tpu.memref_squeeze %dma_wait3A_116 : memref<1x1x80xi32, #tpu.memory_space<hbm>> -> memref<80xi32, #tpu.memory_space<hbm>>
    tpu.wait_dma2 semaphore(%arg32 : memref<!tpu.dma_semaphore, #tpu.memory_space<semaphore_mem>>) src(%dma_wait3A_117 : memref<80xi32, #tpu.memory_space<hbm>>) dst(%arg16 : memref<80xi32, #tpu.memory_space<vmem>>)
    %dma_start3A_118 = arith.constant 0 : i32
    %dma_start3A_119 = arith.constant 0 : i32
    %dma_start3A_120 = tpu.memref_slice %arg2[%dma_start3A_118, %dma_start3A_119] : memref<10000x128xf32, #tpu.memory_space<hbm>> -> memref<10000x128xf32, #tpu.memory_space<hbm>>
    tpu.enqueue_indirect_dma source(%dma_start3A_120 : memref<10000x128xf32, #tpu.memory_space<hbm>>) target(%arg8 : memref<80x128xf32, #tpu.memory_space<vmem>>) offsets(%arg16 : memref<80xi32, #tpu.memory_space<vmem>>) semaphore(%arg12 : memref<!tpu.dma_semaphore, #tpu.memory_space<semaphore_mem>>)
    %dma_wait3A_121 = arith.constant 0 : i32
    %dma_wait3A_122 = arith.constant 0 : i32
    %dma_wait3A_123 = tpu.memref_slice %arg3[%add3A, %dma_wait3A_121, %dma_wait3A_122] : memref<32x125x80xi32, #tpu.memory_space<hbm>> -> memref<1x1x80xi32, #tpu.memory_space<hbm>>
    %dma_wait3A_124 = tpu.memref_squeeze %dma_wait3A_123 : memref<1x1x80xi32, #tpu.memory_space<hbm>> -> memref<80xi32, #tpu.memory_space<hbm>>
    %dma_wait3A_125 = arith.constant 0 : i32
    %dma_wait3A_126 = tpu.memref_slice %arg3[%add3A, %dma_wait3A_121, %dma_wait3A_125] : memref<32x125x80xi32, #tpu.memory_space<hbm>> -> memref<1x1x80xi32, #tpu.memory_space<hbm>>
    %dma_wait3A_127 = tpu.memref_squeeze %dma_wait3A_126 : memref<1x1x80xi32, #tpu.memory_space<hbm>> -> memref<80xi32, #tpu.memory_space<hbm>>
    tpu.wait_dma2 semaphore(%arg34 : memref<!tpu.dma_semaphore, #tpu.memory_space<semaphore_mem>>) src(%dma_wait3A_127 : memref<80xi32, #tpu.memory_space<hbm>>) dst(%arg18 : memref<80xi32, #tpu.memory_space<vmem>>)
    %dma_start3A_128 = arith.constant 0 : i32
    %dma_start3A_129 = arith.constant 0 : i32
    %dma_start3A_130 = tpu.memref_slice %arg2[%dma_start3A_128, %dma_start3A_129] : memref<10000x128xf32, #tpu.memory_space<hbm>> -> memref<10000x128xf32, #tpu.memory_space<hbm>>
    tpu.enqueue_indirect_dma source(%dma_start3A_130 : memref<10000x128xf32, #tpu.memory_space<hbm>>) target(%arg9 : memref<80x128xf32, #tpu.memory_space<vmem>>) offsets(%arg18 : memref<80xi32, #tpu.memory_space<vmem>>) semaphore(%arg13 : memref<!tpu.dma_semaphore, #tpu.memory_space<semaphore_mem>>)
    %dma_wait3A_131 = arith.constant 0 : i32
    %dma_wait3A_132 = arith.constant 0 : i32
    %dma_wait3A_133 = tpu.memref_slice %arg3[%add3A, %dma_wait3A_131, %dma_wait3A_132] : memref<32x125x80xi32, #tpu.memory_space<hbm>> -> memref<1x1x80xi32, #tpu.memory_space<hbm>>
    %dma_wait3A_134 = tpu.memref_squeeze %dma_wait3A_133 : memref<1x1x80xi32, #tpu.memory_space<hbm>> -> memref<80xi32, #tpu.memory_space<hbm>>
    %dma_wait3A_135 = arith.constant 0 : i32
    %dma_wait3A_136 = tpu.memref_slice %arg3[%add3A, %dma_wait3A_131, %dma_wait3A_135] : memref<32x125x80xi32, #tpu.memory_space<hbm>> -> memref<1x1x80xi32, #tpu.memory_space<hbm>>
    %dma_wait3A_137 = tpu.memref_squeeze %dma_wait3A_136 : memref<1x1x80xi32, #tpu.memory_space<hbm>> -> memref<80xi32, #tpu.memory_space<hbm>>
    tpu.wait_dma2 semaphore(%arg36 : memref<!tpu.dma_semaphore, #tpu.memory_space<semaphore_mem>>) src(%dma_wait3A_137 : memref<80xi32, #tpu.memory_space<hbm>>) dst(%arg20 : memref<80xi32, #tpu.memory_space<vmem>>)
    %dma_start3A_138 = arith.constant 0 : i32
    %dma_start3A_139 = arith.constant 0 : i32
    %dma_start3A_140 = tpu.memref_slice %arg2[%dma_start3A_138, %dma_start3A_139] : memref<10000x128xf32, #tpu.memory_space<hbm>> -> memref<10000x128xf32, #tpu.memory_space<hbm>>
    tpu.enqueue_indirect_dma source(%dma_start3A_140 : memref<10000x128xf32, #tpu.memory_space<hbm>>) target(%arg10 : memref<80x128xf32, #tpu.memory_space<vmem>>) offsets(%arg20 : memref<80xi32, #tpu.memory_space<vmem>>) semaphore(%arg14 : memref<!tpu.dma_semaphore, #tpu.memory_space<semaphore_mem>>)
    %dma_wait3A_141 = arith.constant 0 : i32
    %dma_wait3A_142 = arith.constant 0 : i32
    %dma_wait3A_143 = tpu.memref_slice %arg3[%add3A, %dma_wait3A_141, %dma_wait3A_142] : memref<32x125x80xi32, #tpu.memory_space<hbm>> -> memref<1x1x80xi32, #tpu.memory_space<hbm>>
    %dma_wait3A_144 = tpu.memref_squeeze %dma_wait3A_143 : memref<1x1x80xi32, #tpu.memory_space<hbm>> -> memref<80xi32, #tpu.memory_space<hbm>>
    %dma_wait3A_145 = arith.constant 0 : i32
    %dma_wait3A_146 = tpu.memref_slice %arg3[%add3A, %dma_wait3A_141, %dma_wait3A_145] : memref<32x125x80xi32, #tpu.memory_space<hbm>> -> memref<1x1x80xi32, #tpu.memory_space<hbm>>
    %dma_wait3A_147 = tpu.memref_squeeze %dma_wait3A_146 : memref<1x1x80xi32, #tpu.memory_space<hbm>> -> memref<80xi32, #tpu.memory_space<hbm>>
    tpu.wait_dma2 semaphore(%arg38 : memref<!tpu.dma_semaphore, #tpu.memory_space<semaphore_mem>>) src(%dma_wait3A_147 : memref<80xi32, #tpu.memory_space<hbm>>) dst(%arg22 : memref<80xi32, #tpu.memory_space<vmem>>)
    %dma_start3A_148 = arith.constant 0 : i32
    %dma_start3A_149 = arith.constant 0 : i32
    %dma_start3A_150 = tpu.memref_slice %arg2[%dma_start3A_148, %dma_start3A_149] : memref<10000x128xf32, #tpu.memory_space<hbm>> -> memref<10000x128xf32, #tpu.memory_space<hbm>>
    tpu.enqueue_indirect_dma source(%dma_start3A_150 : memref<10000x128xf32, #tpu.memory_space<hbm>>) target(%arg11 : memref<80x128xf32, #tpu.memory_space<vmem>>) offsets(%arg22 : memref<80xi32, #tpu.memory_space<vmem>>) semaphore(%arg15 : memref<!tpu.dma_semaphore, #tpu.memory_space<semaphore_mem>>)
    %mul3A_151 = arith.constant 632 : i32
    %mul3A_152 = arith.muli %arg1, %mul3A_151 : i32
    "tpu.region"() ({
      %run_scoped3A = tpu.sem_alloc : memref<!tpu.dma_semaphore, #tpu.memory_space<semaphore_mem>>
      %dma_start3A_162 = arith.constant 0 : i32
      %dma_start3A_163 = tpu.memref_slice %arg7[%mul3A_152, %dma_start3A_162] : memref<10112x128xf32, #tpu.memory_space<vmem_shared>> -> memref<632x128xf32, #tpu.memory_space<vmem_shared>>
      tpu.enqueue_dma source(%arg5 : memref<632x128xf32, #tpu.memory_space<hbm>>) target(%dma_start3A_163 : memref<632x128xf32, #tpu.memory_space<vmem_shared>>) target_semaphore(%run_scoped3A : memref<!tpu.dma_semaphore, #tpu.memory_space<semaphore_mem>>)
      %dma_wait3A_164 = arith.constant 0 : i32
      %dma_wait3A_165 = tpu.memref_slice %arg7[%mul3A_152, %dma_wait3A_164] : memref<10112x128xf32, #tpu.memory_space<vmem_shared>> -> memref<632x128xf32, #tpu.memory_space<vmem_shared>>
      tpu.wait_dma2 semaphore(%run_scoped3A : memref<!tpu.dma_semaphore, #tpu.memory_space<semaphore_mem>>) src(%arg5 : memref<632x128xf32, #tpu.memory_space<hbm>>) dst(%dma_wait3A_165 : memref<632x128xf32, #tpu.memory_space<vmem_shared>>)
      tpu.yield
    }) : () -> ()
    %barrier3A = arith.constant 0 : index
    tpu.barrier barrier_id(%barrier3A)
    %scan3A = arith.constant 0 : i32
    %scan3A_153 = arith.constant 16 : i32
    %scan3A_154 = arith.addi %scan3A, %scan3A_153 : i32
    %scan3A_155 = arith.constant 1 : i32
    scf.for %scan3A_162 = %scan3A to %scan3A_154 step %scan3A_155  : i32 {
      %mul3A_163 = arith.constant 8 : i32
      %mul3A_164 = arith.muli %scan3A_162, %mul3A_163 : i32
      %add3A_165 = arith.constant 0 : i32
      %add3A_166 = arith.addi %add3A_165, %mul3A_164 : i32
      %add3A_167 = arith.constant 0 : i32
      %add3A_168 = arith.addi %add3A_166, %add3A_167 : i32
      %lt3A = arith.constant 125 : i32
      %lt3A_169 = arith.cmpi slt, %add3A_168, %lt3A : i32
      %convert_element_type3A = arith.extui %lt3A_169 : i1 to i32
      %cond3A = arith.constant 0 : i32
      %cond3A_170 = arith.cmpi ne, %convert_element_type3A, %cond3A : i32
      scf.if %cond3A_170 {
        %dma_wait3A_332 = arith.constant 0 : i32
        %dma_wait3A_333 = arith.constant 0 : i32
        %dma_wait3A_334 = tpu.memref_slice %arg2[%dma_wait3A_332, %dma_wait3A_333] : memref<10000x128xf32, #tpu.memory_space<hbm>> -> memref<10000x128xf32, #tpu.memory_space<hbm>>
        tpu.wait_indirect_dma semaphore(%arg12 : memref<!tpu.dma_semaphore, #tpu.memory_space<semaphore_mem>>) src(%dma_wait3A_334 : memref<10000x128xf32, #tpu.memory_space<hbm>>) dst(%arg8 : memref<80x128xf32, #tpu.memory_space<vmem>>)
        %dma_wait3A_335 = arith.constant 0 : i32
        %dma_wait3A_336 = arith.constant 0 : i32
        %dma_wait3A_337 = tpu.memref_slice %arg4[%add3A, %dma_wait3A_335, %dma_wait3A_336] : memref<32x125x80xi32, #tpu.memory_space<hbm>> -> memref<1x1x80xi32, #tpu.memory_space<hbm>>
        %dma_wait3A_338 = tpu.memref_squeeze %dma_wait3A_337 : memref<1x1x80xi32, #tpu.memory_space<hbm>> -> memref<80xi32, #tpu.memory_space<hbm>>
        %dma_wait3A_339 = arith.constant 0 : i32
        %dma_wait3A_340 = tpu.memref_slice %arg4[%add3A, %dma_wait3A_335, %dma_wait3A_339] : memref<32x125x80xi32, #tpu.memory_space<hbm>> -> memref<1x1x80xi32, #tpu.memory_space<hbm>>
        %dma_wait3A_341 = tpu.memref_squeeze %dma_wait3A_340 : memref<1x1x80xi32, #tpu.memory_space<hbm>> -> memref<80xi32, #tpu.memory_space<hbm>>
        tpu.wait_dma2 semaphore(%arg40 : memref<!tpu.dma_semaphore, #tpu.memory_space<semaphore_mem>>) src(%dma_wait3A_341 : memref<80xi32, #tpu.memory_space<hbm>>) dst(%arg24 : memref<80xi32, #tpu.memory_space<vmem>>)
        "tpu.region"() ({
          %run_scoped3A = tpu.sem_alloc : memref<!tpu.dma_semaphore, #tpu.memory_space<semaphore_mem>>
          %dma_start3A_342 = arith.constant 0 : i32
          %dma_start3A_343 = arith.constant 0 : i32
          %dma_start3A_344 = tpu.memref_slice %arg7[%dma_start3A_342, %dma_start3A_343] : memref<10112x128xf32, #tpu.memory_space<vmem_shared>> -> memref<10112x128xf32, #tpu.memory_space<vmem_shared>>
          tpu.enqueue_indirect_dma source(%arg8 : memref<80x128xf32, #tpu.memory_space<vmem>>) target(%dma_start3A_344 : memref<10112x128xf32, #tpu.memory_space<vmem_shared>>) offsets(%arg24 : memref<80xi32, #tpu.memory_space<vmem>>) semaphore(%run_scoped3A : memref<!tpu.dma_semaphore, #tpu.memory_space<semaphore_mem>>) {add = true}
          %dma_wait3A_345 = arith.constant 0 : i32
          %dma_wait3A_346 = arith.constant 0 : i32
          %dma_wait3A_347 = tpu.memref_slice %arg7[%dma_wait3A_345, %dma_wait3A_346] : memref<10112x128xf32, #tpu.memory_space<vmem_shared>> -> memref<10112x128xf32, #tpu.memory_space<vmem_shared>>
          tpu.wait_indirect_dma semaphore(%run_scoped3A : memref<!tpu.dma_semaphore, #tpu.memory_space<semaphore_mem>>) src(%arg8 : memref<80x128xf32, #tpu.memory_space<vmem>>) dst(%dma_wait3A_347 : memref<10112x128xf32, #tpu.memory_space<vmem_shared>>)
          tpu.yield
        }) : () -> ()
      } else {
      }
      %add3A_171 = arith.constant 8 : i32
      %add3A_172 = arith.addi %add3A_168, %add3A_171 : i32
      %lt3A_173 = arith.constant 125 : i32
      %lt3A_174 = arith.cmpi slt, %add3A_172, %lt3A_173 : i32
      %convert_element_type3A_175 = arith.extui %lt3A_174 : i1 to i32
      %cond3A_176 = arith.constant 0 : i32
      %cond3A_177 = arith.cmpi ne, %convert_element_type3A_175, %cond3A_176 : i32
      scf.if %cond3A_177 {
        %add3A_332 = arith.constant 8 : i32
        %add3A_333 = arith.addi %add3A_168, %add3A_332 : i32
        %dma_start3A_334 = arith.constant 0 : i32
        %dma_start3A_335 = tpu.memref_slice %arg3[%add3A, %add3A_333, %dma_start3A_334] : memref<32x125x80xi32, #tpu.memory_space<hbm>> -> memref<1x1x80xi32, #tpu.memory_space<hbm>>
        %dma_start3A_336 = tpu.memref_squeeze %dma_start3A_335 : memref<1x1x80xi32, #tpu.memory_space<hbm>> -> memref<80xi32, #tpu.memory_space<hbm>>
        %dma_start3A_337 = arith.constant 0 : i32
        %dma_start3A_338 = tpu.memref_slice %arg3[%add3A, %add3A_333, %dma_start3A_337] : memref<32x125x80xi32, #tpu.memory_space<hbm>> -> memref<1x1x80xi32, #tpu.memory_space<hbm>>
        %dma_start3A_339 = tpu.memref_squeeze %dma_start3A_338 : memref<1x1x80xi32, #tpu.memory_space<hbm>> -> memref<80xi32, #tpu.memory_space<hbm>>
        tpu.enqueue_dma source(%dma_start3A_339 : memref<80xi32, #tpu.memory_space<hbm>>) target(%arg16 : memref<80xi32, #tpu.memory_space<vmem>>) target_semaphore(%arg32 : memref<!tpu.dma_semaphore, #tpu.memory_space<semaphore_mem>>)
        %dma_start3A_340 = arith.constant 0 : i32
        %dma_start3A_341 = tpu.memref_slice %arg4[%add3A, %add3A_333, %dma_start3A_340] : memref<32x125x80xi32, #tpu.memory_space<hbm>> -> memref<1x1x80xi32, #tpu.memory_space<hbm>>
        %dma_start3A_342 = tpu.memref_squeeze %dma_start3A_341 : memref<1x1x80xi32, #tpu.memory_space<hbm>> -> memref<80xi32, #tpu.memory_space<hbm>>
        %dma_start3A_343 = arith.constant 0 : i32
        %dma_start3A_344 = tpu.memref_slice %arg4[%add3A, %add3A_333, %dma_start3A_343] : memref<32x125x80xi32, #tpu.memory_space<hbm>> -> memref<1x1x80xi32, #tpu.memory_space<hbm>>
        %dma_start3A_345 = tpu.memref_squeeze %dma_start3A_344 : memref<1x1x80xi32, #tpu.memory_space<hbm>> -> memref<80xi32, #tpu.memory_space<hbm>>
        tpu.enqueue_dma source(%dma_start3A_345 : memref<80xi32, #tpu.memory_space<hbm>>) target(%arg24 : memref<80xi32, #tpu.memory_space<vmem>>) target_semaphore(%arg40 : memref<!tpu.dma_semaphore, #tpu.memory_space<semaphore_mem>>)
      } else {
      }
      %add3A_178 = arith.constant 4 : i32
      %add3A_179 = arith.addi %add3A_168, %add3A_178 : i32
      %lt3A_180 = arith.constant 125 : i32
      %lt3A_181 = arith.cmpi slt, %add3A_179, %lt3A_180 : i32
      %convert_element_type3A_182 = arith.extui %lt3A_181 : i1 to i32
      %cond3A_183 = arith.constant 0 : i32
      %cond3A_184 = arith.cmpi ne, %convert_element_type3A_182, %cond3A_183 : i32
      scf.if %cond3A_184 {
        %dma_wait3A_332 = arith.constant 0 : i32
        %dma_wait3A_333 = arith.constant 0 : i32
        %dma_wait3A_334 = tpu.memref_slice %arg3[%add3A, %dma_wait3A_332, %dma_wait3A_333] : memref<32x125x80xi32, #tpu.memory_space<hbm>> -> memref<1x1x80xi32, #tpu.memory_space<hbm>>
        %dma_wait3A_335 = tpu.memref_squeeze %dma_wait3A_334 : memref<1x1x80xi32, #tpu.memory_space<hbm>> -> memref<80xi32, #tpu.memory_space<hbm>>
        %dma_wait3A_336 = arith.constant 0 : i32
        %dma_wait3A_337 = tpu.memref_slice %arg3[%add3A, %dma_wait3A_332, %dma_wait3A_336] : memref<32x125x80xi32, #tpu.memory_space<hbm>> -> memref<1x1x80xi32, #tpu.memory_space<hbm>>
        %dma_wait3A_338 = tpu.memref_squeeze %dma_wait3A_337 : memref<1x1x80xi32, #tpu.memory_space<hbm>> -> memref<80xi32, #tpu.memory_space<hbm>>
        tpu.wait_dma2 semaphore(%arg33 : memref<!tpu.dma_semaphore, #tpu.memory_space<semaphore_mem>>) src(%dma_wait3A_338 : memref<80xi32, #tpu.memory_space<hbm>>) dst(%arg17 : memref<80xi32, #tpu.memory_space<vmem>>)
        %dma_start3A_339 = arith.constant 0 : i32
        %dma_start3A_340 = arith.constant 0 : i32
        %dma_start3A_341 = tpu.memref_slice %arg2[%dma_start3A_339, %dma_start3A_340] : memref<10000x128xf32, #tpu.memory_space<hbm>> -> memref<10000x128xf32, #tpu.memory_space<hbm>>
        tpu.enqueue_indirect_dma source(%dma_start3A_341 : memref<10000x128xf32, #tpu.memory_space<hbm>>) target(%arg8 : memref<80x128xf32, #tpu.memory_space<vmem>>) offsets(%arg17 : memref<80xi32, #tpu.memory_space<vmem>>) semaphore(%arg12 : memref<!tpu.dma_semaphore, #tpu.memory_space<semaphore_mem>>)
      } else {
      }
      %add3A_185 = arith.constant 1 : i32
      %add3A_186 = arith.addi %add3A_166, %add3A_185 : i32
      %lt3A_187 = arith.constant 125 : i32
      %lt3A_188 = arith.cmpi slt, %add3A_186, %lt3A_187 : i32
      %convert_element_type3A_189 = arith.extui %lt3A_188 : i1 to i32
      %cond3A_190 = arith.constant 0 : i32
      %cond3A_191 = arith.cmpi ne, %convert_element_type3A_189, %cond3A_190 : i32
      scf.if %cond3A_191 {
        %dma_wait3A_332 = arith.constant 0 : i32
        %dma_wait3A_333 = arith.constant 0 : i32
        %dma_wait3A_334 = tpu.memref_slice %arg2[%dma_wait3A_332, %dma_wait3A_333] : memref<10000x128xf32, #tpu.memory_space<hbm>> -> memref<10000x128xf32, #tpu.memory_space<hbm>>
        tpu.wait_indirect_dma semaphore(%arg13 : memref<!tpu.dma_semaphore, #tpu.memory_space<semaphore_mem>>) src(%dma_wait3A_334 : memref<10000x128xf32, #tpu.memory_space<hbm>>) dst(%arg9 : memref<80x128xf32, #tpu.memory_space<vmem>>)
        %dma_wait3A_335 = arith.constant 0 : i32
        %dma_wait3A_336 = arith.constant 0 : i32
        %dma_wait3A_337 = tpu.memref_slice %arg4[%add3A, %dma_wait3A_335, %dma_wait3A_336] : memref<32x125x80xi32, #tpu.memory_space<hbm>> -> memref<1x1x80xi32, #tpu.memory_space<hbm>>
        %dma_wait3A_338 = tpu.memref_squeeze %dma_wait3A_337 : memref<1x1x80xi32, #tpu.memory_space<hbm>> -> memref<80xi32, #tpu.memory_space<hbm>>
        %dma_wait3A_339 = arith.constant 0 : i32
        %dma_wait3A_340 = tpu.memref_slice %arg4[%add3A, %dma_wait3A_335, %dma_wait3A_339] : memref<32x125x80xi32, #tpu.memory_space<hbm>> -> memref<1x1x80xi32, #tpu.memory_space<hbm>>
        %dma_wait3A_341 = tpu.memref_squeeze %dma_wait3A_340 : memref<1x1x80xi32, #tpu.memory_space<hbm>> -> memref<80xi32, #tpu.memory_space<hbm>>
        tpu.wait_dma2 semaphore(%arg42 : memref<!tpu.dma_semaphore, #tpu.memory_space<semaphore_mem>>) src(%dma_wait3A_341 : memref<80xi32, #tpu.memory_space<hbm>>) dst(%arg26 : memref<80xi32, #tpu.memory_space<vmem>>)
        "tpu.region"() ({
          %run_scoped3A = tpu.sem_alloc : memref<!tpu.dma_semaphore, #tpu.memory_space<semaphore_mem>>
          %dma_start3A_342 = arith.constant 0 : i32
          %dma_start3A_343 = arith.constant 0 : i32
          %dma_start3A_344 = tpu.memref_slice %arg7[%dma_start3A_342, %dma_start3A_343] : memref<10112x128xf32, #tpu.memory_space<vmem_shared>> -> memref<10112x128xf32, #tpu.memory_space<vmem_shared>>
          tpu.enqueue_indirect_dma source(%arg9 : memref<80x128xf32, #tpu.memory_space<vmem>>) target(%dma_start3A_344 : memref<10112x128xf32, #tpu.memory_space<vmem_shared>>) offsets(%arg26 : memref<80xi32, #tpu.memory_space<vmem>>) semaphore(%run_scoped3A : memref<!tpu.dma_semaphore, #tpu.memory_space<semaphore_mem>>) {add = true}
          %dma_wait3A_345 = arith.constant 0 : i32
          %dma_wait3A_346 = arith.constant 0 : i32
          %dma_wait3A_347 = tpu.memref_slice %arg7[%dma_wait3A_345, %dma_wait3A_346] : memref<10112x128xf32, #tpu.memory_space<vmem_shared>> -> memref<10112x128xf32, #tpu.memory_space<vmem_shared>>
          tpu.wait_indirect_dma semaphore(%run_scoped3A : memref<!tpu.dma_semaphore, #tpu.memory_space<semaphore_mem>>) src(%arg9 : memref<80x128xf32, #tpu.memory_space<vmem>>) dst(%dma_wait3A_347 : memref<10112x128xf32, #tpu.memory_space<vmem_shared>>)
          tpu.yield
        }) : () -> ()
      } else {
      }
      %add3A_192 = arith.constant 8 : i32
      %add3A_193 = arith.addi %add3A_186, %add3A_192 : i32
      %lt3A_194 = arith.constant 125 : i32
      %lt3A_195 = arith.cmpi slt, %add3A_193, %lt3A_194 : i32
      %convert_element_type3A_196 = arith.extui %lt3A_195 : i1 to i32
      %cond3A_197 = arith.constant 0 : i32
      %cond3A_198 = arith.cmpi ne, %convert_element_type3A_196, %cond3A_197 : i32
      scf.if %cond3A_198 {
        %add3A_332 = arith.constant 8 : i32
        %add3A_333 = arith.addi %add3A_186, %add3A_332 : i32
        %dma_start3A_334 = arith.constant 0 : i32
        %dma_start3A_335 = tpu.memref_slice %arg3[%add3A, %add3A_333, %dma_start3A_334] : memref<32x125x80xi32, #tpu.memory_space<hbm>> -> memref<1x1x80xi32, #tpu.memory_space<hbm>>
        %dma_start3A_336 = tpu.memref_squeeze %dma_start3A_335 : memref<1x1x80xi32, #tpu.memory_space<hbm>> -> memref<80xi32, #tpu.memory_space<hbm>>
        %dma_start3A_337 = arith.constant 0 : i32
        %dma_start3A_338 = tpu.memref_slice %arg3[%add3A, %add3A_333, %dma_start3A_337] : memref<32x125x80xi32, #tpu.memory_space<hbm>> -> memref<1x1x80xi32, #tpu.memory_space<hbm>>
        %dma_start3A_339 = tpu.memref_squeeze %dma_start3A_338 : memref<1x1x80xi32, #tpu.memory_space<hbm>> -> memref<80xi32, #tpu.memory_space<hbm>>
        tpu.enqueue_dma source(%dma_start3A_339 : memref<80xi32, #tpu.memory_space<hbm>>) target(%arg18 : memref<80xi32, #tpu.memory_space<vmem>>) target_semaphore(%arg34 : memref<!tpu.dma_semaphore, #tpu.memory_space<semaphore_mem>>)
        %dma_start3A_340 = arith.constant 0 : i32
        %dma_start3A_341 = tpu.memref_slice %arg4[%add3A, %add3A_333, %dma_start3A_340] : memref<32x125x80xi32, #tpu.memory_space<hbm>> -> memref<1x1x80xi32, #tpu.memory_space<hbm>>
        %dma_start3A_342 = tpu.memref_squeeze %dma_start3A_341 : memref<1x1x80xi32, #tpu.memory_space<hbm>> -> memref<80xi32, #tpu.memory_space<hbm>>
        %dma_start3A_343 = arith.constant 0 : i32
        %dma_start3A_344 = tpu.memref_slice %arg4[%add3A, %add3A_333, %dma_start3A_343] : memref<32x125x80xi32, #tpu.memory_space<hbm>> -> memref<1x1x80xi32, #tpu.memory_space<hbm>>
        %dma_start3A_345 = tpu.memref_squeeze %dma_start3A_344 : memref<1x1x80xi32, #tpu.memory_space<hbm>> -> memref<80xi32, #tpu.memory_space<hbm>>
        tpu.enqueue_dma source(%dma_start3A_345 : memref<80xi32, #tpu.memory_space<hbm>>) target(%arg26 : memref<80xi32, #tpu.memory_space<vmem>>) target_semaphore(%arg42 : memref<!tpu.dma_semaphore, #tpu.memory_space<semaphore_mem>>)
      } else {
      }
      %add3A_199 = arith.constant 4 : i32
      %add3A_200 = arith.addi %add3A_186, %add3A_199 : i32
      %lt3A_201 = arith.constant 125 : i32
      %lt3A_202 = arith.cmpi slt, %add3A_200, %lt3A_201 : i32
      %convert_element_type3A_203 = arith.extui %lt3A_202 : i1 to i32
      %cond3A_204 = arith.constant 0 : i32
      %cond3A_205 = arith.cmpi ne, %convert_element_type3A_203, %cond3A_204 : i32
      scf.if %cond3A_205 {
        %dma_wait3A_332 = arith.constant 0 : i32
        %dma_wait3A_333 = arith.constant 0 : i32
        %dma_wait3A_334 = tpu.memref_slice %arg3[%add3A, %dma_wait3A_332, %dma_wait3A_333] : memref<32x125x80xi32, #tpu.memory_space<hbm>> -> memref<1x1x80xi32, #tpu.memory_space<hbm>>
        %dma_wait3A_335 = tpu.memref_squeeze %dma_wait3A_334 : memref<1x1x80xi32, #tpu.memory_space<hbm>> -> memref<80xi32, #tpu.memory_space<hbm>>
        %dma_wait3A_336 = arith.constant 0 : i32
        %dma_wait3A_337 = tpu.memref_slice %arg3[%add3A, %dma_wait3A_332, %dma_wait3A_336] : memref<32x125x80xi32, #tpu.memory_space<hbm>> -> memref<1x1x80xi32, #tpu.memory_space<hbm>>
        %dma_wait3A_338 = tpu.memref_squeeze %dma_wait3A_337 : memref<1x1x80xi32, #tpu.memory_space<hbm>> -> memref<80xi32, #tpu.memory_space<hbm>>
        tpu.wait_dma2 semaphore(%arg35 : memref<!tpu.dma_semaphore, #tpu.memory_space<semaphore_mem>>) src(%dma_wait3A_338 : memref<80xi32, #tpu.memory_space<hbm>>) dst(%arg19 : memref<80xi32, #tpu.memory_space<vmem>>)
        %dma_start3A_339 = arith.constant 0 : i32
        %dma_start3A_340 = arith.constant 0 : i32
        %dma_start3A_341 = tpu.memref_slice %arg2[%dma_start3A_339, %dma_start3A_340] : memref<10000x128xf32, #tpu.memory_space<hbm>> -> memref<10000x128xf32, #tpu.memory_space<hbm>>
        tpu.enqueue_indirect_dma source(%dma_start3A_341 : memref<10000x128xf32, #tpu.memory_space<hbm>>) target(%arg9 : memref<80x128xf32, #tpu.memory_space<vmem>>) offsets(%arg19 : memref<80xi32, #tpu.memory_space<vmem>>) semaphore(%arg13 : memref<!tpu.dma_semaphore, #tpu.memory_space<semaphore_mem>>)
      } else {
      }
      %add3A_206 = arith.constant 2 : i32
      %add3A_207 = arith.addi %add3A_166, %add3A_206 : i32
      %lt3A_208 = arith.constant 125 : i32
      %lt3A_209 = arith.cmpi slt, %add3A_207, %lt3A_208 : i32
      %convert_element_type3A_210 = arith.extui %lt3A_209 : i1 to i32
      %cond3A_211 = arith.constant 0 : i32
      %cond3A_212 = arith.cmpi ne, %convert_element_type3A_210, %cond3A_211 : i32
      scf.if %cond3A_212 {
        %dma_wait3A_332 = arith.constant 0 : i32
        %dma_wait3A_333 = arith.constant 0 : i32
        %dma_wait3A_334 = tpu.memref_slice %arg2[%dma_wait3A_332, %dma_wait3A_333] : memref<10000x128xf32, #tpu.memory_space<hbm>> -> memref<10000x128xf32, #tpu.memory_space<hbm>>
        tpu.wait_indirect_dma semaphore(%arg14 : memref<!tpu.dma_semaphore, #tpu.memory_space<semaphore_mem>>) src(%dma_wait3A_334 : memref<10000x128xf32, #tpu.memory_space<hbm>>) dst(%arg10 : memref<80x128xf32, #tpu.memory_space<vmem>>)
        %dma_wait3A_335 = arith.constant 0 : i32
        %dma_wait3A_336 = arith.constant 0 : i32
        %dma_wait3A_337 = tpu.memref_slice %arg4[%add3A, %dma_wait3A_335, %dma_wait3A_336] : memref<32x125x80xi32, #tpu.memory_space<hbm>> -> memref<1x1x80xi32, #tpu.memory_space<hbm>>
        %dma_wait3A_338 = tpu.memref_squeeze %dma_wait3A_337 : memref<1x1x80xi32, #tpu.memory_space<hbm>> -> memref<80xi32, #tpu.memory_space<hbm>>
        %dma_wait3A_339 = arith.constant 0 : i32
        %dma_wait3A_340 = tpu.memref_slice %arg4[%add3A, %dma_wait3A_335, %dma_wait3A_339] : memref<32x125x80xi32, #tpu.memory_space<hbm>> -> memref<1x1x80xi32, #tpu.memory_space<hbm>>
        %dma_wait3A_341 = tpu.memref_squeeze %dma_wait3A_340 : memref<1x1x80xi32, #tpu.memory_space<hbm>> -> memref<80xi32, #tpu.memory_space<hbm>>
        tpu.wait_dma2 semaphore(%arg44 : memref<!tpu.dma_semaphore, #tpu.memory_space<semaphore_mem>>) src(%dma_wait3A_341 : memref<80xi32, #tpu.memory_space<hbm>>) dst(%arg28 : memref<80xi32, #tpu.memory_space<vmem>>)
        "tpu.region"() ({
          %run_scoped3A = tpu.sem_alloc : memref<!tpu.dma_semaphore, #tpu.memory_space<semaphore_mem>>
          %dma_start3A_342 = arith.constant 0 : i32
          %dma_start3A_343 = arith.constant 0 : i32
          %dma_start3A_344 = tpu.memref_slice %arg7[%dma_start3A_342, %dma_start3A_343] : memref<10112x128xf32, #tpu.memory_space<vmem_shared>> -> memref<10112x128xf32, #tpu.memory_space<vmem_shared>>
          tpu.enqueue_indirect_dma source(%arg10 : memref<80x128xf32, #tpu.memory_space<vmem>>) target(%dma_start3A_344 : memref<10112x128xf32, #tpu.memory_space<vmem_shared>>) offsets(%arg28 : memref<80xi32, #tpu.memory_space<vmem>>) semaphore(%run_scoped3A : memref<!tpu.dma_semaphore, #tpu.memory_space<semaphore_mem>>) {add = true}
          %dma_wait3A_345 = arith.constant 0 : i32
          %dma_wait3A_346 = arith.constant 0 : i32
          %dma_wait3A_347 = tpu.memref_slice %arg7[%dma_wait3A_345, %dma_wait3A_346] : memref<10112x128xf32, #tpu.memory_space<vmem_shared>> -> memref<10112x128xf32, #tpu.memory_space<vmem_shared>>
          tpu.wait_indirect_dma semaphore(%run_scoped3A : memref<!tpu.dma_semaphore, #tpu.memory_space<semaphore_mem>>) src(%arg10 : memref<80x128xf32, #tpu.memory_space<vmem>>) dst(%dma_wait3A_347 : memref<10112x128xf32, #tpu.memory_space<vmem_shared>>)
          tpu.yield
        }) : () -> ()
      } else {
      }
      %add3A_213 = arith.constant 8 : i32
      %add3A_214 = arith.addi %add3A_207, %add3A_213 : i32
      %lt3A_215 = arith.constant 125 : i32
      %lt3A_216 = arith.cmpi slt, %add3A_214, %lt3A_215 : i32
      %convert_element_type3A_217 = arith.extui %lt3A_216 : i1 to i32
      %cond3A_218 = arith.constant 0 : i32
      %cond3A_219 = arith.cmpi ne, %convert_element_type3A_217, %cond3A_218 : i32
      scf.if %cond3A_219 {
        %add3A_332 = arith.constant 8 : i32
        %add3A_333 = arith.addi %add3A_207, %add3A_332 : i32
        %dma_start3A_334 = arith.constant 0 : i32
        %dma_start3A_335 = tpu.memref_slice %arg3[%add3A, %add3A_333, %dma_start3A_334] : memref<32x125x80xi32, #tpu.memory_space<hbm>> -> memref<1x1x80xi32, #tpu.memory_space<hbm>>
        %dma_start3A_336 = tpu.memref_squeeze %dma_start3A_335 : memref<1x1x80xi32, #tpu.memory_space<hbm>> -> memref<80xi32, #tpu.memory_space<hbm>>
        %dma_start3A_337 = arith.constant 0 : i32
        %dma_start3A_338 = tpu.memref_slice %arg3[%add3A, %add3A_333, %dma_start3A_337] : memref<32x125x80xi32, #tpu.memory_space<hbm>> -> memref<1x1x80xi32, #tpu.memory_space<hbm>>
        %dma_start3A_339 = tpu.memref_squeeze %dma_start3A_338 : memref<1x1x80xi32, #tpu.memory_space<hbm>> -> memref<80xi32, #tpu.memory_space<hbm>>
        tpu.enqueue_dma source(%dma_start3A_339 : memref<80xi32, #tpu.memory_space<hbm>>) target(%arg20 : memref<80xi32, #tpu.memory_space<vmem>>) target_semaphore(%arg36 : memref<!tpu.dma_semaphore, #tpu.memory_space<semaphore_mem>>)
        %dma_start3A_340 = arith.constant 0 : i32
        %dma_start3A_341 = tpu.memref_slice %arg4[%add3A, %add3A_333, %dma_start3A_340] : memref<32x125x80xi32, #tpu.memory_space<hbm>> -> memref<1x1x80xi32, #tpu.memory_space<hbm>>
        %dma_start3A_342 = tpu.memref_squeeze %dma_start3A_341 : memref<1x1x80xi32, #tpu.memory_space<hbm>> -> memref<80xi32, #tpu.memory_space<hbm>>
        %dma_start3A_343 = arith.constant 0 : i32
        %dma_start3A_344 = tpu.memref_slice %arg4[%add3A, %add3A_333, %dma_start3A_343] : memref<32x125x80xi32, #tpu.memory_space<hbm>> -> memref<1x1x80xi32, #tpu.memory_space<hbm>>
        %dma_start3A_345 = tpu.memref_squeeze %dma_start3A_344 : memref<1x1x80xi32, #tpu.memory_space<hbm>> -> memref<80xi32, #tpu.memory_space<hbm>>
        tpu.enqueue_dma source(%dma_start3A_345 : memref<80xi32, #tpu.memory_space<hbm>>) target(%arg28 : memref<80xi32, #tpu.memory_space<vmem>>) target_semaphore(%arg44 : memref<!tpu.dma_semaphore, #tpu.memory_space<semaphore_mem>>)
      } else {
      }
      %add3A_220 = arith.constant 4 : i32
      %add3A_221 = arith.addi %add3A_207, %add3A_220 : i32
      %lt3A_222 = arith.constant 125 : i32
      %lt3A_223 = arith.cmpi slt, %add3A_221, %lt3A_222 : i32
      %convert_element_type3A_224 = arith.extui %lt3A_223 : i1 to i32
      %cond3A_225 = arith.constant 0 : i32
      %cond3A_226 = arith.cmpi ne, %convert_element_type3A_224, %cond3A_225 : i32
      scf.if %cond3A_226 {
        %dma_wait3A_332 = arith.constant 0 : i32
        %dma_wait3A_333 = arith.constant 0 : i32
        %dma_wait3A_334 = tpu.memref_slice %arg3[%add3A, %dma_wait3A_332, %dma_wait3A_333] : memref<32x125x80xi32, #tpu.memory_space<hbm>> -> memref<1x1x80xi32, #tpu.memory_space<hbm>>
        %dma_wait3A_335 = tpu.memref_squeeze %dma_wait3A_334 : memref<1x1x80xi32, #tpu.memory_space<hbm>> -> memref<80xi32, #tpu.memory_space<hbm>>
        %dma_wait3A_336 = arith.constant 0 : i32
        %dma_wait3A_337 = tpu.memref_slice %arg3[%add3A, %dma_wait3A_332, %dma_wait3A_336] : memref<32x125x80xi32, #tpu.memory_space<hbm>> -> memref<1x1x80xi32, #tpu.memory_space<hbm>>
        %dma_wait3A_338 = tpu.memref_squeeze %dma_wait3A_337 : memref<1x1x80xi32, #tpu.memory_space<hbm>> -> memref<80xi32, #tpu.memory_space<hbm>>
        tpu.wait_dma2 semaphore(%arg37 : memref<!tpu.dma_semaphore, #tpu.memory_space<semaphore_mem>>) src(%dma_wait3A_338 : memref<80xi32, #tpu.memory_space<hbm>>) dst(%arg21 : memref<80xi32, #tpu.memory_space<vmem>>)
        %dma_start3A_339 = arith.constant 0 : i32
        %dma_start3A_340 = arith.constant 0 : i32
        %dma_start3A_341 = tpu.memref_slice %arg2[%dma_start3A_339, %dma_start3A_340] : memref<10000x128xf32, #tpu.memory_space<hbm>> -> memref<10000x128xf32, #tpu.memory_space<hbm>>
        tpu.enqueue_indirect_dma source(%dma_start3A_341 : memref<10000x128xf32, #tpu.memory_space<hbm>>) target(%arg10 : memref<80x128xf32, #tpu.memory_space<vmem>>) offsets(%arg21 : memref<80xi32, #tpu.memory_space<vmem>>) semaphore(%arg14 : memref<!tpu.dma_semaphore, #tpu.memory_space<semaphore_mem>>)
      } else {
      }
      %add3A_227 = arith.constant 3 : i32
      %add3A_228 = arith.addi %add3A_166, %add3A_227 : i32
      %lt3A_229 = arith.constant 125 : i32
      %lt3A_230 = arith.cmpi slt, %add3A_228, %lt3A_229 : i32
      %convert_element_type3A_231 = arith.extui %lt3A_230 : i1 to i32
      %cond3A_232 = arith.constant 0 : i32
      %cond3A_233 = arith.cmpi ne, %convert_element_type3A_231, %cond3A_232 : i32
      scf.if %cond3A_233 {
        %dma_wait3A_332 = arith.constant 0 : i32
        %dma_wait3A_333 = arith.constant 0 : i32
        %dma_wait3A_334 = tpu.memref_slice %arg2[%dma_wait3A_332, %dma_wait3A_333] : memref<10000x128xf32, #tpu.memory_space<hbm>> -> memref<10000x128xf32, #tpu.memory_space<hbm>>
        tpu.wait_indirect_dma semaphore(%arg15 : memref<!tpu.dma_semaphore, #tpu.memory_space<semaphore_mem>>) src(%dma_wait3A_334 : memref<10000x128xf32, #tpu.memory_space<hbm>>) dst(%arg11 : memref<80x128xf32, #tpu.memory_space<vmem>>)
        %dma_wait3A_335 = arith.constant 0 : i32
        %dma_wait3A_336 = arith.constant 0 : i32
        %dma_wait3A_337 = tpu.memref_slice %arg4[%add3A, %dma_wait3A_335, %dma_wait3A_336] : memref<32x125x80xi32, #tpu.memory_space<hbm>> -> memref<1x1x80xi32, #tpu.memory_space<hbm>>
        %dma_wait3A_338 = tpu.memref_squeeze %dma_wait3A_337 : memref<1x1x80xi32, #tpu.memory_space<hbm>> -> memref<80xi32, #tpu.memory_space<hbm>>
        %dma_wait3A_339 = arith.constant 0 : i32
        %dma_wait3A_340 = tpu.memref_slice %arg4[%add3A, %dma_wait3A_335, %dma_wait3A_339] : memref<32x125x80xi32, #tpu.memory_space<hbm>> -> memref<1x1x80xi32, #tpu.memory_space<hbm>>
        %dma_wait3A_341 = tpu.memref_squeeze %dma_wait3A_340 : memref<1x1x80xi32, #tpu.memory_space<hbm>> -> memref<80xi32, #tpu.memory_space<hbm>>
        tpu.wait_dma2 semaphore(%arg46 : memref<!tpu.dma_semaphore, #tpu.memory_space<semaphore_mem>>) src(%dma_wait3A_341 : memref<80xi32, #tpu.memory_space<hbm>>) dst(%arg30 : memref<80xi32, #tpu.memory_space<vmem>>)
        "tpu.region"() ({
          %run_scoped3A = tpu.sem_alloc : memref<!tpu.dma_semaphore, #tpu.memory_space<semaphore_mem>>
          %dma_start3A_342 = arith.constant 0 : i32
          %dma_start3A_343 = arith.constant 0 : i32
          %dma_start3A_344 = tpu.memref_slice %arg7[%dma_start3A_342, %dma_start3A_343] : memref<10112x128xf32, #tpu.memory_space<vmem_shared>> -> memref<10112x128xf32, #tpu.memory_space<vmem_shared>>
          tpu.enqueue_indirect_dma source(%arg11 : memref<80x128xf32, #tpu.memory_space<vmem>>) target(%dma_start3A_344 : memref<10112x128xf32, #tpu.memory_space<vmem_shared>>) offsets(%arg30 : memref<80xi32, #tpu.memory_space<vmem>>) semaphore(%run_scoped3A : memref<!tpu.dma_semaphore, #tpu.memory_space<semaphore_mem>>) {add = true}
          %dma_wait3A_345 = arith.constant 0 : i32
          %dma_wait3A_346 = arith.constant 0 : i32
          %dma_wait3A_347 = tpu.memref_slice %arg7[%dma_wait3A_345, %dma_wait3A_346] : memref<10112x128xf32, #tpu.memory_space<vmem_shared>> -> memref<10112x128xf32, #tpu.memory_space<vmem_shared>>
          tpu.wait_indirect_dma semaphore(%run_scoped3A : memref<!tpu.dma_semaphore, #tpu.memory_space<semaphore_mem>>) src(%arg11 : memref<80x128xf32, #tpu.memory_space<vmem>>) dst(%dma_wait3A_347 : memref<10112x128xf32, #tpu.memory_space<vmem_shared>>)
          tpu.yield
        }) : () -> ()
      } else {
      }
      %add3A_234 = arith.constant 8 : i32
      %add3A_235 = arith.addi %add3A_228, %add3A_234 : i32
      %lt3A_236 = arith.constant 125 : i32
      %lt3A_237 = arith.cmpi slt, %add3A_235, %lt3A_236 : i32
      %convert_element_type3A_238 = arith.extui %lt3A_237 : i1 to i32
      %cond3A_239 = arith.constant 0 : i32
      %cond3A_240 = arith.cmpi ne, %convert_element_type3A_238, %cond3A_239 : i32
      scf.if %cond3A_240 {
        %add3A_332 = arith.constant 8 : i32
        %add3A_333 = arith.addi %add3A_228, %add3A_332 : i32
        %dma_start3A_334 = arith.constant 0 : i32
        %dma_start3A_335 = tpu.memref_slice %arg3[%add3A, %add3A_333, %dma_start3A_334] : memref<32x125x80xi32, #tpu.memory_space<hbm>> -> memref<1x1x80xi32, #tpu.memory_space<hbm>>
        %dma_start3A_336 = tpu.memref_squeeze %dma_start3A_335 : memref<1x1x80xi32, #tpu.memory_space<hbm>> -> memref<80xi32, #tpu.memory_space<hbm>>
        %dma_start3A_337 = arith.constant 0 : i32
        %dma_start3A_338 = tpu.memref_slice %arg3[%add3A, %add3A_333, %dma_start3A_337] : memref<32x125x80xi32, #tpu.memory_space<hbm>> -> memref<1x1x80xi32, #tpu.memory_space<hbm>>
        %dma_start3A_339 = tpu.memref_squeeze %dma_start3A_338 : memref<1x1x80xi32, #tpu.memory_space<hbm>> -> memref<80xi32, #tpu.memory_space<hbm>>
        tpu.enqueue_dma source(%dma_start3A_339 : memref<80xi32, #tpu.memory_space<hbm>>) target(%arg22 : memref<80xi32, #tpu.memory_space<vmem>>) target_semaphore(%arg38 : memref<!tpu.dma_semaphore, #tpu.memory_space<semaphore_mem>>)
        %dma_start3A_340 = arith.constant 0 : i32
        %dma_start3A_341 = tpu.memref_slice %arg4[%add3A, %add3A_333, %dma_start3A_340] : memref<32x125x80xi32, #tpu.memory_space<hbm>> -> memref<1x1x80xi32, #tpu.memory_space<hbm>>
        %dma_start3A_342 = tpu.memref_squeeze %dma_start3A_341 : memref<1x1x80xi32, #tpu.memory_space<hbm>> -> memref<80xi32, #tpu.memory_space<hbm>>
        %dma_start3A_343 = arith.constant 0 : i32
        %dma_start3A_344 = tpu.memref_slice %arg4[%add3A, %add3A_333, %dma_start3A_343] : memref<32x125x80xi32, #tpu.memory_space<hbm>> -> memref<1x1x80xi32, #tpu.memory_space<hbm>>
        %dma_start3A_345 = tpu.memref_squeeze %dma_start3A_344 : memref<1x1x80xi32, #tpu.memory_space<hbm>> -> memref<80xi32, #tpu.memory_space<hbm>>
        tpu.enqueue_dma source(%dma_start3A_345 : memref<80xi32, #tpu.memory_space<hbm>>) target(%arg30 : memref<80xi32, #tpu.memory_space<vmem>>) target_semaphore(%arg46 : memref<!tpu.dma_semaphore, #tpu.memory_space<semaphore_mem>>)
      } else {
      }
      %add3A_241 = arith.constant 4 : i32
      %add3A_242 = arith.addi %add3A_228, %add3A_241 : i32
      %lt3A_243 = arith.constant 125 : i32
      %lt3A_244 = arith.cmpi slt, %add3A_242, %lt3A_243 : i32
      %convert_element_type3A_245 = arith.extui %lt3A_244 : i1 to i32
      %cond3A_246 = arith.constant 0 : i32
      %cond3A_247 = arith.cmpi ne, %convert_element_type3A_245, %cond3A_246 : i32
      scf.if %cond3A_247 {
        %dma_wait3A_332 = arith.constant 0 : i32
        %dma_wait3A_333 = arith.constant 0 : i32
        %dma_wait3A_334 = tpu.memref_slice %arg3[%add3A, %dma_wait3A_332, %dma_wait3A_333] : memref<32x125x80xi32, #tpu.memory_space<hbm>> -> memref<1x1x80xi32, #tpu.memory_space<hbm>>
        %dma_wait3A_335 = tpu.memref_squeeze %dma_wait3A_334 : memref<1x1x80xi32, #tpu.memory_space<hbm>> -> memref<80xi32, #tpu.memory_space<hbm>>
        %dma_wait3A_336 = arith.constant 0 : i32
        %dma_wait3A_337 = tpu.memref_slice %arg3[%add3A, %dma_wait3A_332, %dma_wait3A_336] : memref<32x125x80xi32, #tpu.memory_space<hbm>> -> memref<1x1x80xi32, #tpu.memory_space<hbm>>
        %dma_wait3A_338 = tpu.memref_squeeze %dma_wait3A_337 : memref<1x1x80xi32, #tpu.memory_space<hbm>> -> memref<80xi32, #tpu.memory_space<hbm>>
        tpu.wait_dma2 semaphore(%arg39 : memref<!tpu.dma_semaphore, #tpu.memory_space<semaphore_mem>>) src(%dma_wait3A_338 : memref<80xi32, #tpu.memory_space<hbm>>) dst(%arg23 : memref<80xi32, #tpu.memory_space<vmem>>)
        %dma_start3A_339 = arith.constant 0 : i32
        %dma_start3A_340 = arith.constant 0 : i32
        %dma_start3A_341 = tpu.memref_slice %arg2[%dma_start3A_339, %dma_start3A_340] : memref<10000x128xf32, #tpu.memory_space<hbm>> -> memref<10000x128xf32, #tpu.memory_space<hbm>>
        tpu.enqueue_indirect_dma source(%dma_start3A_341 : memref<10000x128xf32, #tpu.memory_space<hbm>>) target(%arg11 : memref<80x128xf32, #tpu.memory_space<vmem>>) offsets(%arg23 : memref<80xi32, #tpu.memory_space<vmem>>) semaphore(%arg15 : memref<!tpu.dma_semaphore, #tpu.memory_space<semaphore_mem>>)
      } else {
      }
      %add3A_248 = arith.constant 4 : i32
      %add3A_249 = arith.addi %add3A_166, %add3A_248 : i32
      %lt3A_250 = arith.constant 125 : i32
      %lt3A_251 = arith.cmpi slt, %add3A_249, %lt3A_250 : i32
      %convert_element_type3A_252 = arith.extui %lt3A_251 : i1 to i32
      %cond3A_253 = arith.constant 0 : i32
      %cond3A_254 = arith.cmpi ne, %convert_element_type3A_252, %cond3A_253 : i32
      scf.if %cond3A_254 {
        %dma_wait3A_332 = arith.constant 0 : i32
        %dma_wait3A_333 = arith.constant 0 : i32
        %dma_wait3A_334 = tpu.memref_slice %arg2[%dma_wait3A_332, %dma_wait3A_333] : memref<10000x128xf32, #tpu.memory_space<hbm>> -> memref<10000x128xf32, #tpu.memory_space<hbm>>
        tpu.wait_indirect_dma semaphore(%arg12 : memref<!tpu.dma_semaphore, #tpu.memory_space<semaphore_mem>>) src(%dma_wait3A_334 : memref<10000x128xf32, #tpu.memory_space<hbm>>) dst(%arg8 : memref<80x128xf32, #tpu.memory_space<vmem>>)
        %dma_wait3A_335 = arith.constant 0 : i32
        %dma_wait3A_336 = arith.constant 0 : i32
        %dma_wait3A_337 = tpu.memref_slice %arg4[%add3A, %dma_wait3A_335, %dma_wait3A_336] : memref<32x125x80xi32, #tpu.memory_space<hbm>> -> memref<1x1x80xi32, #tpu.memory_space<hbm>>
        %dma_wait3A_338 = tpu.memref_squeeze %dma_wait3A_337 : memref<1x1x80xi32, #tpu.memory_space<hbm>> -> memref<80xi32, #tpu.memory_space<hbm>>
        %dma_wait3A_339 = arith.constant 0 : i32
        %dma_wait3A_340 = tpu.memref_slice %arg4[%add3A, %dma_wait3A_335, %dma_wait3A_339] : memref<32x125x80xi32, #tpu.memory_space<hbm>> -> memref<1x1x80xi32, #tpu.memory_space<hbm>>
        %dma_wait3A_341 = tpu.memref_squeeze %dma_wait3A_340 : memref<1x1x80xi32, #tpu.memory_space<hbm>> -> memref<80xi32, #tpu.memory_space<hbm>>
        tpu.wait_dma2 semaphore(%arg41 : memref<!tpu.dma_semaphore, #tpu.memory_space<semaphore_mem>>) src(%dma_wait3A_341 : memref<80xi32, #tpu.memory_space<hbm>>) dst(%arg25 : memref<80xi32, #tpu.memory_space<vmem>>)
        "tpu.region"() ({
          %run_scoped3A = tpu.sem_alloc : memref<!tpu.dma_semaphore, #tpu.memory_space<semaphore_mem>>
          %dma_start3A_342 = arith.constant 0 : i32
          %dma_start3A_343 = arith.constant 0 : i32
          %dma_start3A_344 = tpu.memref_slice %arg7[%dma_start3A_342, %dma_start3A_343] : memref<10112x128xf32, #tpu.memory_space<vmem_shared>> -> memref<10112x128xf32, #tpu.memory_space<vmem_shared>>
          tpu.enqueue_indirect_dma source(%arg8 : memref<80x128xf32, #tpu.memory_space<vmem>>) target(%dma_start3A_344 : memref<10112x128xf32, #tpu.memory_space<vmem_shared>>) offsets(%arg25 : memref<80xi32, #tpu.memory_space<vmem>>) semaphore(%run_scoped3A : memref<!tpu.dma_semaphore, #tpu.memory_space<semaphore_mem>>) {add = true}
          %dma_wait3A_345 = arith.constant 0 : i32
          %dma_wait3A_346 = arith.constant 0 : i32
          %dma_wait3A_347 = tpu.memref_slice %arg7[%dma_wait3A_345, %dma_wait3A_346] : memref<10112x128xf32, #tpu.memory_space<vmem_shared>> -> memref<10112x128xf32, #tpu.memory_space<vmem_shared>>
          tpu.wait_indirect_dma semaphore(%run_scoped3A : memref<!tpu.dma_semaphore, #tpu.memory_space<semaphore_mem>>) src(%arg8 : memref<80x128xf32, #tpu.memory_space<vmem>>) dst(%dma_wait3A_347 : memref<10112x128xf32, #tpu.memory_space<vmem_shared>>)
          tpu.yield
        }) : () -> ()
      } else {
      }
      %add3A_255 = arith.constant 8 : i32
      %add3A_256 = arith.addi %add3A_249, %add3A_255 : i32
      %lt3A_257 = arith.constant 125 : i32
      %lt3A_258 = arith.cmpi slt, %add3A_256, %lt3A_257 : i32
      %convert_element_type3A_259 = arith.extui %lt3A_258 : i1 to i32
      %cond3A_260 = arith.constant 0 : i32
      %cond3A_261 = arith.cmpi ne, %convert_element_type3A_259, %cond3A_260 : i32
      scf.if %cond3A_261 {
        %add3A_332 = arith.constant 8 : i32
        %add3A_333 = arith.addi %add3A_249, %add3A_332 : i32
        %dma_start3A_334 = arith.constant 0 : i32
        %dma_start3A_335 = tpu.memref_slice %arg3[%add3A, %add3A_333, %dma_start3A_334] : memref<32x125x80xi32, #tpu.memory_space<hbm>> -> memref<1x1x80xi32, #tpu.memory_space<hbm>>
        %dma_start3A_336 = tpu.memref_squeeze %dma_start3A_335 : memref<1x1x80xi32, #tpu.memory_space<hbm>> -> memref<80xi32, #tpu.memory_space<hbm>>
        %dma_start3A_337 = arith.constant 0 : i32
        %dma_start3A_338 = tpu.memref_slice %arg3[%add3A, %add3A_333, %dma_start3A_337] : memref<32x125x80xi32, #tpu.memory_space<hbm>> -> memref<1x1x80xi32, #tpu.memory_space<hbm>>
        %dma_start3A_339 = tpu.memref_squeeze %dma_start3A_338 : memref<1x1x80xi32, #tpu.memory_space<hbm>> -> memref<80xi32, #tpu.memory_space<hbm>>
        tpu.enqueue_dma source(%dma_start3A_339 : memref<80xi32, #tpu.memory_space<hbm>>) target(%arg17 : memref<80xi32, #tpu.memory_space<vmem>>) target_semaphore(%arg33 : memref<!tpu.dma_semaphore, #tpu.memory_space<semaphore_mem>>)
        %dma_start3A_340 = arith.constant 0 : i32
        %dma_start3A_341 = tpu.memref_slice %arg4[%add3A, %add3A_333, %dma_start3A_340] : memref<32x125x80xi32, #tpu.memory_space<hbm>> -> memref<1x1x80xi32, #tpu.memory_space<hbm>>
        %dma_start3A_342 = tpu.memref_squeeze %dma_start3A_341 : memref<1x1x80xi32, #tpu.memory_space<hbm>> -> memref<80xi32, #tpu.memory_space<hbm>>
        %dma_start3A_343 = arith.constant 0 : i32
        %dma_start3A_344 = tpu.memref_slice %arg4[%add3A, %add3A_333, %dma_start3A_343] : memref<32x125x80xi32, #tpu.memory_space<hbm>> -> memref<1x1x80xi32, #tpu.memory_space<hbm>>
        %dma_start3A_345 = tpu.memref_squeeze %dma_start3A_344 : memref<1x1x80xi32, #tpu.memory_space<hbm>> -> memref<80xi32, #tpu.memory_space<hbm>>
        tpu.enqueue_dma source(%dma_start3A_345 : memref<80xi32, #tpu.memory_space<hbm>>) target(%arg25 : memref<80xi32, #tpu.memory_space<vmem>>) target_semaphore(%arg41 : memref<!tpu.dma_semaphore, #tpu.memory_space<semaphore_mem>>)
      } else {
      }
      %add3A_262 = arith.constant 4 : i32
      %add3A_263 = arith.addi %add3A_249, %add3A_262 : i32
      %lt3A_264 = arith.constant 125 : i32
      %lt3A_265 = arith.cmpi slt, %add3A_263, %lt3A_264 : i32
      %convert_element_type3A_266 = arith.extui %lt3A_265 : i1 to i32
      %cond3A_267 = arith.constant 0 : i32
      %cond3A_268 = arith.cmpi ne, %convert_element_type3A_266, %cond3A_267 : i32
      scf.if %cond3A_268 {
        %dma_wait3A_332 = arith.constant 0 : i32
        %dma_wait3A_333 = arith.constant 0 : i32
        %dma_wait3A_334 = tpu.memref_slice %arg3[%add3A, %dma_wait3A_332, %dma_wait3A_333] : memref<32x125x80xi32, #tpu.memory_space<hbm>> -> memref<1x1x80xi32, #tpu.memory_space<hbm>>
        %dma_wait3A_335 = tpu.memref_squeeze %dma_wait3A_334 : memref<1x1x80xi32, #tpu.memory_space<hbm>> -> memref<80xi32, #tpu.memory_space<hbm>>
        %dma_wait3A_336 = arith.constant 0 : i32
        %dma_wait3A_337 = tpu.memref_slice %arg3[%add3A, %dma_wait3A_332, %dma_wait3A_336] : memref<32x125x80xi32, #tpu.memory_space<hbm>> -> memref<1x1x80xi32, #tpu.memory_space<hbm>>
        %dma_wait3A_338 = tpu.memref_squeeze %dma_wait3A_337 : memref<1x1x80xi32, #tpu.memory_space<hbm>> -> memref<80xi32, #tpu.memory_space<hbm>>
        tpu.wait_dma2 semaphore(%arg32 : memref<!tpu.dma_semaphore, #tpu.memory_space<semaphore_mem>>) src(%dma_wait3A_338 : memref<80xi32, #tpu.memory_space<hbm>>) dst(%arg16 : memref<80xi32, #tpu.memory_space<vmem>>)
        %dma_start3A_339 = arith.constant 0 : i32
        %dma_start3A_340 = arith.constant 0 : i32
        %dma_start3A_341 = tpu.memref_slice %arg2[%dma_start3A_339, %dma_start3A_340] : memref<10000x128xf32, #tpu.memory_space<hbm>> -> memref<10000x128xf32, #tpu.memory_space<hbm>>
        tpu.enqueue_indirect_dma source(%dma_start3A_341 : memref<10000x128xf32, #tpu.memory_space<hbm>>) target(%arg8 : memref<80x128xf32, #tpu.memory_space<vmem>>) offsets(%arg16 : memref<80xi32, #tpu.memory_space<vmem>>) semaphore(%arg12 : memref<!tpu.dma_semaphore, #tpu.memory_space<semaphore_mem>>)
      } else {
      }
      %add3A_269 = arith.constant 5 : i32
      %add3A_270 = arith.addi %add3A_166, %add3A_269 : i32
      %lt3A_271 = arith.constant 125 : i32
      %lt3A_272 = arith.cmpi slt, %add3A_270, %lt3A_271 : i32
      %convert_element_type3A_273 = arith.extui %lt3A_272 : i1 to i32
      %cond3A_274 = arith.constant 0 : i32
      %cond3A_275 = arith.cmpi ne, %convert_element_type3A_273, %cond3A_274 : i32
      scf.if %cond3A_275 {
        %dma_wait3A_332 = arith.constant 0 : i32
        %dma_wait3A_333 = arith.constant 0 : i32
        %dma_wait3A_334 = tpu.memref_slice %arg2[%dma_wait3A_332, %dma_wait3A_333] : memref<10000x128xf32, #tpu.memory_space<hbm>> -> memref<10000x128xf32, #tpu.memory_space<hbm>>
        tpu.wait_indirect_dma semaphore(%arg13 : memref<!tpu.dma_semaphore, #tpu.memory_space<semaphore_mem>>) src(%dma_wait3A_334 : memref<10000x128xf32, #tpu.memory_space<hbm>>) dst(%arg9 : memref<80x128xf32, #tpu.memory_space<vmem>>)
        %dma_wait3A_335 = arith.constant 0 : i32
        %dma_wait3A_336 = arith.constant 0 : i32
        %dma_wait3A_337 = tpu.memref_slice %arg4[%add3A, %dma_wait3A_335, %dma_wait3A_336] : memref<32x125x80xi32, #tpu.memory_space<hbm>> -> memref<1x1x80xi32, #tpu.memory_space<hbm>>
        %dma_wait3A_338 = tpu.memref_squeeze %dma_wait3A_337 : memref<1x1x80xi32, #tpu.memory_space<hbm>> -> memref<80xi32, #tpu.memory_space<hbm>>
        %dma_wait3A_339 = arith.constant 0 : i32
        %dma_wait3A_340 = tpu.memref_slice %arg4[%add3A, %dma_wait3A_335, %dma_wait3A_339] : memref<32x125x80xi32, #tpu.memory_space<hbm>> -> memref<1x1x80xi32, #tpu.memory_space<hbm>>
        %dma_wait3A_341 = tpu.memref_squeeze %dma_wait3A_340 : memref<1x1x80xi32, #tpu.memory_space<hbm>> -> memref<80xi32, #tpu.memory_space<hbm>>
        tpu.wait_dma2 semaphore(%arg43 : memref<!tpu.dma_semaphore, #tpu.memory_space<semaphore_mem>>) src(%dma_wait3A_341 : memref<80xi32, #tpu.memory_space<hbm>>) dst(%arg27 : memref<80xi32, #tpu.memory_space<vmem>>)
        "tpu.region"() ({
          %run_scoped3A = tpu.sem_alloc : memref<!tpu.dma_semaphore, #tpu.memory_space<semaphore_mem>>
          %dma_start3A_342 = arith.constant 0 : i32
          %dma_start3A_343 = arith.constant 0 : i32
          %dma_start3A_344 = tpu.memref_slice %arg7[%dma_start3A_342, %dma_start3A_343] : memref<10112x128xf32, #tpu.memory_space<vmem_shared>> -> memref<10112x128xf32, #tpu.memory_space<vmem_shared>>
          tpu.enqueue_indirect_dma source(%arg9 : memref<80x128xf32, #tpu.memory_space<vmem>>) target(%dma_start3A_344 : memref<10112x128xf32, #tpu.memory_space<vmem_shared>>) offsets(%arg27 : memref<80xi32, #tpu.memory_space<vmem>>) semaphore(%run_scoped3A : memref<!tpu.dma_semaphore, #tpu.memory_space<semaphore_mem>>) {add = true}
          %dma_wait3A_345 = arith.constant 0 : i32
          %dma_wait3A_346 = arith.constant 0 : i32
          %dma_wait3A_347 = tpu.memref_slice %arg7[%dma_wait3A_345, %dma_wait3A_346] : memref<10112x128xf32, #tpu.memory_space<vmem_shared>> -> memref<10112x128xf32, #tpu.memory_space<vmem_shared>>
          tpu.wait_indirect_dma semaphore(%run_scoped3A : memref<!tpu.dma_semaphore, #tpu.memory_space<semaphore_mem>>) src(%arg9 : memref<80x128xf32, #tpu.memory_space<vmem>>) dst(%dma_wait3A_347 : memref<10112x128xf32, #tpu.memory_space<vmem_shared>>)
          tpu.yield
        }) : () -> ()
      } else {
      }
      %add3A_276 = arith.constant 8 : i32
      %add3A_277 = arith.addi %add3A_270, %add3A_276 : i32
      %lt3A_278 = arith.constant 125 : i32
      %lt3A_279 = arith.cmpi slt, %add3A_277, %lt3A_278 : i32
      %convert_element_type3A_280 = arith.extui %lt3A_279 : i1 to i32
      %cond3A_281 = arith.constant 0 : i32
      %cond3A_282 = arith.cmpi ne, %convert_element_type3A_280, %cond3A_281 : i32
      scf.if %cond3A_282 {
        %add3A_332 = arith.constant 8 : i32
        %add3A_333 = arith.addi %add3A_270, %add3A_332 : i32
        %dma_start3A_334 = arith.constant 0 : i32
        %dma_start3A_335 = tpu.memref_slice %arg3[%add3A, %add3A_333, %dma_start3A_334] : memref<32x125x80xi32, #tpu.memory_space<hbm>> -> memref<1x1x80xi32, #tpu.memory_space<hbm>>
        %dma_start3A_336 = tpu.memref_squeeze %dma_start3A_335 : memref<1x1x80xi32, #tpu.memory_space<hbm>> -> memref<80xi32, #tpu.memory_space<hbm>>
        %dma_start3A_337 = arith.constant 0 : i32
        %dma_start3A_338 = tpu.memref_slice %arg3[%add3A, %add3A_333, %dma_start3A_337] : memref<32x125x80xi32, #tpu.memory_space<hbm>> -> memref<1x1x80xi32, #tpu.memory_space<hbm>>
        %dma_start3A_339 = tpu.memref_squeeze %dma_start3A_338 : memref<1x1x80xi32, #tpu.memory_space<hbm>> -> memref<80xi32, #tpu.memory_space<hbm>>
        tpu.enqueue_dma source(%dma_start3A_339 : memref<80xi32, #tpu.memory_space<hbm>>) target(%arg19 : memref<80xi32, #tpu.memory_space<vmem>>) target_semaphore(%arg35 : memref<!tpu.dma_semaphore, #tpu.memory_space<semaphore_mem>>)
        %dma_start3A_340 = arith.constant 0 : i32
        %dma_start3A_341 = tpu.memref_slice %arg4[%add3A, %add3A_333, %dma_start3A_340] : memref<32x125x80xi32, #tpu.memory_space<hbm>> -> memref<1x1x80xi32, #tpu.memory_space<hbm>>
        %dma_start3A_342 = tpu.memref_squeeze %dma_start3A_341 : memref<1x1x80xi32, #tpu.memory_space<hbm>> -> memref<80xi32, #tpu.memory_space<hbm>>
        %dma_start3A_343 = arith.constant 0 : i32
        %dma_start3A_344 = tpu.memref_slice %arg4[%add3A, %add3A_333, %dma_start3A_343] : memref<32x125x80xi32, #tpu.memory_space<hbm>> -> memref<1x1x80xi32, #tpu.memory_space<hbm>>
        %dma_start3A_345 = tpu.memref_squeeze %dma_start3A_344 : memref<1x1x80xi32, #tpu.memory_space<hbm>> -> memref<80xi32, #tpu.memory_space<hbm>>
        tpu.enqueue_dma source(%dma_start3A_345 : memref<80xi32, #tpu.memory_space<hbm>>) target(%arg27 : memref<80xi32, #tpu.memory_space<vmem>>) target_semaphore(%arg43 : memref<!tpu.dma_semaphore, #tpu.memory_space<semaphore_mem>>)
      } else {
      }
      %add3A_283 = arith.constant 4 : i32
      %add3A_284 = arith.addi %add3A_270, %add3A_283 : i32
      %lt3A_285 = arith.constant 125 : i32
      %lt3A_286 = arith.cmpi slt, %add3A_284, %lt3A_285 : i32
      %convert_element_type3A_287 = arith.extui %lt3A_286 : i1 to i32
      %cond3A_288 = arith.constant 0 : i32
      %cond3A_289 = arith.cmpi ne, %convert_element_type3A_287, %cond3A_288 : i32
      scf.if %cond3A_289 {
        %dma_wait3A_332 = arith.constant 0 : i32
        %dma_wait3A_333 = arith.constant 0 : i32
        %dma_wait3A_334 = tpu.memref_slice %arg3[%add3A, %dma_wait3A_332, %dma_wait3A_333] : memref<32x125x80xi32, #tpu.memory_space<hbm>> -> memref<1x1x80xi32, #tpu.memory_space<hbm>>
        %dma_wait3A_335 = tpu.memref_squeeze %dma_wait3A_334 : memref<1x1x80xi32, #tpu.memory_space<hbm>> -> memref<80xi32, #tpu.memory_space<hbm>>
        %dma_wait3A_336 = arith.constant 0 : i32
        %dma_wait3A_337 = tpu.memref_slice %arg3[%add3A, %dma_wait3A_332, %dma_wait3A_336] : memref<32x125x80xi32, #tpu.memory_space<hbm>> -> memref<1x1x80xi32, #tpu.memory_space<hbm>>
        %dma_wait3A_338 = tpu.memref_squeeze %dma_wait3A_337 : memref<1x1x80xi32, #tpu.memory_space<hbm>> -> memref<80xi32, #tpu.memory_space<hbm>>
        tpu.wait_dma2 semaphore(%arg34 : memref<!tpu.dma_semaphore, #tpu.memory_space<semaphore_mem>>) src(%dma_wait3A_338 : memref<80xi32, #tpu.memory_space<hbm>>) dst(%arg18 : memref<80xi32, #tpu.memory_space<vmem>>)
        %dma_start3A_339 = arith.constant 0 : i32
        %dma_start3A_340 = arith.constant 0 : i32
        %dma_start3A_341 = tpu.memref_slice %arg2[%dma_start3A_339, %dma_start3A_340] : memref<10000x128xf32, #tpu.memory_space<hbm>> -> memref<10000x128xf32, #tpu.memory_space<hbm>>
        tpu.enqueue_indirect_dma source(%dma_start3A_341 : memref<10000x128xf32, #tpu.memory_space<hbm>>) target(%arg9 : memref<80x128xf32, #tpu.memory_space<vmem>>) offsets(%arg18 : memref<80xi32, #tpu.memory_space<vmem>>) semaphore(%arg13 : memref<!tpu.dma_semaphore, #tpu.memory_space<semaphore_mem>>)
      } else {
      }
      %add3A_290 = arith.constant 6 : i32
      %add3A_291 = arith.addi %add3A_166, %add3A_290 : i32
      %lt3A_292 = arith.constant 125 : i32
      %lt3A_293 = arith.cmpi slt, %add3A_291, %lt3A_292 : i32
      %convert_element_type3A_294 = arith.extui %lt3A_293 : i1 to i32
      %cond3A_295 = arith.constant 0 : i32
      %cond3A_296 = arith.cmpi ne, %convert_element_type3A_294, %cond3A_295 : i32
      scf.if %cond3A_296 {
        %dma_wait3A_332 = arith.constant 0 : i32
        %dma_wait3A_333 = arith.constant 0 : i32
        %dma_wait3A_334 = tpu.memref_slice %arg2[%dma_wait3A_332, %dma_wait3A_333] : memref<10000x128xf32, #tpu.memory_space<hbm>> -> memref<10000x128xf32, #tpu.memory_space<hbm>>
        tpu.wait_indirect_dma semaphore(%arg14 : memref<!tpu.dma_semaphore, #tpu.memory_space<semaphore_mem>>) src(%dma_wait3A_334 : memref<10000x128xf32, #tpu.memory_space<hbm>>) dst(%arg10 : memref<80x128xf32, #tpu.memory_space<vmem>>)
        %dma_wait3A_335 = arith.constant 0 : i32
        %dma_wait3A_336 = arith.constant 0 : i32
        %dma_wait3A_337 = tpu.memref_slice %arg4[%add3A, %dma_wait3A_335, %dma_wait3A_336] : memref<32x125x80xi32, #tpu.memory_space<hbm>> -> memref<1x1x80xi32, #tpu.memory_space<hbm>>
        %dma_wait3A_338 = tpu.memref_squeeze %dma_wait3A_337 : memref<1x1x80xi32, #tpu.memory_space<hbm>> -> memref<80xi32, #tpu.memory_space<hbm>>
        %dma_wait3A_339 = arith.constant 0 : i32
        %dma_wait3A_340 = tpu.memref_slice %arg4[%add3A, %dma_wait3A_335, %dma_wait3A_339] : memref<32x125x80xi32, #tpu.memory_space<hbm>> -> memref<1x1x80xi32, #tpu.memory_space<hbm>>
        %dma_wait3A_341 = tpu.memref_squeeze %dma_wait3A_340 : memref<1x1x80xi32, #tpu.memory_space<hbm>> -> memref<80xi32, #tpu.memory_space<hbm>>
        tpu.wait_dma2 semaphore(%arg45 : memref<!tpu.dma_semaphore, #tpu.memory_space<semaphore_mem>>) src(%dma_wait3A_341 : memref<80xi32, #tpu.memory_space<hbm>>) dst(%arg29 : memref<80xi32, #tpu.memory_space<vmem>>)
        "tpu.region"() ({
          %run_scoped3A = tpu.sem_alloc : memref<!tpu.dma_semaphore, #tpu.memory_space<semaphore_mem>>
          %dma_start3A_342 = arith.constant 0 : i32
          %dma_start3A_343 = arith.constant 0 : i32
          %dma_start3A_344 = tpu.memref_slice %arg7[%dma_start3A_342, %dma_start3A_343] : memref<10112x128xf32, #tpu.memory_space<vmem_shared>> -> memref<10112x128xf32, #tpu.memory_space<vmem_shared>>
          tpu.enqueue_indirect_dma source(%arg10 : memref<80x128xf32, #tpu.memory_space<vmem>>) target(%dma_start3A_344 : memref<10112x128xf32, #tpu.memory_space<vmem_shared>>) offsets(%arg29 : memref<80xi32, #tpu.memory_space<vmem>>) semaphore(%run_scoped3A : memref<!tpu.dma_semaphore, #tpu.memory_space<semaphore_mem>>) {add = true}
          %dma_wait3A_345 = arith.constant 0 : i32
          %dma_wait3A_346 = arith.constant 0 : i32
          %dma_wait3A_347 = tpu.memref_slice %arg7[%dma_wait3A_345, %dma_wait3A_346] : memref<10112x128xf32, #tpu.memory_space<vmem_shared>> -> memref<10112x128xf32, #tpu.memory_space<vmem_shared>>
          tpu.wait_indirect_dma semaphore(%run_scoped3A : memref<!tpu.dma_semaphore, #tpu.memory_space<semaphore_mem>>) src(%arg10 : memref<80x128xf32, #tpu.memory_space<vmem>>) dst(%dma_wait3A_347 : memref<10112x128xf32, #tpu.memory_space<vmem_shared>>)
          tpu.yield
        }) : () -> ()
      } else {
      }
      %add3A_297 = arith.constant 8 : i32
      %add3A_298 = arith.addi %add3A_291, %add3A_297 : i32
      %lt3A_299 = arith.constant 125 : i32
      %lt3A_300 = arith.cmpi slt, %add3A_298, %lt3A_299 : i32
      %convert_element_type3A_301 = arith.extui %lt3A_300 : i1 to i32
      %cond3A_302 = arith.constant 0 : i32
      %cond3A_303 = arith.cmpi ne, %convert_element_type3A_301, %cond3A_302 : i32
      scf.if %cond3A_303 {
        %add3A_332 = arith.constant 8 : i32
        %add3A_333 = arith.addi %add3A_291, %add3A_332 : i32
        %dma_start3A_334 = arith.constant 0 : i32
        %dma_start3A_335 = tpu.memref_slice %arg3[%add3A, %add3A_333, %dma_start3A_334] : memref<32x125x80xi32, #tpu.memory_space<hbm>> -> memref<1x1x80xi32, #tpu.memory_space<hbm>>
        %dma_start3A_336 = tpu.memref_squeeze %dma_start3A_335 : memref<1x1x80xi32, #tpu.memory_space<hbm>> -> memref<80xi32, #tpu.memory_space<hbm>>
        %dma_start3A_337 = arith.constant 0 : i32
        %dma_start3A_338 = tpu.memref_slice %arg3[%add3A, %add3A_333, %dma_start3A_337] : memref<32x125x80xi32, #tpu.memory_space<hbm>> -> memref<1x1x80xi32, #tpu.memory_space<hbm>>
        %dma_start3A_339 = tpu.memref_squeeze %dma_start3A_338 : memref<1x1x80xi32, #tpu.memory_space<hbm>> -> memref<80xi32, #tpu.memory_space<hbm>>
        tpu.enqueue_dma source(%dma_start3A_339 : memref<80xi32, #tpu.memory_space<hbm>>) target(%arg21 : memref<80xi32, #tpu.memory_space<vmem>>) target_semaphore(%arg37 : memref<!tpu.dma_semaphore, #tpu.memory_space<semaphore_mem>>)
        %dma_start3A_340 = arith.constant 0 : i32
        %dma_start3A_341 = tpu.memref_slice %arg4[%add3A, %add3A_333, %dma_start3A_340] : memref<32x125x80xi32, #tpu.memory_space<hbm>> -> memref<1x1x80xi32, #tpu.memory_space<hbm>>
        %dma_start3A_342 = tpu.memref_squeeze %dma_start3A_341 : memref<1x1x80xi32, #tpu.memory_space<hbm>> -> memref<80xi32, #tpu.memory_space<hbm>>
        %dma_start3A_343 = arith.constant 0 : i32
        %dma_start3A_344 = tpu.memref_slice %arg4[%add3A, %add3A_333, %dma_start3A_343] : memref<32x125x80xi32, #tpu.memory_space<hbm>> -> memref<1x1x80xi32, #tpu.memory_space<hbm>>
        %dma_start3A_345 = tpu.memref_squeeze %dma_start3A_344 : memref<1x1x80xi32, #tpu.memory_space<hbm>> -> memref<80xi32, #tpu.memory_space<hbm>>
        tpu.enqueue_dma source(%dma_start3A_345 : memref<80xi32, #tpu.memory_space<hbm>>) target(%arg29 : memref<80xi32, #tpu.memory_space<vmem>>) target_semaphore(%arg45 : memref<!tpu.dma_semaphore, #tpu.memory_space<semaphore_mem>>)
      } else {
      }
      %add3A_304 = arith.constant 4 : i32
      %add3A_305 = arith.addi %add3A_291, %add3A_304 : i32
      %lt3A_306 = arith.constant 125 : i32
      %lt3A_307 = arith.cmpi slt, %add3A_305, %lt3A_306 : i32
      %convert_element_type3A_308 = arith.extui %lt3A_307 : i1 to i32
      %cond3A_309 = arith.constant 0 : i32
      %cond3A_310 = arith.cmpi ne, %convert_element_type3A_308, %cond3A_309 : i32
      scf.if %cond3A_310 {
        %dma_wait3A_332 = arith.constant 0 : i32
        %dma_wait3A_333 = arith.constant 0 : i32
        %dma_wait3A_334 = tpu.memref_slice %arg3[%add3A, %dma_wait3A_332, %dma_wait3A_333] : memref<32x125x80xi32, #tpu.memory_space<hbm>> -> memref<1x1x80xi32, #tpu.memory_space<hbm>>
        %dma_wait3A_335 = tpu.memref_squeeze %dma_wait3A_334 : memref<1x1x80xi32, #tpu.memory_space<hbm>> -> memref<80xi32, #tpu.memory_space<hbm>>
        %dma_wait3A_336 = arith.constant 0 : i32
        %dma_wait3A_337 = tpu.memref_slice %arg3[%add3A, %dma_wait3A_332, %dma_wait3A_336] : memref<32x125x80xi32, #tpu.memory_space<hbm>> -> memref<1x1x80xi32, #tpu.memory_space<hbm>>
        %dma_wait3A_338 = tpu.memref_squeeze %dma_wait3A_337 : memref<1x1x80xi32, #tpu.memory_space<hbm>> -> memref<80xi32, #tpu.memory_space<hbm>>
        tpu.wait_dma2 semaphore(%arg36 : memref<!tpu.dma_semaphore, #tpu.memory_space<semaphore_mem>>) src(%dma_wait3A_338 : memref<80xi32, #tpu.memory_space<hbm>>) dst(%arg20 : memref<80xi32, #tpu.memory_space<vmem>>)
        %dma_start3A_339 = arith.constant 0 : i32
        %dma_start3A_340 = arith.constant 0 : i32
        %dma_start3A_341 = tpu.memref_slice %arg2[%dma_start3A_339, %dma_start3A_340] : memref<10000x128xf32, #tpu.memory_space<hbm>> -> memref<10000x128xf32, #tpu.memory_space<hbm>>
        tpu.enqueue_indirect_dma source(%dma_start3A_341 : memref<10000x128xf32, #tpu.memory_space<hbm>>) target(%arg10 : memref<80x128xf32, #tpu.memory_space<vmem>>) offsets(%arg20 : memref<80xi32, #tpu.memory_space<vmem>>) semaphore(%arg14 : memref<!tpu.dma_semaphore, #tpu.memory_space<semaphore_mem>>)
      } else {
      }
      %add3A_311 = arith.constant 7 : i32
      %add3A_312 = arith.addi %add3A_166, %add3A_311 : i32
      %lt3A_313 = arith.constant 125 : i32
      %lt3A_314 = arith.cmpi slt, %add3A_312, %lt3A_313 : i32
      %convert_element_type3A_315 = arith.extui %lt3A_314 : i1 to i32
      %cond3A_316 = arith.constant 0 : i32
      %cond3A_317 = arith.cmpi ne, %convert_element_type3A_315, %cond3A_316 : i32
      scf.if %cond3A_317 {
        %dma_wait3A_332 = arith.constant 0 : i32
        %dma_wait3A_333 = arith.constant 0 : i32
        %dma_wait3A_334 = tpu.memref_slice %arg2[%dma_wait3A_332, %dma_wait3A_333] : memref<10000x128xf32, #tpu.memory_space<hbm>> -> memref<10000x128xf32, #tpu.memory_space<hbm>>
        tpu.wait_indirect_dma semaphore(%arg15 : memref<!tpu.dma_semaphore, #tpu.memory_space<semaphore_mem>>) src(%dma_wait3A_334 : memref<10000x128xf32, #tpu.memory_space<hbm>>) dst(%arg11 : memref<80x128xf32, #tpu.memory_space<vmem>>)
        %dma_wait3A_335 = arith.constant 0 : i32
        %dma_wait3A_336 = arith.constant 0 : i32
        %dma_wait3A_337 = tpu.memref_slice %arg4[%add3A, %dma_wait3A_335, %dma_wait3A_336] : memref<32x125x80xi32, #tpu.memory_space<hbm>> -> memref<1x1x80xi32, #tpu.memory_space<hbm>>
        %dma_wait3A_338 = tpu.memref_squeeze %dma_wait3A_337 : memref<1x1x80xi32, #tpu.memory_space<hbm>> -> memref<80xi32, #tpu.memory_space<hbm>>
        %dma_wait3A_339 = arith.constant 0 : i32
        %dma_wait3A_340 = tpu.memref_slice %arg4[%add3A, %dma_wait3A_335, %dma_wait3A_339] : memref<32x125x80xi32, #tpu.memory_space<hbm>> -> memref<1x1x80xi32, #tpu.memory_space<hbm>>
        %dma_wait3A_341 = tpu.memref_squeeze %dma_wait3A_340 : memref<1x1x80xi32, #tpu.memory_space<hbm>> -> memref<80xi32, #tpu.memory_space<hbm>>
        tpu.wait_dma2 semaphore(%arg47 : memref<!tpu.dma_semaphore, #tpu.memory_space<semaphore_mem>>) src(%dma_wait3A_341 : memref<80xi32, #tpu.memory_space<hbm>>) dst(%arg31 : memref<80xi32, #tpu.memory_space<vmem>>)
        "tpu.region"() ({
          %run_scoped3A = tpu.sem_alloc : memref<!tpu.dma_semaphore, #tpu.memory_space<semaphore_mem>>
          %dma_start3A_342 = arith.constant 0 : i32
          %dma_start3A_343 = arith.constant 0 : i32
          %dma_start3A_344 = tpu.memref_slice %arg7[%dma_start3A_342, %dma_start3A_343] : memref<10112x128xf32, #tpu.memory_space<vmem_shared>> -> memref<10112x128xf32, #tpu.memory_space<vmem_shared>>
          tpu.enqueue_indirect_dma source(%arg11 : memref<80x128xf32, #tpu.memory_space<vmem>>) target(%dma_start3A_344 : memref<10112x128xf32, #tpu.memory_space<vmem_shared>>) offsets(%arg31 : memref<80xi32, #tpu.memory_space<vmem>>) semaphore(%run_scoped3A : memref<!tpu.dma_semaphore, #tpu.memory_space<semaphore_mem>>) {add = true}
          %dma_wait3A_345 = arith.constant 0 : i32
          %dma_wait3A_346 = arith.constant 0 : i32
          %dma_wait3A_347 = tpu.memref_slice %arg7[%dma_wait3A_345, %dma_wait3A_346] : memref<10112x128xf32, #tpu.memory_space<vmem_shared>> -> memref<10112x128xf32, #tpu.memory_space<vmem_shared>>
          tpu.wait_indirect_dma semaphore(%run_scoped3A : memref<!tpu.dma_semaphore, #tpu.memory_space<semaphore_mem>>) src(%arg11 : memref<80x128xf32, #tpu.memory_space<vmem>>) dst(%dma_wait3A_347 : memref<10112x128xf32, #tpu.memory_space<vmem_shared>>)
          tpu.yield
        }) : () -> ()
      } else {
      }
      %add3A_318 = arith.constant 8 : i32
      %add3A_319 = arith.addi %add3A_312, %add3A_318 : i32
      %lt3A_320 = arith.constant 125 : i32
      %lt3A_321 = arith.cmpi slt, %add3A_319, %lt3A_320 : i32
      %convert_element_type3A_322 = arith.extui %lt3A_321 : i1 to i32
      %cond3A_323 = arith.constant 0 : i32
      %cond3A_324 = arith.cmpi ne, %convert_element_type3A_322, %cond3A_323 : i32
      scf.if %cond3A_324 {
        %add3A_332 = arith.constant 8 : i32
        %add3A_333 = arith.addi %add3A_312, %add3A_332 : i32
        %dma_start3A_334 = arith.constant 0 : i32
        %dma_start3A_335 = tpu.memref_slice %arg3[%add3A, %add3A_333, %dma_start3A_334] : memref<32x125x80xi32, #tpu.memory_space<hbm>> -> memref<1x1x80xi32, #tpu.memory_space<hbm>>
        %dma_start3A_336 = tpu.memref_squeeze %dma_start3A_335 : memref<1x1x80xi32, #tpu.memory_space<hbm>> -> memref<80xi32, #tpu.memory_space<hbm>>
        %dma_start3A_337 = arith.constant 0 : i32
        %dma_start3A_338 = tpu.memref_slice %arg3[%add3A, %add3A_333, %dma_start3A_337] : memref<32x125x80xi32, #tpu.memory_space<hbm>> -> memref<1x1x80xi32, #tpu.memory_space<hbm>>
        %dma_start3A_339 = tpu.memref_squeeze %dma_start3A_338 : memref<1x1x80xi32, #tpu.memory_space<hbm>> -> memref<80xi32, #tpu.memory_space<hbm>>
        tpu.enqueue_dma source(%dma_start3A_339 : memref<80xi32, #tpu.memory_space<hbm>>) target(%arg23 : memref<80xi32, #tpu.memory_space<vmem>>) target_semaphore(%arg39 : memref<!tpu.dma_semaphore, #tpu.memory_space<semaphore_mem>>)
        %dma_start3A_340 = arith.constant 0 : i32
        %dma_start3A_341 = tpu.memref_slice %arg4[%add3A, %add3A_333, %dma_start3A_340] : memref<32x125x80xi32, #tpu.memory_space<hbm>> -> memref<1x1x80xi32, #tpu.memory_space<hbm>>
        %dma_start3A_342 = tpu.memref_squeeze %dma_start3A_341 : memref<1x1x80xi32, #tpu.memory_space<hbm>> -> memref<80xi32, #tpu.memory_space<hbm>>
        %dma_start3A_343 = arith.constant 0 : i32
        %dma_start3A_344 = tpu.memref_slice %arg4[%add3A, %add3A_333, %dma_start3A_343] : memref<32x125x80xi32, #tpu.memory_space<hbm>> -> memref<1x1x80xi32, #tpu.memory_space<hbm>>
        %dma_start3A_345 = tpu.memref_squeeze %dma_start3A_344 : memref<1x1x80xi32, #tpu.memory_space<hbm>> -> memref<80xi32, #tpu.memory_space<hbm>>
        tpu.enqueue_dma source(%dma_start3A_345 : memref<80xi32, #tpu.memory_space<hbm>>) target(%arg31 : memref<80xi32, #tpu.memory_space<vmem>>) target_semaphore(%arg47 : memref<!tpu.dma_semaphore, #tpu.memory_space<semaphore_mem>>)
      } else {
      }
      %add3A_325 = arith.constant 4 : i32
      %add3A_326 = arith.addi %add3A_312, %add3A_325 : i32
      %lt3A_327 = arith.constant 125 : i32
      %lt3A_328 = arith.cmpi slt, %add3A_326, %lt3A_327 : i32
      %convert_element_type3A_329 = arith.extui %lt3A_328 : i1 to i32
      %cond3A_330 = arith.constant 0 : i32
      %cond3A_331 = arith.cmpi ne, %convert_element_type3A_329, %cond3A_330 : i32
      scf.if %cond3A_331 {
        %dma_wait3A_332 = arith.constant 0 : i32
        %dma_wait3A_333 = arith.constant 0 : i32
        %dma_wait3A_334 = tpu.memref_slice %arg3[%add3A, %dma_wait3A_332, %dma_wait3A_333] : memref<32x125x80xi32, #tpu.memory_space<hbm>> -> memref<1x1x80xi32, #tpu.memory_space<hbm>>
        %dma_wait3A_335 = tpu.memref_squeeze %dma_wait3A_334 : memref<1x1x80xi32, #tpu.memory_space<hbm>> -> memref<80xi32, #tpu.memory_space<hbm>>
        %dma_wait3A_336 = arith.constant 0 : i32
        %dma_wait3A_337 = tpu.memref_slice %arg3[%add3A, %dma_wait3A_332, %dma_wait3A_336] : memref<32x125x80xi32, #tpu.memory_space<hbm>> -> memref<1x1x80xi32, #tpu.memory_space<hbm>>
        %dma_wait3A_338 = tpu.memref_squeeze %dma_wait3A_337 : memref<1x1x80xi32, #tpu.memory_space<hbm>> -> memref<80xi32, #tpu.memory_space<hbm>>
        tpu.wait_dma2 semaphore(%arg38 : memref<!tpu.dma_semaphore, #tpu.memory_space<semaphore_mem>>) src(%dma_wait3A_338 : memref<80xi32, #tpu.memory_space<hbm>>) dst(%arg22 : memref<80xi32, #tpu.memory_space<vmem>>)
        %dma_start3A_339 = arith.constant 0 : i32
        %dma_start3A_340 = arith.constant 0 : i32
        %dma_start3A_341 = tpu.memref_slice %arg2[%dma_start3A_339, %dma_start3A_340] : memref<10000x128xf32, #tpu.memory_space<hbm>> -> memref<10000x128xf32, #tpu.memory_space<hbm>>
        tpu.enqueue_indirect_dma source(%dma_start3A_341 : memref<10000x128xf32, #tpu.memory_space<hbm>>) target(%arg11 : memref<80x128xf32, #tpu.memory_space<vmem>>) offsets(%arg22 : memref<80xi32, #tpu.memory_space<vmem>>) semaphore(%arg15 : memref<!tpu.dma_semaphore, #tpu.memory_space<semaphore_mem>>)
      } else {
      }
    }
    %scan3A_156 = arith.constant 16 : i32
    %barrier3A_157 = arith.constant 0 : index
    tpu.barrier barrier_id(%barrier3A_157)
    %mul3A_158 = arith.constant 632 : i32
    %mul3A_159 = arith.muli %arg1, %mul3A_158 : i32
    %mul3A_160 = arith.constant 632 : i32
    %mul3A_161 = arith.muli %arg1, %mul3A_160 : i32
    "tpu.region"() ({
      %run_scoped3A = tpu.sem_alloc : memref<!tpu.dma_semaphore, #tpu.memory_space<semaphore_mem>>
      %dma_start3A_162 = arith.constant 0 : i32
      %dma_start3A_163 = tpu.memref_slice %arg6[%arg0, %mul3A_161, %dma_start3A_162] : memref<2x10112x128xf32, #tpu.memory_space<hbm>> -> memref<1x632x128xf32, #tpu.memory_space<hbm>>
      %dma_start3A_164 = tpu.memref_squeeze %dma_start3A_163 : memref<1x632x128xf32, #tpu.memory_space<hbm>> -> memref<632x128xf32, #tpu.memory_space<hbm>>
      %dma_start3A_165 = arith.constant 0 : i32
      %dma_start3A_166 = tpu.memref_slice %arg7[%mul3A_159, %dma_start3A_165] : memref<10112x128xf32, #tpu.memory_space<vmem_shared>> -> memref<632x128xf32, #tpu.memory_space<vmem_shared>>
      tpu.enqueue_dma source(%dma_start3A_166 : memref<632x128xf32, #tpu.memory_space<vmem_shared>>) target(%dma_start3A_164 : memref<632x128xf32, #tpu.memory_space<hbm>>) target_semaphore(%run_scoped3A : memref<!tpu.dma_semaphore, #tpu.memory_space<semaphore_mem>>)
      %dma_wait3A_167 = arith.constant 0 : i32
      %dma_wait3A_168 = tpu.memref_slice %arg6[%arg0, %mul3A_161, %dma_wait3A_167] : memref<2x10112x128xf32, #tpu.memory_space<hbm>> -> memref<1x632x128xf32, #tpu.memory_space<hbm>>
      %dma_wait3A_169 = tpu.memref_squeeze %dma_wait3A_168 : memref<1x632x128xf32, #tpu.memory_space<hbm>> -> memref<632x128xf32, #tpu.memory_space<hbm>>
      %dma_wait3A_170 = arith.constant 0 : i32
      %dma_wait3A_171 = tpu.memref_slice %arg7[%mul3A_159, %dma_wait3A_170] : memref<10112x128xf32, #tpu.memory_space<vmem_shared>> -> memref<632x128xf32, #tpu.memory_space<vmem_shared>>
      tpu.wait_dma2 semaphore(%run_scoped3A : memref<!tpu.dma_semaphore, #tpu.memory_space<semaphore_mem>>) src(%dma_wait3A_171 : memref<632x128xf32, #tpu.memory_space<vmem_shared>>) dst(%dma_wait3A_169 : memref<632x128xf32, #tpu.memory_space<hbm>>)
      tpu.yield
    }) : () -> ()
    return
  }
}

#map = affine_map<(d0, d1) -> (0, 0)>
#map1 = affine_map<(d0, d1) -> (0, 0, 0)>
module attributes {stable_mosaic.version = 14 : i64} {
  func.func @seg_sum(%arg0: i32, %arg1: i32, %arg2: memref<10000x128xf32, #tpu.memory_space<hbm>>, %arg3: memref<32x125x80xi32, #tpu.memory_space<hbm>>, %arg4: memref<32x125x80xi32, #tpu.memory_space<hbm>>, %arg5: memref<632x128xf32, #tpu.memory_space<hbm>>, %arg6: memref<2x10112x128xf32, #tpu.memory_space<hbm>>, %arg7: memref<10112x128xf32, #tpu.memory_space<vmem_shared>>, %arg8: memref<80x128xf32, #tpu.memory_space<vmem>>, %arg9: memref<80x128xf32, #tpu.memory_space<vmem>>, %arg10: memref<80x128xf32, #tpu.memory_space<vmem>>, %arg11: memref<80x128xf32, #tpu.memory_space<vmem>>, %arg12: memref<!tpu.dma_semaphore, #tpu.memory_space<semaphore_mem>>, %arg13: memref<!tpu.dma_semaphore, #tpu.memory_space<semaphore_mem>>, %arg14: memref<!tpu.dma_semaphore, #tpu.memory_space<semaphore_mem>>, %arg15: memref<!tpu.dma_semaphore, #tpu.memory_space<semaphore_mem>>, %arg16: memref<80xi32, #tpu.memory_space<vmem>>, %arg17: memref<80xi32, #tpu.memory_space<vmem>>, %arg18: memref<80xi32, #tpu.memory_space<vmem>>, %arg19: memref<80xi32, #tpu.memory_space<vmem>>, %arg20: memref<80xi32, #tpu.memory_space<vmem>>, %arg21: memref<80xi32, #tpu.memory_space<vmem>>, %arg22: memref<80xi32, #tpu.memory_space<vmem>>, %arg23: memref<80xi32, #tpu.memory_space<vmem>>, %arg24: memref<80xi32, #tpu.memory_space<vmem>>, %arg25: memref<80xi32, #tpu.memory_space<vmem>>, %arg26: memref<80xi32, #tpu.memory_space<vmem>>, %arg27: memref<80xi32, #tpu.memory_space<vmem>>, %arg28: memref<80xi32, #tpu.memory_space<vmem>>, %arg29: memref<80xi32, #tpu.memory_space<vmem>>, %arg30: memref<80xi32, #tpu.memory_space<vmem>>, %arg31: memref<80xi32, #tpu.memory_space<vmem>>, %arg32: memref<!tpu.dma_semaphore, #tpu.memory_space<semaphore_mem>>, %arg33: memref<!tpu.dma_semaphore, #tpu.memory_space<semaphore_mem>>, %arg34: memref<!tpu.dma_semaphore, #tpu.memory_space<semaphore_mem>>, %arg35: memref<!tpu.dma_semaphore, #tpu.memory_space<semaphore_mem>>, %arg36: memref<!tpu.dma_semaphore, #tpu.memory_space<semaphore_mem>>, %arg37: memref<!tpu.dma_semaphore, #tpu.memory_space<semaphore_mem>>, %arg38: memref<!tpu.dma_semaphore, #tpu.memory_space<semaphore_mem>>, %arg39: memref<!tpu.dma_semaphore, #tpu.memory_space<semaphore_mem>>, %arg40: memref<!tpu.dma_semaphore, #tpu.memory_space<semaphore_mem>>, %arg41: memref<!tpu.dma_semaphore, #tpu.memory_space<semaphore_mem>>, %arg42: memref<!tpu.dma_semaphore, #tpu.memory_space<semaphore_mem>>, %arg43: memref<!tpu.dma_semaphore, #tpu.memory_space<semaphore_mem>>, %arg44: memref<!tpu.dma_semaphore, #tpu.memory_space<semaphore_mem>>, %arg45: memref<!tpu.dma_semaphore, #tpu.memory_space<semaphore_mem>>, %arg46: memref<!tpu.dma_semaphore, #tpu.memory_space<semaphore_mem>>, %arg47: memref<!tpu.dma_semaphore, #tpu.memory_space<semaphore_mem>>) attributes {dimension_semantics = [#tpu.dimension_semantics<core_parallel>, #tpu.dimension_semantics<subcore_parallel>], iteration_bounds = array<i64: 2, 16>, scalar_prefetch = 0 : i64, scratch_operands = 41 : i64, tpu.core_type = #tpu.core_type<sc_vector_subcore>, window_params = [{transform_indices = #map}, {transform_indices = #map1}, {transform_indices = #map1}, {transform_indices = #map}, {transform_indices = #map1}]} {
    %mul3A = arith.constant 16 : i32
    %mul3A_0 = arith.muli %arg0, %mul3A : i32
    %add3A = arith.addi %mul3A_0, %arg1 : i32
    %dma_start3A = arith.constant 0 : i32
    %dma_start3A_1 = arith.constant 0 : i32
    %dma_start3A_2 = tpu.memref_slice %arg3[%add3A, %dma_start3A, %dma_start3A_1] : memref<32x125x80xi32, #tpu.memory_space<hbm>> -> memref<1x1x80xi32, #tpu.memory_space<hbm>>
    %dma_start3A_3 = tpu.memref_squeeze %dma_start3A_2 : memref<1x1x80xi32, #tpu.memory_space<hbm>> -> memref<80xi32, #tpu.memory_space<hbm>>
    %dma_start3A_4 = arith.constant 0 : i32
    %dma_start3A_5 = tpu.memref_slice %arg3[%add3A, %dma_start3A, %dma_start3A_4] : memref<32x125x80xi32, #tpu.memory_space<hbm>> -> memref<1x1x80xi32, #tpu.memory_space<hbm>>
    %dma_start3A_6 = tpu.memref_squeeze %dma_start3A_5 : memref<1x1x80xi32, #tpu.memory_space<hbm>> -> memref<80xi32, #tpu.memory_space<hbm>>
    tpu.enqueue_dma source(%dma_start3A_6 : memref<80xi32, #tpu.memory_space<hbm>>) target(%arg16 : memref<80xi32, #tpu.memory_space<vmem>>) target_semaphore(%arg32 : memref<!tpu.dma_semaphore, #tpu.memory_space<semaphore_mem>>)
    %dma_start3A_7 = arith.constant 0 : i32
    %dma_start3A_8 = arith.constant 0 : i32
    %dma_start3A_9 = tpu.memref_slice %arg4[%add3A, %dma_start3A_7, %dma_start3A_8] : memref<32x125x80xi32, #tpu.memory_space<hbm>> -> memref<1x1x80xi32, #tpu.memory_space<hbm>>
    %dma_start3A_10 = tpu.memref_squeeze %dma_start3A_9 : memref<1x1x80xi32, #tpu.memory_space<hbm>> -> memref<80xi32, #tpu.memory_space<hbm>>
    %dma_start3A_11 = arith.constant 0 : i32
    %dma_start3A_12 = tpu.memref_slice %arg4[%add3A, %dma_start3A_7, %dma_start3A_11] : memref<32x125x80xi32, #tpu.memory_space<hbm>> -> memref<1x1x80xi32, #tpu.memory_space<hbm>>
    %dma_start3A_13 = tpu.memref_squeeze %dma_start3A_12 : memref<1x1x80xi32, #tpu.memory_space<hbm>> -> memref<80xi32, #tpu.memory_space<hbm>>
    tpu.enqueue_dma source(%dma_start3A_13 : memref<80xi32, #tpu.memory_space<hbm>>) target(%arg24 : memref<80xi32, #tpu.memory_space<vmem>>) target_semaphore(%arg40 : memref<!tpu.dma_semaphore, #tpu.memory_space<semaphore_mem>>)
    %dma_start3A_14 = arith.constant 1 : i32
    %dma_start3A_15 = arith.constant 0 : i32
    %dma_start3A_16 = tpu.memref_slice %arg3[%add3A, %dma_start3A_14, %dma_start3A_15] : memref<32x125x80xi32, #tpu.memory_space<hbm>> -> memref<1x1x80xi32, #tpu.memory_space<hbm>>
    %dma_start3A_17 = tpu.memref_squeeze %dma_start3A_16 : memref<1x1x80xi32, #tpu.memory_space<hbm>> -> memref<80xi32, #tpu.memory_space<hbm>>
    %dma_start3A_18 = arith.constant 0 : i32
    %dma_start3A_19 = tpu.memref_slice %arg3[%add3A, %dma_start3A_14, %dma_start3A_18] : memref<32x125x80xi32, #tpu.memory_space<hbm>> -> memref<1x1x80xi32, #tpu.memory_space<hbm>>
    %dma_start3A_20 = tpu.memref_squeeze %dma_start3A_19 : memref<1x1x80xi32, #tpu.memory_space<hbm>> -> memref<80xi32, #tpu.memory_space<hbm>>
    tpu.enqueue_dma source(%dma_start3A_20 : memref<80xi32, #tpu.memory_space<hbm>>) target(%arg18 : memref<80xi32, #tpu.memory_space<vmem>>) target_semaphore(%arg34 : memref<!tpu.dma_semaphore, #tpu.memory_space<semaphore_mem>>)
    %dma_start3A_21 = arith.constant 1 : i32
    %dma_start3A_22 = arith.constant 0 : i32
    %dma_start3A_23 = tpu.memref_slice %arg4[%add3A, %dma_start3A_21, %dma_start3A_22] : memref<32x125x80xi32, #tpu.memory_space<hbm>> -> memref<1x1x80xi32, #tpu.memory_space<hbm>>
    %dma_start3A_24 = tpu.memref_squeeze %dma_start3A_23 : memref<1x1x80xi32, #tpu.memory_space<hbm>> -> memref<80xi32, #tpu.memory_space<hbm>>
    %dma_start3A_25 = arith.constant 0 : i32
    %dma_start3A_26 = tpu.memref_slice %arg4[%add3A, %dma_start3A_21, %dma_start3A_25] : memref<32x125x80xi32, #tpu.memory_space<hbm>> -> memref<1x1x80xi32, #tpu.memory_space<hbm>>
    %dma_start3A_27 = tpu.memref_squeeze %dma_start3A_26 : memref<1x1x80xi32, #tpu.memory_space<hbm>> -> memref<80xi32, #tpu.memory_space<hbm>>
    tpu.enqueue_dma source(%dma_start3A_27 : memref<80xi32, #tpu.memory_space<hbm>>) target(%arg26 : memref<80xi32, #tpu.memory_space<vmem>>) target_semaphore(%arg42 : memref<!tpu.dma_semaphore, #tpu.memory_space<semaphore_mem>>)
    %dma_start3A_28 = arith.constant 2 : i32
    %dma_start3A_29 = arith.constant 0 : i32
    %dma_start3A_30 = tpu.memref_slice %arg3[%add3A, %dma_start3A_28, %dma_start3A_29] : memref<32x125x80xi32, #tpu.memory_space<hbm>> -> memref<1x1x80xi32, #tpu.memory_space<hbm>>
    %dma_start3A_31 = tpu.memref_squeeze %dma_start3A_30 : memref<1x1x80xi32, #tpu.memory_space<hbm>> -> memref<80xi32, #tpu.memory_space<hbm>>
    %dma_start3A_32 = arith.constant 0 : i32
    %dma_start3A_33 = tpu.memref_slice %arg3[%add3A, %dma_start3A_28, %dma_start3A_32] : memref<32x125x80xi32, #tpu.memory_space<hbm>> -> memref<1x1x80xi32, #tpu.memory_space<hbm>>
    %dma_start3A_34 = tpu.memref_squeeze %dma_start3A_33 : memref<1x1x80xi32, #tpu.memory_space<hbm>> -> memref<80xi32, #tpu.memory_space<hbm>>
    tpu.enqueue_dma source(%dma_start3A_34 : memref<80xi32, #tpu.memory_space<hbm>>) target(%arg20 : memref<80xi32, #tpu.memory_space<vmem>>) target_semaphore(%arg36 : memref<!tpu.dma_semaphore, #tpu.memory_space<semaphore_mem>>)
    %dma_start3A_35 = arith.constant 2 : i32
    %dma_start3A_36 = arith.constant 0 : i32
    %dma_start3A_37 = tpu.memref_slice %arg4[%add3A, %dma_start3A_35, %dma_start3A_36] : memref<32x125x80xi32, #tpu.memory_space<hbm>> -> memref<1x1x80xi32, #tpu.memory_space<hbm>>
    %dma_start3A_38 = tpu.memref_squeeze %dma_start3A_37 : memref<1x1x80xi32, #tpu.memory_space<hbm>> -> memref<80xi32, #tpu.memory_space<hbm>>
    %dma_start3A_39 = arith.constant 0 : i32
    %dma_start3A_40 = tpu.memref_slice %arg4[%add3A, %dma_start3A_35, %dma_start3A_39] : memref<32x125x80xi32, #tpu.memory_space<hbm>> -> memref<1x1x80xi32, #tpu.memory_space<hbm>>
    %dma_start3A_41 = tpu.memref_squeeze %dma_start3A_40 : memref<1x1x80xi32, #tpu.memory_space<hbm>> -> memref<80xi32, #tpu.memory_space<hbm>>
    tpu.enqueue_dma source(%dma_start3A_41 : memref<80xi32, #tpu.memory_space<hbm>>) target(%arg28 : memref<80xi32, #tpu.memory_space<vmem>>) target_semaphore(%arg44 : memref<!tpu.dma_semaphore, #tpu.memory_space<semaphore_mem>>)
    %dma_start3A_42 = arith.constant 3 : i32
    %dma_start3A_43 = arith.constant 0 : i32
    %dma_start3A_44 = tpu.memref_slice %arg3[%add3A, %dma_start3A_42, %dma_start3A_43] : memref<32x125x80xi32, #tpu.memory_space<hbm>> -> memref<1x1x80xi32, #tpu.memory_space<hbm>>
    %dma_start3A_45 = tpu.memref_squeeze %dma_start3A_44 : memref<1x1x80xi32, #tpu.memory_space<hbm>> -> memref<80xi32, #tpu.memory_space<hbm>>
    %dma_start3A_46 = arith.constant 0 : i32
    %dma_start3A_47 = tpu.memref_slice %arg3[%add3A, %dma_start3A_42, %dma_start3A_46] : memref<32x125x80xi32, #tpu.memory_space<hbm>> -> memref<1x1x80xi32, #tpu.memory_space<hbm>>
    %dma_start3A_48 = tpu.memref_squeeze %dma_start3A_47 : memref<1x1x80xi32, #tpu.memory_space<hbm>> -> memref<80xi32, #tpu.memory_space<hbm>>
    tpu.enqueue_dma source(%dma_start3A_48 : memref<80xi32, #tpu.memory_space<hbm>>) target(%arg22 : memref<80xi32, #tpu.memory_space<vmem>>) target_semaphore(%arg38 : memref<!tpu.dma_semaphore, #tpu.memory_space<semaphore_mem>>)
    %dma_start3A_49 = arith.constant 3 : i32
    %dma_start3A_50 = arith.constant 0 : i32
    %dma_start3A_51 = tpu.memref_slice %arg4[%add3A, %dma_start3A_49, %dma_start3A_50] : memref<32x125x80xi32, #tpu.memory_space<hbm>> -> memref<1x1x80xi32, #tpu.memory_space<hbm>>
    %dma_start3A_52 = tpu.memref_squeeze %dma_start3A_51 : memref<1x1x80xi32, #tpu.memory_space<hbm>> -> memref<80xi32, #tpu.memory_space<hbm>>
    %dma_start3A_53 = arith.constant 0 : i32
    %dma_start3A_54 = tpu.memref_slice %arg4[%add3A, %dma_start3A_49, %dma_start3A_53] : memref<32x125x80xi32, #tpu.memory_space<hbm>> -> memref<1x1x80xi32, #tpu.memory_space<hbm>>
    %dma_start3A_55 = tpu.memref_squeeze %dma_start3A_54 : memref<1x1x80xi32, #tpu.memory_space<hbm>> -> memref<80xi32, #tpu.memory_space<hbm>>
    tpu.enqueue_dma source(%dma_start3A_55 : memref<80xi32, #tpu.memory_space<hbm>>) target(%arg30 : memref<80xi32, #tpu.memory_space<vmem>>) target_semaphore(%arg46 : memref<!tpu.dma_semaphore, #tpu.memory_space<semaphore_mem>>)
    %dma_start3A_56 = arith.constant 4 : i32
    %dma_start3A_57 = arith.constant 0 : i32
    %dma_start3A_58 = tpu.memref_slice %arg3[%add3A, %dma_start3A_56, %dma_start3A_57] : memref<32x125x80xi32, #tpu.memory_space<hbm>> -> memref<1x1x80xi32, #tpu.memory_space<hbm>>
    %dma_start3A_59 = tpu.memref_squeeze %dma_start3A_58 : memref<1x1x80xi32, #tpu.memory_space<hbm>> -> memref<80xi32, #tpu.memory_space<hbm>>
    %dma_start3A_60 = arith.constant 0 : i32
    %dma_start3A_61 = tpu.memref_slice %arg3[%add3A, %dma_start3A_56, %dma_start3A_60] : memref<32x125x80xi32, #tpu.memory_space<hbm>> -> memref<1x1x80xi32, #tpu.memory_space<hbm>>
    %dma_start3A_62 = tpu.memref_squeeze %dma_start3A_61 : memref<1x1x80xi32, #tpu.memory_space<hbm>> -> memref<80xi32, #tpu.memory_space<hbm>>
    tpu.enqueue_dma source(%dma_start3A_62 : memref<80xi32, #tpu.memory_space<hbm>>) target(%arg17 : memref<80xi32, #tpu.memory_space<vmem>>) target_semaphore(%arg33 : memref<!tpu.dma_semaphore, #tpu.memory_space<semaphore_mem>>)
    %dma_start3A_63 = arith.constant 4 : i32
    %dma_start3A_64 = arith.constant 0 : i32
    %dma_start3A_65 = tpu.memref_slice %arg4[%add3A, %dma_start3A_63, %dma_start3A_64] : memref<32x125x80xi32, #tpu.memory_space<hbm>> -> memref<1x1x80xi32, #tpu.memory_space<hbm>>
    %dma_start3A_66 = tpu.memref_squeeze %dma_start3A_65 : memref<1x1x80xi32, #tpu.memory_space<hbm>> -> memref<80xi32, #tpu.memory_space<hbm>>
    %dma_start3A_67 = arith.constant 0 : i32
    %dma_start3A_68 = tpu.memref_slice %arg4[%add3A, %dma_start3A_63, %dma_start3A_67] : memref<32x125x80xi32, #tpu.memory_space<hbm>> -> memref<1x1x80xi32, #tpu.memory_space<hbm>>
    %dma_start3A_69 = tpu.memref_squeeze %dma_start3A_68 : memref<1x1x80xi32, #tpu.memory_space<hbm>> -> memref<80xi32, #tpu.memory_space<hbm>>
    tpu.enqueue_dma source(%dma_start3A_69 : memref<80xi32, #tpu.memory_space<hbm>>) target(%arg25 : memref<80xi32, #tpu.memory_space<vmem>>) target_semaphore(%arg41 : memref<!tpu.dma_semaphore, #tpu.memory_space<semaphore_mem>>)
    %dma_start3A_70 = arith.constant 5 : i32
    %dma_start3A_71 = arith.constant 0 : i32
    %dma_start3A_72 = tpu.memref_slice %arg3[%add3A, %dma_start3A_70, %dma_start3A_71] : memref<32x125x80xi32, #tpu.memory_space<hbm>> -> memref<1x1x80xi32, #tpu.memory_space<hbm>>
    %dma_start3A_73 = tpu.memref_squeeze %dma_start3A_72 : memref<1x1x80xi32, #tpu.memory_space<hbm>> -> memref<80xi32, #tpu.memory_space<hbm>>
    %dma_start3A_74 = arith.constant 0 : i32
    %dma_start3A_75 = tpu.memref_slice %arg3[%add3A, %dma_start3A_70, %dma_start3A_74] : memref<32x125x80xi32, #tpu.memory_space<hbm>> -> memref<1x1x80xi32, #tpu.memory_space<hbm>>
    %dma_start3A_76 = tpu.memref_squeeze %dma_start3A_75 : memref<1x1x80xi32, #tpu.memory_space<hbm>> -> memref<80xi32, #tpu.memory_space<hbm>>
    tpu.enqueue_dma source(%dma_start3A_76 : memref<80xi32, #tpu.memory_space<hbm>>) target(%arg19 : memref<80xi32, #tpu.memory_space<vmem>>) target_semaphore(%arg35 : memref<!tpu.dma_semaphore, #tpu.memory_space<semaphore_mem>>)
    %dma_start3A_77 = arith.constant 5 : i32
    %dma_start3A_78 = arith.constant 0 : i32
    %dma_start3A_79 = tpu.memref_slice %arg4[%add3A, %dma_start3A_77, %dma_start3A_78] : memref<32x125x80xi32, #tpu.memory_space<hbm>> -> memref<1x1x80xi32, #tpu.memory_space<hbm>>
    %dma_start3A_80 = tpu.memref_squeeze %dma_start3A_79 : memref<1x1x80xi32, #tpu.memory_space<hbm>> -> memref<80xi32, #tpu.memory_space<hbm>>
    %dma_start3A_81 = arith.constant 0 : i32
    %dma_start3A_82 = tpu.memref_slice %arg4[%add3A, %dma_start3A_77, %dma_start3A_81] : memref<32x125x80xi32, #tpu.memory_space<hbm>> -> memref<1x1x80xi32, #tpu.memory_space<hbm>>
    %dma_start3A_83 = tpu.memref_squeeze %dma_start3A_82 : memref<1x1x80xi32, #tpu.memory_space<hbm>> -> memref<80xi32, #tpu.memory_space<hbm>>
    tpu.enqueue_dma source(%dma_start3A_83 : memref<80xi32, #tpu.memory_space<hbm>>) target(%arg27 : memref<80xi32, #tpu.memory_space<vmem>>) target_semaphore(%arg43 : memref<!tpu.dma_semaphore, #tpu.memory_space<semaphore_mem>>)
    %dma_start3A_84 = arith.constant 6 : i32
    %dma_start3A_85 = arith.constant 0 : i32
    %dma_start3A_86 = tpu.memref_slice %arg3[%add3A, %dma_start3A_84, %dma_start3A_85] : memref<32x125x80xi32, #tpu.memory_space<hbm>> -> memref<1x1x80xi32, #tpu.memory_space<hbm>>
    %dma_start3A_87 = tpu.memref_squeeze %dma_start3A_86 : memref<1x1x80xi32, #tpu.memory_space<hbm>> -> memref<80xi32, #tpu.memory_space<hbm>>
    %dma_start3A_88 = arith.constant 0 : i32
    %dma_start3A_89 = tpu.memref_slice %arg3[%add3A, %dma_start3A_84, %dma_start3A_88] : memref<32x125x80xi32, #tpu.memory_space<hbm>> -> memref<1x1x80xi32, #tpu.memory_space<hbm>>
    %dma_start3A_90 = tpu.memref_squeeze %dma_start3A_89 : memref<1x1x80xi32, #tpu.memory_space<hbm>> -> memref<80xi32, #tpu.memory_space<hbm>>
    tpu.enqueue_dma source(%dma_start3A_90 : memref<80xi32, #tpu.memory_space<hbm>>) target(%arg21 : memref<80xi32, #tpu.memory_space<vmem>>) target_semaphore(%arg37 : memref<!tpu.dma_semaphore, #tpu.memory_space<semaphore_mem>>)
    %dma_start3A_91 = arith.constant 6 : i32
    %dma_start3A_92 = arith.constant 0 : i32
    %dma_start3A_93 = tpu.memref_slice %arg4[%add3A, %dma_start3A_91, %dma_start3A_92] : memref<32x125x80xi32, #tpu.memory_space<hbm>> -> memref<1x1x80xi32, #tpu.memory_space<hbm>>
    %dma_start3A_94 = tpu.memref_squeeze %dma_start3A_93 : memref<1x1x80xi32, #tpu.memory_space<hbm>> -> memref<80xi32, #tpu.memory_space<hbm>>
    %dma_start3A_95 = arith.constant 0 : i32
    %dma_start3A_96 = tpu.memref_slice %arg4[%add3A, %dma_start3A_91, %dma_start3A_95] : memref<32x125x80xi32, #tpu.memory_space<hbm>> -> memref<1x1x80xi32, #tpu.memory_space<hbm>>
    %dma_start3A_97 = tpu.memref_squeeze %dma_start3A_96 : memref<1x1x80xi32, #tpu.memory_space<hbm>> -> memref<80xi32, #tpu.memory_space<hbm>>
    tpu.enqueue_dma source(%dma_start3A_97 : memref<80xi32, #tpu.memory_space<hbm>>) target(%arg29 : memref<80xi32, #tpu.memory_space<vmem>>) target_semaphore(%arg45 : memref<!tpu.dma_semaphore, #tpu.memory_space<semaphore_mem>>)
    %dma_start3A_98 = arith.constant 7 : i32
    %dma_start3A_99 = arith.constant 0 : i32
    %dma_start3A_100 = tpu.memref_slice %arg3[%add3A, %dma_start3A_98, %dma_start3A_99] : memref<32x125x80xi32, #tpu.memory_space<hbm>> -> memref<1x1x80xi32, #tpu.memory_space<hbm>>
    %dma_start3A_101 = tpu.memref_squeeze %dma_start3A_100 : memref<1x1x80xi32, #tpu.memory_space<hbm>> -> memref<80xi32, #tpu.memory_space<hbm>>
    %dma_start3A_102 = arith.constant 0 : i32
    %dma_start3A_103 = tpu.memref_slice %arg3[%add3A, %dma_start3A_98, %dma_start3A_102] : memref<32x125x80xi32, #tpu.memory_space<hbm>> -> memref<1x1x80xi32, #tpu.memory_space<hbm>>
    %dma_start3A_104 = tpu.memref_squeeze %dma_start3A_103 : memref<1x1x80xi32, #tpu.memory_space<hbm>> -> memref<80xi32, #tpu.memory_space<hbm>>
    tpu.enqueue_dma source(%dma_start3A_104 : memref<80xi32, #tpu.memory_space<hbm>>) target(%arg23 : memref<80xi32, #tpu.memory_space<vmem>>) target_semaphore(%arg39 : memref<!tpu.dma_semaphore, #tpu.memory_space<semaphore_mem>>)
    %dma_start3A_105 = arith.constant 7 : i32
    %dma_start3A_106 = arith.constant 0 : i32
    %dma_start3A_107 = tpu.memref_slice %arg4[%add3A, %dma_start3A_105, %dma_start3A_106] : memref<32x125x80xi32, #tpu.memory_space<hbm>> -> memref<1x1x80xi32, #tpu.memory_space<hbm>>
    %dma_start3A_108 = tpu.memref_squeeze %dma_start3A_107 : memref<1x1x80xi32, #tpu.memory_space<hbm>> -> memref<80xi32, #tpu.memory_space<hbm>>
    %dma_start3A_109 = arith.constant 0 : i32
    %dma_start3A_110 = tpu.memref_slice %arg4[%add3A, %dma_start3A_105, %dma_start3A_109] : memref<32x125x80xi32, #tpu.memory_space<hbm>> -> memref<1x1x80xi32, #tpu.memory_space<hbm>>
    %dma_start3A_111 = tpu.memref_squeeze %dma_start3A_110 : memref<1x1x80xi32, #tpu.memory_space<hbm>> -> memref<80xi32, #tpu.memory_space<hbm>>
    tpu.enqueue_dma source(%dma_start3A_111 : memref<80xi32, #tpu.memory_space<hbm>>) target(%arg31 : memref<80xi32, #tpu.memory_space<vmem>>) target_semaphore(%arg47 : memref<!tpu.dma_semaphore, #tpu.memory_space<semaphore_mem>>)
    %dma_wait3A = arith.constant 0 : i32
    %dma_wait3A_112 = arith.constant 0 : i32
    %dma_wait3A_113 = tpu.memref_slice %arg3[%add3A, %dma_wait3A, %dma_wait3A_112] : memref<32x125x80xi32, #tpu.memory_space<hbm>> -> memref<1x1x80xi32, #tpu.memory_space<hbm>>
    %dma_wait3A_114 = tpu.memref_squeeze %dma_wait3A_113 : memref<1x1x80xi32, #tpu.memory_space<hbm>> -> memref<80xi32, #tpu.memory_space<hbm>>
    %dma_wait3A_115 = arith.constant 0 : i32
    %dma_wait3A_116 = tpu.memref_slice %arg3[%add3A, %dma_wait3A, %dma_wait3A_115] : memref<32x125x80xi32, #tpu.memory_space<hbm>> -> memref<1x1x80xi32, #tpu.memory_space<hbm>>
    %dma_wait3A_117 = tpu.memref_squeeze %dma_wait3A_116 : memref<1x1x80xi32, #tpu.memory_space<hbm>> -> memref<80xi32, #tpu.memory_space<hbm>>
    tpu.wait_dma2 semaphore(%arg32 : memref<!tpu.dma_semaphore, #tpu.memory_space<semaphore_mem>>) src(%dma_wait3A_117 : memref<80xi32, #tpu.memory_space<hbm>>) dst(%arg16 : memref<80xi32, #tpu.memory_space<vmem>>)
    %dma_start3A_118 = arith.constant 0 : i32
    %dma_start3A_119 = arith.constant 0 : i32
    %dma_start3A_120 = tpu.memref_slice %arg2[%dma_start3A_118, %dma_start3A_119] : memref<10000x128xf32, #tpu.memory_space<hbm>> -> memref<10000x128xf32, #tpu.memory_space<hbm>>
    tpu.enqueue_indirect_dma source(%dma_start3A_120 : memref<10000x128xf32, #tpu.memory_space<hbm>>) target(%arg8 : memref<80x128xf32, #tpu.memory_space<vmem>>) offsets(%arg16 : memref<80xi32, #tpu.memory_space<vmem>>) semaphore(%arg12 : memref<!tpu.dma_semaphore, #tpu.memory_space<semaphore_mem>>)
    %dma_wait3A_121 = arith.constant 0 : i32
    %dma_wait3A_122 = arith.constant 0 : i32
    %dma_wait3A_123 = tpu.memref_slice %arg3[%add3A, %dma_wait3A_121, %dma_wait3A_122] : memref<32x125x80xi32, #tpu.memory_space<hbm>> -> memref<1x1x80xi32, #tpu.memory_space<hbm>>
    %dma_wait3A_124 = tpu.memref_squeeze %dma_wait3A_123 : memref<1x1x80xi32, #tpu.memory_space<hbm>> -> memref<80xi32, #tpu.memory_space<hbm>>
    %dma_wait3A_125 = arith.constant 0 : i32
    %dma_wait3A_126 = tpu.memref_slice %arg3[%add3A, %dma_wait3A_121, %dma_wait3A_125] : memref<32x125x80xi32, #tpu.memory_space<hbm>> -> memref<1x1x80xi32, #tpu.memory_space<hbm>>
    %dma_wait3A_127 = tpu.memref_squeeze %dma_wait3A_126 : memref<1x1x80xi32, #tpu.memory_space<hbm>> -> memref<80xi32, #tpu.memory_space<hbm>>
    tpu.wait_dma2 semaphore(%arg34 : memref<!tpu.dma_semaphore, #tpu.memory_space<semaphore_mem>>) src(%dma_wait3A_127 : memref<80xi32, #tpu.memory_space<hbm>>) dst(%arg18 : memref<80xi32, #tpu.memory_space<vmem>>)
    %dma_start3A_128 = arith.constant 0 : i32
    %dma_start3A_129 = arith.constant 0 : i32
    %dma_start3A_130 = tpu.memref_slice %arg2[%dma_start3A_128, %dma_start3A_129] : memref<10000x128xf32, #tpu.memory_space<hbm>> -> memref<10000x128xf32, #tpu.memory_space<hbm>>
    tpu.enqueue_indirect_dma source(%dma_start3A_130 : memref<10000x128xf32, #tpu.memory_space<hbm>>) target(%arg9 : memref<80x128xf32, #tpu.memory_space<vmem>>) offsets(%arg18 : memref<80xi32, #tpu.memory_space<vmem>>) semaphore(%arg13 : memref<!tpu.dma_semaphore, #tpu.memory_space<semaphore_mem>>)
    %dma_wait3A_131 = arith.constant 0 : i32
    %dma_wait3A_132 = arith.constant 0 : i32
    %dma_wait3A_133 = tpu.memref_slice %arg3[%add3A, %dma_wait3A_131, %dma_wait3A_132] : memref<32x125x80xi32, #tpu.memory_space<hbm>> -> memref<1x1x80xi32, #tpu.memory_space<hbm>>
    %dma_wait3A_134 = tpu.memref_squeeze %dma_wait3A_133 : memref<1x1x80xi32, #tpu.memory_space<hbm>> -> memref<80xi32, #tpu.memory_space<hbm>>
    %dma_wait3A_135 = arith.constant 0 : i32
    %dma_wait3A_136 = tpu.memref_slice %arg3[%add3A, %dma_wait3A_131, %dma_wait3A_135] : memref<32x125x80xi32, #tpu.memory_space<hbm>> -> memref<1x1x80xi32, #tpu.memory_space<hbm>>
    %dma_wait3A_137 = tpu.memref_squeeze %dma_wait3A_136 : memref<1x1x80xi32, #tpu.memory_space<hbm>> -> memref<80xi32, #tpu.memory_space<hbm>>
    tpu.wait_dma2 semaphore(%arg36 : memref<!tpu.dma_semaphore, #tpu.memory_space<semaphore_mem>>) src(%dma_wait3A_137 : memref<80xi32, #tpu.memory_space<hbm>>) dst(%arg20 : memref<80xi32, #tpu.memory_space<vmem>>)
    %dma_start3A_138 = arith.constant 0 : i32
    %dma_start3A_139 = arith.constant 0 : i32
    %dma_start3A_140 = tpu.memref_slice %arg2[%dma_start3A_138, %dma_start3A_139] : memref<10000x128xf32, #tpu.memory_space<hbm>> -> memref<10000x128xf32, #tpu.memory_space<hbm>>
    tpu.enqueue_indirect_dma source(%dma_start3A_140 : memref<10000x128xf32, #tpu.memory_space<hbm>>) target(%arg10 : memref<80x128xf32, #tpu.memory_space<vmem>>) offsets(%arg20 : memref<80xi32, #tpu.memory_space<vmem>>) semaphore(%arg14 : memref<!tpu.dma_semaphore, #tpu.memory_space<semaphore_mem>>)
    %dma_wait3A_141 = arith.constant 0 : i32
    %dma_wait3A_142 = arith.constant 0 : i32
    %dma_wait3A_143 = tpu.memref_slice %arg3[%add3A, %dma_wait3A_141, %dma_wait3A_142] : memref<32x125x80xi32, #tpu.memory_space<hbm>> -> memref<1x1x80xi32, #tpu.memory_space<hbm>>
    %dma_wait3A_144 = tpu.memref_squeeze %dma_wait3A_143 : memref<1x1x80xi32, #tpu.memory_space<hbm>> -> memref<80xi32, #tpu.memory_space<hbm>>
    %dma_wait3A_145 = arith.constant 0 : i32
    %dma_wait3A_146 = tpu.memref_slice %arg3[%add3A, %dma_wait3A_141, %dma_wait3A_145] : memref<32x125x80xi32, #tpu.memory_space<hbm>> -> memref<1x1x80xi32, #tpu.memory_space<hbm>>
    %dma_wait3A_147 = tpu.memref_squeeze %dma_wait3A_146 : memref<1x1x80xi32, #tpu.memory_space<hbm>> -> memref<80xi32, #tpu.memory_space<hbm>>
    tpu.wait_dma2 semaphore(%arg38 : memref<!tpu.dma_semaphore, #tpu.memory_space<semaphore_mem>>) src(%dma_wait3A_147 : memref<80xi32, #tpu.memory_space<hbm>>) dst(%arg22 : memref<80xi32, #tpu.memory_space<vmem>>)
    %dma_start3A_148 = arith.constant 0 : i32
    %dma_start3A_149 = arith.constant 0 : i32
    %dma_start3A_150 = tpu.memref_slice %arg2[%dma_start3A_148, %dma_start3A_149] : memref<10000x128xf32, #tpu.memory_space<hbm>> -> memref<10000x128xf32, #tpu.memory_space<hbm>>
    tpu.enqueue_indirect_dma source(%dma_start3A_150 : memref<10000x128xf32, #tpu.memory_space<hbm>>) target(%arg11 : memref<80x128xf32, #tpu.memory_space<vmem>>) offsets(%arg22 : memref<80xi32, #tpu.memory_space<vmem>>) semaphore(%arg15 : memref<!tpu.dma_semaphore, #tpu.memory_space<semaphore_mem>>)
    %mul3A_151 = arith.constant 632 : i32
    %mul3A_152 = arith.muli %arg1, %mul3A_151 : i32
    "tpu.region"() ({
      %run_scoped3A = tpu.sem_alloc : memref<!tpu.dma_semaphore, #tpu.memory_space<semaphore_mem>>
      %dma_start3A_162 = arith.constant 0 : i32
      %dma_start3A_163 = tpu.memref_slice %arg7[%mul3A_152, %dma_start3A_162] : memref<10112x128xf32, #tpu.memory_space<vmem_shared>> -> memref<632x128xf32, #tpu.memory_space<vmem_shared>>
      tpu.enqueue_dma source(%arg5 : memref<632x128xf32, #tpu.memory_space<hbm>>) target(%dma_start3A_163 : memref<632x128xf32, #tpu.memory_space<vmem_shared>>) target_semaphore(%run_scoped3A : memref<!tpu.dma_semaphore, #tpu.memory_space<semaphore_mem>>)
      %dma_wait3A_164 = arith.constant 0 : i32
      %dma_wait3A_165 = tpu.memref_slice %arg7[%mul3A_152, %dma_wait3A_164] : memref<10112x128xf32, #tpu.memory_space<vmem_shared>> -> memref<632x128xf32, #tpu.memory_space<vmem_shared>>
      tpu.wait_dma2 semaphore(%run_scoped3A : memref<!tpu.dma_semaphore, #tpu.memory_space<semaphore_mem>>) src(%arg5 : memref<632x128xf32, #tpu.memory_space<hbm>>) dst(%dma_wait3A_165 : memref<632x128xf32, #tpu.memory_space<vmem_shared>>)
      tpu.yield
    }) : () -> ()
    %barrier3A = arith.constant 0 : index
    tpu.barrier barrier_id(%barrier3A)
    %scan3A = arith.constant 0 : i32
    %scan3A_153 = arith.constant 16 : i32
    %scan3A_154 = arith.addi %scan3A, %scan3A_153 : i32
    %scan3A_155 = arith.constant 1 : i32
    scf.for %scan3A_162 = %scan3A to %scan3A_154 step %scan3A_155  : i32 {
      %mul3A_163 = arith.constant 8 : i32
      %mul3A_164 = arith.muli %scan3A_162, %mul3A_163 : i32
      %add3A_165 = arith.constant 0 : i32
      %add3A_166 = arith.addi %add3A_165, %mul3A_164 : i32
      %add3A_167 = arith.constant 0 : i32
      %add3A_168 = arith.addi %add3A_166, %add3A_167 : i32
      %lt3A = arith.constant 125 : i32
      %lt3A_169 = arith.cmpi slt, %add3A_168, %lt3A : i32
      %convert_element_type3A = arith.extui %lt3A_169 : i1 to i32
      %cond3A = arith.constant 0 : i32
      %cond3A_170 = arith.cmpi ne, %convert_element_type3A, %cond3A : i32
      scf.if %cond3A_170 {
        %dma_wait3A_332 = arith.constant 0 : i32
        %dma_wait3A_333 = arith.constant 0 : i32
        %dma_wait3A_334 = tpu.memref_slice %arg2[%dma_wait3A_332, %dma_wait3A_333] : memref<10000x128xf32, #tpu.memory_space<hbm>> -> memref<10000x128xf32, #tpu.memory_space<hbm>>
        tpu.wait_indirect_dma semaphore(%arg12 : memref<!tpu.dma_semaphore, #tpu.memory_space<semaphore_mem>>) src(%dma_wait3A_334 : memref<10000x128xf32, #tpu.memory_space<hbm>>) dst(%arg8 : memref<80x128xf32, #tpu.memory_space<vmem>>)
        %dma_wait3A_335 = arith.constant 0 : i32
        %dma_wait3A_336 = arith.constant 0 : i32
        %dma_wait3A_337 = tpu.memref_slice %arg4[%add3A, %dma_wait3A_335, %dma_wait3A_336] : memref<32x125x80xi32, #tpu.memory_space<hbm>> -> memref<1x1x80xi32, #tpu.memory_space<hbm>>
        %dma_wait3A_338 = tpu.memref_squeeze %dma_wait3A_337 : memref<1x1x80xi32, #tpu.memory_space<hbm>> -> memref<80xi32, #tpu.memory_space<hbm>>
        %dma_wait3A_339 = arith.constant 0 : i32
        %dma_wait3A_340 = tpu.memref_slice %arg4[%add3A, %dma_wait3A_335, %dma_wait3A_339] : memref<32x125x80xi32, #tpu.memory_space<hbm>> -> memref<1x1x80xi32, #tpu.memory_space<hbm>>
        %dma_wait3A_341 = tpu.memref_squeeze %dma_wait3A_340 : memref<1x1x80xi32, #tpu.memory_space<hbm>> -> memref<80xi32, #tpu.memory_space<hbm>>
        tpu.wait_dma2 semaphore(%arg40 : memref<!tpu.dma_semaphore, #tpu.memory_space<semaphore_mem>>) src(%dma_wait3A_341 : memref<80xi32, #tpu.memory_space<hbm>>) dst(%arg24 : memref<80xi32, #tpu.memory_space<vmem>>)
        "tpu.region"() ({
          %run_scoped3A = tpu.sem_alloc : memref<!tpu.dma_semaphore, #tpu.memory_space<semaphore_mem>>
          %dma_start3A_342 = arith.constant 0 : i32
          %dma_start3A_343 = arith.constant 0 : i32
          %dma_start3A_344 = tpu.memref_slice %arg7[%dma_start3A_342, %dma_start3A_343] : memref<10112x128xf32, #tpu.memory_space<vmem_shared>> -> memref<10112x128xf32, #tpu.memory_space<vmem_shared>>
          tpu.enqueue_indirect_dma source(%arg8 : memref<80x128xf32, #tpu.memory_space<vmem>>) target(%dma_start3A_344 : memref<10112x128xf32, #tpu.memory_space<vmem_shared>>) offsets(%arg24 : memref<80xi32, #tpu.memory_space<vmem>>) semaphore(%run_scoped3A : memref<!tpu.dma_semaphore, #tpu.memory_space<semaphore_mem>>) {add = true}
          %dma_wait3A_345 = arith.constant 0 : i32
          %dma_wait3A_346 = arith.constant 0 : i32
          %dma_wait3A_347 = tpu.memref_slice %arg7[%dma_wait3A_345, %dma_wait3A_346] : memref<10112x128xf32, #tpu.memory_space<vmem_shared>> -> memref<10112x128xf32, #tpu.memory_space<vmem_shared>>
          tpu.wait_indirect_dma semaphore(%run_scoped3A : memref<!tpu.dma_semaphore, #tpu.memory_space<semaphore_mem>>) src(%arg8 : memref<80x128xf32, #tpu.memory_space<vmem>>) dst(%dma_wait3A_347 : memref<10112x128xf32, #tpu.memory_space<vmem_shared>>)
          tpu.yield
        }) : () -> ()
      } else {
      }
      %add3A_171 = arith.constant 8 : i32
      %add3A_172 = arith.addi %add3A_168, %add3A_171 : i32
      %lt3A_173 = arith.constant 125 : i32
      %lt3A_174 = arith.cmpi slt, %add3A_172, %lt3A_173 : i32
      %convert_element_type3A_175 = arith.extui %lt3A_174 : i1 to i32
      %cond3A_176 = arith.constant 0 : i32
      %cond3A_177 = arith.cmpi ne, %convert_element_type3A_175, %cond3A_176 : i32
      scf.if %cond3A_177 {
        %add3A_332 = arith.constant 8 : i32
        %add3A_333 = arith.addi %add3A_168, %add3A_332 : i32
        %dma_start3A_334 = arith.constant 0 : i32
        %dma_start3A_335 = tpu.memref_slice %arg3[%add3A, %add3A_333, %dma_start3A_334] : memref<32x125x80xi32, #tpu.memory_space<hbm>> -> memref<1x1x80xi32, #tpu.memory_space<hbm>>
        %dma_start3A_336 = tpu.memref_squeeze %dma_start3A_335 : memref<1x1x80xi32, #tpu.memory_space<hbm>> -> memref<80xi32, #tpu.memory_space<hbm>>
        %dma_start3A_337 = arith.constant 0 : i32
        %dma_start3A_338 = tpu.memref_slice %arg3[%add3A, %add3A_333, %dma_start3A_337] : memref<32x125x80xi32, #tpu.memory_space<hbm>> -> memref<1x1x80xi32, #tpu.memory_space<hbm>>
        %dma_start3A_339 = tpu.memref_squeeze %dma_start3A_338 : memref<1x1x80xi32, #tpu.memory_space<hbm>> -> memref<80xi32, #tpu.memory_space<hbm>>
        tpu.enqueue_dma source(%dma_start3A_339 : memref<80xi32, #tpu.memory_space<hbm>>) target(%arg16 : memref<80xi32, #tpu.memory_space<vmem>>) target_semaphore(%arg32 : memref<!tpu.dma_semaphore, #tpu.memory_space<semaphore_mem>>)
        %dma_start3A_340 = arith.constant 0 : i32
        %dma_start3A_341 = tpu.memref_slice %arg4[%add3A, %add3A_333, %dma_start3A_340] : memref<32x125x80xi32, #tpu.memory_space<hbm>> -> memref<1x1x80xi32, #tpu.memory_space<hbm>>
        %dma_start3A_342 = tpu.memref_squeeze %dma_start3A_341 : memref<1x1x80xi32, #tpu.memory_space<hbm>> -> memref<80xi32, #tpu.memory_space<hbm>>
        %dma_start3A_343 = arith.constant 0 : i32
        %dma_start3A_344 = tpu.memref_slice %arg4[%add3A, %add3A_333, %dma_start3A_343] : memref<32x125x80xi32, #tpu.memory_space<hbm>> -> memref<1x1x80xi32, #tpu.memory_space<hbm>>
        %dma_start3A_345 = tpu.memref_squeeze %dma_start3A_344 : memref<1x1x80xi32, #tpu.memory_space<hbm>> -> memref<80xi32, #tpu.memory_space<hbm>>
        tpu.enqueue_dma source(%dma_start3A_345 : memref<80xi32, #tpu.memory_space<hbm>>) target(%arg24 : memref<80xi32, #tpu.memory_space<vmem>>) target_semaphore(%arg40 : memref<!tpu.dma_semaphore, #tpu.memory_space<semaphore_mem>>)
      } else {
      }
      %add3A_178 = arith.constant 4 : i32
      %add3A_179 = arith.addi %add3A_168, %add3A_178 : i32
      %lt3A_180 = arith.constant 125 : i32
      %lt3A_181 = arith.cmpi slt, %add3A_179, %lt3A_180 : i32
      %convert_element_type3A_182 = arith.extui %lt3A_181 : i1 to i32
      %cond3A_183 = arith.constant 0 : i32
      %cond3A_184 = arith.cmpi ne, %convert_element_type3A_182, %cond3A_183 : i32
      scf.if %cond3A_184 {
        %dma_wait3A_332 = arith.constant 0 : i32
        %dma_wait3A_333 = arith.constant 0 : i32
        %dma_wait3A_334 = tpu.memref_slice %arg3[%add3A, %dma_wait3A_332, %dma_wait3A_333] : memref<32x125x80xi32, #tpu.memory_space<hbm>> -> memref<1x1x80xi32, #tpu.memory_space<hbm>>
        %dma_wait3A_335 = tpu.memref_squeeze %dma_wait3A_334 : memref<1x1x80xi32, #tpu.memory_space<hbm>> -> memref<80xi32, #tpu.memory_space<hbm>>
        %dma_wait3A_336 = arith.constant 0 : i32
        %dma_wait3A_337 = tpu.memref_slice %arg3[%add3A, %dma_wait3A_332, %dma_wait3A_336] : memref<32x125x80xi32, #tpu.memory_space<hbm>> -> memref<1x1x80xi32, #tpu.memory_space<hbm>>
        %dma_wait3A_338 = tpu.memref_squeeze %dma_wait3A_337 : memref<1x1x80xi32, #tpu.memory_space<hbm>> -> memref<80xi32, #tpu.memory_space<hbm>>
        tpu.wait_dma2 semaphore(%arg33 : memref<!tpu.dma_semaphore, #tpu.memory_space<semaphore_mem>>) src(%dma_wait3A_338 : memref<80xi32, #tpu.memory_space<hbm>>) dst(%arg17 : memref<80xi32, #tpu.memory_space<vmem>>)
        %dma_start3A_339 = arith.constant 0 : i32
        %dma_start3A_340 = arith.constant 0 : i32
        %dma_start3A_341 = tpu.memref_slice %arg2[%dma_start3A_339, %dma_start3A_340] : memref<10000x128xf32, #tpu.memory_space<hbm>> -> memref<10000x128xf32, #tpu.memory_space<hbm>>
        tpu.enqueue_indirect_dma source(%dma_start3A_341 : memref<10000x128xf32, #tpu.memory_space<hbm>>) target(%arg8 : memref<80x128xf32, #tpu.memory_space<vmem>>) offsets(%arg17 : memref<80xi32, #tpu.memory_space<vmem>>) semaphore(%arg12 : memref<!tpu.dma_semaphore, #tpu.memory_space<semaphore_mem>>)
      } else {
      }
      %add3A_185 = arith.constant 1 : i32
      %add3A_186 = arith.addi %add3A_166, %add3A_185 : i32
      %lt3A_187 = arith.constant 125 : i32
      %lt3A_188 = arith.cmpi slt, %add3A_186, %lt3A_187 : i32
      %convert_element_type3A_189 = arith.extui %lt3A_188 : i1 to i32
      %cond3A_190 = arith.constant 0 : i32
      %cond3A_191 = arith.cmpi ne, %convert_element_type3A_189, %cond3A_190 : i32
      scf.if %cond3A_191 {
        %dma_wait3A_332 = arith.constant 0 : i32
        %dma_wait3A_333 = arith.constant 0 : i32
        %dma_wait3A_334 = tpu.memref_slice %arg2[%dma_wait3A_332, %dma_wait3A_333] : memref<10000x128xf32, #tpu.memory_space<hbm>> -> memref<10000x128xf32, #tpu.memory_space<hbm>>
        tpu.wait_indirect_dma semaphore(%arg13 : memref<!tpu.dma_semaphore, #tpu.memory_space<semaphore_mem>>) src(%dma_wait3A_334 : memref<10000x128xf32, #tpu.memory_space<hbm>>) dst(%arg9 : memref<80x128xf32, #tpu.memory_space<vmem>>)
        %dma_wait3A_335 = arith.constant 0 : i32
        %dma_wait3A_336 = arith.constant 0 : i32
        %dma_wait3A_337 = tpu.memref_slice %arg4[%add3A, %dma_wait3A_335, %dma_wait3A_336] : memref<32x125x80xi32, #tpu.memory_space<hbm>> -> memref<1x1x80xi32, #tpu.memory_space<hbm>>
        %dma_wait3A_338 = tpu.memref_squeeze %dma_wait3A_337 : memref<1x1x80xi32, #tpu.memory_space<hbm>> -> memref<80xi32, #tpu.memory_space<hbm>>
        %dma_wait3A_339 = arith.constant 0 : i32
        %dma_wait3A_340 = tpu.memref_slice %arg4[%add3A, %dma_wait3A_335, %dma_wait3A_339] : memref<32x125x80xi32, #tpu.memory_space<hbm>> -> memref<1x1x80xi32, #tpu.memory_space<hbm>>
        %dma_wait3A_341 = tpu.memref_squeeze %dma_wait3A_340 : memref<1x1x80xi32, #tpu.memory_space<hbm>> -> memref<80xi32, #tpu.memory_space<hbm>>
        tpu.wait_dma2 semaphore(%arg42 : memref<!tpu.dma_semaphore, #tpu.memory_space<semaphore_mem>>) src(%dma_wait3A_341 : memref<80xi32, #tpu.memory_space<hbm>>) dst(%arg26 : memref<80xi32, #tpu.memory_space<vmem>>)
        "tpu.region"() ({
          %run_scoped3A = tpu.sem_alloc : memref<!tpu.dma_semaphore, #tpu.memory_space<semaphore_mem>>
          %dma_start3A_342 = arith.constant 0 : i32
          %dma_start3A_343 = arith.constant 0 : i32
          %dma_start3A_344 = tpu.memref_slice %arg7[%dma_start3A_342, %dma_start3A_343] : memref<10112x128xf32, #tpu.memory_space<vmem_shared>> -> memref<10112x128xf32, #tpu.memory_space<vmem_shared>>
          tpu.enqueue_indirect_dma source(%arg9 : memref<80x128xf32, #tpu.memory_space<vmem>>) target(%dma_start3A_344 : memref<10112x128xf32, #tpu.memory_space<vmem_shared>>) offsets(%arg26 : memref<80xi32, #tpu.memory_space<vmem>>) semaphore(%run_scoped3A : memref<!tpu.dma_semaphore, #tpu.memory_space<semaphore_mem>>) {add = true}
          %dma_wait3A_345 = arith.constant 0 : i32
          %dma_wait3A_346 = arith.constant 0 : i32
          %dma_wait3A_347 = tpu.memref_slice %arg7[%dma_wait3A_345, %dma_wait3A_346] : memref<10112x128xf32, #tpu.memory_space<vmem_shared>> -> memref<10112x128xf32, #tpu.memory_space<vmem_shared>>
          tpu.wait_indirect_dma semaphore(%run_scoped3A : memref<!tpu.dma_semaphore, #tpu.memory_space<semaphore_mem>>) src(%arg9 : memref<80x128xf32, #tpu.memory_space<vmem>>) dst(%dma_wait3A_347 : memref<10112x128xf32, #tpu.memory_space<vmem_shared>>)
          tpu.yield
        }) : () -> ()
      } else {
      }
      %add3A_192 = arith.constant 8 : i32
      %add3A_193 = arith.addi %add3A_186, %add3A_192 : i32
      %lt3A_194 = arith.constant 125 : i32
      %lt3A_195 = arith.cmpi slt, %add3A_193, %lt3A_194 : i32
      %convert_element_type3A_196 = arith.extui %lt3A_195 : i1 to i32
      %cond3A_197 = arith.constant 0 : i32
      %cond3A_198 = arith.cmpi ne, %convert_element_type3A_196, %cond3A_197 : i32
      scf.if %cond3A_198 {
        %add3A_332 = arith.constant 8 : i32
        %add3A_333 = arith.addi %add3A_186, %add3A_332 : i32
        %dma_start3A_334 = arith.constant 0 : i32
        %dma_start3A_335 = tpu.memref_slice %arg3[%add3A, %add3A_333, %dma_start3A_334] : memref<32x125x80xi32, #tpu.memory_space<hbm>> -> memref<1x1x80xi32, #tpu.memory_space<hbm>>
        %dma_start3A_336 = tpu.memref_squeeze %dma_start3A_335 : memref<1x1x80xi32, #tpu.memory_space<hbm>> -> memref<80xi32, #tpu.memory_space<hbm>>
        %dma_start3A_337 = arith.constant 0 : i32
        %dma_start3A_338 = tpu.memref_slice %arg3[%add3A, %add3A_333, %dma_start3A_337] : memref<32x125x80xi32, #tpu.memory_space<hbm>> -> memref<1x1x80xi32, #tpu.memory_space<hbm>>
        %dma_start3A_339 = tpu.memref_squeeze %dma_start3A_338 : memref<1x1x80xi32, #tpu.memory_space<hbm>> -> memref<80xi32, #tpu.memory_space<hbm>>
        tpu.enqueue_dma source(%dma_start3A_339 : memref<80xi32, #tpu.memory_space<hbm>>) target(%arg18 : memref<80xi32, #tpu.memory_space<vmem>>) target_semaphore(%arg34 : memref<!tpu.dma_semaphore, #tpu.memory_space<semaphore_mem>>)
        %dma_start3A_340 = arith.constant 0 : i32
        %dma_start3A_341 = tpu.memref_slice %arg4[%add3A, %add3A_333, %dma_start3A_340] : memref<32x125x80xi32, #tpu.memory_space<hbm>> -> memref<1x1x80xi32, #tpu.memory_space<hbm>>
        %dma_start3A_342 = tpu.memref_squeeze %dma_start3A_341 : memref<1x1x80xi32, #tpu.memory_space<hbm>> -> memref<80xi32, #tpu.memory_space<hbm>>
        %dma_start3A_343 = arith.constant 0 : i32
        %dma_start3A_344 = tpu.memref_slice %arg4[%add3A, %add3A_333, %dma_start3A_343] : memref<32x125x80xi32, #tpu.memory_space<hbm>> -> memref<1x1x80xi32, #tpu.memory_space<hbm>>
        %dma_start3A_345 = tpu.memref_squeeze %dma_start3A_344 : memref<1x1x80xi32, #tpu.memory_space<hbm>> -> memref<80xi32, #tpu.memory_space<hbm>>
        tpu.enqueue_dma source(%dma_start3A_345 : memref<80xi32, #tpu.memory_space<hbm>>) target(%arg26 : memref<80xi32, #tpu.memory_space<vmem>>) target_semaphore(%arg42 : memref<!tpu.dma_semaphore, #tpu.memory_space<semaphore_mem>>)
      } else {
      }
      %add3A_199 = arith.constant 4 : i32
      %add3A_200 = arith.addi %add3A_186, %add3A_199 : i32
      %lt3A_201 = arith.constant 125 : i32
      %lt3A_202 = arith.cmpi slt, %add3A_200, %lt3A_201 : i32
      %convert_element_type3A_203 = arith.extui %lt3A_202 : i1 to i32
      %cond3A_204 = arith.constant 0 : i32
      %cond3A_205 = arith.cmpi ne, %convert_element_type3A_203, %cond3A_204 : i32
      scf.if %cond3A_205 {
        %dma_wait3A_332 = arith.constant 0 : i32
        %dma_wait3A_333 = arith.constant 0 : i32
        %dma_wait3A_334 = tpu.memref_slice %arg3[%add3A, %dma_wait3A_332, %dma_wait3A_333] : memref<32x125x80xi32, #tpu.memory_space<hbm>> -> memref<1x1x80xi32, #tpu.memory_space<hbm>>
        %dma_wait3A_335 = tpu.memref_squeeze %dma_wait3A_334 : memref<1x1x80xi32, #tpu.memory_space<hbm>> -> memref<80xi32, #tpu.memory_space<hbm>>
        %dma_wait3A_336 = arith.constant 0 : i32
        %dma_wait3A_337 = tpu.memref_slice %arg3[%add3A, %dma_wait3A_332, %dma_wait3A_336] : memref<32x125x80xi32, #tpu.memory_space<hbm>> -> memref<1x1x80xi32, #tpu.memory_space<hbm>>
        %dma_wait3A_338 = tpu.memref_squeeze %dma_wait3A_337 : memref<1x1x80xi32, #tpu.memory_space<hbm>> -> memref<80xi32, #tpu.memory_space<hbm>>
        tpu.wait_dma2 semaphore(%arg35 : memref<!tpu.dma_semaphore, #tpu.memory_space<semaphore_mem>>) src(%dma_wait3A_338 : memref<80xi32, #tpu.memory_space<hbm>>) dst(%arg19 : memref<80xi32, #tpu.memory_space<vmem>>)
        %dma_start3A_339 = arith.constant 0 : i32
        %dma_start3A_340 = arith.constant 0 : i32
        %dma_start3A_341 = tpu.memref_slice %arg2[%dma_start3A_339, %dma_start3A_340] : memref<10000x128xf32, #tpu.memory_space<hbm>> -> memref<10000x128xf32, #tpu.memory_space<hbm>>
        tpu.enqueue_indirect_dma source(%dma_start3A_341 : memref<10000x128xf32, #tpu.memory_space<hbm>>) target(%arg9 : memref<80x128xf32, #tpu.memory_space<vmem>>) offsets(%arg19 : memref<80xi32, #tpu.memory_space<vmem>>) semaphore(%arg13 : memref<!tpu.dma_semaphore, #tpu.memory_space<semaphore_mem>>)
      } else {
      }
      %add3A_206 = arith.constant 2 : i32
      %add3A_207 = arith.addi %add3A_166, %add3A_206 : i32
      %lt3A_208 = arith.constant 125 : i32
      %lt3A_209 = arith.cmpi slt, %add3A_207, %lt3A_208 : i32
      %convert_element_type3A_210 = arith.extui %lt3A_209 : i1 to i32
      %cond3A_211 = arith.constant 0 : i32
      %cond3A_212 = arith.cmpi ne, %convert_element_type3A_210, %cond3A_211 : i32
      scf.if %cond3A_212 {
        %dma_wait3A_332 = arith.constant 0 : i32
        %dma_wait3A_333 = arith.constant 0 : i32
        %dma_wait3A_334 = tpu.memref_slice %arg2[%dma_wait3A_332, %dma_wait3A_333] : memref<10000x128xf32, #tpu.memory_space<hbm>> -> memref<10000x128xf32, #tpu.memory_space<hbm>>
        tpu.wait_indirect_dma semaphore(%arg14 : memref<!tpu.dma_semaphore, #tpu.memory_space<semaphore_mem>>) src(%dma_wait3A_334 : memref<10000x128xf32, #tpu.memory_space<hbm>>) dst(%arg10 : memref<80x128xf32, #tpu.memory_space<vmem>>)
        %dma_wait3A_335 = arith.constant 0 : i32
        %dma_wait3A_336 = arith.constant 0 : i32
        %dma_wait3A_337 = tpu.memref_slice %arg4[%add3A, %dma_wait3A_335, %dma_wait3A_336] : memref<32x125x80xi32, #tpu.memory_space<hbm>> -> memref<1x1x80xi32, #tpu.memory_space<hbm>>
        %dma_wait3A_338 = tpu.memref_squeeze %dma_wait3A_337 : memref<1x1x80xi32, #tpu.memory_space<hbm>> -> memref<80xi32, #tpu.memory_space<hbm>>
        %dma_wait3A_339 = arith.constant 0 : i32
        %dma_wait3A_340 = tpu.memref_slice %arg4[%add3A, %dma_wait3A_335, %dma_wait3A_339] : memref<32x125x80xi32, #tpu.memory_space<hbm>> -> memref<1x1x80xi32, #tpu.memory_space<hbm>>
        %dma_wait3A_341 = tpu.memref_squeeze %dma_wait3A_340 : memref<1x1x80xi32, #tpu.memory_space<hbm>> -> memref<80xi32, #tpu.memory_space<hbm>>
        tpu.wait_dma2 semaphore(%arg44 : memref<!tpu.dma_semaphore, #tpu.memory_space<semaphore_mem>>) src(%dma_wait3A_341 : memref<80xi32, #tpu.memory_space<hbm>>) dst(%arg28 : memref<80xi32, #tpu.memory_space<vmem>>)
        "tpu.region"() ({
          %run_scoped3A = tpu.sem_alloc : memref<!tpu.dma_semaphore, #tpu.memory_space<semaphore_mem>>
          %dma_start3A_342 = arith.constant 0 : i32
          %dma_start3A_343 = arith.constant 0 : i32
          %dma_start3A_344 = tpu.memref_slice %arg7[%dma_start3A_342, %dma_start3A_343] : memref<10112x128xf32, #tpu.memory_space<vmem_shared>> -> memref<10112x128xf32, #tpu.memory_space<vmem_shared>>
          tpu.enqueue_indirect_dma source(%arg10 : memref<80x128xf32, #tpu.memory_space<vmem>>) target(%dma_start3A_344 : memref<10112x128xf32, #tpu.memory_space<vmem_shared>>) offsets(%arg28 : memref<80xi32, #tpu.memory_space<vmem>>) semaphore(%run_scoped3A : memref<!tpu.dma_semaphore, #tpu.memory_space<semaphore_mem>>) {add = true}
          %dma_wait3A_345 = arith.constant 0 : i32
          %dma_wait3A_346 = arith.constant 0 : i32
          %dma_wait3A_347 = tpu.memref_slice %arg7[%dma_wait3A_345, %dma_wait3A_346] : memref<10112x128xf32, #tpu.memory_space<vmem_shared>> -> memref<10112x128xf32, #tpu.memory_space<vmem_shared>>
          tpu.wait_indirect_dma semaphore(%run_scoped3A : memref<!tpu.dma_semaphore, #tpu.memory_space<semaphore_mem>>) src(%arg10 : memref<80x128xf32, #tpu.memory_space<vmem>>) dst(%dma_wait3A_347 : memref<10112x128xf32, #tpu.memory_space<vmem_shared>>)
          tpu.yield
        }) : () -> ()
      } else {
      }
      %add3A_213 = arith.constant 8 : i32
      %add3A_214 = arith.addi %add3A_207, %add3A_213 : i32
      %lt3A_215 = arith.constant 125 : i32
      %lt3A_216 = arith.cmpi slt, %add3A_214, %lt3A_215 : i32
      %convert_element_type3A_217 = arith.extui %lt3A_216 : i1 to i32
      %cond3A_218 = arith.constant 0 : i32
      %cond3A_219 = arith.cmpi ne, %convert_element_type3A_217, %cond3A_218 : i32
      scf.if %cond3A_219 {
        %add3A_332 = arith.constant 8 : i32
        %add3A_333 = arith.addi %add3A_207, %add3A_332 : i32
        %dma_start3A_334 = arith.constant 0 : i32
        %dma_start3A_335 = tpu.memref_slice %arg3[%add3A, %add3A_333, %dma_start3A_334] : memref<32x125x80xi32, #tpu.memory_space<hbm>> -> memref<1x1x80xi32, #tpu.memory_space<hbm>>
        %dma_start3A_336 = tpu.memref_squeeze %dma_start3A_335 : memref<1x1x80xi32, #tpu.memory_space<hbm>> -> memref<80xi32, #tpu.memory_space<hbm>>
        %dma_start3A_337 = arith.constant 0 : i32
        %dma_start3A_338 = tpu.memref_slice %arg3[%add3A, %add3A_333, %dma_start3A_337] : memref<32x125x80xi32, #tpu.memory_space<hbm>> -> memref<1x1x80xi32, #tpu.memory_space<hbm>>
        %dma_start3A_339 = tpu.memref_squeeze %dma_start3A_338 : memref<1x1x80xi32, #tpu.memory_space<hbm>> -> memref<80xi32, #tpu.memory_space<hbm>>
        tpu.enqueue_dma source(%dma_start3A_339 : memref<80xi32, #tpu.memory_space<hbm>>) target(%arg20 : memref<80xi32, #tpu.memory_space<vmem>>) target_semaphore(%arg36 : memref<!tpu.dma_semaphore, #tpu.memory_space<semaphore_mem>>)
        %dma_start3A_340 = arith.constant 0 : i32
        %dma_start3A_341 = tpu.memref_slice %arg4[%add3A, %add3A_333, %dma_start3A_340] : memref<32x125x80xi32, #tpu.memory_space<hbm>> -> memref<1x1x80xi32, #tpu.memory_space<hbm>>
        %dma_start3A_342 = tpu.memref_squeeze %dma_start3A_341 : memref<1x1x80xi32, #tpu.memory_space<hbm>> -> memref<80xi32, #tpu.memory_space<hbm>>
        %dma_start3A_343 = arith.constant 0 : i32
        %dma_start3A_344 = tpu.memref_slice %arg4[%add3A, %add3A_333, %dma_start3A_343] : memref<32x125x80xi32, #tpu.memory_space<hbm>> -> memref<1x1x80xi32, #tpu.memory_space<hbm>>
        %dma_start3A_345 = tpu.memref_squeeze %dma_start3A_344 : memref<1x1x80xi32, #tpu.memory_space<hbm>> -> memref<80xi32, #tpu.memory_space<hbm>>
        tpu.enqueue_dma source(%dma_start3A_345 : memref<80xi32, #tpu.memory_space<hbm>>) target(%arg28 : memref<80xi32, #tpu.memory_space<vmem>>) target_semaphore(%arg44 : memref<!tpu.dma_semaphore, #tpu.memory_space<semaphore_mem>>)
      } else {
      }
      %add3A_220 = arith.constant 4 : i32
      %add3A_221 = arith.addi %add3A_207, %add3A_220 : i32
      %lt3A_222 = arith.constant 125 : i32
      %lt3A_223 = arith.cmpi slt, %add3A_221, %lt3A_222 : i32
      %convert_element_type3A_224 = arith.extui %lt3A_223 : i1 to i32
      %cond3A_225 = arith.constant 0 : i32
      %cond3A_226 = arith.cmpi ne, %convert_element_type3A_224, %cond3A_225 : i32
      scf.if %cond3A_226 {
        %dma_wait3A_332 = arith.constant 0 : i32
        %dma_wait3A_333 = arith.constant 0 : i32
        %dma_wait3A_334 = tpu.memref_slice %arg3[%add3A, %dma_wait3A_332, %dma_wait3A_333] : memref<32x125x80xi32, #tpu.memory_space<hbm>> -> memref<1x1x80xi32, #tpu.memory_space<hbm>>
        %dma_wait3A_335 = tpu.memref_squeeze %dma_wait3A_334 : memref<1x1x80xi32, #tpu.memory_space<hbm>> -> memref<80xi32, #tpu.memory_space<hbm>>
        %dma_wait3A_336 = arith.constant 0 : i32
        %dma_wait3A_337 = tpu.memref_slice %arg3[%add3A, %dma_wait3A_332, %dma_wait3A_336] : memref<32x125x80xi32, #tpu.memory_space<hbm>> -> memref<1x1x80xi32, #tpu.memory_space<hbm>>
        %dma_wait3A_338 = tpu.memref_squeeze %dma_wait3A_337 : memref<1x1x80xi32, #tpu.memory_space<hbm>> -> memref<80xi32, #tpu.memory_space<hbm>>
        tpu.wait_dma2 semaphore(%arg37 : memref<!tpu.dma_semaphore, #tpu.memory_space<semaphore_mem>>) src(%dma_wait3A_338 : memref<80xi32, #tpu.memory_space<hbm>>) dst(%arg21 : memref<80xi32, #tpu.memory_space<vmem>>)
        %dma_start3A_339 = arith.constant 0 : i32
        %dma_start3A_340 = arith.constant 0 : i32
        %dma_start3A_341 = tpu.memref_slice %arg2[%dma_start3A_339, %dma_start3A_340] : memref<10000x128xf32, #tpu.memory_space<hbm>> -> memref<10000x128xf32, #tpu.memory_space<hbm>>
        tpu.enqueue_indirect_dma source(%dma_start3A_341 : memref<10000x128xf32, #tpu.memory_space<hbm>>) target(%arg10 : memref<80x128xf32, #tpu.memory_space<vmem>>) offsets(%arg21 : memref<80xi32, #tpu.memory_space<vmem>>) semaphore(%arg14 : memref<!tpu.dma_semaphore, #tpu.memory_space<semaphore_mem>>)
      } else {
      }
      %add3A_227 = arith.constant 3 : i32
      %add3A_228 = arith.addi %add3A_166, %add3A_227 : i32
      %lt3A_229 = arith.constant 125 : i32
      %lt3A_230 = arith.cmpi slt, %add3A_228, %lt3A_229 : i32
      %convert_element_type3A_231 = arith.extui %lt3A_230 : i1 to i32
      %cond3A_232 = arith.constant 0 : i32
      %cond3A_233 = arith.cmpi ne, %convert_element_type3A_231, %cond3A_232 : i32
      scf.if %cond3A_233 {
        %dma_wait3A_332 = arith.constant 0 : i32
        %dma_wait3A_333 = arith.constant 0 : i32
        %dma_wait3A_334 = tpu.memref_slice %arg2[%dma_wait3A_332, %dma_wait3A_333] : memref<10000x128xf32, #tpu.memory_space<hbm>> -> memref<10000x128xf32, #tpu.memory_space<hbm>>
        tpu.wait_indirect_dma semaphore(%arg15 : memref<!tpu.dma_semaphore, #tpu.memory_space<semaphore_mem>>) src(%dma_wait3A_334 : memref<10000x128xf32, #tpu.memory_space<hbm>>) dst(%arg11 : memref<80x128xf32, #tpu.memory_space<vmem>>)
        %dma_wait3A_335 = arith.constant 0 : i32
        %dma_wait3A_336 = arith.constant 0 : i32
        %dma_wait3A_337 = tpu.memref_slice %arg4[%add3A, %dma_wait3A_335, %dma_wait3A_336] : memref<32x125x80xi32, #tpu.memory_space<hbm>> -> memref<1x1x80xi32, #tpu.memory_space<hbm>>
        %dma_wait3A_338 = tpu.memref_squeeze %dma_wait3A_337 : memref<1x1x80xi32, #tpu.memory_space<hbm>> -> memref<80xi32, #tpu.memory_space<hbm>>
        %dma_wait3A_339 = arith.constant 0 : i32
        %dma_wait3A_340 = tpu.memref_slice %arg4[%add3A, %dma_wait3A_335, %dma_wait3A_339] : memref<32x125x80xi32, #tpu.memory_space<hbm>> -> memref<1x1x80xi32, #tpu.memory_space<hbm>>
        %dma_wait3A_341 = tpu.memref_squeeze %dma_wait3A_340 : memref<1x1x80xi32, #tpu.memory_space<hbm>> -> memref<80xi32, #tpu.memory_space<hbm>>
        tpu.wait_dma2 semaphore(%arg46 : memref<!tpu.dma_semaphore, #tpu.memory_space<semaphore_mem>>) src(%dma_wait3A_341 : memref<80xi32, #tpu.memory_space<hbm>>) dst(%arg30 : memref<80xi32, #tpu.memory_space<vmem>>)
        "tpu.region"() ({
          %run_scoped3A = tpu.sem_alloc : memref<!tpu.dma_semaphore, #tpu.memory_space<semaphore_mem>>
          %dma_start3A_342 = arith.constant 0 : i32
          %dma_start3A_343 = arith.constant 0 : i32
          %dma_start3A_344 = tpu.memref_slice %arg7[%dma_start3A_342, %dma_start3A_343] : memref<10112x128xf32, #tpu.memory_space<vmem_shared>> -> memref<10112x128xf32, #tpu.memory_space<vmem_shared>>
          tpu.enqueue_indirect_dma source(%arg11 : memref<80x128xf32, #tpu.memory_space<vmem>>) target(%dma_start3A_344 : memref<10112x128xf32, #tpu.memory_space<vmem_shared>>) offsets(%arg30 : memref<80xi32, #tpu.memory_space<vmem>>) semaphore(%run_scoped3A : memref<!tpu.dma_semaphore, #tpu.memory_space<semaphore_mem>>) {add = true}
          %dma_wait3A_345 = arith.constant 0 : i32
          %dma_wait3A_346 = arith.constant 0 : i32
          %dma_wait3A_347 = tpu.memref_slice %arg7[%dma_wait3A_345, %dma_wait3A_346] : memref<10112x128xf32, #tpu.memory_space<vmem_shared>> -> memref<10112x128xf32, #tpu.memory_space<vmem_shared>>
          tpu.wait_indirect_dma semaphore(%run_scoped3A : memref<!tpu.dma_semaphore, #tpu.memory_space<semaphore_mem>>) src(%arg11 : memref<80x128xf32, #tpu.memory_space<vmem>>) dst(%dma_wait3A_347 : memref<10112x128xf32, #tpu.memory_space<vmem_shared>>)
          tpu.yield
        }) : () -> ()
      } else {
      }
      %add3A_234 = arith.constant 8 : i32
      %add3A_235 = arith.addi %add3A_228, %add3A_234 : i32
      %lt3A_236 = arith.constant 125 : i32
      %lt3A_237 = arith.cmpi slt, %add3A_235, %lt3A_236 : i32
      %convert_element_type3A_238 = arith.extui %lt3A_237 : i1 to i32
      %cond3A_239 = arith.constant 0 : i32
      %cond3A_240 = arith.cmpi ne, %convert_element_type3A_238, %cond3A_239 : i32
      scf.if %cond3A_240 {
        %add3A_332 = arith.constant 8 : i32
        %add3A_333 = arith.addi %add3A_228, %add3A_332 : i32
        %dma_start3A_334 = arith.constant 0 : i32
        %dma_start3A_335 = tpu.memref_slice %arg3[%add3A, %add3A_333, %dma_start3A_334] : memref<32x125x80xi32, #tpu.memory_space<hbm>> -> memref<1x1x80xi32, #tpu.memory_space<hbm>>
        %dma_start3A_336 = tpu.memref_squeeze %dma_start3A_335 : memref<1x1x80xi32, #tpu.memory_space<hbm>> -> memref<80xi32, #tpu.memory_space<hbm>>
        %dma_start3A_337 = arith.constant 0 : i32
        %dma_start3A_338 = tpu.memref_slice %arg3[%add3A, %add3A_333, %dma_start3A_337] : memref<32x125x80xi32, #tpu.memory_space<hbm>> -> memref<1x1x80xi32, #tpu.memory_space<hbm>>
        %dma_start3A_339 = tpu.memref_squeeze %dma_start3A_338 : memref<1x1x80xi32, #tpu.memory_space<hbm>> -> memref<80xi32, #tpu.memory_space<hbm>>
        tpu.enqueue_dma source(%dma_start3A_339 : memref<80xi32, #tpu.memory_space<hbm>>) target(%arg22 : memref<80xi32, #tpu.memory_space<vmem>>) target_semaphore(%arg38 : memref<!tpu.dma_semaphore, #tpu.memory_space<semaphore_mem>>)
        %dma_start3A_340 = arith.constant 0 : i32
        %dma_start3A_341 = tpu.memref_slice %arg4[%add3A, %add3A_333, %dma_start3A_340] : memref<32x125x80xi32, #tpu.memory_space<hbm>> -> memref<1x1x80xi32, #tpu.memory_space<hbm>>
        %dma_start3A_342 = tpu.memref_squeeze %dma_start3A_341 : memref<1x1x80xi32, #tpu.memory_space<hbm>> -> memref<80xi32, #tpu.memory_space<hbm>>
        %dma_start3A_343 = arith.constant 0 : i32
        %dma_start3A_344 = tpu.memref_slice %arg4[%add3A, %add3A_333, %dma_start3A_343] : memref<32x125x80xi32, #tpu.memory_space<hbm>> -> memref<1x1x80xi32, #tpu.memory_space<hbm>>
        %dma_start3A_345 = tpu.memref_squeeze %dma_start3A_344 : memref<1x1x80xi32, #tpu.memory_space<hbm>> -> memref<80xi32, #tpu.memory_space<hbm>>
        tpu.enqueue_dma source(%dma_start3A_345 : memref<80xi32, #tpu.memory_space<hbm>>) target(%arg30 : memref<80xi32, #tpu.memory_space<vmem>>) target_semaphore(%arg46 : memref<!tpu.dma_semaphore, #tpu.memory_space<semaphore_mem>>)
      } else {
      }
      %add3A_241 = arith.constant 4 : i32
      %add3A_242 = arith.addi %add3A_228, %add3A_241 : i32
      %lt3A_243 = arith.constant 125 : i32
      %lt3A_244 = arith.cmpi slt, %add3A_242, %lt3A_243 : i32
      %convert_element_type3A_245 = arith.extui %lt3A_244 : i1 to i32
      %cond3A_246 = arith.constant 0 : i32
      %cond3A_247 = arith.cmpi ne, %convert_element_type3A_245, %cond3A_246 : i32
      scf.if %cond3A_247 {
        %dma_wait3A_332 = arith.constant 0 : i32
        %dma_wait3A_333 = arith.constant 0 : i32
        %dma_wait3A_334 = tpu.memref_slice %arg3[%add3A, %dma_wait3A_332, %dma_wait3A_333] : memref<32x125x80xi32, #tpu.memory_space<hbm>> -> memref<1x1x80xi32, #tpu.memory_space<hbm>>
        %dma_wait3A_335 = tpu.memref_squeeze %dma_wait3A_334 : memref<1x1x80xi32, #tpu.memory_space<hbm>> -> memref<80xi32, #tpu.memory_space<hbm>>
        %dma_wait3A_336 = arith.constant 0 : i32
        %dma_wait3A_337 = tpu.memref_slice %arg3[%add3A, %dma_wait3A_332, %dma_wait3A_336] : memref<32x125x80xi32, #tpu.memory_space<hbm>> -> memref<1x1x80xi32, #tpu.memory_space<hbm>>
        %dma_wait3A_338 = tpu.memref_squeeze %dma_wait3A_337 : memref<1x1x80xi32, #tpu.memory_space<hbm>> -> memref<80xi32, #tpu.memory_space<hbm>>
        tpu.wait_dma2 semaphore(%arg39 : memref<!tpu.dma_semaphore, #tpu.memory_space<semaphore_mem>>) src(%dma_wait3A_338 : memref<80xi32, #tpu.memory_space<hbm>>) dst(%arg23 : memref<80xi32, #tpu.memory_space<vmem>>)
        %dma_start3A_339 = arith.constant 0 : i32
        %dma_start3A_340 = arith.constant 0 : i32
        %dma_start3A_341 = tpu.memref_slice %arg2[%dma_start3A_339, %dma_start3A_340] : memref<10000x128xf32, #tpu.memory_space<hbm>> -> memref<10000x128xf32, #tpu.memory_space<hbm>>
        tpu.enqueue_indirect_dma source(%dma_start3A_341 : memref<10000x128xf32, #tpu.memory_space<hbm>>) target(%arg11 : memref<80x128xf32, #tpu.memory_space<vmem>>) offsets(%arg23 : memref<80xi32, #tpu.memory_space<vmem>>) semaphore(%arg15 : memref<!tpu.dma_semaphore, #tpu.memory_space<semaphore_mem>>)
      } else {
      }
      %add3A_248 = arith.constant 4 : i32
      %add3A_249 = arith.addi %add3A_166, %add3A_248 : i32
      %lt3A_250 = arith.constant 125 : i32
      %lt3A_251 = arith.cmpi slt, %add3A_249, %lt3A_250 : i32
      %convert_element_type3A_252 = arith.extui %lt3A_251 : i1 to i32
      %cond3A_253 = arith.constant 0 : i32
      %cond3A_254 = arith.cmpi ne, %convert_element_type3A_252, %cond3A_253 : i32
      scf.if %cond3A_254 {
        %dma_wait3A_332 = arith.constant 0 : i32
        %dma_wait3A_333 = arith.constant 0 : i32
        %dma_wait3A_334 = tpu.memref_slice %arg2[%dma_wait3A_332, %dma_wait3A_333] : memref<10000x128xf32, #tpu.memory_space<hbm>> -> memref<10000x128xf32, #tpu.memory_space<hbm>>
        tpu.wait_indirect_dma semaphore(%arg12 : memref<!tpu.dma_semaphore, #tpu.memory_space<semaphore_mem>>) src(%dma_wait3A_334 : memref<10000x128xf32, #tpu.memory_space<hbm>>) dst(%arg8 : memref<80x128xf32, #tpu.memory_space<vmem>>)
        %dma_wait3A_335 = arith.constant 0 : i32
        %dma_wait3A_336 = arith.constant 0 : i32
        %dma_wait3A_337 = tpu.memref_slice %arg4[%add3A, %dma_wait3A_335, %dma_wait3A_336] : memref<32x125x80xi32, #tpu.memory_space<hbm>> -> memref<1x1x80xi32, #tpu.memory_space<hbm>>
        %dma_wait3A_338 = tpu.memref_squeeze %dma_wait3A_337 : memref<1x1x80xi32, #tpu.memory_space<hbm>> -> memref<80xi32, #tpu.memory_space<hbm>>
        %dma_wait3A_339 = arith.constant 0 : i32
        %dma_wait3A_340 = tpu.memref_slice %arg4[%add3A, %dma_wait3A_335, %dma_wait3A_339] : memref<32x125x80xi32, #tpu.memory_space<hbm>> -> memref<1x1x80xi32, #tpu.memory_space<hbm>>
        %dma_wait3A_341 = tpu.memref_squeeze %dma_wait3A_340 : memref<1x1x80xi32, #tpu.memory_space<hbm>> -> memref<80xi32, #tpu.memory_space<hbm>>
        tpu.wait_dma2 semaphore(%arg41 : memref<!tpu.dma_semaphore, #tpu.memory_space<semaphore_mem>>) src(%dma_wait3A_341 : memref<80xi32, #tpu.memory_space<hbm>>) dst(%arg25 : memref<80xi32, #tpu.memory_space<vmem>>)
        "tpu.region"() ({
          %run_scoped3A = tpu.sem_alloc : memref<!tpu.dma_semaphore, #tpu.memory_space<semaphore_mem>>
          %dma_start3A_342 = arith.constant 0 : i32
          %dma_start3A_343 = arith.constant 0 : i32
          %dma_start3A_344 = tpu.memref_slice %arg7[%dma_start3A_342, %dma_start3A_343] : memref<10112x128xf32, #tpu.memory_space<vmem_shared>> -> memref<10112x128xf32, #tpu.memory_space<vmem_shared>>
          tpu.enqueue_indirect_dma source(%arg8 : memref<80x128xf32, #tpu.memory_space<vmem>>) target(%dma_start3A_344 : memref<10112x128xf32, #tpu.memory_space<vmem_shared>>) offsets(%arg25 : memref<80xi32, #tpu.memory_space<vmem>>) semaphore(%run_scoped3A : memref<!tpu.dma_semaphore, #tpu.memory_space<semaphore_mem>>) {add = true}
          %dma_wait3A_345 = arith.constant 0 : i32
          %dma_wait3A_346 = arith.constant 0 : i32
          %dma_wait3A_347 = tpu.memref_slice %arg7[%dma_wait3A_345, %dma_wait3A_346] : memref<10112x128xf32, #tpu.memory_space<vmem_shared>> -> memref<10112x128xf32, #tpu.memory_space<vmem_shared>>
          tpu.wait_indirect_dma semaphore(%run_scoped3A : memref<!tpu.dma_semaphore, #tpu.memory_space<semaphore_mem>>) src(%arg8 : memref<80x128xf32, #tpu.memory_space<vmem>>) dst(%dma_wait3A_347 : memref<10112x128xf32, #tpu.memory_space<vmem_shared>>)
          tpu.yield
        }) : () -> ()
      } else {
      }
      %add3A_255 = arith.constant 8 : i32
      %add3A_256 = arith.addi %add3A_249, %add3A_255 : i32
      %lt3A_257 = arith.constant 125 : i32
      %lt3A_258 = arith.cmpi slt, %add3A_256, %lt3A_257 : i32
      %convert_element_type3A_259 = arith.extui %lt3A_258 : i1 to i32
      %cond3A_260 = arith.constant 0 : i32
      %cond3A_261 = arith.cmpi ne, %convert_element_type3A_259, %cond3A_260 : i32
      scf.if %cond3A_261 {
        %add3A_332 = arith.constant 8 : i32
        %add3A_333 = arith.addi %add3A_249, %add3A_332 : i32
        %dma_start3A_334 = arith.constant 0 : i32
        %dma_start3A_335 = tpu.memref_slice %arg3[%add3A, %add3A_333, %dma_start3A_334] : memref<32x125x80xi32, #tpu.memory_space<hbm>> -> memref<1x1x80xi32, #tpu.memory_space<hbm>>
        %dma_start3A_336 = tpu.memref_squeeze %dma_start3A_335 : memref<1x1x80xi32, #tpu.memory_space<hbm>> -> memref<80xi32, #tpu.memory_space<hbm>>
        %dma_start3A_337 = arith.constant 0 : i32
        %dma_start3A_338 = tpu.memref_slice %arg3[%add3A, %add3A_333, %dma_start3A_337] : memref<32x125x80xi32, #tpu.memory_space<hbm>> -> memref<1x1x80xi32, #tpu.memory_space<hbm>>
        %dma_start3A_339 = tpu.memref_squeeze %dma_start3A_338 : memref<1x1x80xi32, #tpu.memory_space<hbm>> -> memref<80xi32, #tpu.memory_space<hbm>>
        tpu.enqueue_dma source(%dma_start3A_339 : memref<80xi32, #tpu.memory_space<hbm>>) target(%arg17 : memref<80xi32, #tpu.memory_space<vmem>>) target_semaphore(%arg33 : memref<!tpu.dma_semaphore, #tpu.memory_space<semaphore_mem>>)
        %dma_start3A_340 = arith.constant 0 : i32
        %dma_start3A_341 = tpu.memref_slice %arg4[%add3A, %add3A_333, %dma_start3A_340] : memref<32x125x80xi32, #tpu.memory_space<hbm>> -> memref<1x1x80xi32, #tpu.memory_space<hbm>>
        %dma_start3A_342 = tpu.memref_squeeze %dma_start3A_341 : memref<1x1x80xi32, #tpu.memory_space<hbm>> -> memref<80xi32, #tpu.memory_space<hbm>>
        %dma_start3A_343 = arith.constant 0 : i32
        %dma_start3A_344 = tpu.memref_slice %arg4[%add3A, %add3A_333, %dma_start3A_343] : memref<32x125x80xi32, #tpu.memory_space<hbm>> -> memref<1x1x80xi32, #tpu.memory_space<hbm>>
        %dma_start3A_345 = tpu.memref_squeeze %dma_start3A_344 : memref<1x1x80xi32, #tpu.memory_space<hbm>> -> memref<80xi32, #tpu.memory_space<hbm>>
        tpu.enqueue_dma source(%dma_start3A_345 : memref<80xi32, #tpu.memory_space<hbm>>) target(%arg25 : memref<80xi32, #tpu.memory_space<vmem>>) target_semaphore(%arg41 : memref<!tpu.dma_semaphore, #tpu.memory_space<semaphore_mem>>)
      } else {
      }
      %add3A_262 = arith.constant 4 : i32
      %add3A_263 = arith.addi %add3A_249, %add3A_262 : i32
      %lt3A_264 = arith.constant 125 : i32
      %lt3A_265 = arith.cmpi slt, %add3A_263, %lt3A_264 : i32
      %convert_element_type3A_266 = arith.extui %lt3A_265 : i1 to i32
      %cond3A_267 = arith.constant 0 : i32
      %cond3A_268 = arith.cmpi ne, %convert_element_type3A_266, %cond3A_267 : i32
      scf.if %cond3A_268 {
        %dma_wait3A_332 = arith.constant 0 : i32
        %dma_wait3A_333 = arith.constant 0 : i32
        %dma_wait3A_334 = tpu.memref_slice %arg3[%add3A, %dma_wait3A_332, %dma_wait3A_333] : memref<32x125x80xi32, #tpu.memory_space<hbm>> -> memref<1x1x80xi32, #tpu.memory_space<hbm>>
        %dma_wait3A_335 = tpu.memref_squeeze %dma_wait3A_334 : memref<1x1x80xi32, #tpu.memory_space<hbm>> -> memref<80xi32, #tpu.memory_space<hbm>>
        %dma_wait3A_336 = arith.constant 0 : i32
        %dma_wait3A_337 = tpu.memref_slice %arg3[%add3A, %dma_wait3A_332, %dma_wait3A_336] : memref<32x125x80xi32, #tpu.memory_space<hbm>> -> memref<1x1x80xi32, #tpu.memory_space<hbm>>
        %dma_wait3A_338 = tpu.memref_squeeze %dma_wait3A_337 : memref<1x1x80xi32, #tpu.memory_space<hbm>> -> memref<80xi32, #tpu.memory_space<hbm>>
        tpu.wait_dma2 semaphore(%arg32 : memref<!tpu.dma_semaphore, #tpu.memory_space<semaphore_mem>>) src(%dma_wait3A_338 : memref<80xi32, #tpu.memory_space<hbm>>) dst(%arg16 : memref<80xi32, #tpu.memory_space<vmem>>)
        %dma_start3A_339 = arith.constant 0 : i32
        %dma_start3A_340 = arith.constant 0 : i32
        %dma_start3A_341 = tpu.memref_slice %arg2[%dma_start3A_339, %dma_start3A_340] : memref<10000x128xf32, #tpu.memory_space<hbm>> -> memref<10000x128xf32, #tpu.memory_space<hbm>>
        tpu.enqueue_indirect_dma source(%dma_start3A_341 : memref<10000x128xf32, #tpu.memory_space<hbm>>) target(%arg8 : memref<80x128xf32, #tpu.memory_space<vmem>>) offsets(%arg16 : memref<80xi32, #tpu.memory_space<vmem>>) semaphore(%arg12 : memref<!tpu.dma_semaphore, #tpu.memory_space<semaphore_mem>>)
      } else {
      }
      %add3A_269 = arith.constant 5 : i32
      %add3A_270 = arith.addi %add3A_166, %add3A_269 : i32
      %lt3A_271 = arith.constant 125 : i32
      %lt3A_272 = arith.cmpi slt, %add3A_270, %lt3A_271 : i32
      %convert_element_type3A_273 = arith.extui %lt3A_272 : i1 to i32
      %cond3A_274 = arith.constant 0 : i32
      %cond3A_275 = arith.cmpi ne, %convert_element_type3A_273, %cond3A_274 : i32
      scf.if %cond3A_275 {
        %dma_wait3A_332 = arith.constant 0 : i32
        %dma_wait3A_333 = arith.constant 0 : i32
        %dma_wait3A_334 = tpu.memref_slice %arg2[%dma_wait3A_332, %dma_wait3A_333] : memref<10000x128xf32, #tpu.memory_space<hbm>> -> memref<10000x128xf32, #tpu.memory_space<hbm>>
        tpu.wait_indirect_dma semaphore(%arg13 : memref<!tpu.dma_semaphore, #tpu.memory_space<semaphore_mem>>) src(%dma_wait3A_334 : memref<10000x128xf32, #tpu.memory_space<hbm>>) dst(%arg9 : memref<80x128xf32, #tpu.memory_space<vmem>>)
        %dma_wait3A_335 = arith.constant 0 : i32
        %dma_wait3A_336 = arith.constant 0 : i32
        %dma_wait3A_337 = tpu.memref_slice %arg4[%add3A, %dma_wait3A_335, %dma_wait3A_336] : memref<32x125x80xi32, #tpu.memory_space<hbm>> -> memref<1x1x80xi32, #tpu.memory_space<hbm>>
        %dma_wait3A_338 = tpu.memref_squeeze %dma_wait3A_337 : memref<1x1x80xi32, #tpu.memory_space<hbm>> -> memref<80xi32, #tpu.memory_space<hbm>>
        %dma_wait3A_339 = arith.constant 0 : i32
        %dma_wait3A_340 = tpu.memref_slice %arg4[%add3A, %dma_wait3A_335, %dma_wait3A_339] : memref<32x125x80xi32, #tpu.memory_space<hbm>> -> memref<1x1x80xi32, #tpu.memory_space<hbm>>
        %dma_wait3A_341 = tpu.memref_squeeze %dma_wait3A_340 : memref<1x1x80xi32, #tpu.memory_space<hbm>> -> memref<80xi32, #tpu.memory_space<hbm>>
        tpu.wait_dma2 semaphore(%arg43 : memref<!tpu.dma_semaphore, #tpu.memory_space<semaphore_mem>>) src(%dma_wait3A_341 : memref<80xi32, #tpu.memory_space<hbm>>) dst(%arg27 : memref<80xi32, #tpu.memory_space<vmem>>)
        "tpu.region"() ({
          %run_scoped3A = tpu.sem_alloc : memref<!tpu.dma_semaphore, #tpu.memory_space<semaphore_mem>>
          %dma_start3A_342 = arith.constant 0 : i32
          %dma_start3A_343 = arith.constant 0 : i32
          %dma_start3A_344 = tpu.memref_slice %arg7[%dma_start3A_342, %dma_start3A_343] : memref<10112x128xf32, #tpu.memory_space<vmem_shared>> -> memref<10112x128xf32, #tpu.memory_space<vmem_shared>>
          tpu.enqueue_indirect_dma source(%arg9 : memref<80x128xf32, #tpu.memory_space<vmem>>) target(%dma_start3A_344 : memref<10112x128xf32, #tpu.memory_space<vmem_shared>>) offsets(%arg27 : memref<80xi32, #tpu.memory_space<vmem>>) semaphore(%run_scoped3A : memref<!tpu.dma_semaphore, #tpu.memory_space<semaphore_mem>>) {add = true}
          %dma_wait3A_345 = arith.constant 0 : i32
          %dma_wait3A_346 = arith.constant 0 : i32
          %dma_wait3A_347 = tpu.memref_slice %arg7[%dma_wait3A_345, %dma_wait3A_346] : memref<10112x128xf32, #tpu.memory_space<vmem_shared>> -> memref<10112x128xf32, #tpu.memory_space<vmem_shared>>
          tpu.wait_indirect_dma semaphore(%run_scoped3A : memref<!tpu.dma_semaphore, #tpu.memory_space<semaphore_mem>>) src(%arg9 : memref<80x128xf32, #tpu.memory_space<vmem>>) dst(%dma_wait3A_347 : memref<10112x128xf32, #tpu.memory_space<vmem_shared>>)
          tpu.yield
        }) : () -> ()
      } else {
      }
      %add3A_276 = arith.constant 8 : i32
      %add3A_277 = arith.addi %add3A_270, %add3A_276 : i32
      %lt3A_278 = arith.constant 125 : i32
      %lt3A_279 = arith.cmpi slt, %add3A_277, %lt3A_278 : i32
      %convert_element_type3A_280 = arith.extui %lt3A_279 : i1 to i32
      %cond3A_281 = arith.constant 0 : i32
      %cond3A_282 = arith.cmpi ne, %convert_element_type3A_280, %cond3A_281 : i32
      scf.if %cond3A_282 {
        %add3A_332 = arith.constant 8 : i32
        %add3A_333 = arith.addi %add3A_270, %add3A_332 : i32
        %dma_start3A_334 = arith.constant 0 : i32
        %dma_start3A_335 = tpu.memref_slice %arg3[%add3A, %add3A_333, %dma_start3A_334] : memref<32x125x80xi32, #tpu.memory_space<hbm>> -> memref<1x1x80xi32, #tpu.memory_space<hbm>>
        %dma_start3A_336 = tpu.memref_squeeze %dma_start3A_335 : memref<1x1x80xi32, #tpu.memory_space<hbm>> -> memref<80xi32, #tpu.memory_space<hbm>>
        %dma_start3A_337 = arith.constant 0 : i32
        %dma_start3A_338 = tpu.memref_slice %arg3[%add3A, %add3A_333, %dma_start3A_337] : memref<32x125x80xi32, #tpu.memory_space<hbm>> -> memref<1x1x80xi32, #tpu.memory_space<hbm>>
        %dma_start3A_339 = tpu.memref_squeeze %dma_start3A_338 : memref<1x1x80xi32, #tpu.memory_space<hbm>> -> memref<80xi32, #tpu.memory_space<hbm>>
        tpu.enqueue_dma source(%dma_start3A_339 : memref<80xi32, #tpu.memory_space<hbm>>) target(%arg19 : memref<80xi32, #tpu.memory_space<vmem>>) target_semaphore(%arg35 : memref<!tpu.dma_semaphore, #tpu.memory_space<semaphore_mem>>)
        %dma_start3A_340 = arith.constant 0 : i32
        %dma_start3A_341 = tpu.memref_slice %arg4[%add3A, %add3A_333, %dma_start3A_340] : memref<32x125x80xi32, #tpu.memory_space<hbm>> -> memref<1x1x80xi32, #tpu.memory_space<hbm>>
        %dma_start3A_342 = tpu.memref_squeeze %dma_start3A_341 : memref<1x1x80xi32, #tpu.memory_space<hbm>> -> memref<80xi32, #tpu.memory_space<hbm>>
        %dma_start3A_343 = arith.constant 0 : i32
        %dma_start3A_344 = tpu.memref_slice %arg4[%add3A, %add3A_333, %dma_start3A_343] : memref<32x125x80xi32, #tpu.memory_space<hbm>> -> memref<1x1x80xi32, #tpu.memory_space<hbm>>
        %dma_start3A_345 = tpu.memref_squeeze %dma_start3A_344 : memref<1x1x80xi32, #tpu.memory_space<hbm>> -> memref<80xi32, #tpu.memory_space<hbm>>
        tpu.enqueue_dma source(%dma_start3A_345 : memref<80xi32, #tpu.memory_space<hbm>>) target(%arg27 : memref<80xi32, #tpu.memory_space<vmem>>) target_semaphore(%arg43 : memref<!tpu.dma_semaphore, #tpu.memory_space<semaphore_mem>>)
      } else {
      }
      %add3A_283 = arith.constant 4 : i32
      %add3A_284 = arith.addi %add3A_270, %add3A_283 : i32
      %lt3A_285 = arith.constant 125 : i32
      %lt3A_286 = arith.cmpi slt, %add3A_284, %lt3A_285 : i32
      %convert_element_type3A_287 = arith.extui %lt3A_286 : i1 to i32
      %cond3A_288 = arith.constant 0 : i32
      %cond3A_289 = arith.cmpi ne, %convert_element_type3A_287, %cond3A_288 : i32
      scf.if %cond3A_289 {
        %dma_wait3A_332 = arith.constant 0 : i32
        %dma_wait3A_333 = arith.constant 0 : i32
        %dma_wait3A_334 = tpu.memref_slice %arg3[%add3A, %dma_wait3A_332, %dma_wait3A_333] : memref<32x125x80xi32, #tpu.memory_space<hbm>> -> memref<1x1x80xi32, #tpu.memory_space<hbm>>
        %dma_wait3A_335 = tpu.memref_squeeze %dma_wait3A_334 : memref<1x1x80xi32, #tpu.memory_space<hbm>> -> memref<80xi32, #tpu.memory_space<hbm>>
        %dma_wait3A_336 = arith.constant 0 : i32
        %dma_wait3A_337 = tpu.memref_slice %arg3[%add3A, %dma_wait3A_332, %dma_wait3A_336] : memref<32x125x80xi32, #tpu.memory_space<hbm>> -> memref<1x1x80xi32, #tpu.memory_space<hbm>>
        %dma_wait3A_338 = tpu.memref_squeeze %dma_wait3A_337 : memref<1x1x80xi32, #tpu.memory_space<hbm>> -> memref<80xi32, #tpu.memory_space<hbm>>
        tpu.wait_dma2 semaphore(%arg34 : memref<!tpu.dma_semaphore, #tpu.memory_space<semaphore_mem>>) src(%dma_wait3A_338 : memref<80xi32, #tpu.memory_space<hbm>>) dst(%arg18 : memref<80xi32, #tpu.memory_space<vmem>>)
        %dma_start3A_339 = arith.constant 0 : i32
        %dma_start3A_340 = arith.constant 0 : i32
        %dma_start3A_341 = tpu.memref_slice %arg2[%dma_start3A_339, %dma_start3A_340] : memref<10000x128xf32, #tpu.memory_space<hbm>> -> memref<10000x128xf32, #tpu.memory_space<hbm>>
        tpu.enqueue_indirect_dma source(%dma_start3A_341 : memref<10000x128xf32, #tpu.memory_space<hbm>>) target(%arg9 : memref<80x128xf32, #tpu.memory_space<vmem>>) offsets(%arg18 : memref<80xi32, #tpu.memory_space<vmem>>) semaphore(%arg13 : memref<!tpu.dma_semaphore, #tpu.memory_space<semaphore_mem>>)
      } else {
      }
      %add3A_290 = arith.constant 6 : i32
      %add3A_291 = arith.addi %add3A_166, %add3A_290 : i32
      %lt3A_292 = arith.constant 125 : i32
      %lt3A_293 = arith.cmpi slt, %add3A_291, %lt3A_292 : i32
      %convert_element_type3A_294 = arith.extui %lt3A_293 : i1 to i32
      %cond3A_295 = arith.constant 0 : i32
      %cond3A_296 = arith.cmpi ne, %convert_element_type3A_294, %cond3A_295 : i32
      scf.if %cond3A_296 {
        %dma_wait3A_332 = arith.constant 0 : i32
        %dma_wait3A_333 = arith.constant 0 : i32
        %dma_wait3A_334 = tpu.memref_slice %arg2[%dma_wait3A_332, %dma_wait3A_333] : memref<10000x128xf32, #tpu.memory_space<hbm>> -> memref<10000x128xf32, #tpu.memory_space<hbm>>
        tpu.wait_indirect_dma semaphore(%arg14 : memref<!tpu.dma_semaphore, #tpu.memory_space<semaphore_mem>>) src(%dma_wait3A_334 : memref<10000x128xf32, #tpu.memory_space<hbm>>) dst(%arg10 : memref<80x128xf32, #tpu.memory_space<vmem>>)
        %dma_wait3A_335 = arith.constant 0 : i32
        %dma_wait3A_336 = arith.constant 0 : i32
        %dma_wait3A_337 = tpu.memref_slice %arg4[%add3A, %dma_wait3A_335, %dma_wait3A_336] : memref<32x125x80xi32, #tpu.memory_space<hbm>> -> memref<1x1x80xi32, #tpu.memory_space<hbm>>
        %dma_wait3A_338 = tpu.memref_squeeze %dma_wait3A_337 : memref<1x1x80xi32, #tpu.memory_space<hbm>> -> memref<80xi32, #tpu.memory_space<hbm>>
        %dma_wait3A_339 = arith.constant 0 : i32
        %dma_wait3A_340 = tpu.memref_slice %arg4[%add3A, %dma_wait3A_335, %dma_wait3A_339] : memref<32x125x80xi32, #tpu.memory_space<hbm>> -> memref<1x1x80xi32, #tpu.memory_space<hbm>>
        %dma_wait3A_341 = tpu.memref_squeeze %dma_wait3A_340 : memref<1x1x80xi32, #tpu.memory_space<hbm>> -> memref<80xi32, #tpu.memory_space<hbm>>
        tpu.wait_dma2 semaphore(%arg45 : memref<!tpu.dma_semaphore, #tpu.memory_space<semaphore_mem>>) src(%dma_wait3A_341 : memref<80xi32, #tpu.memory_space<hbm>>) dst(%arg29 : memref<80xi32, #tpu.memory_space<vmem>>)
        "tpu.region"() ({
          %run_scoped3A = tpu.sem_alloc : memref<!tpu.dma_semaphore, #tpu.memory_space<semaphore_mem>>
          %dma_start3A_342 = arith.constant 0 : i32
          %dma_start3A_343 = arith.constant 0 : i32
          %dma_start3A_344 = tpu.memref_slice %arg7[%dma_start3A_342, %dma_start3A_343] : memref<10112x128xf32, #tpu.memory_space<vmem_shared>> -> memref<10112x128xf32, #tpu.memory_space<vmem_shared>>
          tpu.enqueue_indirect_dma source(%arg10 : memref<80x128xf32, #tpu.memory_space<vmem>>) target(%dma_start3A_344 : memref<10112x128xf32, #tpu.memory_space<vmem_shared>>) offsets(%arg29 : memref<80xi32, #tpu.memory_space<vmem>>) semaphore(%run_scoped3A : memref<!tpu.dma_semaphore, #tpu.memory_space<semaphore_mem>>) {add = true}
          %dma_wait3A_345 = arith.constant 0 : i32
          %dma_wait3A_346 = arith.constant 0 : i32
          %dma_wait3A_347 = tpu.memref_slice %arg7[%dma_wait3A_345, %dma_wait3A_346] : memref<10112x128xf32, #tpu.memory_space<vmem_shared>> -> memref<10112x128xf32, #tpu.memory_space<vmem_shared>>
          tpu.wait_indirect_dma semaphore(%run_scoped3A : memref<!tpu.dma_semaphore, #tpu.memory_space<semaphore_mem>>) src(%arg10 : memref<80x128xf32, #tpu.memory_space<vmem>>) dst(%dma_wait3A_347 : memref<10112x128xf32, #tpu.memory_space<vmem_shared>>)
          tpu.yield
        }) : () -> ()
      } else {
      }
      %add3A_297 = arith.constant 8 : i32
      %add3A_298 = arith.addi %add3A_291, %add3A_297 : i32
      %lt3A_299 = arith.constant 125 : i32
      %lt3A_300 = arith.cmpi slt, %add3A_298, %lt3A_299 : i32
      %convert_element_type3A_301 = arith.extui %lt3A_300 : i1 to i32
      %cond3A_302 = arith.constant 0 : i32
      %cond3A_303 = arith.cmpi ne, %convert_element_type3A_301, %cond3A_302 : i32
      scf.if %cond3A_303 {
        %add3A_332 = arith.constant 8 : i32
        %add3A_333 = arith.addi %add3A_291, %add3A_332 : i32
        %dma_start3A_334 = arith.constant 0 : i32
        %dma_start3A_335 = tpu.memref_slice %arg3[%add3A, %add3A_333, %dma_start3A_334] : memref<32x125x80xi32, #tpu.memory_space<hbm>> -> memref<1x1x80xi32, #tpu.memory_space<hbm>>
        %dma_start3A_336 = tpu.memref_squeeze %dma_start3A_335 : memref<1x1x80xi32, #tpu.memory_space<hbm>> -> memref<80xi32, #tpu.memory_space<hbm>>
        %dma_start3A_337 = arith.constant 0 : i32
        %dma_start3A_338 = tpu.memref_slice %arg3[%add3A, %add3A_333, %dma_start3A_337] : memref<32x125x80xi32, #tpu.memory_space<hbm>> -> memref<1x1x80xi32, #tpu.memory_space<hbm>>
        %dma_start3A_339 = tpu.memref_squeeze %dma_start3A_338 : memref<1x1x80xi32, #tpu.memory_space<hbm>> -> memref<80xi32, #tpu.memory_space<hbm>>
        tpu.enqueue_dma source(%dma_start3A_339 : memref<80xi32, #tpu.memory_space<hbm>>) target(%arg21 : memref<80xi32, #tpu.memory_space<vmem>>) target_semaphore(%arg37 : memref<!tpu.dma_semaphore, #tpu.memory_space<semaphore_mem>>)
        %dma_start3A_340 = arith.constant 0 : i32
        %dma_start3A_341 = tpu.memref_slice %arg4[%add3A, %add3A_333, %dma_start3A_340] : memref<32x125x80xi32, #tpu.memory_space<hbm>> -> memref<1x1x80xi32, #tpu.memory_space<hbm>>
        %dma_start3A_342 = tpu.memref_squeeze %dma_start3A_341 : memref<1x1x80xi32, #tpu.memory_space<hbm>> -> memref<80xi32, #tpu.memory_space<hbm>>
        %dma_start3A_343 = arith.constant 0 : i32
        %dma_start3A_344 = tpu.memref_slice %arg4[%add3A, %add3A_333, %dma_start3A_343] : memref<32x125x80xi32, #tpu.memory_space<hbm>> -> memref<1x1x80xi32, #tpu.memory_space<hbm>>
        %dma_start3A_345 = tpu.memref_squeeze %dma_start3A_344 : memref<1x1x80xi32, #tpu.memory_space<hbm>> -> memref<80xi32, #tpu.memory_space<hbm>>
        tpu.enqueue_dma source(%dma_start3A_345 : memref<80xi32, #tpu.memory_space<hbm>>) target(%arg29 : memref<80xi32, #tpu.memory_space<vmem>>) target_semaphore(%arg45 : memref<!tpu.dma_semaphore, #tpu.memory_space<semaphore_mem>>)
      } else {
      }
      %add3A_304 = arith.constant 4 : i32
      %add3A_305 = arith.addi %add3A_291, %add3A_304 : i32
      %lt3A_306 = arith.constant 125 : i32
      %lt3A_307 = arith.cmpi slt, %add3A_305, %lt3A_306 : i32
      %convert_element_type3A_308 = arith.extui %lt3A_307 : i1 to i32
      %cond3A_309 = arith.constant 0 : i32
      %cond3A_310 = arith.cmpi ne, %convert_element_type3A_308, %cond3A_309 : i32
      scf.if %cond3A_310 {
        %dma_wait3A_332 = arith.constant 0 : i32
        %dma_wait3A_333 = arith.constant 0 : i32
        %dma_wait3A_334 = tpu.memref_slice %arg3[%add3A, %dma_wait3A_332, %dma_wait3A_333] : memref<32x125x80xi32, #tpu.memory_space<hbm>> -> memref<1x1x80xi32, #tpu.memory_space<hbm>>
        %dma_wait3A_335 = tpu.memref_squeeze %dma_wait3A_334 : memref<1x1x80xi32, #tpu.memory_space<hbm>> -> memref<80xi32, #tpu.memory_space<hbm>>
        %dma_wait3A_336 = arith.constant 0 : i32
        %dma_wait3A_337 = tpu.memref_slice %arg3[%add3A, %dma_wait3A_332, %dma_wait3A_336] : memref<32x125x80xi32, #tpu.memory_space<hbm>> -> memref<1x1x80xi32, #tpu.memory_space<hbm>>
        %dma_wait3A_338 = tpu.memref_squeeze %dma_wait3A_337 : memref<1x1x80xi32, #tpu.memory_space<hbm>> -> memref<80xi32, #tpu.memory_space<hbm>>
        tpu.wait_dma2 semaphore(%arg36 : memref<!tpu.dma_semaphore, #tpu.memory_space<semaphore_mem>>) src(%dma_wait3A_338 : memref<80xi32, #tpu.memory_space<hbm>>) dst(%arg20 : memref<80xi32, #tpu.memory_space<vmem>>)
        %dma_start3A_339 = arith.constant 0 : i32
        %dma_start3A_340 = arith.constant 0 : i32
        %dma_start3A_341 = tpu.memref_slice %arg2[%dma_start3A_339, %dma_start3A_340] : memref<10000x128xf32, #tpu.memory_space<hbm>> -> memref<10000x128xf32, #tpu.memory_space<hbm>>
        tpu.enqueue_indirect_dma source(%dma_start3A_341 : memref<10000x128xf32, #tpu.memory_space<hbm>>) target(%arg10 : memref<80x128xf32, #tpu.memory_space<vmem>>) offsets(%arg20 : memref<80xi32, #tpu.memory_space<vmem>>) semaphore(%arg14 : memref<!tpu.dma_semaphore, #tpu.memory_space<semaphore_mem>>)
      } else {
      }
      %add3A_311 = arith.constant 7 : i32
      %add3A_312 = arith.addi %add3A_166, %add3A_311 : i32
      %lt3A_313 = arith.constant 125 : i32
      %lt3A_314 = arith.cmpi slt, %add3A_312, %lt3A_313 : i32
      %convert_element_type3A_315 = arith.extui %lt3A_314 : i1 to i32
      %cond3A_316 = arith.constant 0 : i32
      %cond3A_317 = arith.cmpi ne, %convert_element_type3A_315, %cond3A_316 : i32
      scf.if %cond3A_317 {
        %dma_wait3A_332 = arith.constant 0 : i32
        %dma_wait3A_333 = arith.constant 0 : i32
        %dma_wait3A_334 = tpu.memref_slice %arg2[%dma_wait3A_332, %dma_wait3A_333] : memref<10000x128xf32, #tpu.memory_space<hbm>> -> memref<10000x128xf32, #tpu.memory_space<hbm>>
        tpu.wait_indirect_dma semaphore(%arg15 : memref<!tpu.dma_semaphore, #tpu.memory_space<semaphore_mem>>) src(%dma_wait3A_334 : memref<10000x128xf32, #tpu.memory_space<hbm>>) dst(%arg11 : memref<80x128xf32, #tpu.memory_space<vmem>>)
        %dma_wait3A_335 = arith.constant 0 : i32
        %dma_wait3A_336 = arith.constant 0 : i32
        %dma_wait3A_337 = tpu.memref_slice %arg4[%add3A, %dma_wait3A_335, %dma_wait3A_336] : memref<32x125x80xi32, #tpu.memory_space<hbm>> -> memref<1x1x80xi32, #tpu.memory_space<hbm>>
        %dma_wait3A_338 = tpu.memref_squeeze %dma_wait3A_337 : memref<1x1x80xi32, #tpu.memory_space<hbm>> -> memref<80xi32, #tpu.memory_space<hbm>>
        %dma_wait3A_339 = arith.constant 0 : i32
        %dma_wait3A_340 = tpu.memref_slice %arg4[%add3A, %dma_wait3A_335, %dma_wait3A_339] : memref<32x125x80xi32, #tpu.memory_space<hbm>> -> memref<1x1x80xi32, #tpu.memory_space<hbm>>
        %dma_wait3A_341 = tpu.memref_squeeze %dma_wait3A_340 : memref<1x1x80xi32, #tpu.memory_space<hbm>> -> memref<80xi32, #tpu.memory_space<hbm>>
        tpu.wait_dma2 semaphore(%arg47 : memref<!tpu.dma_semaphore, #tpu.memory_space<semaphore_mem>>) src(%dma_wait3A_341 : memref<80xi32, #tpu.memory_space<hbm>>) dst(%arg31 : memref<80xi32, #tpu.memory_space<vmem>>)
        "tpu.region"() ({
          %run_scoped3A = tpu.sem_alloc : memref<!tpu.dma_semaphore, #tpu.memory_space<semaphore_mem>>
          %dma_start3A_342 = arith.constant 0 : i32
          %dma_start3A_343 = arith.constant 0 : i32
          %dma_start3A_344 = tpu.memref_slice %arg7[%dma_start3A_342, %dma_start3A_343] : memref<10112x128xf32, #tpu.memory_space<vmem_shared>> -> memref<10112x128xf32, #tpu.memory_space<vmem_shared>>
          tpu.enqueue_indirect_dma source(%arg11 : memref<80x128xf32, #tpu.memory_space<vmem>>) target(%dma_start3A_344 : memref<10112x128xf32, #tpu.memory_space<vmem_shared>>) offsets(%arg31 : memref<80xi32, #tpu.memory_space<vmem>>) semaphore(%run_scoped3A : memref<!tpu.dma_semaphore, #tpu.memory_space<semaphore_mem>>) {add = true}
          %dma_wait3A_345 = arith.constant 0 : i32
          %dma_wait3A_346 = arith.constant 0 : i32
          %dma_wait3A_347 = tpu.memref_slice %arg7[%dma_wait3A_345, %dma_wait3A_346] : memref<10112x128xf32, #tpu.memory_space<vmem_shared>> -> memref<10112x128xf32, #tpu.memory_space<vmem_shared>>
          tpu.wait_indirect_dma semaphore(%run_scoped3A : memref<!tpu.dma_semaphore, #tpu.memory_space<semaphore_mem>>) src(%arg11 : memref<80x128xf32, #tpu.memory_space<vmem>>) dst(%dma_wait3A_347 : memref<10112x128xf32, #tpu.memory_space<vmem_shared>>)
          tpu.yield
        }) : () -> ()
      } else {
      }
      %add3A_318 = arith.constant 8 : i32
      %add3A_319 = arith.addi %add3A_312, %add3A_318 : i32
      %lt3A_320 = arith.constant 125 : i32
      %lt3A_321 = arith.cmpi slt, %add3A_319, %lt3A_320 : i32
      %convert_element_type3A_322 = arith.extui %lt3A_321 : i1 to i32
      %cond3A_323 = arith.constant 0 : i32
      %cond3A_324 = arith.cmpi ne, %convert_element_type3A_322, %cond3A_323 : i32
      scf.if %cond3A_324 {
        %add3A_332 = arith.constant 8 : i32
        %add3A_333 = arith.addi %add3A_312, %add3A_332 : i32
        %dma_start3A_334 = arith.constant 0 : i32
        %dma_start3A_335 = tpu.memref_slice %arg3[%add3A, %add3A_333, %dma_start3A_334] : memref<32x125x80xi32, #tpu.memory_space<hbm>> -> memref<1x1x80xi32, #tpu.memory_space<hbm>>
        %dma_start3A_336 = tpu.memref_squeeze %dma_start3A_335 : memref<1x1x80xi32, #tpu.memory_space<hbm>> -> memref<80xi32, #tpu.memory_space<hbm>>
        %dma_start3A_337 = arith.constant 0 : i32
        %dma_start3A_338 = tpu.memref_slice %arg3[%add3A, %add3A_333, %dma_start3A_337] : memref<32x125x80xi32, #tpu.memory_space<hbm>> -> memref<1x1x80xi32, #tpu.memory_space<hbm>>
        %dma_start3A_339 = tpu.memref_squeeze %dma_start3A_338 : memref<1x1x80xi32, #tpu.memory_space<hbm>> -> memref<80xi32, #tpu.memory_space<hbm>>
        tpu.enqueue_dma source(%dma_start3A_339 : memref<80xi32, #tpu.memory_space<hbm>>) target(%arg23 : memref<80xi32, #tpu.memory_space<vmem>>) target_semaphore(%arg39 : memref<!tpu.dma_semaphore, #tpu.memory_space<semaphore_mem>>)
        %dma_start3A_340 = arith.constant 0 : i32
        %dma_start3A_341 = tpu.memref_slice %arg4[%add3A, %add3A_333, %dma_start3A_340] : memref<32x125x80xi32, #tpu.memory_space<hbm>> -> memref<1x1x80xi32, #tpu.memory_space<hbm>>
        %dma_start3A_342 = tpu.memref_squeeze %dma_start3A_341 : memref<1x1x80xi32, #tpu.memory_space<hbm>> -> memref<80xi32, #tpu.memory_space<hbm>>
        %dma_start3A_343 = arith.constant 0 : i32
        %dma_start3A_344 = tpu.memref_slice %arg4[%add3A, %add3A_333, %dma_start3A_343] : memref<32x125x80xi32, #tpu.memory_space<hbm>> -> memref<1x1x80xi32, #tpu.memory_space<hbm>>
        %dma_start3A_345 = tpu.memref_squeeze %dma_start3A_344 : memref<1x1x80xi32, #tpu.memory_space<hbm>> -> memref<80xi32, #tpu.memory_space<hbm>>
        tpu.enqueue_dma source(%dma_start3A_345 : memref<80xi32, #tpu.memory_space<hbm>>) target(%arg31 : memref<80xi32, #tpu.memory_space<vmem>>) target_semaphore(%arg47 : memref<!tpu.dma_semaphore, #tpu.memory_space<semaphore_mem>>)
      } else {
      }
      %add3A_325 = arith.constant 4 : i32
      %add3A_326 = arith.addi %add3A_312, %add3A_325 : i32
      %lt3A_327 = arith.constant 125 : i32
      %lt3A_328 = arith.cmpi slt, %add3A_326, %lt3A_327 : i32
      %convert_element_type3A_329 = arith.extui %lt3A_328 : i1 to i32
      %cond3A_330 = arith.constant 0 : i32
      %cond3A_331 = arith.cmpi ne, %convert_element_type3A_329, %cond3A_330 : i32
      scf.if %cond3A_331 {
        %dma_wait3A_332 = arith.constant 0 : i32
        %dma_wait3A_333 = arith.constant 0 : i32
        %dma_wait3A_334 = tpu.memref_slice %arg3[%add3A, %dma_wait3A_332, %dma_wait3A_333] : memref<32x125x80xi32, #tpu.memory_space<hbm>> -> memref<1x1x80xi32, #tpu.memory_space<hbm>>
        %dma_wait3A_335 = tpu.memref_squeeze %dma_wait3A_334 : memref<1x1x80xi32, #tpu.memory_space<hbm>> -> memref<80xi32, #tpu.memory_space<hbm>>
        %dma_wait3A_336 = arith.constant 0 : i32
        %dma_wait3A_337 = tpu.memref_slice %arg3[%add3A, %dma_wait3A_332, %dma_wait3A_336] : memref<32x125x80xi32, #tpu.memory_space<hbm>> -> memref<1x1x80xi32, #tpu.memory_space<hbm>>
        %dma_wait3A_338 = tpu.memref_squeeze %dma_wait3A_337 : memref<1x1x80xi32, #tpu.memory_space<hbm>> -> memref<80xi32, #tpu.memory_space<hbm>>
        tpu.wait_dma2 semaphore(%arg38 : memref<!tpu.dma_semaphore, #tpu.memory_space<semaphore_mem>>) src(%dma_wait3A_338 : memref<80xi32, #tpu.memory_space<hbm>>) dst(%arg22 : memref<80xi32, #tpu.memory_space<vmem>>)
        %dma_start3A_339 = arith.constant 0 : i32
        %dma_start3A_340 = arith.constant 0 : i32
        %dma_start3A_341 = tpu.memref_slice %arg2[%dma_start3A_339, %dma_start3A_340] : memref<10000x128xf32, #tpu.memory_space<hbm>> -> memref<10000x128xf32, #tpu.memory_space<hbm>>
        tpu.enqueue_indirect_dma source(%dma_start3A_341 : memref<10000x128xf32, #tpu.memory_space<hbm>>) target(%arg11 : memref<80x128xf32, #tpu.memory_space<vmem>>) offsets(%arg22 : memref<80xi32, #tpu.memory_space<vmem>>) semaphore(%arg15 : memref<!tpu.dma_semaphore, #tpu.memory_space<semaphore_mem>>)
      } else {
      }
    }
    %scan3A_156 = arith.constant 16 : i32
    %barrier3A_157 = arith.constant 0 : index
    tpu.barrier barrier_id(%barrier3A_157)
    %mul3A_158 = arith.constant 632 : i32
    %mul3A_159 = arith.muli %arg1, %mul3A_158 : i32
    %mul3A_160 = arith.constant 632 : i32
    %mul3A_161 = arith.muli %arg1, %mul3A_160 : i32
    "tpu.region"() ({
      %run_scoped3A = tpu.sem_alloc : memref<!tpu.dma_semaphore, #tpu.memory_space<semaphore_mem>>
      %dma_start3A_162 = arith.constant 0 : i32
      %dma_start3A_163 = tpu.memref_slice %arg6[%arg0, %mul3A_161, %dma_start3A_162] : memref<2x10112x128xf32, #tpu.memory_space<hbm>> -> memref<1x632x128xf32, #tpu.memory_space<hbm>>
      %dma_start3A_164 = tpu.memref_squeeze %dma_start3A_163 : memref<1x632x128xf32, #tpu.memory_space<hbm>> -> memref<632x128xf32, #tpu.memory_space<hbm>>
      %dma_start3A_165 = arith.constant 0 : i32
      %dma_start3A_166 = tpu.memref_slice %arg7[%mul3A_159, %dma_start3A_165] : memref<10112x128xf32, #tpu.memory_space<vmem_shared>> -> memref<632x128xf32, #tpu.memory_space<vmem_shared>>
      tpu.enqueue_dma source(%dma_start3A_166 : memref<632x128xf32, #tpu.memory_space<vmem_shared>>) target(%dma_start3A_164 : memref<632x128xf32, #tpu.memory_space<hbm>>) target_semaphore(%run_scoped3A : memref<!tpu.dma_semaphore, #tpu.memory_space<semaphore_mem>>)
      %dma_wait3A_167 = arith.constant 0 : i32
      %dma_wait3A_168 = tpu.memref_slice %arg6[%arg0, %mul3A_161, %dma_wait3A_167] : memref<2x10112x128xf32, #tpu.memory_space<hbm>> -> memref<1x632x128xf32, #tpu.memory_space<hbm>>
      %dma_wait3A_169 = tpu.memref_squeeze %dma_wait3A_168 : memref<1x632x128xf32, #tpu.memory_space<hbm>> -> memref<632x128xf32, #tpu.memory_space<hbm>>
      %dma_wait3A_170 = arith.constant 0 : i32
      %dma_wait3A_171 = tpu.memref_slice %arg7[%mul3A_159, %dma_wait3A_170] : memref<10112x128xf32, #tpu.memory_space<vmem_shared>> -> memref<632x128xf32, #tpu.memory_space<vmem_shared>>
      tpu.wait_dma2 semaphore(%run_scoped3A : memref<!tpu.dma_semaphore, #tpu.memory_space<semaphore_mem>>) src(%dma_wait3A_171 : memref<632x128xf32, #tpu.memory_space<vmem_shared>>) dst(%dma_wait3A_169 : memref<632x128xf32, #tpu.memory_space<hbm>>)
      tpu.yield
    }) : () -> ()
    return
  }
}

module attributes {stable_mosaic.version = 14 : i64} {
  func.func @body(%arg0: memref<10000x128xf32, #tpu.memory_space<vmem>>, %arg1: memref<2x10112x128xf32, #tpu.memory_space<vmem>>, %arg2: memref<128x128xf32, #tpu.memory_space<vmem>>, %arg3: memref<128x128xf32, #tpu.memory_space<vmem>>, %arg4: memref<1x128xf32, #tpu.memory_space<vmem>>, %arg5: memref<1x128xf32, #tpu.memory_space<vmem>>, %arg6: memref<1x128xf32, #tpu.memory_space<vmem>>, %arg7: memref<1x128xf32, #tpu.memory_space<vmem>>, %arg8: memref<128x128xf32, #tpu.memory_space<vmem>>, %arg9: memref<1x128xf32, #tpu.memory_space<vmem>>, %arg10: memref<1x128xf32, #tpu.memory_space<vmem>>, %arg11: memref<10000x128xf32, #tpu.memory_space<vmem>>, %arg12: memref<1x128xf32, #tpu.memory_space<vmem>>) attributes {dimension_semantics = [], scalar_prefetch = 0 : i64, scratch_operands = 0 : i64, tpu.core_type = #tpu.core_type<tc>} {
    %get3A = arith.constant 0 : index
    %get3A_0 = arith.constant 0 : index
    %get3A_1 = vector.load %arg0[%get3A, %get3A_0] : memref<10000x128xf32, #tpu.memory_space<vmem>>, vector<10000x128xf32>
    %get3A_2 = arith.constant 0 : index
    %get3A_3 = arith.constant 0 : index
    %get3A_4 = arith.constant 0 : index
    %get3A_5 = vector.load %arg1[%get3A_2, %get3A_3, %get3A_4] : memref<2x10112x128xf32, #tpu.memory_space<vmem>>, vector<1x10000x128xf32>
    %get3A_6 = vector.shape_cast %get3A_5 : vector<1x10000x128xf32> to vector<10000x128xf32>
    %add3A = arith.addf %get3A_1, %get3A_6 : vector<10000x128xf32>
    %get3A_7 = arith.constant 1 : index
    %get3A_8 = arith.constant 0 : index
    %get3A_9 = arith.constant 0 : index
    %get3A_10 = vector.load %arg1[%get3A_7, %get3A_8, %get3A_9] : memref<2x10112x128xf32, #tpu.memory_space<vmem>>, vector<1x10000x128xf32>
    %get3A_11 = vector.shape_cast %get3A_10 : vector<1x10000x128xf32> to vector<10000x128xf32>
    %add3A_12 = arith.addf %add3A, %get3A_11 : vector<10000x128xf32>
    %get3A_13 = arith.constant 0 : index
    %get3A_14 = arith.constant 0 : index
    %get3A_15 = vector.load %arg2[%get3A_13, %get3A_14] : memref<128x128xf32, #tpu.memory_space<vmem>>, vector<128x128xf32>
    %dot_general3A = arith.constant dense<0.000000e+00> : vector<10000x128xf32>
    %dot_general3A_16 = tpu.matmul %add3A_12, %get3A_15, %dot_general3A {dimension_numbers = #tpu.dot_dimension_numbers<[1], [0], [0], [1], [0, 0, 1, 1], [], []>, transpose_lhs_hint = false} : vector<10000x128xf32>, vector<128x128xf32>, vector<10000x128xf32> -> vector<10000x128xf32>
    %reduce_sum3A = arith.constant dense<0.000000e+00> : vector<128xf32>
    %reduce_sum3A_17 = vector.multi_reduction <add>, %dot_general3A_16, %reduce_sum3A [0] : vector<10000x128xf32> to vector<128xf32>
    %broadcast_in_dim3A = vector.shape_cast %reduce_sum3A_17 : vector<128xf32> to vector<1x128xf32>
    %div3A = arith.constant 1.000000e+04 : f32
    %div3A_18 = vector.broadcast %div3A : f32 to vector<1x128xf32>
    %div3A_19 = arith.divf %broadcast_in_dim3A, %div3A_18 : vector<1x128xf32>
    %mul3A = arith.mulf %dot_general3A_16, %dot_general3A_16 : vector<10000x128xf32>
    %reduce_sum3A_20 = arith.constant dense<0.000000e+00> : vector<128xf32>
    %reduce_sum3A_21 = vector.multi_reduction <add>, %mul3A, %reduce_sum3A_20 [0] : vector<10000x128xf32> to vector<128xf32>
    %broadcast_in_dim3A_22 = vector.shape_cast %reduce_sum3A_21 : vector<128xf32> to vector<1x128xf32>
    %div3A_23 = arith.constant 1.000000e+04 : f32
    %div3A_24 = vector.broadcast %div3A_23 : f32 to vector<1x128xf32>
    %div3A_25 = arith.divf %broadcast_in_dim3A_22, %div3A_24 : vector<1x128xf32>
    %mul3A_26 = arith.mulf %div3A_19, %div3A_19 : vector<1x128xf32>
    %sub3A = arith.subf %div3A_25, %mul3A_26 : vector<1x128xf32>
    %sub3A_27 = vector.broadcast %div3A_19 : vector<1x128xf32> to vector<10000x128xf32>
    %sub3A_28 = arith.subf %dot_general3A_16, %sub3A_27 : vector<10000x128xf32>
    %add3A_29 = arith.constant 9.99999974E-6 : f32
    %add3A_30 = vector.broadcast %add3A_29 : f32 to vector<1x128xf32>
    %add3A_31 = arith.addf %sub3A, %add3A_30 : vector<1x128xf32>
    %rsqrt3A = math.rsqrt %add3A_31 : vector<1x128xf32>
    %mul3A_32 = vector.broadcast %rsqrt3A : vector<1x128xf32> to vector<10000x128xf32>
    %mul3A_33 = arith.mulf %sub3A_28, %mul3A_32 : vector<10000x128xf32>
    %get3A_34 = arith.constant 0 : index
    %get3A_35 = arith.constant 0 : index
    %get3A_36 = vector.load %arg4[%get3A_34, %get3A_35] : memref<1x128xf32, #tpu.memory_space<vmem>>, vector<1x128xf32>
    %mul3A_37 = vector.broadcast %get3A_36 : vector<1x128xf32> to vector<10000x128xf32>
    %mul3A_38 = arith.mulf %mul3A_33, %mul3A_37 : vector<10000x128xf32>
    %get3A_39 = arith.constant 0 : index
    %get3A_40 = arith.constant 0 : index
    %get3A_41 = vector.load %arg5[%get3A_39, %get3A_40] : memref<1x128xf32, #tpu.memory_space<vmem>>, vector<1x128xf32>
    %add3A_42 = vector.broadcast %get3A_41 : vector<1x128xf32> to vector<10000x128xf32>
    %add3A_43 = arith.addf %mul3A_38, %add3A_42 : vector<10000x128xf32>
    %max3A = arith.constant 0.000000e+00 : f32
    %max3A_44 = vector.broadcast %max3A : f32 to vector<10000x128xf32>
    %max3A_45 = arith.maximumf %add3A_43, %max3A_44 : vector<10000x128xf32>
    %get3A_46 = arith.constant 0 : index
    %get3A_47 = arith.constant 0 : index
    %get3A_48 = vector.load %arg3[%get3A_46, %get3A_47] : memref<128x128xf32, #tpu.memory_space<vmem>>, vector<128x128xf32>
    %dot_general3A_49 = arith.constant dense<0.000000e+00> : vector<10000x128xf32>
    %dot_general3A_50 = tpu.matmul %max3A_45, %get3A_48, %dot_general3A_49 {dimension_numbers = #tpu.dot_dimension_numbers<[1], [0], [0], [1], [0, 0, 1, 1], [], []>, transpose_lhs_hint = false} : vector<10000x128xf32>, vector<128x128xf32>, vector<10000x128xf32> -> vector<10000x128xf32>
    %reduce_sum3A_51 = arith.constant dense<0.000000e+00> : vector<128xf32>
    %reduce_sum3A_52 = vector.multi_reduction <add>, %dot_general3A_50, %reduce_sum3A_51 [0] : vector<10000x128xf32> to vector<128xf32>
    %broadcast_in_dim3A_53 = vector.shape_cast %reduce_sum3A_52 : vector<128xf32> to vector<1x128xf32>
    %div3A_54 = arith.constant 1.000000e+04 : f32
    %div3A_55 = vector.broadcast %div3A_54 : f32 to vector<1x128xf32>
    %div3A_56 = arith.divf %broadcast_in_dim3A_53, %div3A_55 : vector<1x128xf32>
    %mul3A_57 = arith.mulf %dot_general3A_50, %dot_general3A_50 : vector<10000x128xf32>
    %reduce_sum3A_58 = arith.constant dense<0.000000e+00> : vector<128xf32>
    %reduce_sum3A_59 = vector.multi_reduction <add>, %mul3A_57, %reduce_sum3A_58 [0] : vector<10000x128xf32> to vector<128xf32>
    %broadcast_in_dim3A_60 = vector.shape_cast %reduce_sum3A_59 : vector<128xf32> to vector<1x128xf32>
    %div3A_61 = arith.constant 1.000000e+04 : f32
    %div3A_62 = vector.broadcast %div3A_61 : f32 to vector<1x128xf32>
    %div3A_63 = arith.divf %broadcast_in_dim3A_60, %div3A_62 : vector<1x128xf32>
    %mul3A_64 = arith.mulf %div3A_56, %div3A_56 : vector<1x128xf32>
    %sub3A_65 = arith.subf %div3A_63, %mul3A_64 : vector<1x128xf32>
    %sub3A_66 = vector.broadcast %div3A_56 : vector<1x128xf32> to vector<10000x128xf32>
    %sub3A_67 = arith.subf %dot_general3A_50, %sub3A_66 : vector<10000x128xf32>
    %add3A_68 = arith.constant 9.99999974E-6 : f32
    %add3A_69 = vector.broadcast %add3A_68 : f32 to vector<1x128xf32>
    %add3A_70 = arith.addf %sub3A_65, %add3A_69 : vector<1x128xf32>
    %rsqrt3A_71 = math.rsqrt %add3A_70 : vector<1x128xf32>
    %mul3A_72 = vector.broadcast %rsqrt3A_71 : vector<1x128xf32> to vector<10000x128xf32>
    %mul3A_73 = arith.mulf %sub3A_67, %mul3A_72 : vector<10000x128xf32>
    %get3A_74 = arith.constant 0 : index
    %get3A_75 = arith.constant 0 : index
    %get3A_76 = vector.load %arg6[%get3A_74, %get3A_75] : memref<1x128xf32, #tpu.memory_space<vmem>>, vector<1x128xf32>
    %mul3A_77 = vector.broadcast %get3A_76 : vector<1x128xf32> to vector<10000x128xf32>
    %mul3A_78 = arith.mulf %mul3A_73, %mul3A_77 : vector<10000x128xf32>
    %get3A_79 = arith.constant 0 : index
    %get3A_80 = arith.constant 0 : index
    %get3A_81 = vector.load %arg7[%get3A_79, %get3A_80] : memref<1x128xf32, #tpu.memory_space<vmem>>, vector<1x128xf32>
    %add3A_82 = vector.broadcast %get3A_81 : vector<1x128xf32> to vector<10000x128xf32>
    %add3A_83 = arith.addf %mul3A_78, %add3A_82 : vector<10000x128xf32>
    %max3A_84 = arith.constant 0.000000e+00 : f32
    %max3A_85 = vector.broadcast %max3A_84 : f32 to vector<10000x128xf32>
    %max3A_86 = arith.maximumf %add3A_83, %max3A_85 : vector<10000x128xf32>
    %swap3A = arith.constant 0 : index
    %swap3A_87 = arith.constant 0 : index
    %swap3A_88 = vector.load %arg11[%swap3A, %swap3A_87] : memref<10000x128xf32, #tpu.memory_space<vmem>>, vector<10000x128xf32>
    tpu.vector_store %arg11[%swap3A, %swap3A_87], %max3A_86 {strides = array<i32>} : memref<10000x128xf32, #tpu.memory_space<vmem>>, vector<10000x128xf32>,
    %reduce_sum3A_89 = arith.constant dense<0.000000e+00> : vector<128xf32>
    %reduce_sum3A_90 = vector.multi_reduction <add>, %max3A_86, %reduce_sum3A_89 [0] : vector<10000x128xf32> to vector<128xf32>
    %broadcast_in_dim3A_91 = vector.shape_cast %reduce_sum3A_90 : vector<128xf32> to vector<1x128xf32>
    %div3A_92 = arith.constant 1.000000e+04 : f32
    %div3A_93 = vector.broadcast %div3A_92 : f32 to vector<1x128xf32>
    %div3A_94 = arith.divf %broadcast_in_dim3A_91, %div3A_93 : vector<1x128xf32>
    %get3A_95 = arith.constant 0 : index
    %get3A_96 = arith.constant 0 : index
    %get3A_97 = vector.load %arg10[%get3A_95, %get3A_96] : memref<1x128xf32, #tpu.memory_space<vmem>>, vector<1x128xf32>
    %get3A_98 = arith.constant 0 : index
    %get3A_99 = arith.constant 0 : index
    %get3A_100 = vector.load %arg8[%get3A_98, %get3A_99] : memref<128x128xf32, #tpu.memory_space<vmem>>, vector<128x128xf32>
    %dot_general3A_101 = arith.constant dense<0.000000e+00> : vector<1x128xf32>
    %dot_general3A_102 = tpu.matmul %div3A_94, %get3A_100, %dot_general3A_101 {dimension_numbers = #tpu.dot_dimension_numbers<[1], [0], [0], [1], [0, 0, 1, 1], [], []>, transpose_lhs_hint = false} : vector<1x128xf32>, vector<128x128xf32>, vector<1x128xf32> -> vector<1x128xf32>
    %add3A_103 = arith.addf %get3A_97, %dot_general3A_102 : vector<1x128xf32>
    %get3A_104 = arith.constant 0 : index
    %get3A_105 = arith.constant 0 : index
    %get3A_106 = vector.load %arg9[%get3A_104, %get3A_105] : memref<1x128xf32, #tpu.memory_space<vmem>>, vector<1x128xf32>
    %add3A_107 = arith.addf %add3A_103, %get3A_106 : vector<1x128xf32>
    %swap3A_108 = arith.constant 0 : index
    %swap3A_109 = arith.constant 0 : index
    %swap3A_110 = vector.load %arg12[%swap3A_108, %swap3A_109] : memref<1x128xf32, #tpu.memory_space<vmem>>, vector<1x128xf32>
    tpu.vector_store %arg12[%swap3A_108, %swap3A_109], %add3A_107 {strides = array<i32>} : memref<1x128xf32, #tpu.memory_space<vmem>>, vector<1x128xf32>,
    return
  }
}

module attributes {stable_mosaic.version = 14 : i64} {
  func.func @body(%arg0: memref<10000x128xf32, #tpu.memory_space<vmem>>, %arg1: memref<2x10112x128xf32, #tpu.memory_space<vmem>>, %arg2: memref<128x128xf32, #tpu.memory_space<vmem>>, %arg3: memref<128x128xf32, #tpu.memory_space<vmem>>, %arg4: memref<1x128xf32, #tpu.memory_space<vmem>>, %arg5: memref<1x128xf32, #tpu.memory_space<vmem>>, %arg6: memref<1x128xf32, #tpu.memory_space<vmem>>, %arg7: memref<1x128xf32, #tpu.memory_space<vmem>>, %arg8: memref<128x128xf32, #tpu.memory_space<vmem>>, %arg9: memref<1x128xf32, #tpu.memory_space<vmem>>, %arg10: memref<1x128xf32, #tpu.memory_space<vmem>>, %arg11: memref<10000x128xf32, #tpu.memory_space<vmem>>, %arg12: memref<1x128xf32, #tpu.memory_space<vmem>>) attributes {dimension_semantics = [], scalar_prefetch = 0 : i64, scratch_operands = 0 : i64, tpu.core_type = #tpu.core_type<tc>} {
    %get3A = arith.constant 0 : index
    %get3A_0 = arith.constant 0 : index
    %get3A_1 = vector.load %arg0[%get3A, %get3A_0] : memref<10000x128xf32, #tpu.memory_space<vmem>>, vector<10000x128xf32>
    %get3A_2 = arith.constant 0 : index
    %get3A_3 = arith.constant 0 : index
    %get3A_4 = arith.constant 0 : index
    %get3A_5 = vector.load %arg1[%get3A_2, %get3A_3, %get3A_4] : memref<2x10112x128xf32, #tpu.memory_space<vmem>>, vector<1x10000x128xf32>
    %get3A_6 = vector.shape_cast %get3A_5 : vector<1x10000x128xf32> to vector<10000x128xf32>
    %add3A = arith.addf %get3A_1, %get3A_6 : vector<10000x128xf32>
    %get3A_7 = arith.constant 1 : index
    %get3A_8 = arith.constant 0 : index
    %get3A_9 = arith.constant 0 : index
    %get3A_10 = vector.load %arg1[%get3A_7, %get3A_8, %get3A_9] : memref<2x10112x128xf32, #tpu.memory_space<vmem>>, vector<1x10000x128xf32>
    %get3A_11 = vector.shape_cast %get3A_10 : vector<1x10000x128xf32> to vector<10000x128xf32>
    %add3A_12 = arith.addf %add3A, %get3A_11 : vector<10000x128xf32>
    %get3A_13 = arith.constant 0 : index
    %get3A_14 = arith.constant 0 : index
    %get3A_15 = vector.load %arg2[%get3A_13, %get3A_14] : memref<128x128xf32, #tpu.memory_space<vmem>>, vector<128x128xf32>
    %dot_general3A = arith.constant dense<0.000000e+00> : vector<10000x128xf32>
    %dot_general3A_16 = tpu.matmul %add3A_12, %get3A_15, %dot_general3A {dimension_numbers = #tpu.dot_dimension_numbers<[1], [0], [0], [1], [0, 0, 1, 1], [], []>, transpose_lhs_hint = false} : vector<10000x128xf32>, vector<128x128xf32>, vector<10000x128xf32> -> vector<10000x128xf32>
    %reduce_sum3A = arith.constant dense<0.000000e+00> : vector<128xf32>
    %reduce_sum3A_17 = vector.multi_reduction <add>, %dot_general3A_16, %reduce_sum3A [0] : vector<10000x128xf32> to vector<128xf32>
    %broadcast_in_dim3A = vector.shape_cast %reduce_sum3A_17 : vector<128xf32> to vector<1x128xf32>
    %div3A = arith.constant 1.000000e+04 : f32
    %div3A_18 = vector.broadcast %div3A : f32 to vector<1x128xf32>
    %div3A_19 = arith.divf %broadcast_in_dim3A, %div3A_18 : vector<1x128xf32>
    %mul3A = arith.mulf %dot_general3A_16, %dot_general3A_16 : vector<10000x128xf32>
    %reduce_sum3A_20 = arith.constant dense<0.000000e+00> : vector<128xf32>
    %reduce_sum3A_21 = vector.multi_reduction <add>, %mul3A, %reduce_sum3A_20 [0] : vector<10000x128xf32> to vector<128xf32>
    %broadcast_in_dim3A_22 = vector.shape_cast %reduce_sum3A_21 : vector<128xf32> to vector<1x128xf32>
    %div3A_23 = arith.constant 1.000000e+04 : f32
    %div3A_24 = vector.broadcast %div3A_23 : f32 to vector<1x128xf32>
    %div3A_25 = arith.divf %broadcast_in_dim3A_22, %div3A_24 : vector<1x128xf32>
    %mul3A_26 = arith.mulf %div3A_19, %div3A_19 : vector<1x128xf32>
    %sub3A = arith.subf %div3A_25, %mul3A_26 : vector<1x128xf32>
    %sub3A_27 = vector.broadcast %div3A_19 : vector<1x128xf32> to vector<10000x128xf32>
    %sub3A_28 = arith.subf %dot_general3A_16, %sub3A_27 : vector<10000x128xf32>
    %add3A_29 = arith.constant 9.99999974E-6 : f32
    %add3A_30 = vector.broadcast %add3A_29 : f32 to vector<1x128xf32>
    %add3A_31 = arith.addf %sub3A, %add3A_30 : vector<1x128xf32>
    %rsqrt3A = math.rsqrt %add3A_31 : vector<1x128xf32>
    %mul3A_32 = vector.broadcast %rsqrt3A : vector<1x128xf32> to vector<10000x128xf32>
    %mul3A_33 = arith.mulf %sub3A_28, %mul3A_32 : vector<10000x128xf32>
    %get3A_34 = arith.constant 0 : index
    %get3A_35 = arith.constant 0 : index
    %get3A_36 = vector.load %arg4[%get3A_34, %get3A_35] : memref<1x128xf32, #tpu.memory_space<vmem>>, vector<1x128xf32>
    %mul3A_37 = vector.broadcast %get3A_36 : vector<1x128xf32> to vector<10000x128xf32>
    %mul3A_38 = arith.mulf %mul3A_33, %mul3A_37 : vector<10000x128xf32>
    %get3A_39 = arith.constant 0 : index
    %get3A_40 = arith.constant 0 : index
    %get3A_41 = vector.load %arg5[%get3A_39, %get3A_40] : memref<1x128xf32, #tpu.memory_space<vmem>>, vector<1x128xf32>
    %add3A_42 = vector.broadcast %get3A_41 : vector<1x128xf32> to vector<10000x128xf32>
    %add3A_43 = arith.addf %mul3A_38, %add3A_42 : vector<10000x128xf32>
    %max3A = arith.constant 0.000000e+00 : f32
    %max3A_44 = vector.broadcast %max3A : f32 to vector<10000x128xf32>
    %max3A_45 = arith.maximumf %add3A_43, %max3A_44 : vector<10000x128xf32>
    %get3A_46 = arith.constant 0 : index
    %get3A_47 = arith.constant 0 : index
    %get3A_48 = vector.load %arg3[%get3A_46, %get3A_47] : memref<128x128xf32, #tpu.memory_space<vmem>>, vector<128x128xf32>
    %dot_general3A_49 = arith.constant dense<0.000000e+00> : vector<10000x128xf32>
    %dot_general3A_50 = tpu.matmul %max3A_45, %get3A_48, %dot_general3A_49 {dimension_numbers = #tpu.dot_dimension_numbers<[1], [0], [0], [1], [0, 0, 1, 1], [], []>, transpose_lhs_hint = false} : vector<10000x128xf32>, vector<128x128xf32>, vector<10000x128xf32> -> vector<10000x128xf32>
    %reduce_sum3A_51 = arith.constant dense<0.000000e+00> : vector<128xf32>
    %reduce_sum3A_52 = vector.multi_reduction <add>, %dot_general3A_50, %reduce_sum3A_51 [0] : vector<10000x128xf32> to vector<128xf32>
    %broadcast_in_dim3A_53 = vector.shape_cast %reduce_sum3A_52 : vector<128xf32> to vector<1x128xf32>
    %div3A_54 = arith.constant 1.000000e+04 : f32
    %div3A_55 = vector.broadcast %div3A_54 : f32 to vector<1x128xf32>
    %div3A_56 = arith.divf %broadcast_in_dim3A_53, %div3A_55 : vector<1x128xf32>
    %mul3A_57 = arith.mulf %dot_general3A_50, %dot_general3A_50 : vector<10000x128xf32>
    %reduce_sum3A_58 = arith.constant dense<0.000000e+00> : vector<128xf32>
    %reduce_sum3A_59 = vector.multi_reduction <add>, %mul3A_57, %reduce_sum3A_58 [0] : vector<10000x128xf32> to vector<128xf32>
    %broadcast_in_dim3A_60 = vector.shape_cast %reduce_sum3A_59 : vector<128xf32> to vector<1x128xf32>
    %div3A_61 = arith.constant 1.000000e+04 : f32
    %div3A_62 = vector.broadcast %div3A_61 : f32 to vector<1x128xf32>
    %div3A_63 = arith.divf %broadcast_in_dim3A_60, %div3A_62 : vector<1x128xf32>
    %mul3A_64 = arith.mulf %div3A_56, %div3A_56 : vector<1x128xf32>
    %sub3A_65 = arith.subf %div3A_63, %mul3A_64 : vector<1x128xf32>
    %sub3A_66 = vector.broadcast %div3A_56 : vector<1x128xf32> to vector<10000x128xf32>
    %sub3A_67 = arith.subf %dot_general3A_50, %sub3A_66 : vector<10000x128xf32>
    %add3A_68 = arith.constant 9.99999974E-6 : f32
    %add3A_69 = vector.broadcast %add3A_68 : f32 to vector<1x128xf32>
    %add3A_70 = arith.addf %sub3A_65, %add3A_69 : vector<1x128xf32>
    %rsqrt3A_71 = math.rsqrt %add3A_70 : vector<1x128xf32>
    %mul3A_72 = vector.broadcast %rsqrt3A_71 : vector<1x128xf32> to vector<10000x128xf32>
    %mul3A_73 = arith.mulf %sub3A_67, %mul3A_72 : vector<10000x128xf32>
    %get3A_74 = arith.constant 0 : index
    %get3A_75 = arith.constant 0 : index
    %get3A_76 = vector.load %arg6[%get3A_74, %get3A_75] : memref<1x128xf32, #tpu.memory_space<vmem>>, vector<1x128xf32>
    %mul3A_77 = vector.broadcast %get3A_76 : vector<1x128xf32> to vector<10000x128xf32>
    %mul3A_78 = arith.mulf %mul3A_73, %mul3A_77 : vector<10000x128xf32>
    %get3A_79 = arith.constant 0 : index
    %get3A_80 = arith.constant 0 : index
    %get3A_81 = vector.load %arg7[%get3A_79, %get3A_80] : memref<1x128xf32, #tpu.memory_space<vmem>>, vector<1x128xf32>
    %add3A_82 = vector.broadcast %get3A_81 : vector<1x128xf32> to vector<10000x128xf32>
    %add3A_83 = arith.addf %mul3A_78, %add3A_82 : vector<10000x128xf32>
    %max3A_84 = arith.constant 0.000000e+00 : f32
    %max3A_85 = vector.broadcast %max3A_84 : f32 to vector<10000x128xf32>
    %max3A_86 = arith.maximumf %add3A_83, %max3A_85 : vector<10000x128xf32>
    %swap3A = arith.constant 0 : index
    %swap3A_87 = arith.constant 0 : index
    %swap3A_88 = vector.load %arg11[%swap3A, %swap3A_87] : memref<10000x128xf32, #tpu.memory_space<vmem>>, vector<10000x128xf32>
    tpu.vector_store %arg11[%swap3A, %swap3A_87], %max3A_86 {strides = array<i32>} : memref<10000x128xf32, #tpu.memory_space<vmem>>, vector<10000x128xf32>,
    %reduce_sum3A_89 = arith.constant dense<0.000000e+00> : vector<128xf32>
    %reduce_sum3A_90 = vector.multi_reduction <add>, %max3A_86, %reduce_sum3A_89 [0] : vector<10000x128xf32> to vector<128xf32>
    %broadcast_in_dim3A_91 = vector.shape_cast %reduce_sum3A_90 : vector<128xf32> to vector<1x128xf32>
    %div3A_92 = arith.constant 1.000000e+04 : f32
    %div3A_93 = vector.broadcast %div3A_92 : f32 to vector<1x128xf32>
    %div3A_94 = arith.divf %broadcast_in_dim3A_91, %div3A_93 : vector<1x128xf32>
    %get3A_95 = arith.constant 0 : index
    %get3A_96 = arith.constant 0 : index
    %get3A_97 = vector.load %arg10[%get3A_95, %get3A_96] : memref<1x128xf32, #tpu.memory_space<vmem>>, vector<1x128xf32>
    %get3A_98 = arith.constant 0 : index
    %get3A_99 = arith.constant 0 : index
    %get3A_100 = vector.load %arg8[%get3A_98, %get3A_99] : memref<128x128xf32, #tpu.memory_space<vmem>>, vector<128x128xf32>
    %dot_general3A_101 = arith.constant dense<0.000000e+00> : vector<1x128xf32>
    %dot_general3A_102 = tpu.matmul %div3A_94, %get3A_100, %dot_general3A_101 {dimension_numbers = #tpu.dot_dimension_numbers<[1], [0], [0], [1], [0, 0, 1, 1], [], []>, transpose_lhs_hint = false} : vector<1x128xf32>, vector<128x128xf32>, vector<1x128xf32> -> vector<1x128xf32>
    %add3A_103 = arith.addf %get3A_97, %dot_general3A_102 : vector<1x128xf32>
    %get3A_104 = arith.constant 0 : index
    %get3A_105 = arith.constant 0 : index
    %get3A_106 = vector.load %arg9[%get3A_104, %get3A_105] : memref<1x128xf32, #tpu.memory_space<vmem>>, vector<1x128xf32>
    %add3A_107 = arith.addf %add3A_103, %get3A_106 : vector<1x128xf32>
    %swap3A_108 = arith.constant 0 : index
    %swap3A_109 = arith.constant 0 : index
    %swap3A_110 = vector.load %arg12[%swap3A_108, %swap3A_109] : memref<1x128xf32, #tpu.memory_space<vmem>>, vector<1x128xf32>
    tpu.vector_store %arg12[%swap3A_108, %swap3A_109], %add3A_107 {strides = array<i32>} : memref<1x128xf32, #tpu.memory_space<vmem>>, vector<1x128xf32>,
    return
  }
}

</mosaic_0001>

<sc_bundles>
// kernel: kernel.11.cloned.1.call-start
scs
__scs_entry_jumppad:
0x0: {  	(pc) =	sbr.rel $0x88, $3  }
0x1: {  	(tag) =	ssettag $0x0;
	lr =	simm.s32 $0x1  }
0x2: {  	[smem:$0x3F87] =	sst lr;
	_ =	strace $0xD0000000  }
0x3: {  	_ = 	snop  }
0x4: {  	_ = 	snop  }
0x5: {  	_ = 	snop  }
0x6: {  	_ = 	snop  }
0x7: {  	_ = 	snop  }
__scs_overlays_trampoline_lowered:
0x8: {  	[smem:$0x3F96] =	sst s0  }
0x9: {  	[smem:$0x3F97] =	sst s1  }
0xa: {  	[smem:$0x3F98] =	sst s2  }
0xb: {  	[smem:$0x3F99] =	sst s3  }
0xc: {  	[smem:$0x3F9A] =	sst s4  }
0xd: {  	[smem:$0x3F9B] =	sst s5  }
0xe: {  	[smem:$0x3F9C] =	sst s6  }
0xf: {  	[smem:$0x3F9D] =	sst s7  }
0x10: {  	[smem:$0x3F9E] =	sst s8  }
0x11: {  	[smem:$0x3F9F] =	sst s9;
	s0 =	simm.s32 @!p0 $0x0  }
0x12: {  	s1 =	sld [smem:$0x3F85];
	s0 =	simm.s32 @p0 $0x1  }
0x13: {  	[smem:$0x3FA0] =	sst s0;
	s0 =	simm.s32 @!p1 $0x0  }
0x14: {  	s2 =	sld [smem:$0x3F84];
	s0 =	simm.s32 @p1 $0x1  }
0x15: {  	[smem:$0x3FA1] =	sst s0;
	s0 =	simm.s32 @!p2 $0x0  }
0x16: {  	s3 =	sld [smem:$0x3FDB];
	s0 =	simm.s32 @p2 $0x1  }
0x17: {  	s4 =	simm.s32 $0x1BF5;
	[smem:$0x3FA3] =	sst s0  }
0x18: {  	s0 =	sld [smem:$0x3F86];
	_ =	swait.ge [sflag:s4], $0x0  }
0x19: {  	s7 =	sld [smem:$0x3F87]  }
0x1a: {  	s8 =	sadd.s32 $0xFFFFE003, lr  }
0x1b: {  	s9 =	sadd.s32 $0xFFFFFEF7, lr;
	s5 =	simm.s32 $0xFFFFFFFF;
	p2 =	slt.u32 s8, $0xFFFFF086  }
0x1c: {  	p1 =	slt.u32 s9, $0xF7A;
	s5 =	simm.s32 @!p2 $0x0  }
0x1d: {  	s5 =	simm.s32 @p1 $0x1;
	p0 =	seq.s32 s7, s2  }
0x1e: {  	s7 =	smul.u32 @!p0 $0xF7A, s2;
	p2 =	seq.s32 @!p0 s5, $0x0  }
0x1f: {  	s9 =	smul.u32 $0xF7A, s1;
	s8 =	simm.s32 @!p0 $0x1BF5;
	p2 =	por !p2, p0  }
0x20: {  	[sflag:s8] =	ssyncset.s32 @!p0 $0xFFFFF086;
	s6 =	sadd.s32 @!p0 s3, s7;
	s7 =	simm.s32 @!p0 $0x108  }
0x21: {  	s3 =	sadd.s32 s3, s9;
	s6 =	sadd.s32 @!p0 $0x88, s6;
	s7 =	simm.s32 @p2 $0x1082  }
0x22: {  	[simem:s7], [sflag:s8] =	dma.local @!p0 [hbm:s6], $0xF7A  }
0x23: {  	s9 =	sor.u32 $0xD0000000, s2;
	s6 =	simm.s32 $0x108;
	_ =	swait.ge @!p0 [sflag:s8], $0x0  }
0x24: {  	s3 =	sadd.s32 $0x88, s3;
	s6 =	simm.s32 @!p1 $0x1082;
	[sflag:s4] =	ssyncset.s32 $0xFFFFF086  }
0x25: {  	[simem:s6], [sflag:s4] =	dma.local [hbm:s3], $0xF7A  }
0x26: {  	[smem:$0x3F87] =	sst s1;
	(tag) =	ssettag s2;
	_ =	strace s9  }
0x27: {  	s1 =	sld [smem:$0x3F97]  }
0x28: {  	s2 =	sld [smem:$0x3F98]  }
0x29: {  	s4 =	sld [smem:$0x3F9A]  }
0x2a: {  	p0 =	seq.s32 s5, $0x0;
	s5 =	sld [smem:$0x3F9B]  }
0x2b: {  	s6 =	sld [smem:$0x3F9C]  }
0x2c: {  	s7 =	sld [smem:$0x3F9D]  }
0x2d: {  	s3 =	simm.s32 $0x108;
	s8 =	sld [smem:$0x3F9E]  }
0x2e: {  	s3 =	simm.s32 @!p0 $0x1082;
	s9 =	sld [smem:$0x3F9F]  }
0x2f: {  	lr =	sadd.s32 s0, s3;
	s0 =	sld [smem:$0x3F96]  }
0x30: {  	s3 =	sld [smem:$0x3F99]  }
0x31: {  	[smem:$0x3FA2] =	sst s10  }
0x32: {  	s10 =	sld [smem:$0x3FA0];
	_ =	sdelay $0x3  }
0x33: {  	p0 =	seq.s32 s10, $0x1;
	s10 =	sld [smem:$0x3FA2];
	_ =	sdelay $0x3  }
0x34: {  	[smem:$0x3FA2] =	sst s10  }
0x35: {  	s10 =	sld [smem:$0x3FA1];
	_ =	sdelay $0x3  }
0x36: {  	p1 =	seq.s32 s10, $0x1;
	s10 =	sld [smem:$0x3FA2];
	_ =	sdelay $0x3  }
0x37: {  	[smem:$0x3FA2] =	sst s10  }
0x38: {  	s10 =	sld [smem:$0x3FA3]  }
0x39: {  	_ = 	snop;
	(pc) =	sbr.ind lr, $3  }
0x3a: {  	_ = 	snop  }
0x3b: {  	_ = 	snop  }
0x3c: {  	p2 =	seq.s32 s10, $0x1;
	s10 =	sld [smem:$0x3FA2]  }
0x3d: {  	_ =	shalt  }
0x3e: {  	_ =	shalt  }
0x3f: {  	_ =	shalt  }
0x40: {  	_ =	shalt  }
0x41: {  	_ =	shalt  }
0x42: {  	_ =	shalt  }
0x43: {  	_ =	shalt  }
0x44: {  	_ =	shalt  }
0x45: {  	_ =	shalt  }
0x46: {  	_ =	shalt  }
0x47: {  	_ =	shalt  }
0x48: {  	_ =	shalt  }
0x49: {  	_ =	shalt  }
0x4a: {  	_ =	shalt  }
0x4b: {  	_ =	shalt  }
0x4c: {  	_ =	shalt  }
0x4d: {  	_ =	shalt  }
0x4e: {  	_ =	shalt  }
0x4f: {  	_ =	shalt  }
0x50: {  	_ =	shalt  }
0x51: {  	_ =	shalt  }
0x52: {  	_ =	shalt  }
0x53: {  	_ =	shalt  }
0x54: {  	_ =	shalt  }
0x55: {  	_ =	shalt  }
0x56: {  	_ =	shalt  }
0x57: {  	_ =	shalt  }
0x58: {  	_ =	shalt  }
0x59: {  	_ =	shalt  }
0x5a: {  	_ =	shalt  }
0x5b: {  	_ =	shalt  }
0x5c: {  	_ =	shalt  }
0x5d: {  	_ =	shalt  }
0x5e: {  	_ =	shalt  }
0x5f: {  	_ =	shalt  }
0x60: {  	_ =	shalt  }
0x61: {  	_ =	shalt  }
0x62: {  	_ =	shalt  }
0x63: {  	_ =	shalt  }
0x64: {  	_ =	shalt  }
0x65: {  	_ =	shalt  }
0x66: {  	_ =	shalt  }
0x67: {  	_ =	shalt  }
0x68: {  	_ =	shalt  }
0x69: {  	_ =	shalt  }
0x6a: {  	_ =	shalt  }
0x6b: {  	_ =	shalt  }
0x6c: {  	_ =	shalt  }
0x6d: {  	_ =	shalt  }
0x6e: {  	_ =	shalt  }
0x6f: {  	_ =	shalt  }
0x70: {  	_ =	shalt  }
0x71: {  	_ =	shalt  }
0x72: {  	_ =	shalt  }
0x73: {  	_ =	shalt  }
0x74: {  	_ =	shalt  }
0x75: {  	_ =	shalt  }
0x76: {  	_ =	shalt  }
0x77: {  	_ =	shalt  }
0x78: {  	_ =	shalt  }
0x79: {  	_ =	shalt  }
0x7a: {  	_ =	shalt  }
0x7b: {  	_ =	shalt  }
0x7c: {  	_ =	shalt  }
0x7d: {  	_ =	shalt  }
0x7e: {  	_ =	shalt  }
0x7f: {  	_ =	shalt  }
0x80: {  	_ =	shalt  }
0x81: {  	_ =	shalt  }
0x82: {  	_ =	shalt  }
0x83: {  	_ =	shalt  }
0x84: {  	_ =	shalt  }
0x85: {  	_ =	shalt  }
0x86: {  	_ =	shalt  }
0x87: {  	_ =	shalt  }
.Lfunc_end0:
.L_simem_size_0:
called_computation.1_lowered:
.L_overlay_start_0:
0x88: {  	s2 =	sld [smem:$0x3FD9]  }
0x89: {  	s3 =	sld [smem:$0x3FFE];
	_ =	sdelay $0x1  }
0x8a: {  	s1 =	srdreg.scid  }
0x8b: {  	s0 =	sand.u32 $0x1, s1  }
0x8c: {  	s16 =	sshll.u32 s0, $0xA;
	s2 =	sadd.s32 s3, s2  }
0x8d: {  	s2 =	sadd.s32 s2, s16  }
0x8e: {  	[smem:$0x3FAE] =	sst s2  }
0x8f: {  	_ = 	snop  }
0x90: {  	(tm) =	ssettm $0x1  }
0x91: {  	s17 =	sld [smem:$0x3FFB];
	_ =	sdelay $0x3  }
0x92: {  	_ =	strace s17  }
0x93: {  	s2 =	sld [smem:$0x3FFC];
	_ =	sdelay $0x3  }
0x94: {  	_ =	strace s2  }
0x95: {  	s2 =	sld [smem:$0x3FFD];
	_ =	sdelay $0x3  }
0x96: {  	_ =	strace s2  }
0x97: {  	_ =	strace $0x8FFFFFFF  }
0x98: {  	s18 =	sld [smem:$0x3FDB];
	_ =	sdelay $0x1  }
0x99: {  	s19 =	simm.s32 $_scs_section_size  }
0x9a: {  	s4 =	simm.s32 $_size__tile_overlayer_lowered;
	s5 =	simm.s32 $_tile_overlayer_lowered  }
0x9b: {  	s22 =	simm.s32 $0x1BFF;
	s21 =	sshll.u32 s5, $0x1;
	s2 =	sadd.s32 s19, s18  }
0x9c: {  	s6 =	simm.s32 $0x0;
	s20 =	sshll.u32 s4, $0x1;
	s4 =	sadd.s32 s21, s2  }
0x9d: {  	[timem:s6], [sflag:s22] =	dma.local [hbm:s4], s20  }
0x9e: {  	_ =	swait.ge [sflag:s22], s20  }
0x9f: {  	s3 =	ssub.s32 $0x0, s20;
	[sflag:s22] =	ssyncset.done $0x0  }
0xa0: {  	[sflag:s22] =	ssyncadd.s32 s3;
	_ =	sdelay $0x1  }
0xa1: {  	s23 =	simm.s32 $0x1B8B  }
0xa2: {  	_ =	swait.ge [sflag:s23], $0x1  }
0xa3: {  	[sflag:s23] =	ssyncset.done $0x0  }
0xa4: {  	s25 =	simm.s32 $0x1B8E;
	s24 =	sld [smem:$0x3FFE];
	[sflag:s23] =	ssyncadd.s32 $0xFFFFFFFF  }
0xa5: {  	s26 =	simm.s32 $execute0_lowered;
	[smem:$0x3FD2] =	sst s25  }
0xa6: {  	s4 =	sshll.u32 s26, $0x1;
	_ =	strace $0x80000049;
	[dreg:$0x1] =	wrdreg $0xFFFFFFFF  }
0xa7: {  	s28 =	simm.s32 $_size_execute0_lowered;
	s2 =	sadd.s32 s2, s4;
	[dreg:$0x0] =	wrdreg $0x0  }
0xa8: {  	s4 =	sshll.u32 s28, $0x1;
	[dreg:$0x2] =	wrdreg s2  }
0xa9: {  	[dreg:$0x3] =	wrdreg s4  }
0xaa: {  	[dreg:$0x4] =	wrdreg $0xC0  }
0xab: {  	_ =	task [dreg:s6], $0x5FFFF  }
0xac: {  	[dreg:$0x1] =	wrdreg $0xFFFFFFFF  }
0xad: {  	[dreg:$0x0] =	wrdreg $0x60  }
0xae: {  	[dreg:$0x2] =	wrdreg s24  }
0xaf: {  	[dreg:$0x3] =	wrdreg $0x0  }
0xb0: {  	[dreg:$0x4] =	wrdreg $0x9  }
0xb1: {  	_ =	task.clear_ibuf [dreg:s6], $0x5FFFF;
	_ =	strace $0x90000049  }
0xb2: {  	s29 =	simm.s32 $0x9;
	_ =	strace $0x8000004B  }
0xb3: {  	_ =	swait.ge [sflag:s29], $0x1  }
0xb4: {  	[sflag:s29] =	ssyncadd.s32 $0xFFFFFFFF  }
0xb5: {  	_ =	strace $0x9000004B  }
0xb6: {  	_ =	sfence  }
0xb7: {  	s30 =	sld [smem:$0x0];
	_ =	sdelay $0x2  }
0xb8: {  	s31 =	sshll.u32 s1, $0xD;
	s1 =	sshrl.u32 s1, $0x2  }
0xb9: {  	s3 =	sand.u32 $0x4000, s31;
	s1 =	sadd.s32 s1, s30  }
0xba: {  	s0 =	sor.u32 s3, s0;
	s1 =	sshll.u32 s1, $0x11  }
0xbb: {  	s0 =	sor.u32 s1, s0  }
0xbc: {  	s0 =	sadd.s32 $0x8F2B, s0  }
0xbd: {  	[sflag:s0] =	ssyncadd.remote.s32 $0x1  }
0xbe: {  	_ =	sfence.sel $0xFFFF  }
0xbf: {  	[dreg:$0x0] =	wrdreg $0xFFFFFFFF;
	(pc) =	sbr.abs _section_cstart, $3  }
0xc0: {  	[dreg:$0x1] =	wrdreg $0xFFFFFFFF  }
0xc1: {  	_ =	task.clear_ibuf [dreg:s6], $0x2FFFF;
	_ =	strace $0x9FFFFFFF  }
0xc2: {  	(tm) =	ssettm $0x7FFFFFFF  }
0xc3: {  	_ =	shalt  }
tec
execute0_lowered:
.L_overlay_start_1:
0x0: {  	(tag) =	ssettag $0x1  }
0x1: {  	s0 =	rddreg [dreg:$0x0]  }
0x2: {  	s2 =	rddreg [dreg:$0x1]  }
0x3: {  	s1 =	srdreg.scid;
	s11 =	stileid.u32  }
0x4: {  	s3 =	simm.s32 $0x0;
	s30 =	simm.s32 $0x1E300;
	s28 =	simm.s32 $0x1DC80  }
0x5: {  	s29 =	simm.s32 $0x2;
	s31 =	simm.s32 $0x4;
	s1 =	sand.u32 $0x1, s1  }
0x6: {  	s5 =	sadd.s32 $0x15C00, s0;
	s6 =	smul.u32 $0x13C00, s11;
	s8 =	sshll.u32 s11, $0xE  }
0x7: {  	s4 =	smul.u32 $0x13C000, s1;
	s7 =	ssub.s32 $0x2, s1;
	s1 =	sshll.u32 s1, $0x12  }
0x8: {  	s9 =	sadd.s32 $0x5C00, s0;
	[smem:$0x7FF] =	sst s3;
	s1 =	sor.u32 s8, s1  }
0x9: {  	s10 =	sshrl.u32 s7, $0x1;
	s4 =	sadd.s32 s6, s4;
	s18 =	sshrl.u32 s1, $0x3  }
0xa: {  	s6 =	ssub.s32 s7, s10;
	s1 =	sor.u32 $0x400, s1;
	s19 =	sadd.s32 s5, s18  }
0xb: {  	s20 =	sadd.s32 s9, s18;
	s21 =	sor.u32 $0x10, s18;
	s23 =	sor.u32 $0x20, s18  }
0xc: {  	s25 =	sor.u32 $0x30, s18;
	s12 =	sor.u32 $0x40, s18;
	[dreg:$0x3] =	wrdreg s19  }
0xd: {  	s14 =	sor.u32 $0x50, s18;
	[dreg:$0x4] =	wrdreg s20;
	s22 =	sadd.s32 s5, s21  }
0xe: {  	s16 =	sor.u32 $0x60, s18;
	s8 =	sadd.s32 s9, s21;
	[dreg:$0x5] =	wrdreg s22  }
0xf: {  	s7 =	sor.u32 $0x70, s18;
	s24 =	sadd.s32 s5, s23;
	[dreg:$0x6] =	wrdreg s8  }
0x10: {  	s1 =	sshrl.u32 s1, $0x3;
	s26 =	sadd.s32 s5, s25;
	[dreg:$0x7] =	wrdreg s24  }
0x11: {  	s13 =	sadd.s32 s5, s12;
	s15 =	sadd.s32 s5, s14;
	[dreg:$0x9] =	wrdreg s26  }
0x12: {  	s17 =	sadd.s32 s5, s16;
	s18 =	sadd.s32 s5, s7;
	[dreg:$0xb] =	wrdreg s13  }
0x13: {  	s7 =	sadd.s32 s9, s7;
	s20 =	sadd.s32 s1, s5;
	[dreg:$0xd] =	wrdreg s15  }
0x14: {  	s19 =	smul.u32 $0x4F000, s11;
	s21 =	sadd.s32 s1, s9;
	[dreg:$0xf] =	wrdreg s17  }
0x15: {  	s5 =	simm.s32 $0x0;
	s8 =	sadd.s32 s9, s23;
	[dreg:$0x11] =	wrdreg s18  }
0x16: {  	[dreg:$0x12] =	wrdreg s7;
	s22 =	sshrl.u32 s4, $0x3;
	s26 =	smax.u32 s6, $0x1  }
0x17: {  	s13 =	simm.s32 $0x13C00;
	s18 =	simm.s32 $0xB;
	s7 =	simm.s32 $0xF  }
0x18: {  	s4 =	simm.s32 $0x14;
	[dreg:$0x8] =	wrdreg s8;
	s8 =	sadd.s32 s9, s25  }
0x19: {  	s1 =	sadd.s32 s22, s0;
	s23 =	sshrl.u32 s19, $0x2;
	s22 =	sadd.s32 $0x28400, s0  }
0x1a: {  	s0 =	sadd.s32 $0x25C00, s0;
	[dreg:$0xa] =	wrdreg s8;
	s8 =	sadd.s32 s9, s12  }
0x1b: {  	s19 =	simm.s32 $0x1B400;
	[dreg:$0xc] =	wrdreg s8;
	s8 =	sadd.s32 s9, s14  }
0x1c: {  	s24 =	sadd.s32 s23, s2;
	[dreg:$0xe] =	wrdreg s8;
	s8 =	sadd.s32 s9, s16  }
0x1d: {  	s25 =	sadd.s32 $0x4F600, s1;
	s12 =	simm.s32 $0x50;
	[dreg:$0x10] =	wrdreg s8  }
.Ltmp0:
0x1e: {  	_ =	strace $0x8000004A;
	[dreg:$0x13] =	wrdreg s0;
	(pc) =	sbr.rel .LBB2_1-.Ltmp0, $4  }
0x1f: {  	s23 =	simm.s32 $0x15;
	s14 =	simm.s32 $0x18C00;
	[dreg:$0x14] =	wrdreg s24  }
0x20: {  	s16 =	simm.s32 $0x9;
	s9 =	simm.s32 $0xE;
	[dreg:$0x15] =	wrdreg s25  }
0x21: {  	s8 =	simm.s32 $0x13;
	[dreg:$0x16] =	wrdreg s26;
	s0 =	simm.s32 $0x1E080  }
0x22: {  	s25 =	simm.s32 $0x16400;
	s24 =	simm.s32 $0x1;
	s26 =	simm.s32 $0x16400  }
.LBB2_4:
0x23: {  	_ =	swait.ge [sflag:s24], $0x2800  }
0x24: {  	[sflag:s24] =	ssyncset.done $0x0  }
0x25: {  	[sflag:s24] =	ssyncadd.s32 $0xFFFFD800  }
0x26: {  	_ =	swait.ge [sflag:s9], $0x80  }
0x27: {  	[sflag:s9] =	ssyncset.done $0x0  }
0x28: {  	[sflag:s9] =	ssyncadd.s32 $0xFFFFFF80  }
0x29: {  	[spmem:s2] =	stream.indirect.scatter.add.f32 [tilespmem:s13], [sflag:$0x15], $0x80, s0, s12, $0xb8;
	[tilespmem:$0x1E400] =	vst v63  }
0x2a: {  	_ =	swait.ge [sflag:s23], $0x2800  }
0x2b: {  	[sflag:s23] =	ssyncset.done $0x0  }
0x2c: {  	s28 =	simm.s32 $0x1DC80;
	s25 =	simm.s32 $0x16400;
	[sflag:s23] =	ssyncadd.s32 $0xFFFFD800  }
.LBB2_5:
0x2d: {  	[bflag:$0x0] =	sbarrier.arrive $0xFFFF  }
0x2e: {  	s1 =	rddreg [dreg:$0x15]  }
0x2f: {  	s5 =	rddreg [dreg:$0x18]  }
0x30: {  	s6 =	rddreg [dreg:$0x19]  }
0x31: {  	[hbm:s1], [sflag:s5] =	dma.local [spmem:s6], $0x2780  }
0x32: {  	_ =	swait.ge [sflag:s23], $0x2780  }
0x33: {  	s15 =	rddreg [dreg:$0x17]  }
0x34: {  	s17 =	rddreg [dreg:$0x16];
	s5 =	sadd.s32 $0x1, s15  }
0x35: {  	p0 =	sne.s32 s5, s17  }
.Ltmp1:
0x36: {  	_ = 	snop;
	(pc) =	sbr.rel @!p0 .LBB2_6-.Ltmp1, $3  }
0x37: {  	_ =	sdelay $0x1  }
0x38: {  	[sflag:s23] =	ssyncset.done $0x0  }
0x39: {  	[sflag:s23] =	ssyncadd.s32 $0xFFFFD880  }
.LBB2_1:
0x3a: {  	[dreg:$0x17] =	wrdreg s5  }
0x3b: {  	s1 =	rddreg [dreg:$0x3];
	s5 =	simm.s32 $0x1DC00  }
0x3c: {  	[tilespmem:s5], [sflag:$0x5] =	stream.linear.gather [hbm4b:s1+s3], $0x80, $0x38;
	[tilespmem:$0x1E400] =	vst v63  }
0x3d: {  	s17 =	rddreg [dreg:$0x4];
	s6 =	simm.s32 $0x1E000  }
0x3e: {  	[tilespmem:s6], [sflag:$0xD] =	stream.linear.gather [hbm4b:s17+s3], $0x80, $0x38;
	[tilespmem:$0x1E400] =	vst v63  }
0x3f: {  	s10 =	rddreg [dreg:$0x5];
	s6 =	simm.s32 $0x1DD00  }
0x40: {  	[tilespmem:s6], [sflag:$0x7] =	stream.linear.gather [hbm4b:s10+s3], $0x80, $0x38;
	[tilespmem:$0x1E400] =	vst v63  }
0x41: {  	s11 =	rddreg [dreg:$0x6];
	s10 =	simm.s32 $0x1E100  }
0x42: {  	[tilespmem:s10], [sflag:$0xF] =	stream.linear.gather [hbm4b:s11+s3], $0x80, $0x38;
	[tilespmem:$0x1E400] =	vst v63  }
0x43: {  	s15 =	rddreg [dreg:$0x7];
	s10 =	simm.s32 $0x1DE00  }
0x44: {  	[tilespmem:s10], [sflag:$0x9] =	stream.linear.gather [hbm4b:s15+s3], $0x80, $0x38;
	[tilespmem:$0x1E400] =	vst v63  }
0x45: {  	s17 =	rddreg [dreg:$0x8];
	s11 =	simm.s32 $0x1E200  }
0x46: {  	[tilespmem:s11], [sflag:$0x11] =	stream.linear.gather [hbm4b:s17+s3], $0x80, $0x38;
	[tilespmem:$0x1E400] =	vst v63  }
0x47: {  	s15 =	rddreg [dreg:$0x9];
	s11 =	simm.s32 $0x1DF00  }
0x48: {  	[tilespmem:s11], [sflag:$0xB] =	stream.linear.gather [hbm4b:s15+s3], $0x80, $0x38;
	[tilespmem:$0x1E400] =	vst v63  }
0x49: {  	s17 =	rddreg [dreg:$0xa]  }
0x4a: {  	[tilespmem:s30], [sflag:$0x13] =	stream.linear.gather [hbm4b:s17+s3], $0x80, $0x38;
	[tilespmem:$0x1E400] =	vst v63  }
0x4b: {  	s15 =	rddreg [dreg:$0xb]  }
0x4c: {  	[tilespmem:s28], [sflag:$0x6] =	stream.linear.gather [hbm4b:s15+s3], $0x80, $0x38;
	[tilespmem:$0x1E400] =	vst v63  }
0x4d: {  	s17 =	rddreg [dreg:$0xc]  }
0x4e: {  	[tilespmem:s0], [sflag:$0xE] =	stream.linear.gather [hbm4b:s17+s3], $0x80, $0x38;
	[tilespmem:$0x1E400] =	vst v63  }
0x4f: {  	s30 =	rddreg [dreg:$0xd];
	s15 =	simm.s32 $0x1DD80  }
0x50: {  	[tilespmem:s15], [sflag:$0x8] =	stream.linear.gather [hbm4b:s30+s3], $0x80, $0x38;
	[tilespmem:$0x1E400] =	vst v63  }
0x51: {  	s17 =	rddreg [dreg:$0xe];
	s30 =	simm.s32 $0x1E180  }
0x52: {  	[tilespmem:s30], [sflag:$0x10] =	stream.linear.gather [hbm4b:s17+s3], $0x80, $0x38;
	[tilespmem:$0x1E400] =	vst v63  }
0x53: {  	s17 =	rddreg [dreg:$0xf];
	s30 =	simm.s32 $0x1DE80  }
0x54: {  	[tilespmem:s30], [sflag:$0xA] =	stream.linear.gather [hbm4b:s17+s3], $0x80, $0x38;
	[tilespmem:$0x1E400] =	vst v63  }
0x55: {  	s17 =	rddreg [dreg:$0x10];
	s30 =	simm.s32 $0x1E280  }
0x56: {  	[tilespmem:s30], [sflag:$0x12] =	stream.linear.gather [hbm4b:s17+s3], $0x80, $0x38;
	[tilespmem:$0x1E400] =	vst v63  }
0x57: {  	s17 =	rddreg [dreg:$0x11];
	s30 =	simm.s32 $0x1DF80  }
0x58: {  	[tilespmem:s30], [sflag:$0xC] =	stream.linear.gather [hbm4b:s17+s3], $0x80, $0x38;
	[tilespmem:$0x1E400] =	vst v63  }
0x59: {  	s15 =	rddreg [dreg:$0x12];
	s17 =	simm.s32 $0x1E380;
	s30 =	simm.s32 $0x5  }
0x5a: {  	[tilespmem:s17], [sflag:$0x14] =	stream.linear.gather [hbm4b:s15+s3], $0x80, $0x38;
	[tilespmem:$0x1E400] =	vst v63  }
0x5b: {  	_ =	swait.ge [sflag:s30], $0x80  }
0x5c: {  	[sflag:s30] =	ssyncset.done $0x0  }
0x5d: {  	[sflag:s30] =	ssyncadd.s32 $0xFFFFFF80  }
0x5e: {  	[tilespmem:s13], [sflag:$0x1] =	stream.indirect.gather [hbm4b:s22+s12], $0x80, s5, s12, $0xb8;
	[tilespmem:$0x1E400] =	vst v63  }
0x5f: {  	s5 =	simm.s32 $0x7  }
0x60: {  	_ =	swait.ge [sflag:s5], $0x80  }
0x61: {  	[sflag:s5] =	ssyncset.done $0x0  }
0x62: {  	[sflag:s5] =	ssyncadd.s32 $0xFFFFFF80  }
0x63: {  	[tilespmem:s25], [sflag:$0x2] =	stream.indirect.gather [hbm4b:s22+s12], $0x80, s6, s12, $0xb8;
	[tilespmem:$0x1E400] =	vst v63  }
0x64: {  	_ =	swait.ge [sflag:s16], $0x80  }
0x65: {  	[sflag:s16] =	ssyncset.done $0x0  }
0x66: {  	[sflag:s16] =	ssyncadd.s32 $0xFFFFFF80  }
0x67: {  	[tilespmem:s14], [sflag:$0x3] =	stream.indirect.gather [hbm4b:s22+s12], $0x80, s10, s12, $0xb8;
	[tilespmem:$0x1E400] =	vst v63  }
0x68: {  	s10 =	stileid.u32;
	_ =	swait.ge [sflag:s18], $0x80  }
0x69: {  	s1 =	sshll.u32 s10, $0x6;
	[sflag:s18] =	ssyncset.done $0x0;
	s15 =	rddreg [dreg:$0x14]  }
0x6a: {  	s30 =	rddreg [dreg:$0x13];
	[sflag:s18] =	ssyncadd.s32 $0xFFFFFF80;
	s17 =	sshrl.u32 s15, $0x3  }
0x6b: {  	[tilespmem:s19], [sflag:$0x4] =	stream.indirect.gather [hbm4b:s22+s12], $0x80, s11, s12, $0xb8;
	[tilespmem:$0x1E400] =	vst v63  }
0x6c: {  	s11 =	sor.u32 $0x1C15, s1;
	[dreg:$0x19] =	wrdreg s17  }
0x6d: {  	[dreg:$0x18] =	wrdreg s11  }
0x6e: {  	[spmem:s17], [sflag:s11] =	dma.local [hbm:s30], $0x2780  }
0x6f: {  	_ =	swait.ge [sflag:s23], $0x2780  }
0x70: {  	[sflag:s23] =	ssyncset.done $0x0  }
0x71: {  	[sflag:s23] =	ssyncadd.s32 $0xFFFFD880  }
0x72: {  	s5 =	simm.s32 $0x0;
	s6 =	simm.s32 $0x0;
	[bflag:$0x0] =	sbarrier.arrive $0xFFFF  }
.LBB2_2:
0x73: {  	_ =	swait.ge [sflag:s24], $0x2800  }
0x74: {  	[sflag:s24] =	ssyncset.done $0x0  }
0x75: {  	s1 =	simm.s32 $0xD;
	[sflag:s24] =	ssyncadd.s32 $0xFFFFD800  }
0x76: {  	_ =	swait.ge [sflag:s1], $0x80  }
0x77: {  	[sflag:s1] =	ssyncset.done $0x0  }
0x78: {  	s10 =	simm.s32 $0x1E000;
	[sflag:s1] =	ssyncadd.s32 $0xFFFFFF80  }
0x79: {  	[spmem:s2] =	stream.indirect.scatter.add.f32 [tilespmem:s13], [sflag:$0x15], $0x80, s10, s12, $0xb8;
	[tilespmem:$0x1E400] =	vst v63  }
0x7a: {  	p0 =	seq.s32 s5, $0x780;
	_ =	swait.ge [sflag:s23], $0x2800  }
0x7b: {  	s17 =	sadd.s32 @!p0 s5, s20;
	[sflag:s23] =	ssyncset.done $0x0  }
0x7c: {  	s15 =	simm.s32 @!p0 $0x1DC00;
	s1 =	simm.s32 @!p0 $0x0;
	[sflag:s23] =	ssyncadd.s32 $0xFFFFD800  }
0x7d: {  	[tilespmem:s15], [sflag:$0x5] =	stream.linear.gather @!p0 [hbm4b:s17+s1], $0x80, $0x38;
	[tilespmem:$0x1E400] =	vst v63  }
0x7e: {  	s11 =	simm.s32 $0x6;
	s10 =	simm.s32 @!p0 $0x1E000;
	s15 =	sadd.s32 @!p0 s5, s21  }
0x7f: {  	[tilespmem:s10], [sflag:$0xD] =	stream.linear.gather @!p0 [hbm4b:s15+s1], $0x80, $0x38;
	[tilespmem:$0x1E400] =	vst v63  }
0x80: {  	_ =	swait.ge [sflag:s11], $0x80  }
0x81: {  	[sflag:s11] =	ssyncset.done $0x0  }
0x82: {  	[sflag:s11] =	ssyncadd.s32 $0xFFFFFF80  }
0x83: {  	[tilespmem:s13], [sflag:$0x1] =	stream.indirect.gather [hbm4b:s22+s12], $0x80, s28, s12, $0xb8;
	[tilespmem:$0x1E400] =	vst v63  }
0x84: {  	_ =	swait.ge [sflag:s29], $0x2800  }
0x85: {  	[sflag:s29] =	ssyncset.done $0x0  }
0x86: {  	[sflag:s29] =	ssyncadd.s32 $0xFFFFD800  }
0x87: {  	_ =	swait.ge [sflag:s7], $0x80  }
0x88: {  	[sflag:s7] =	ssyncset.done $0x0  }
0x89: {  	s28 =	simm.s32 $0x1E100;
	[sflag:s7] =	ssyncadd.s32 $0xFFFFFF80  }
0x8a: {  	[spmem:s2] =	stream.indirect.scatter.add.f32 [tilespmem:s25], [sflag:$0x15], $0x80, s28, s12, $0xb8;
	[tilespmem:$0x1E400] =	vst v63  }
0x8b: {  	_ =	swait.ge [sflag:s23], $0x2800  }
0x8c: {  	[sflag:s23] =	ssyncset.done $0x0  }
0x8d: {  	s10 =	simm.s32 @p0 $0x3;
	[sflag:s23] =	ssyncadd.s32 $0xFFFFD800  }
0x8e: {  	_ =	swait.ge @p0 [sflag:s10], $0x2800  }
0x8f: {  	[sflag:s10] =	ssyncset.done @p0 $0x0  }
0x90: {  	[sflag:s10] =	ssyncadd.s32 @p0 $0xFFFFD800;
	s10 =	simm.s32 @p0 $0x11  }
0x91: {  	_ =	swait.ge @p0 [sflag:s10], $0x80  }
0x92: {  	s11 =	simm.s32 @p0 $0x1E200;
	[sflag:s10] =	ssyncset.done @p0 $0x0  }
0x93: {  	s28 =	simm.s32 @p0 $0x18C00;
	[sflag:s10] =	ssyncadd.s32 @p0 $0xFFFFFF80;
	s10 =	simm.s32 @p0 $0x50  }
0x94: {  	[spmem:s2] =	stream.indirect.scatter.add.f32 @p0 [tilespmem:s28], [sflag:$0x15], $0x80, s11, s10, $0xb8;
	[tilespmem:$0x1E400] =	vst v63  }
0x95: {  	s10 =	simm.s32 @p0 $0x15  }
0x96: {  	_ =	swait.ge @p0 [sflag:s10], $0x2800  }
0x97: {  	[sflag:s10] =	ssyncset.done @p0 $0x0  }
0x98: {  	s11 =	simm.s32 @!p0 $0x1DD00;
	[sflag:s10] =	ssyncadd.s32 @p0 $0xFFFFD800;
	s10 =	sadd.s32 @!p0 $0x10, s17  }
0x99: {  	[tilespmem:s11], [sflag:$0x7] =	stream.linear.gather @!p0 [hbm4b:s10+s1], $0x80, $0x38;
	[tilespmem:$0x1E400] =	vst v63  }
0x9a: {  	s10 =	sadd.s32 @!p0 $0x10, s15;
	s11 =	simm.s32 @!p0 $0x1E100  }
0x9b: {  	[tilespmem:s11], [sflag:$0xF] =	stream.linear.gather @!p0 [hbm4b:s10+s1], $0x80, $0x38;
	[tilespmem:$0x1E400] =	vst v63  }
0x9c: {  	s10 =	simm.s32 @!p0 $0x8  }
0x9d: {  	_ =	swait.ge @!p0 [sflag:s10], $0x80  }
0x9e: {  	s28 =	simm.s32 @!p0 $0x16400;
	[sflag:s10] =	ssyncset.done @!p0 $0x0  }
0x9f: {  	s11 =	simm.s32 @!p0 $0x1DD80;
	[sflag:s10] =	ssyncadd.s32 @!p0 $0xFFFFFF80;
	s10 =	simm.s32 @!p0 $0x50  }
0xa0: {  	[tilespmem:s28], [sflag:$0x2] =	stream.indirect.gather @!p0 [hbm4b:s22+s10], $0x80, s11, s10, $0xb8;
	[tilespmem:$0x1E400] =	vst v63  }
0xa1: {  	s11 =	simm.s32 @!p0 $0x3  }
0xa2: {  	_ =	swait.ge @!p0 [sflag:s11], $0x2800  }
0xa3: {  	[sflag:s11] =	ssyncset.done @!p0 $0x0  }
0xa4: {  	[sflag:s11] =	ssyncadd.s32 @!p0 $0xFFFFD800;
	s11 =	simm.s32 @!p0 $0x11  }
0xa5: {  	_ =	swait.ge @!p0 [sflag:s11], $0x80  }
0xa6: {  	s30 =	simm.s32 @!p0 $0x15;
	[sflag:s11] =	ssyncset.done @!p0 $0x0  }
0xa7: {  	s28 =	simm.s32 @!p0 $0x18C00;
	[sflag:s11] =	ssyncadd.s32 @!p0 $0xFFFFFF80;
	s11 =	simm.s32 @!p0 $0x1E200  }
0xa8: {  	[spmem:s2] =	stream.indirect.scatter.add.f32 @!p0 [tilespmem:s28], [sflag:$0x15], $0x80, s11, s10, $0xb8;
	[tilespmem:$0x1E400] =	vst v63  }
0xa9: {  	_ =	swait.ge @!p0 [sflag:s30], $0x2800  }
0xaa: {  	[sflag:s30] =	ssyncset.done @!p0 $0x0  }
0xab: {  	s17 =	sadd.s32 @!p0 $0x20, s17;
	[sflag:s30] =	ssyncadd.s32 @!p0 $0xFFFFD800;
	s30 =	simm.s32 @!p0 $0x1DE00  }
0xac: {  	[tilespmem:s30], [sflag:$0x9] =	stream.linear.gather @!p0 [hbm4b:s17+s1], $0x80, $0x38;
	[tilespmem:$0x1E400] =	vst v63  }
0xad: {  	s15 =	sadd.s32 @!p0 $0x20, s15  }
0xae: {  	[tilespmem:s11], [sflag:$0x11] =	stream.linear.gather @!p0 [hbm4b:s15+s1], $0x80, $0x38;
	[tilespmem:$0x1E400] =	vst v63  }
0xaf: {  	s1 =	simm.s32 @!p0 $0xA  }
0xb0: {  	_ =	swait.ge @!p0 [sflag:s1], $0x80  }
0xb1: {  	[sflag:s1] =	ssyncset.done @!p0 $0x0  }
0xb2: {  	[sflag:s1] =	ssyncadd.s32 @!p0 $0xFFFFFF80;
	s1 =	simm.s32 @!p0 $0x1DE80  }
0xb3: {  	[tilespmem:s28], [sflag:$0x3] =	stream.indirect.gather @!p0 [hbm4b:s22+s10], $0x80, s1, s10, $0xb8;
	[tilespmem:$0x1E400] =	vst v63  }
0xb4: {  	_ =	swait.ge [sflag:s31], $0x2800  }
0xb5: {  	[sflag:s31] =	ssyncset.done $0x0  }
0xb6: {  	[sflag:s31] =	ssyncadd.s32 $0xFFFFD800  }
0xb7: {  	_ =	swait.ge [sflag:s8], $0x80  }
0xb8: {  	[sflag:s8] =	ssyncset.done $0x0  }
.Ltmp2:
0xb9: {  	s30 =	simm.s32 $0x1E300;
	[sflag:s8] =	ssyncadd.s32 $0xFFFFFF80;
	(pc) =	sbr.rel @p0 .LBB2_4-.Ltmp2, $4  }
0xba: {  	[spmem:s2] =	stream.indirect.scatter.add.f32 [tilespmem:s19], [sflag:$0x15], $0x80, s30, s12, $0xb8;
	[tilespmem:$0x1E400] =	vst v63  }
0xbb: {  	_ =	swait.ge [sflag:s23], $0x2800  }
0xbc: {  	[sflag:s23] =	ssyncset.done $0x0  }
0xbd: {  	s25 =	simm.s32 $0x1DC80;
	[sflag:s23] =	ssyncadd.s32 $0xFFFFD800  }
0xbe: {  	s1 =	sadd.s32 s5, s20  }
0xbf: {  	s28 =	simm.s32 $0x1DF00;
	s17 =	sadd.s32 s5, s21;
	s10 =	sadd.s32 $0x30, s1  }
0xc0: {  	[tilespmem:s28], [sflag:$0xB] =	stream.linear.gather [hbm4b:s10+s3], $0x80, $0x38;
	[tilespmem:$0x1E400] =	vst v63  }
0xc1: {  	s0 =	simm.s32 $0xC;
	s11 =	sadd.s32 $0x30, s17  }
0xc2: {  	[tilespmem:s30], [sflag:$0x13] =	stream.linear.gather [hbm4b:s11+s3], $0x80, $0x38;
	[tilespmem:$0x1E400] =	vst v63  }
0xc3: {  	_ =	swait.ge [sflag:s0], $0x80  }
0xc4: {  	[sflag:s0] =	ssyncset.done $0x0  }
0xc5: {  	s11 =	simm.s32 $0x1DF80;
	[sflag:s0] =	ssyncadd.s32 $0xFFFFFF80  }
0xc6: {  	[tilespmem:s19], [sflag:$0x4] =	stream.indirect.gather [hbm4b:s22+s12], $0x80, s11, s12, $0xb8;
	[tilespmem:$0x1E400] =	vst v63  }
0xc7: {  	_ =	swait.ge [sflag:s24], $0x2800  }
0xc8: {  	[sflag:s24] =	ssyncset.done $0x0  }
0xc9: {  	[sflag:s24] =	ssyncadd.s32 $0xFFFFD800  }
0xca: {  	_ =	swait.ge [sflag:s9], $0x80  }
0xcb: {  	[sflag:s9] =	ssyncset.done $0x0  }
0xcc: {  	s14 =	simm.s32 $0x1E080;
	[sflag:s9] =	ssyncadd.s32 $0xFFFFFF80  }
0xcd: {  	[spmem:s2] =	stream.indirect.scatter.add.f32 [tilespmem:s13], [sflag:$0x15], $0x80, s14, s12, $0xb8;
	[tilespmem:$0x1E400] =	vst v63  }
0xce: {  	_ =	swait.ge [sflag:s23], $0x2800  }
0xcf: {  	[sflag:s23] =	ssyncset.done $0x0  }
0xd0: {  	s1 =	sadd.s32 $0x40, s1;
	[sflag:s23] =	ssyncadd.s32 $0xFFFFD800  }
0xd1: {  	[tilespmem:s25], [sflag:$0x6] =	stream.linear.gather [hbm4b:s1+s3], $0x80, $0x38;
	[tilespmem:$0x1E400] =	vst v63  }
0xd2: {  	s15 =	sadd.s32 $0x40, s17;
	s17 =	simm.s32 $0x5  }
0xd3: {  	[tilespmem:s14], [sflag:$0xE] =	stream.linear.gather [hbm4b:s15+s3], $0x80, $0x38;
	[tilespmem:$0x1E400] =	vst v63  }
0xd4: {  	_ =	swait.ge [sflag:s17], $0x80  }
0xd5: {  	[sflag:s17] =	ssyncset.done $0x0  }
0xd6: {  	s25 =	simm.s32 $0x1DC00;
	[sflag:s17] =	ssyncadd.s32 $0xFFFFFF80  }
0xd7: {  	[tilespmem:s13], [sflag:$0x1] =	stream.indirect.gather [hbm4b:s22+s12], $0x80, s25, s12, $0xb8;
	[tilespmem:$0x1E400] =	vst v63  }
0xd8: {  	_ =	swait.ge [sflag:s29], $0x2800  }
0xd9: {  	[sflag:s29] =	ssyncset.done $0x0  }
0xda: {  	s10 =	simm.s32 $0x10;
	[sflag:s29] =	ssyncadd.s32 $0xFFFFD800  }
0xdb: {  	_ =	swait.ge [sflag:s10], $0x80  }
0xdc: {  	[sflag:s10] =	ssyncset.done $0x0  }
0xdd: {  	s11 =	simm.s32 $0x1E180;
	[sflag:s10] =	ssyncadd.s32 $0xFFFFFF80  }
0xde: {  	[spmem:s2] =	stream.indirect.scatter.add.f32 [tilespmem:s26], [sflag:$0x15], $0x80, s11, s12, $0xb8;
	[tilespmem:$0x1E400] =	vst v63  }
0xdf: {  	p0 =	sgt.u32 s6, $0xD;
	_ =	swait.ge [sflag:s23], $0x2800  }
0xe0: {  	s1 =	sadd.s32 @!p0 s5, s20;
	s15 =	simm.s32 @!p0 $0x1DD80;
	[sflag:s23] =	ssyncset.done $0x0  }
0xe1: {  	s10 =	sadd.s32 @!p0 $0x50, s1;
	s11 =	simm.s32 @!p0 $0x0;
	[sflag:s23] =	ssyncadd.s32 $0xFFFFD800  }
0xe2: {  	[tilespmem:s15], [sflag:$0x8] =	stream.linear.gather @!p0 [hbm4b:s10+s11], $0x80, $0x38;
	[tilespmem:$0x1E400] =	vst v63  }
0xe3: {  	s10 =	sadd.s32 @!p0 s5, s21  }
0xe4: {  	s14 =	simm.s32 $0x7;
	s17 =	simm.s32 @!p0 $0x1E180;
	s15 =	sadd.s32 @!p0 $0x50, s10  }
0xe5: {  	[tilespmem:s17], [sflag:$0x10] =	stream.linear.gather @!p0 [hbm4b:s15+s11], $0x80, $0x38;
	[tilespmem:$0x1E400] =	vst v63  }
0xe6: {  	_ =	swait.ge [sflag:s14], $0x80  }
0xe7: {  	[sflag:s14] =	ssyncset.done $0x0  }
0xe8: {  	s17 =	simm.s32 $0x3;
	[sflag:s14] =	ssyncadd.s32 $0xFFFFFF80;
	s14 =	simm.s32 $0x1DD00  }
0xe9: {  	[tilespmem:s26], [sflag:$0x2] =	stream.indirect.gather [hbm4b:s22+s12], $0x80, s14, s12, $0xb8;
	[tilespmem:$0x1E400] =	vst v63  }
0xea: {  	_ =	swait.ge [sflag:s17], $0x2800  }
0xeb: {  	[sflag:s17] =	ssyncset.done $0x0  }
0xec: {  	s25 =	simm.s32 $0x12;
	[sflag:s17] =	ssyncadd.s32 $0xFFFFD800  }
0xed: {  	_ =	swait.ge [sflag:s25], $0x80  }
0xee: {  	[sflag:s25] =	ssyncset.done $0x0  }
0xef: {  	s14 =	simm.s32 $0x1E280;
	[sflag:s25] =	ssyncadd.s32 $0xFFFFFF80;
	s25 =	simm.s32 $0x18C00  }
0xf0: {  	[spmem:s2] =	stream.indirect.scatter.add.f32 [tilespmem:s25], [sflag:$0x15], $0x80, s14, s12, $0xb8;
	[tilespmem:$0x1E400] =	vst v63  }
0xf1: {  	_ =	swait.ge [sflag:s23], $0x2800  }
0xf2: {  	[sflag:s23] =	ssyncset.done $0x0  }
0xf3: {  	s15 =	sadd.s32 @!p0 $0x60, s1;
	s17 =	simm.s32 @!p0 $0x1DE80;
	[sflag:s23] =	ssyncadd.s32 $0xFFFFD800  }
0xf4: {  	[tilespmem:s17], [sflag:$0xA] =	stream.linear.gather @!p0 [hbm4b:s15+s11], $0x80, $0x38;
	[tilespmem:$0x1E400] =	vst v63  }
0xf5: {  	s15 =	sadd.s32 @!p0 $0x60, s10;
	s17 =	simm.s32 @!p0 $0x1E280  }
0xf6: {  	[tilespmem:s17], [sflag:$0x12] =	stream.linear.gather @!p0 [hbm4b:s15+s11], $0x80, $0x38;
	[tilespmem:$0x1E400] =	vst v63  }
0xf7: {  	_ =	swait.ge [sflag:s16], $0x80  }
0xf8: {  	[sflag:s16] =	ssyncset.done $0x0  }
0xf9: {  	s17 =	simm.s32 $0x1DE00;
	[sflag:s16] =	ssyncadd.s32 $0xFFFFFF80  }
0xfa: {  	[tilespmem:s25], [sflag:$0x3] =	stream.indirect.gather [hbm4b:s22+s12], $0x80, s17, s12, $0xb8;
	[tilespmem:$0x1E400] =	vst v63  }
0xfb: {  	_ =	swait.ge [sflag:s31], $0x2800  }
0xfc: {  	[sflag:s31] =	ssyncset.done $0x0  }
0xfd: {  	[sflag:s31] =	ssyncadd.s32 $0xFFFFD800  }
0xfe: {  	_ =	swait.ge [sflag:s4], $0x80  }
0xff: {  	[sflag:s4] =	ssyncset.done $0x0  }
0x100: {  	s25 =	simm.s32 $0x1E380;
	[sflag:s4] =	ssyncadd.s32 $0xFFFFFF80  }
0x101: {  	[spmem:s2] =	stream.indirect.scatter.add.f32 [tilespmem:s19], [sflag:$0x15], $0x80, s25, s12, $0xb8;
	[tilespmem:$0x1E400] =	vst v63  }
0x102: {  	_ =	swait.ge [sflag:s23], $0x2800  }
0x103: {  	[sflag:s23] =	ssyncset.done $0x0  }
0x104: {  	s1 =	sadd.s32 @!p0 $0x70, s1;
	s15 =	simm.s32 @!p0 $0x1DF80;
	[sflag:s23] =	ssyncadd.s32 $0xFFFFD800  }
0x105: {  	[tilespmem:s15], [sflag:$0xC] =	stream.linear.gather @!p0 [hbm4b:s1+s11], $0x80, $0x38;
	[tilespmem:$0x1E400] =	vst v63  }
0x106: {  	s5 =	sadd.s32 $0x80, s5;
	s1 =	sadd.s32 @!p0 $0x70, s10;
	s10 =	simm.s32 @!p0 $0x1E380  }
0x107: {  	[tilespmem:s10], [sflag:$0x14] =	stream.linear.gather @!p0 [hbm4b:s1+s11], $0x80, $0x38;
	[tilespmem:$0x1E400] =	vst v63  }
0x108: {  	p0 =	seq.s32 s5, $0x800  }
.Ltmp3:
0x109: {  	_ =	swait.ge [sflag:s18], $0x80;
	(pc) =	sbr.rel @!p0 .LBB2_2-.Ltmp3, $4  }
.Ltmp4:
0x10a: {  	[sflag:s18] =	ssyncset.done $0x0;
	(pc) =	sbr.rel @p0 .LBB2_5-.Ltmp4, $4  }
0x10b: {  	s6 =	sadd.s32 $0x1, s6;
	s0 =	simm.s32 $0x1E080;
	[sflag:s18] =	ssyncadd.s32 $0xFFFFFF80  }
0x10c: {  	[tilespmem:s19], [sflag:$0x4] =	stream.indirect.gather [hbm4b:s22+s12], $0x80, s28, s12, $0xb8;
	[tilespmem:$0x1E400] =	vst v63  }
0x10d: {  	s14 =	simm.s32 $0x18C00;
	s25 =	simm.s32 $0x16400;
	s28 =	simm.s32 $0x1DC80  }
0x10e: {  	_ = 	snop  }
.LBB2_6:
0x10f: {  	_ =	sfence.sel $0x180000  }
0x110: {  	[bflag:$0x0] =	sbarrier.arrive $0xFFFF  }
0x111: {  	_ =	strace $0x9000004A  }
0x112: {  	s0 =	stileid.u32;
	[bflag:$0x2] =	sbarrier.arrive $0xFFFF  }
0x113: {  	p0 =	sne.s32 s0, $0x0;
	s0 =	rddreg [dreg:$0x2]  }
0x114: {  	s0 =	sadd.s32 @!p0 $0x100000, s0  }
0x115: {  	[sflag:s0] =	ssyncadd.tile.s32 @!p0 $0x1;
	_ =	shalt  }
.Lfunc_end2:
_tile_overlayer_lowered:
.L_overlay_start_2:
0x116: {  	(tag) =	ssettag $0x2  }
0x117: {  	s0 =	rddreg [dreg:$0x0];
	s2 =	stileid.u32  }
0x118: {  	s1 =	rddreg [dreg:$0x1];
	p0 =	sne.s32 s2, $0x0  }
0x119: {  	s3 =	rddreg [dreg:$0x2];
	[bflag:$0x3] =	sbarrier.arrive $0xFFFF;
	s2 =	simm.s32 @!p0 $0x1C15  }
0x11a: {  	[timem:s3], [sflag:s2] =	dma.local @!p0 [hbm:s0], s1  }
0x11b: {  	s0 =	simm.s32 @!p0 $0x15  }
0x11c: {  	_ =	swait.ge @!p0 [sflag:s0], s1  }
0x11d: {  	s1 =	ssub.s32 @!p0 $0x0, s1;
	[sflag:s0] =	ssyncset.done @!p0 $0x0  }
0x11e: {  	[sflag:s0] =	ssyncadd.s32 @!p0 s1  }
0x11f: {  	[bflag:$0x3] =	sbarrier.arrive $0xFFFF  }
0x120: {  	_ =	shalt  }

// kernel: kernel.14.cloned.1.call-start
scs
__scs_entry_jumppad:
0x0: {  	(pc) =	sbr.rel $0x88, $3  }
0x1: {  	(tag) =	ssettag $0x0;
	lr =	simm.s32 $0x1  }
0x2: {  	[smem:$0x3F87] =	sst lr;
	_ =	strace $0xD0000000  }
0x3: {  	_ = 	snop  }
0x4: {  	_ = 	snop  }
0x5: {  	_ = 	snop  }
0x6: {  	_ = 	snop  }
0x7: {  	_ = 	snop  }
__scs_overlays_trampoline_lowered:
0x8: {  	[smem:$0x3F96] =	sst s0  }
0x9: {  	[smem:$0x3F97] =	sst s1  }
0xa: {  	[smem:$0x3F98] =	sst s2  }
0xb: {  	[smem:$0x3F99] =	sst s3  }
0xc: {  	[smem:$0x3F9A] =	sst s4  }
0xd: {  	[smem:$0x3F9B] =	sst s5  }
0xe: {  	[smem:$0x3F9C] =	sst s6  }
0xf: {  	[smem:$0x3F9D] =	sst s7  }
0x10: {  	[smem:$0x3F9E] =	sst s8  }
0x11: {  	[smem:$0x3F9F] =	sst s9;
	s0 =	simm.s32 @!p0 $0x0  }
0x12: {  	s1 =	sld [smem:$0x3F85];
	s0 =	simm.s32 @p0 $0x1  }
0x13: {  	[smem:$0x3FA0] =	sst s0;
	s0 =	simm.s32 @!p1 $0x0  }
0x14: {  	s2 =	sld [smem:$0x3F84];
	s0 =	simm.s32 @p1 $0x1  }
0x15: {  	[smem:$0x3FA1] =	sst s0;
	s0 =	simm.s32 @!p2 $0x0  }
0x16: {  	s3 =	sld [smem:$0x3FDB];
	s0 =	simm.s32 @p2 $0x1  }
0x17: {  	s4 =	simm.s32 $0x1BF5;
	[smem:$0x3FA3] =	sst s0  }
0x18: {  	s0 =	sld [smem:$0x3F86];
	_ =	swait.ge [sflag:s4], $0x0  }
0x19: {  	s7 =	sld [smem:$0x3F87]  }
0x1a: {  	s8 =	sadd.s32 $0xFFFFE003, lr  }
0x1b: {  	s9 =	sadd.s32 $0xFFFFFEF7, lr;
	s5 =	simm.s32 $0xFFFFFFFF;
	p2 =	slt.u32 s8, $0xFFFFF086  }
0x1c: {  	p1 =	slt.u32 s9, $0xF7A;
	s5 =	simm.s32 @!p2 $0x0  }
0x1d: {  	s5 =	simm.s32 @p1 $0x1;
	p0 =	seq.s32 s7, s2  }
0x1e: {  	s7 =	smul.u32 @!p0 $0xF7A, s2;
	p2 =	seq.s32 @!p0 s5, $0x0  }
0x1f: {  	s9 =	smul.u32 $0xF7A, s1;
	s8 =	simm.s32 @!p0 $0x1BF5;
	p2 =	por !p2, p0  }
0x20: {  	[sflag:s8] =	ssyncset.s32 @!p0 $0xFFFFF086;
	s6 =	sadd.s32 @!p0 s3, s7;
	s7 =	simm.s32 @!p0 $0x108  }
0x21: {  	s3 =	sadd.s32 s3, s9;
	s6 =	sadd.s32 @!p0 $0x88, s6;
	s7 =	simm.s32 @p2 $0x1082  }
0x22: {  	[simem:s7], [sflag:s8] =	dma.local @!p0 [hbm:s6], $0xF7A  }
0x23: {  	s9 =	sor.u32 $0xD0000000, s2;
	s6 =	simm.s32 $0x108;
	_ =	swait.ge @!p0 [sflag:s8], $0x0  }
0x24: {  	s3 =	sadd.s32 $0x88, s3;
	s6 =	simm.s32 @!p1 $0x1082;
	[sflag:s4] =	ssyncset.s32 $0xFFFFF086  }
0x25: {  	[simem:s6], [sflag:s4] =	dma.local [hbm:s3], $0xF7A  }
0x26: {  	[smem:$0x3F87] =	sst s1;
	(tag) =	ssettag s2;
	_ =	strace s9  }
0x27: {  	s1 =	sld [smem:$0x3F97]  }
0x28: {  	s2 =	sld [smem:$0x3F98]  }
0x29: {  	s4 =	sld [smem:$0x3F9A]  }
0x2a: {  	p0 =	seq.s32 s5, $0x0;
	s5 =	sld [smem:$0x3F9B]  }
0x2b: {  	s6 =	sld [smem:$0x3F9C]  }
0x2c: {  	s7 =	sld [smem:$0x3F9D]  }
0x2d: {  	s3 =	simm.s32 $0x108;
	s8 =	sld [smem:$0x3F9E]  }
0x2e: {  	s3 =	simm.s32 @!p0 $0x1082;
	s9 =	sld [smem:$0x3F9F]  }
0x2f: {  	lr =	sadd.s32 s0, s3;
	s0 =	sld [smem:$0x3F96]  }
0x30: {  	s3 =	sld [smem:$0x3F99]  }
0x31: {  	[smem:$0x3FA2] =	sst s10  }
0x32: {  	s10 =	sld [smem:$0x3FA0];
	_ =	sdelay $0x3  }
0x33: {  	p0 =	seq.s32 s10, $0x1;
	s10 =	sld [smem:$0x3FA2];
	_ =	sdelay $0x3  }
0x34: {  	[smem:$0x3FA2] =	sst s10  }
0x35: {  	s10 =	sld [smem:$0x3FA1];
	_ =	sdelay $0x3  }
0x36: {  	p1 =	seq.s32 s10, $0x1;
	s10 =	sld [smem:$0x3FA2];
	_ =	sdelay $0x3  }
0x37: {  	[smem:$0x3FA2] =	sst s10  }
0x38: {  	s10 =	sld [smem:$0x3FA3]  }
0x39: {  	_ = 	snop;
	(pc) =	sbr.ind lr, $3  }
0x3a: {  	_ = 	snop  }
0x3b: {  	_ = 	snop  }
0x3c: {  	p2 =	seq.s32 s10, $0x1;
	s10 =	sld [smem:$0x3FA2]  }
0x3d: {  	_ =	shalt  }
0x3e: {  	_ =	shalt  }
0x3f: {  	_ =	shalt  }
0x40: {  	_ =	shalt  }
0x41: {  	_ =	shalt  }
0x42: {  	_ =	shalt  }
0x43: {  	_ =	shalt  }
0x44: {  	_ =	shalt  }
0x45: {  	_ =	shalt  }
0x46: {  	_ =	shalt  }
0x47: {  	_ =	shalt  }
0x48: {  	_ =	shalt  }
0x49: {  	_ =	shalt  }
0x4a: {  	_ =	shalt  }
0x4b: {  	_ =	shalt  }
0x4c: {  	_ =	shalt  }
0x4d: {  	_ =	shalt  }
0x4e: {  	_ =	shalt  }
0x4f: {  	_ =	shalt  }
0x50: {  	_ =	shalt  }
0x51: {  	_ =	shalt  }
0x52: {  	_ =	shalt  }
0x53: {  	_ =	shalt  }
0x54: {  	_ =	shalt  }
0x55: {  	_ =	shalt  }
0x56: {  	_ =	shalt  }
0x57: {  	_ =	shalt  }
0x58: {  	_ =	shalt  }
0x59: {  	_ =	shalt  }
0x5a: {  	_ =	shalt  }
0x5b: {  	_ =	shalt  }
0x5c: {  	_ =	shalt  }
0x5d: {  	_ =	shalt  }
0x5e: {  	_ =	shalt  }
0x5f: {  	_ =	shalt  }
0x60: {  	_ =	shalt  }
0x61: {  	_ =	shalt  }
0x62: {  	_ =	shalt  }
0x63: {  	_ =	shalt  }
0x64: {  	_ =	shalt  }
0x65: {  	_ =	shalt  }
0x66: {  	_ =	shalt  }
0x67: {  	_ =	shalt  }
0x68: {  	_ =	shalt  }
0x69: {  	_ =	shalt  }
0x6a: {  	_ =	shalt  }
0x6b: {  	_ =	shalt  }
0x6c: {  	_ =	shalt  }
0x6d: {  	_ =	shalt  }
0x6e: {  	_ =	shalt  }
0x6f: {  	_ =	shalt  }
0x70: {  	_ =	shalt  }
0x71: {  	_ =	shalt  }
0x72: {  	_ =	shalt  }
0x73: {  	_ =	shalt  }
0x74: {  	_ =	shalt  }
0x75: {  	_ =	shalt  }
0x76: {  	_ =	shalt  }
0x77: {  	_ =	shalt  }
0x78: {  	_ =	shalt  }
0x79: {  	_ =	shalt  }
0x7a: {  	_ =	shalt  }
0x7b: {  	_ =	shalt  }
0x7c: {  	_ =	shalt  }
0x7d: {  	_ =	shalt  }
0x7e: {  	_ =	shalt  }
0x7f: {  	_ =	shalt  }
0x80: {  	_ =	shalt  }
0x81: {  	_ =	shalt  }
0x82: {  	_ =	shalt  }
0x83: {  	_ =	shalt  }
0x84: {  	_ =	shalt  }
0x85: {  	_ =	shalt  }
0x86: {  	_ =	shalt  }
0x87: {  	_ =	shalt  }
.Lfunc_end0:
.L_simem_size_0:
called_computation.2_lowered:
.L_overlay_start_0:
0x88: {  	s2 =	sld [smem:$0x3FD9]  }
0x89: {  	s3 =	sld [smem:$0x3FFE];
	_ =	sdelay $0x1  }
0x8a: {  	s1 =	srdreg.scid  }
0x8b: {  	s0 =	sand.u32 $0x1, s1  }
0x8c: {  	s16 =	sshll.u32 s0, $0xA;
	s2 =	sadd.s32 s3, s2  }
0x8d: {  	s2 =	sadd.s32 s2, s16  }
0x8e: {  	[smem:$0x3FAE] =	sst s2  }
0x8f: {  	_ = 	snop  }
0x90: {  	(tm) =	ssettm $0x1  }
0x91: {  	s17 =	sld [smem:$0x3FFB];
	_ =	sdelay $0x3  }
0x92: {  	_ =	strace s17  }
0x93: {  	s2 =	sld [smem:$0x3FFC];
	_ =	sdelay $0x3  }
0x94: {  	_ =	strace s2  }
0x95: {  	s2 =	sld [smem:$0x3FFD];
	_ =	sdelay $0x3  }
0x96: {  	_ =	strace s2  }
0x97: {  	_ =	strace $0x8FFFFFFF  }
0x98: {  	s18 =	sld [smem:$0x3FDB];
	_ =	sdelay $0x1  }
0x99: {  	s19 =	simm.s32 $_scs_section_size  }
0x9a: {  	s4 =	simm.s32 $_size__tile_overlayer_lowered;
	s5 =	simm.s32 $_tile_overlayer_lowered  }
0x9b: {  	s22 =	simm.s32 $0x1BFF;
	s21 =	sshll.u32 s5, $0x1;
	s2 =	sadd.s32 s19, s18  }
0x9c: {  	s6 =	simm.s32 $0x0;
	s20 =	sshll.u32 s4, $0x1;
	s4 =	sadd.s32 s21, s2  }
0x9d: {  	[timem:s6], [sflag:s22] =	dma.local [hbm:s4], s20  }
0x9e: {  	_ =	swait.ge [sflag:s22], s20  }
0x9f: {  	s3 =	ssub.s32 $0x0, s20;
	[sflag:s22] =	ssyncset.done $0x0  }
0xa0: {  	[sflag:s22] =	ssyncadd.s32 s3;
	_ =	sdelay $0x1  }
0xa1: {  	s23 =	simm.s32 $0x1B8B  }
0xa2: {  	_ =	swait.ge [sflag:s23], $0x1  }
0xa3: {  	[sflag:s23] =	ssyncset.done $0x0  }
0xa4: {  	s25 =	simm.s32 $0x1B8E;
	s24 =	sld [smem:$0x3FFE];
	[sflag:s23] =	ssyncadd.s32 $0xFFFFFFFF  }
0xa5: {  	s26 =	simm.s32 $execute0_lowered;
	[smem:$0x3FD2] =	sst s25  }
0xa6: {  	s4 =	sshll.u32 s26, $0x1;
	_ =	strace $0x8000004C;
	[dreg:$0x1] =	wrdreg $0xFFFFFFFF  }
0xa7: {  	s28 =	simm.s32 $_size_execute0_lowered;
	s2 =	sadd.s32 s2, s4;
	[dreg:$0x0] =	wrdreg $0x0  }
0xa8: {  	s4 =	sshll.u32 s28, $0x1;
	[dreg:$0x2] =	wrdreg s2  }
0xa9: {  	[dreg:$0x3] =	wrdreg s4  }
0xaa: {  	[dreg:$0x4] =	wrdreg $0xC0  }
0xab: {  	_ =	task [dreg:s6], $0x5FFFF  }
0xac: {  	[dreg:$0x1] =	wrdreg $0xFFFFFFFF  }
0xad: {  	[dreg:$0x0] =	wrdreg $0x60  }
0xae: {  	[dreg:$0x2] =	wrdreg s24  }
0xaf: {  	[dreg:$0x3] =	wrdreg $0x0  }
0xb0: {  	[dreg:$0x4] =	wrdreg $0x9  }
0xb1: {  	_ =	task.clear_ibuf [dreg:s6], $0x5FFFF;
	_ =	strace $0x9000004C  }
0xb2: {  	s29 =	simm.s32 $0x9;
	_ =	strace $0x8000004E  }
0xb3: {  	_ =	swait.ge [sflag:s29], $0x1  }
0xb4: {  	[sflag:s29] =	ssyncadd.s32 $0xFFFFFFFF  }
0xb5: {  	_ =	strace $0x9000004E  }
0xb6: {  	_ =	sfence  }
0xb7: {  	s30 =	sld [smem:$0x0];
	_ =	sdelay $0x2  }
0xb8: {  	s31 =	sshll.u32 s1, $0xD;
	s1 =	sshrl.u32 s1, $0x2  }
0xb9: {  	s3 =	sand.u32 $0x4000, s31;
	s1 =	sadd.s32 s1, s30  }
0xba: {  	s0 =	sor.u32 s3, s0;
	s1 =	sshll.u32 s1, $0x11  }
0xbb: {  	s0 =	sor.u32 s1, s0  }
0xbc: {  	s0 =	sadd.s32 $0x8F2B, s0  }
0xbd: {  	[sflag:s0] =	ssyncadd.remote.s32 $0x1  }
0xbe: {  	_ =	sfence.sel $0xFFFF  }
0xbf: {  	[dreg:$0x0] =	wrdreg $0xFFFFFFFF;
	(pc) =	sbr.abs _section_cstart, $3  }
0xc0: {  	[dreg:$0x1] =	wrdreg $0xFFFFFFFF  }
0xc1: {  	_ =	task.clear_ibuf [dreg:s6], $0x2FFFF;
	_ =	strace $0x9FFFFFFF  }
0xc2: {  	(tm) =	ssettm $0x7FFFFFFF  }
0xc3: {  	_ =	shalt  }
tec
execute0_lowered:
.L_overlay_start_1:
0x0: {  	(tag) =	ssettag $0x1  }
0x1: {  	s0 =	rddreg [dreg:$0x0]  }
0x2: {  	s2 =	rddreg [dreg:$0x1]  }
0x3: {  	s1 =	srdreg.scid;
	s11 =	stileid.u32  }
0x4: {  	s3 =	simm.s32 $0x0;
	s30 =	simm.s32 $0x1E300;
	s28 =	simm.s32 $0x1DC80  }
0x5: {  	s29 =	simm.s32 $0x2;
	s31 =	simm.s32 $0x4;
	s1 =	sand.u32 $0x1, s1  }
0x6: {  	s5 =	sadd.s32 $0x15C00, s0;
	s6 =	smul.u32 $0x13C00, s11;
	s8 =	sshll.u32 s11, $0xE  }
0x7: {  	s4 =	smul.u32 $0x13C000, s1;
	s7 =	ssub.s32 $0x2, s1;
	s1 =	sshll.u32 s1, $0x12  }
0x8: {  	s9 =	sadd.s32 $0x5C00, s0;
	[smem:$0x7FF] =	sst s3;
	s1 =	sor.u32 s8, s1  }
0x9: {  	s10 =	sshrl.u32 s7, $0x1;
	s4 =	sadd.s32 s6, s4;
	s18 =	sshrl.u32 s1, $0x3  }
0xa: {  	s6 =	ssub.s32 s7, s10;
	s1 =	sor.u32 $0x400, s1;
	s19 =	sadd.s32 s5, s18  }
0xb: {  	s20 =	sadd.s32 s9, s18;
	s21 =	sor.u32 $0x10, s18;
	s23 =	sor.u32 $0x20, s18  }
0xc: {  	s25 =	sor.u32 $0x30, s18;
	s12 =	sor.u32 $0x40, s18;
	[dreg:$0x3] =	wrdreg s19  }
0xd: {  	s14 =	sor.u32 $0x50, s18;
	[dreg:$0x4] =	wrdreg s20;
	s22 =	sadd.s32 s5, s21  }
0xe: {  	s16 =	sor.u32 $0x60, s18;
	s8 =	sadd.s32 s9, s21;
	[dreg:$0x5] =	wrdreg s22  }
0xf: {  	s7 =	sor.u32 $0x70, s18;
	s24 =	sadd.s32 s5, s23;
	[dreg:$0x6] =	wrdreg s8  }
0x10: {  	s1 =	sshrl.u32 s1, $0x3;
	s26 =	sadd.s32 s5, s25;
	[dreg:$0x7] =	wrdreg s24  }
0x11: {  	s13 =	sadd.s32 s5, s12;
	s15 =	sadd.s32 s5, s14;
	[dreg:$0x9] =	wrdreg s26  }
0x12: {  	s17 =	sadd.s32 s5, s16;
	s18 =	sadd.s32 s5, s7;
	[dreg:$0xb] =	wrdreg s13  }
0x13: {  	s7 =	sadd.s32 s9, s7;
	s20 =	sadd.s32 s1, s5;
	[dreg:$0xd] =	wrdreg s15  }
0x14: {  	s19 =	smul.u32 $0x4F000, s11;
	s21 =	sadd.s32 s1, s9;
	[dreg:$0xf] =	wrdreg s17  }
0x15: {  	s5 =	simm.s32 $0x0;
	s8 =	sadd.s32 s9, s23;
	[dreg:$0x11] =	wrdreg s18  }
0x16: {  	[dreg:$0x12] =	wrdreg s7;
	s22 =	sshrl.u32 s4, $0x3;
	s26 =	smax.u32 s6, $0x1  }
0x17: {  	s13 =	simm.s32 $0x13C00;
	s18 =	simm.s32 $0xB;
	s7 =	simm.s32 $0xF  }
0x18: {  	s4 =	simm.s32 $0x14;
	[dreg:$0x8] =	wrdreg s8;
	s8 =	sadd.s32 s9, s25  }
0x19: {  	s1 =	sadd.s32 s22, s0;
	s23 =	sshrl.u32 s19, $0x2;
	s22 =	sadd.s32 $0x28400, s0  }
0x1a: {  	s0 =	sadd.s32 $0x25C00, s0;
	[dreg:$0xa] =	wrdreg s8;
	s8 =	sadd.s32 s9, s12  }
0x1b: {  	s19 =	simm.s32 $0x1B400;
	[dreg:$0xc] =	wrdreg s8;
	s8 =	sadd.s32 s9, s14  }
0x1c: {  	s24 =	sadd.s32 s23, s2;
	[dreg:$0xe] =	wrdreg s8;
	s8 =	sadd.s32 s9, s16  }
0x1d: {  	s25 =	sadd.s32 $0x4F600, s1;
	s12 =	simm.s32 $0x50;
	[dreg:$0x10] =	wrdreg s8  }
.Ltmp0:
0x1e: {  	_ =	strace $0x8000004D;
	[dreg:$0x13] =	wrdreg s0;
	(pc) =	sbr.rel .LBB2_1-.Ltmp0, $4  }
0x1f: {  	s23 =	simm.s32 $0x15;
	s14 =	simm.s32 $0x18C00;
	[dreg:$0x14] =	wrdreg s24  }
0x20: {  	s16 =	simm.s32 $0x9;
	s9 =	simm.s32 $0xE;
	[dreg:$0x15] =	wrdreg s25  }
0x21: {  	s8 =	simm.s32 $0x13;
	[dreg:$0x16] =	wrdreg s26;
	s0 =	simm.s32 $0x1E080  }
0x22: {  	s25 =	simm.s32 $0x16400;
	s24 =	simm.s32 $0x1;
	s26 =	simm.s32 $0x16400  }
.LBB2_4:
0x23: {  	_ =	swait.ge [sflag:s24], $0x2800  }
0x24: {  	[sflag:s24] =	ssyncset.done $0x0  }
0x25: {  	[sflag:s24] =	ssyncadd.s32 $0xFFFFD800  }
0x26: {  	_ =	swait.ge [sflag:s9], $0x80  }
0x27: {  	[sflag:s9] =	ssyncset.done $0x0  }
0x28: {  	[sflag:s9] =	ssyncadd.s32 $0xFFFFFF80  }
0x29: {  	[spmem:s2] =	stream.indirect.scatter.add.f32 [tilespmem:s13], [sflag:$0x15], $0x80, s0, s12, $0xb8;
	[tilespmem:$0x1E400] =	vst v63  }
0x2a: {  	_ =	swait.ge [sflag:s23], $0x2800  }
0x2b: {  	[sflag:s23] =	ssyncset.done $0x0  }
0x2c: {  	s28 =	simm.s32 $0x1DC80;
	s25 =	simm.s32 $0x16400;
	[sflag:s23] =	ssyncadd.s32 $0xFFFFD800  }
.LBB2_5:
0x2d: {  	[bflag:$0x0] =	sbarrier.arrive $0xFFFF  }
0x2e: {  	s1 =	rddreg [dreg:$0x15]  }
0x2f: {  	s5 =	rddreg [dreg:$0x18]  }
0x30: {  	s6 =	rddreg [dreg:$0x19]  }
0x31: {  	[hbm:s1], [sflag:s5] =	dma.local [spmem:s6], $0x2780  }
0x32: {  	_ =	swait.ge [sflag:s23], $0x2780  }
0x33: {  	s15 =	rddreg [dreg:$0x17]  }
0x34: {  	s17 =	rddreg [dreg:$0x16];
	s5 =	sadd.s32 $0x1, s15  }
0x35: {  	p0 =	sne.s32 s5, s17  }
.Ltmp1:
0x36: {  	_ = 	snop;
	(pc) =	sbr.rel @!p0 .LBB2_6-.Ltmp1, $3  }
0x37: {  	_ =	sdelay $0x1  }
0x38: {  	[sflag:s23] =	ssyncset.done $0x0  }
0x39: {  	[sflag:s23] =	ssyncadd.s32 $0xFFFFD880  }
.LBB2_1:
0x3a: {  	[dreg:$0x17] =	wrdreg s5  }
0x3b: {  	s1 =	rddreg [dreg:$0x3];
	s5 =	simm.s32 $0x1DC00  }
0x3c: {  	[tilespmem:s5], [sflag:$0x5] =	stream.linear.gather [hbm4b:s1+s3], $0x80, $0x38;
	[tilespmem:$0x1E400] =	vst v63  }
0x3d: {  	s17 =	rddreg [dreg:$0x4];
	s6 =	simm.s32 $0x1E000  }
0x3e: {  	[tilespmem:s6], [sflag:$0xD] =	stream.linear.gather [hbm4b:s17+s3], $0x80, $0x38;
	[tilespmem:$0x1E400] =	vst v63  }
0x3f: {  	s10 =	rddreg [dreg:$0x5];
	s6 =	simm.s32 $0x1DD00  }
0x40: {  	[tilespmem:s6], [sflag:$0x7] =	stream.linear.gather [hbm4b:s10+s3], $0x80, $0x38;
	[tilespmem:$0x1E400] =	vst v63  }
0x41: {  	s11 =	rddreg [dreg:$0x6];
	s10 =	simm.s32 $0x1E100  }
0x42: {  	[tilespmem:s10], [sflag:$0xF] =	stream.linear.gather [hbm4b:s11+s3], $0x80, $0x38;
	[tilespmem:$0x1E400] =	vst v63  }
0x43: {  	s15 =	rddreg [dreg:$0x7];
	s10 =	simm.s32 $0x1DE00  }
0x44: {  	[tilespmem:s10], [sflag:$0x9] =	stream.linear.gather [hbm4b:s15+s3], $0x80, $0x38;
	[tilespmem:$0x1E400] =	vst v63  }
0x45: {  	s17 =	rddreg [dreg:$0x8];
	s11 =	simm.s32 $0x1E200  }
0x46: {  	[tilespmem:s11], [sflag:$0x11] =	stream.linear.gather [hbm4b:s17+s3], $0x80, $0x38;
	[tilespmem:$0x1E400] =	vst v63  }
0x47: {  	s15 =	rddreg [dreg:$0x9];
	s11 =	simm.s32 $0x1DF00  }
0x48: {  	[tilespmem:s11], [sflag:$0xB] =	stream.linear.gather [hbm4b:s15+s3], $0x80, $0x38;
	[tilespmem:$0x1E400] =	vst v63  }
0x49: {  	s17 =	rddreg [dreg:$0xa]  }
0x4a: {  	[tilespmem:s30], [sflag:$0x13] =	stream.linear.gather [hbm4b:s17+s3], $0x80, $0x38;
	[tilespmem:$0x1E400] =	vst v63  }
0x4b: {  	s15 =	rddreg [dreg:$0xb]  }
0x4c: {  	[tilespmem:s28], [sflag:$0x6] =	stream.linear.gather [hbm4b:s15+s3], $0x80, $0x38;
	[tilespmem:$0x1E400] =	vst v63  }
0x4d: {  	s17 =	rddreg [dreg:$0xc]  }
0x4e: {  	[tilespmem:s0], [sflag:$0xE] =	stream.linear.gather [hbm4b:s17+s3], $0x80, $0x38;
	[tilespmem:$0x1E400] =	vst v63  }
0x4f: {  	s30 =	rddreg [dreg:$0xd];
	s15 =	simm.s32 $0x1DD80  }
0x50: {  	[tilespmem:s15], [sflag:$0x8] =	stream.linear.gather [hbm4b:s30+s3], $0x80, $0x38;
	[tilespmem:$0x1E400] =	vst v63  }
0x51: {  	s17 =	rddreg [dreg:$0xe];
	s30 =	simm.s32 $0x1E180  }
0x52: {  	[tilespmem:s30], [sflag:$0x10] =	stream.linear.gather [hbm4b:s17+s3], $0x80, $0x38;
	[tilespmem:$0x1E400] =	vst v63  }
0x53: {  	s17 =	rddreg [dreg:$0xf];
	s30 =	simm.s32 $0x1DE80  }
0x54: {  	[tilespmem:s30], [sflag:$0xA] =	stream.linear.gather [hbm4b:s17+s3], $0x80, $0x38;
	[tilespmem:$0x1E400] =	vst v63  }
0x55: {  	s17 =	rddreg [dreg:$0x10];
	s30 =	simm.s32 $0x1E280  }
0x56: {  	[tilespmem:s30], [sflag:$0x12] =	stream.linear.gather [hbm4b:s17+s3], $0x80, $0x38;
	[tilespmem:$0x1E400] =	vst v63  }
0x57: {  	s17 =	rddreg [dreg:$0x11];
	s30 =	simm.s32 $0x1DF80  }
0x58: {  	[tilespmem:s30], [sflag:$0xC] =	stream.linear.gather [hbm4b:s17+s3], $0x80, $0x38;
	[tilespmem:$0x1E400] =	vst v63  }
0x59: {  	s15 =	rddreg [dreg:$0x12];
	s17 =	simm.s32 $0x1E380;
	s30 =	simm.s32 $0x5  }
0x5a: {  	[tilespmem:s17], [sflag:$0x14] =	stream.linear.gather [hbm4b:s15+s3], $0x80, $0x38;
	[tilespmem:$0x1E400] =	vst v63  }
0x5b: {  	_ =	swait.ge [sflag:s30], $0x80  }
0x5c: {  	[sflag:s30] =	ssyncset.done $0x0  }
0x5d: {  	[sflag:s30] =	ssyncadd.s32 $0xFFFFFF80  }
0x5e: {  	[tilespmem:s13], [sflag:$0x1] =	stream.indirect.gather [hbm4b:s22+s12], $0x80, s5, s12, $0xb8;
	[tilespmem:$0x1E400] =	vst v63  }
0x5f: {  	s5 =	simm.s32 $0x7  }
0x60: {  	_ =	swait.ge [sflag:s5], $0x80  }
0x61: {  	[sflag:s5] =	ssyncset.done $0x0  }
0x62: {  	[sflag:s5] =	ssyncadd.s32 $0xFFFFFF80  }
0x63: {  	[tilespmem:s25], [sflag:$0x2] =	stream.indirect.gather [hbm4b:s22+s12], $0x80, s6, s12, $0xb8;
	[tilespmem:$0x1E400] =	vst v63  }
0x64: {  	_ =	swait.ge [sflag:s16], $0x80  }
0x65: {  	[sflag:s16] =	ssyncset.done $0x0  }
0x66: {  	[sflag:s16] =	ssyncadd.s32 $0xFFFFFF80  }
0x67: {  	[tilespmem:s14], [sflag:$0x3] =	stream.indirect.gather [hbm4b:s22+s12], $0x80, s10, s12, $0xb8;
	[tilespmem:$0x1E400] =	vst v63  }
0x68: {  	s10 =	stileid.u32;
	_ =	swait.ge [sflag:s18], $0x80  }
0x69: {  	s1 =	sshll.u32 s10, $0x6;
	[sflag:s18] =	ssyncset.done $0x0;
	s15 =	rddreg [dreg:$0x14]  }
0x6a: {  	s30 =	rddreg [dreg:$0x13];
	[sflag:s18] =	ssyncadd.s32 $0xFFFFFF80;
	s17 =	sshrl.u32 s15, $0x3  }
0x6b: {  	[tilespmem:s19], [sflag:$0x4] =	stream.indirect.gather [hbm4b:s22+s12], $0x80, s11, s12, $0xb8;
	[tilespmem:$0x1E400] =	vst v63  }
0x6c: {  	s11 =	sor.u32 $0x1C15, s1;
	[dreg:$0x19] =	wrdreg s17  }
0x6d: {  	[dreg:$0x18] =	wrdreg s11  }
0x6e: {  	[spmem:s17], [sflag:s11] =	dma.local [hbm:s30], $0x2780  }
0x6f: {  	_ =	swait.ge [sflag:s23], $0x2780  }
0x70: {  	[sflag:s23] =	ssyncset.done $0x0  }
0x71: {  	[sflag:s23] =	ssyncadd.s32 $0xFFFFD880  }
0x72: {  	s5 =	simm.s32 $0x0;
	s6 =	simm.s32 $0x0;
	[bflag:$0x0] =	sbarrier.arrive $0xFFFF  }
.LBB2_2:
0x73: {  	_ =	swait.ge [sflag:s24], $0x2800  }
0x74: {  	[sflag:s24] =	ssyncset.done $0x0  }
0x75: {  	s1 =	simm.s32 $0xD;
	[sflag:s24] =	ssyncadd.s32 $0xFFFFD800  }
0x76: {  	_ =	swait.ge [sflag:s1], $0x80  }
0x77: {  	[sflag:s1] =	ssyncset.done $0x0  }
0x78: {  	s10 =	simm.s32 $0x1E000;
	[sflag:s1] =	ssyncadd.s32 $0xFFFFFF80  }
0x79: {  	[spmem:s2] =	stream.indirect.scatter.add.f32 [tilespmem:s13], [sflag:$0x15], $0x80, s10, s12, $0xb8;
	[tilespmem:$0x1E400] =	vst v63  }
0x7a: {  	p0 =	seq.s32 s5, $0x780;
	_ =	swait.ge [sflag:s23], $0x2800  }
0x7b: {  	s17 =	sadd.s32 @!p0 s5, s20;
	[sflag:s23] =	ssyncset.done $0x0  }
0x7c: {  	s15 =	simm.s32 @!p0 $0x1DC00;
	s1 =	simm.s32 @!p0 $0x0;
	[sflag:s23] =	ssyncadd.s32 $0xFFFFD800  }
0x7d: {  	[tilespmem:s15], [sflag:$0x5] =	stream.linear.gather @!p0 [hbm4b:s17+s1], $0x80, $0x38;
	[tilespmem:$0x1E400] =	vst v63  }
0x7e: {  	s11 =	simm.s32 $0x6;
	s10 =	simm.s32 @!p0 $0x1E000;
	s15 =	sadd.s32 @!p0 s5, s21  }
0x7f: {  	[tilespmem:s10], [sflag:$0xD] =	stream.linear.gather @!p0 [hbm4b:s15+s1], $0x80, $0x38;
	[tilespmem:$0x1E400] =	vst v63  }
0x80: {  	_ =	swait.ge [sflag:s11], $0x80  }
0x81: {  	[sflag:s11] =	ssyncset.done $0x0  }
0x82: {  	[sflag:s11] =	ssyncadd.s32 $0xFFFFFF80  }
0x83: {  	[tilespmem:s13], [sflag:$0x1] =	stream.indirect.gather [hbm4b:s22+s12], $0x80, s28, s12, $0xb8;
	[tilespmem:$0x1E400] =	vst v63  }
0x84: {  	_ =	swait.ge [sflag:s29], $0x2800  }
0x85: {  	[sflag:s29] =	ssyncset.done $0x0  }
0x86: {  	[sflag:s29] =	ssyncadd.s32 $0xFFFFD800  }
0x87: {  	_ =	swait.ge [sflag:s7], $0x80  }
0x88: {  	[sflag:s7] =	ssyncset.done $0x0  }
0x89: {  	s28 =	simm.s32 $0x1E100;
	[sflag:s7] =	ssyncadd.s32 $0xFFFFFF80  }
0x8a: {  	[spmem:s2] =	stream.indirect.scatter.add.f32 [tilespmem:s25], [sflag:$0x15], $0x80, s28, s12, $0xb8;
	[tilespmem:$0x1E400] =	vst v63  }
0x8b: {  	_ =	swait.ge [sflag:s23], $0x2800  }
0x8c: {  	[sflag:s23] =	ssyncset.done $0x0  }
0x8d: {  	s10 =	simm.s32 @p0 $0x3;
	[sflag:s23] =	ssyncadd.s32 $0xFFFFD800  }
0x8e: {  	_ =	swait.ge @p0 [sflag:s10], $0x2800  }
0x8f: {  	[sflag:s10] =	ssyncset.done @p0 $0x0  }
0x90: {  	[sflag:s10] =	ssyncadd.s32 @p0 $0xFFFFD800;
	s10 =	simm.s32 @p0 $0x11  }
0x91: {  	_ =	swait.ge @p0 [sflag:s10], $0x80  }
0x92: {  	s11 =	simm.s32 @p0 $0x1E200;
	[sflag:s10] =	ssyncset.done @p0 $0x0  }
0x93: {  	s28 =	simm.s32 @p0 $0x18C00;
	[sflag:s10] =	ssyncadd.s32 @p0 $0xFFFFFF80;
	s10 =	simm.s32 @p0 $0x50  }
0x94: {  	[spmem:s2] =	stream.indirect.scatter.add.f32 @p0 [tilespmem:s28], [sflag:$0x15], $0x80, s11, s10, $0xb8;
	[tilespmem:$0x1E400] =	vst v63  }
0x95: {  	s10 =	simm.s32 @p0 $0x15  }
0x96: {  	_ =	swait.ge @p0 [sflag:s10], $0x2800  }
0x97: {  	[sflag:s10] =	ssyncset.done @p0 $0x0  }
0x98: {  	s11 =	simm.s32 @!p0 $0x1DD00;
	[sflag:s10] =	ssyncadd.s32 @p0 $0xFFFFD800;
	s10 =	sadd.s32 @!p0 $0x10, s17  }
0x99: {  	[tilespmem:s11], [sflag:$0x7] =	stream.linear.gather @!p0 [hbm4b:s10+s1], $0x80, $0x38;
	[tilespmem:$0x1E400] =	vst v63  }
0x9a: {  	s10 =	sadd.s32 @!p0 $0x10, s15;
	s11 =	simm.s32 @!p0 $0x1E100  }
0x9b: {  	[tilespmem:s11], [sflag:$0xF] =	stream.linear.gather @!p0 [hbm4b:s10+s1], $0x80, $0x38;
	[tilespmem:$0x1E400] =	vst v63  }
0x9c: {  	s10 =	simm.s32 @!p0 $0x8  }
0x9d: {  	_ =	swait.ge @!p0 [sflag:s10], $0x80  }
0x9e: {  	s28 =	simm.s32 @!p0 $0x16400;
	[sflag:s10] =	ssyncset.done @!p0 $0x0  }
0x9f: {  	s11 =	simm.s32 @!p0 $0x1DD80;
	[sflag:s10] =	ssyncadd.s32 @!p0 $0xFFFFFF80;
	s10 =	simm.s32 @!p0 $0x50  }
0xa0: {  	[tilespmem:s28], [sflag:$0x2] =	stream.indirect.gather @!p0 [hbm4b:s22+s10], $0x80, s11, s10, $0xb8;
	[tilespmem:$0x1E400] =	vst v63  }
0xa1: {  	s11 =	simm.s32 @!p0 $0x3  }
0xa2: {  	_ =	swait.ge @!p0 [sflag:s11], $0x2800  }
0xa3: {  	[sflag:s11] =	ssyncset.done @!p0 $0x0  }
0xa4: {  	[sflag:s11] =	ssyncadd.s32 @!p0 $0xFFFFD800;
	s11 =	simm.s32 @!p0 $0x11  }
0xa5: {  	_ =	swait.ge @!p0 [sflag:s11], $0x80  }
0xa6: {  	s30 =	simm.s32 @!p0 $0x15;
	[sflag:s11] =	ssyncset.done @!p0 $0x0  }
0xa7: {  	s28 =	simm.s32 @!p0 $0x18C00;
	[sflag:s11] =	ssyncadd.s32 @!p0 $0xFFFFFF80;
	s11 =	simm.s32 @!p0 $0x1E200  }
0xa8: {  	[spmem:s2] =	stream.indirect.scatter.add.f32 @!p0 [tilespmem:s28], [sflag:$0x15], $0x80, s11, s10, $0xb8;
	[tilespmem:$0x1E400] =	vst v63  }
0xa9: {  	_ =	swait.ge @!p0 [sflag:s30], $0x2800  }
0xaa: {  	[sflag:s30] =	ssyncset.done @!p0 $0x0  }
0xab: {  	s17 =	sadd.s32 @!p0 $0x20, s17;
	[sflag:s30] =	ssyncadd.s32 @!p0 $0xFFFFD800;
	s30 =	simm.s32 @!p0 $0x1DE00  }
0xac: {  	[tilespmem:s30], [sflag:$0x9] =	stream.linear.gather @!p0 [hbm4b:s17+s1], $0x80, $0x38;
	[tilespmem:$0x1E400] =	vst v63  }
0xad: {  	s15 =	sadd.s32 @!p0 $0x20, s15  }
0xae: {  	[tilespmem:s11], [sflag:$0x11] =	stream.linear.gather @!p0 [hbm4b:s15+s1], $0x80, $0x38;
	[tilespmem:$0x1E400] =	vst v63  }
0xaf: {  	s1 =	simm.s32 @!p0 $0xA  }
0xb0: {  	_ =	swait.ge @!p0 [sflag:s1], $0x80  }
0xb1: {  	[sflag:s1] =	ssyncset.done @!p0 $0x0  }
0xb2: {  	[sflag:s1] =	ssyncadd.s32 @!p0 $0xFFFFFF80;
	s1 =	simm.s32 @!p0 $0x1DE80  }
0xb3: {  	[tilespmem:s28], [sflag:$0x3] =	stream.indirect.gather @!p0 [hbm4b:s22+s10], $0x80, s1, s10, $0xb8;
	[tilespmem:$0x1E400] =	vst v63  }
0xb4: {  	_ =	swait.ge [sflag:s31], $0x2800  }
0xb5: {  	[sflag:s31] =	ssyncset.done $0x0  }
0xb6: {  	[sflag:s31] =	ssyncadd.s32 $0xFFFFD800  }
0xb7: {  	_ =	swait.ge [sflag:s8], $0x80  }
0xb8: {  	[sflag:s8] =	ssyncset.done $0x0  }
.Ltmp2:
0xb9: {  	s30 =	simm.s32 $0x1E300;
	[sflag:s8] =	ssyncadd.s32 $0xFFFFFF80;
	(pc) =	sbr.rel @p0 .LBB2_4-.Ltmp2, $4  }
0xba: {  	[spmem:s2] =	stream.indirect.scatter.add.f32 [tilespmem:s19], [sflag:$0x15], $0x80, s30, s12, $0xb8;
	[tilespmem:$0x1E400] =	vst v63  }
0xbb: {  	_ =	swait.ge [sflag:s23], $0x2800  }
0xbc: {  	[sflag:s23] =	ssyncset.done $0x0  }
0xbd: {  	s25 =	simm.s32 $0x1DC80;
	[sflag:s23] =	ssyncadd.s32 $0xFFFFD800  }
0xbe: {  	s1 =	sadd.s32 s5, s20  }
0xbf: {  	s28 =	simm.s32 $0x1DF00;
	s17 =	sadd.s32 s5, s21;
	s10 =	sadd.s32 $0x30, s1  }
0xc0: {  	[tilespmem:s28], [sflag:$0xB] =	stream.linear.gather [hbm4b:s10+s3], $0x80, $0x38;
	[tilespmem:$0x1E400] =	vst v63  }
0xc1: {  	s0 =	simm.s32 $0xC;
	s11 =	sadd.s32 $0x30, s17  }
0xc2: {  	[tilespmem:s30], [sflag:$0x13] =	stream.linear.gather [hbm4b:s11+s3], $0x80, $0x38;
	[tilespmem:$0x1E400] =	vst v63  }
0xc3: {  	_ =	swait.ge [sflag:s0], $0x80  }
0xc4: {  	[sflag:s0] =	ssyncset.done $0x0  }
0xc5: {  	s11 =	simm.s32 $0x1DF80;
	[sflag:s0] =	ssyncadd.s32 $0xFFFFFF80  }
0xc6: {  	[tilespmem:s19], [sflag:$0x4] =	stream.indirect.gather [hbm4b:s22+s12], $0x80, s11, s12, $0xb8;
	[tilespmem:$0x1E400] =	vst v63  }
0xc7: {  	_ =	swait.ge [sflag:s24], $0x2800  }
0xc8: {  	[sflag:s24] =	ssyncset.done $0x0  }
0xc9: {  	[sflag:s24] =	ssyncadd.s32 $0xFFFFD800  }
0xca: {  	_ =	swait.ge [sflag:s9], $0x80  }
0xcb: {  	[sflag:s9] =	ssyncset.done $0x0  }
0xcc: {  	s14 =	simm.s32 $0x1E080;
	[sflag:s9] =	ssyncadd.s32 $0xFFFFFF80  }
0xcd: {  	[spmem:s2] =	stream.indirect.scatter.add.f32 [tilespmem:s13], [sflag:$0x15], $0x80, s14, s12, $0xb8;
	[tilespmem:$0x1E400] =	vst v63  }
0xce: {  	_ =	swait.ge [sflag:s23], $0x2800  }
0xcf: {  	[sflag:s23] =	ssyncset.done $0x0  }
0xd0: {  	s1 =	sadd.s32 $0x40, s1;
	[sflag:s23] =	ssyncadd.s32 $0xFFFFD800  }
0xd1: {  	[tilespmem:s25], [sflag:$0x6] =	stream.linear.gather [hbm4b:s1+s3], $0x80, $0x38;
	[tilespmem:$0x1E400] =	vst v63  }
0xd2: {  	s15 =	sadd.s32 $0x40, s17;
	s17 =	simm.s32 $0x5  }
0xd3: {  	[tilespmem:s14], [sflag:$0xE] =	stream.linear.gather [hbm4b:s15+s3], $0x80, $0x38;
	[tilespmem:$0x1E400] =	vst v63  }
0xd4: {  	_ =	swait.ge [sflag:s17], $0x80  }
0xd5: {  	[sflag:s17] =	ssyncset.done $0x0  }
0xd6: {  	s25 =	simm.s32 $0x1DC00;
	[sflag:s17] =	ssyncadd.s32 $0xFFFFFF80  }
0xd7: {  	[tilespmem:s13], [sflag:$0x1] =	stream.indirect.gather [hbm4b:s22+s12], $0x80, s25, s12, $0xb8;
	[tilespmem:$0x1E400] =	vst v63  }
0xd8: {  	_ =	swait.ge [sflag:s29], $0x2800  }
0xd9: {  	[sflag:s29] =	ssyncset.done $0x0  }
0xda: {  	s10 =	simm.s32 $0x10;
	[sflag:s29] =	ssyncadd.s32 $0xFFFFD800  }
0xdb: {  	_ =	swait.ge [sflag:s10], $0x80  }
0xdc: {  	[sflag:s10] =	ssyncset.done $0x0  }
0xdd: {  	s11 =	simm.s32 $0x1E180;
	[sflag:s10] =	ssyncadd.s32 $0xFFFFFF80  }
0xde: {  	[spmem:s2] =	stream.indirect.scatter.add.f32 [tilespmem:s26], [sflag:$0x15], $0x80, s11, s12, $0xb8;
	[tilespmem:$0x1E400] =	vst v63  }
0xdf: {  	p0 =	sgt.u32 s6, $0xD;
	_ =	swait.ge [sflag:s23], $0x2800  }
0xe0: {  	s1 =	sadd.s32 @!p0 s5, s20;
	s15 =	simm.s32 @!p0 $0x1DD80;
	[sflag:s23] =	ssyncset.done $0x0  }
0xe1: {  	s10 =	sadd.s32 @!p0 $0x50, s1;
	s11 =	simm.s32 @!p0 $0x0;
	[sflag:s23] =	ssyncadd.s32 $0xFFFFD800  }
0xe2: {  	[tilespmem:s15], [sflag:$0x8] =	stream.linear.gather @!p0 [hbm4b:s10+s11], $0x80, $0x38;
	[tilespmem:$0x1E400] =	vst v63  }
0xe3: {  	s10 =	sadd.s32 @!p0 s5, s21  }
0xe4: {  	s14 =	simm.s32 $0x7;
	s17 =	simm.s32 @!p0 $0x1E180;
	s15 =	sadd.s32 @!p0 $0x50, s10  }
0xe5: {  	[tilespmem:s17], [sflag:$0x10] =	stream.linear.gather @!p0 [hbm4b:s15+s11], $0x80, $0x38;
	[tilespmem:$0x1E400] =	vst v63  }
0xe6: {  	_ =	swait.ge [sflag:s14], $0x80  }
0xe7: {  	[sflag:s14] =	ssyncset.done $0x0  }
0xe8: {  	s17 =	simm.s32 $0x3;
	[sflag:s14] =	ssyncadd.s32 $0xFFFFFF80;
	s14 =	simm.s32 $0x1DD00  }
0xe9: {  	[tilespmem:s26], [sflag:$0x2] =	stream.indirect.gather [hbm4b:s22+s12], $0x80, s14, s12, $0xb8;
	[tilespmem:$0x1E400] =	vst v63  }
0xea: {  	_ =	swait.ge [sflag:s17], $0x2800  }
0xeb: {  	[sflag:s17] =	ssyncset.done $0x0  }
0xec: {  	s25 =	simm.s32 $0x12;
	[sflag:s17] =	ssyncadd.s32 $0xFFFFD800  }
0xed: {  	_ =	swait.ge [sflag:s25], $0x80  }
0xee: {  	[sflag:s25] =	ssyncset.done $0x0  }
0xef: {  	s14 =	simm.s32 $0x1E280;
	[sflag:s25] =	ssyncadd.s32 $0xFFFFFF80;
	s25 =	simm.s32 $0x18C00  }
0xf0: {  	[spmem:s2] =	stream.indirect.scatter.add.f32 [tilespmem:s25], [sflag:$0x15], $0x80, s14, s12, $0xb8;
	[tilespmem:$0x1E400] =	vst v63  }
0xf1: {  	_ =	swait.ge [sflag:s23], $0x2800  }
0xf2: {  	[sflag:s23] =	ssyncset.done $0x0  }
0xf3: {  	s15 =	sadd.s32 @!p0 $0x60, s1;
	s17 =	simm.s32 @!p0 $0x1DE80;
	[sflag:s23] =	ssyncadd.s32 $0xFFFFD800  }
0xf4: {  	[tilespmem:s17], [sflag:$0xA] =	stream.linear.gather @!p0 [hbm4b:s15+s11], $0x80, $0x38;
	[tilespmem:$0x1E400] =	vst v63  }
0xf5: {  	s15 =	sadd.s32 @!p0 $0x60, s10;
	s17 =	simm.s32 @!p0 $0x1E280  }
0xf6: {  	[tilespmem:s17], [sflag:$0x12] =	stream.linear.gather @!p0 [hbm4b:s15+s11], $0x80, $0x38;
	[tilespmem:$0x1E400] =	vst v63  }
0xf7: {  	_ =	swait.ge [sflag:s16], $0x80  }
0xf8: {  	[sflag:s16] =	ssyncset.done $0x0  }
0xf9: {  	s17 =	simm.s32 $0x1DE00;
	[sflag:s16] =	ssyncadd.s32 $0xFFFFFF80  }
0xfa: {  	[tilespmem:s25], [sflag:$0x3] =	stream.indirect.gather [hbm4b:s22+s12], $0x80, s17, s12, $0xb8;
	[tilespmem:$0x1E400] =	vst v63  }
0xfb: {  	_ =	swait.ge [sflag:s31], $0x2800  }
0xfc: {  	[sflag:s31] =	ssyncset.done $0x0  }
0xfd: {  	[sflag:s31] =	ssyncadd.s32 $0xFFFFD800  }
0xfe: {  	_ =	swait.ge [sflag:s4], $0x80  }
0xff: {  	[sflag:s4] =	ssyncset.done $0x0  }
0x100: {  	s25 =	simm.s32 $0x1E380;
	[sflag:s4] =	ssyncadd.s32 $0xFFFFFF80  }
0x101: {  	[spmem:s2] =	stream.indirect.scatter.add.f32 [tilespmem:s19], [sflag:$0x15], $0x80, s25, s12, $0xb8;
	[tilespmem:$0x1E400] =	vst v63  }
0x102: {  	_ =	swait.ge [sflag:s23], $0x2800  }
0x103: {  	[sflag:s23] =	ssyncset.done $0x0  }
0x104: {  	s1 =	sadd.s32 @!p0 $0x70, s1;
	s15 =	simm.s32 @!p0 $0x1DF80;
	[sflag:s23] =	ssyncadd.s32 $0xFFFFD800  }
0x105: {  	[tilespmem:s15], [sflag:$0xC] =	stream.linear.gather @!p0 [hbm4b:s1+s11], $0x80, $0x38;
	[tilespmem:$0x1E400] =	vst v63  }
0x106: {  	s5 =	sadd.s32 $0x80, s5;
	s1 =	sadd.s32 @!p0 $0x70, s10;
	s10 =	simm.s32 @!p0 $0x1E380  }
0x107: {  	[tilespmem:s10], [sflag:$0x14] =	stream.linear.gather @!p0 [hbm4b:s1+s11], $0x80, $0x38;
	[tilespmem:$0x1E400] =	vst v63  }
0x108: {  	p0 =	seq.s32 s5, $0x800  }
.Ltmp3:
0x109: {  	_ =	swait.ge [sflag:s18], $0x80;
	(pc) =	sbr.rel @!p0 .LBB2_2-.Ltmp3, $4  }
.Ltmp4:
0x10a: {  	[sflag:s18] =	ssyncset.done $0x0;
	(pc) =	sbr.rel @p0 .LBB2_5-.Ltmp4, $4  }
0x10b: {  	s6 =	sadd.s32 $0x1, s6;
	s0 =	simm.s32 $0x1E080;
	[sflag:s18] =	ssyncadd.s32 $0xFFFFFF80  }
0x10c: {  	[tilespmem:s19], [sflag:$0x4] =	stream.indirect.gather [hbm4b:s22+s12], $0x80, s28, s12, $0xb8;
	[tilespmem:$0x1E400] =	vst v63  }
0x10d: {  	s14 =	simm.s32 $0x18C00;
	s25 =	simm.s32 $0x16400;
	s28 =	simm.s32 $0x1DC80  }
0x10e: {  	_ = 	snop  }
.LBB2_6:
0x10f: {  	_ =	sfence.sel $0x180000  }
0x110: {  	[bflag:$0x0] =	sbarrier.arrive $0xFFFF  }
0x111: {  	_ =	strace $0x9000004D  }
0x112: {  	s0 =	stileid.u32;
	[bflag:$0x2] =	sbarrier.arrive $0xFFFF  }
0x113: {  	p0 =	sne.s32 s0, $0x0;
	s0 =	rddreg [dreg:$0x2]  }
0x114: {  	s0 =	sadd.s32 @!p0 $0x100000, s0  }
0x115: {  	[sflag:s0] =	ssyncadd.tile.s32 @!p0 $0x1;
	_ =	shalt  }
.Lfunc_end2:
_tile_overlayer_lowered:
.L_overlay_start_2:
0x116: {  	(tag) =	ssettag $0x2  }
0x117: {  	s0 =	rddreg [dreg:$0x0];
	s2 =	stileid.u32  }
0x118: {  	s1 =	rddreg [dreg:$0x1];
	p0 =	sne.s32 s2, $0x0  }
0x119: {  	s3 =	rddreg [dreg:$0x2];
	[bflag:$0x3] =	sbarrier.arrive $0xFFFF;
	s2 =	simm.s32 @!p0 $0x1C15  }
0x11a: {  	[timem:s3], [sflag:s2] =	dma.local @!p0 [hbm:s0], s1  }
0x11b: {  	s0 =	simm.s32 @!p0 $0x15  }
0x11c: {  	_ =	swait.ge @!p0 [sflag:s0], s1  }
0x11d: {  	s1 =	ssub.s32 @!p0 $0x0, s1;
	[sflag:s0] =	ssyncset.done @!p0 $0x0  }
0x11e: {  	[sflag:s0] =	ssyncadd.s32 @!p0 s1  }
0x11f: {  	[bflag:$0x3] =	sbarrier.arrive $0xFFFF  }
0x120: {  	_ =	shalt  }

// kernel: kernel.8.cloned.1.call-start
scs
__scs_entry_jumppad:
0x0: {  	(pc) =	sbr.rel $0x88, $3  }
0x1: {  	(tag) =	ssettag $0x0;
	lr =	simm.s32 $0x1  }
0x2: {  	[smem:$0x3F87] =	sst lr;
	_ =	strace $0xD0000000  }
0x3: {  	_ = 	snop  }
0x4: {  	_ = 	snop  }
0x5: {  	_ = 	snop  }
0x6: {  	_ = 	snop  }
0x7: {  	_ = 	snop  }
__scs_overlays_trampoline_lowered:
0x8: {  	[smem:$0x3F96] =	sst s0  }
0x9: {  	[smem:$0x3F97] =	sst s1  }
0xa: {  	[smem:$0x3F98] =	sst s2  }
0xb: {  	[smem:$0x3F99] =	sst s3  }
0xc: {  	[smem:$0x3F9A] =	sst s4  }
0xd: {  	[smem:$0x3F9B] =	sst s5  }
0xe: {  	[smem:$0x3F9C] =	sst s6  }
0xf: {  	[smem:$0x3F9D] =	sst s7  }
0x10: {  	[smem:$0x3F9E] =	sst s8  }
0x11: {  	[smem:$0x3F9F] =	sst s9;
	s0 =	simm.s32 @!p0 $0x0  }
0x12: {  	s1 =	sld [smem:$0x3F85];
	s0 =	simm.s32 @p0 $0x1  }
0x13: {  	[smem:$0x3FA0] =	sst s0;
	s0 =	simm.s32 @!p1 $0x0  }
0x14: {  	s2 =	sld [smem:$0x3F84];
	s0 =	simm.s32 @p1 $0x1  }
0x15: {  	[smem:$0x3FA1] =	sst s0;
	s0 =	simm.s32 @!p2 $0x0  }
0x16: {  	s3 =	sld [smem:$0x3FDB];
	s0 =	simm.s32 @p2 $0x1  }
0x17: {  	s4 =	simm.s32 $0x1BF5;
	[smem:$0x3FA3] =	sst s0  }
0x18: {  	s0 =	sld [smem:$0x3F86];
	_ =	swait.ge [sflag:s4], $0x0  }
0x19: {  	s7 =	sld [smem:$0x3F87]  }
0x1a: {  	s8 =	sadd.s32 $0xFFFFE003, lr  }
0x1b: {  	s9 =	sadd.s32 $0xFFFFFEF7, lr;
	s5 =	simm.s32 $0xFFFFFFFF;
	p2 =	slt.u32 s8, $0xFFFFF086  }
0x1c: {  	p1 =	slt.u32 s9, $0xF7A;
	s5 =	simm.s32 @!p2 $0x0  }
0x1d: {  	s5 =	simm.s32 @p1 $0x1;
	p0 =	seq.s32 s7, s2  }
0x1e: {  	s7 =	smul.u32 @!p0 $0xF7A, s2;
	p2 =	seq.s32 @!p0 s5, $0x0  }
0x1f: {  	s9 =	smul.u32 $0xF7A, s1;
	s8 =	simm.s32 @!p0 $0x1BF5;
	p2 =	por !p2, p0  }
0x20: {  	[sflag:s8] =	ssyncset.s32 @!p0 $0xFFFFF086;
	s6 =	sadd.s32 @!p0 s3, s7;
	s7 =	simm.s32 @!p0 $0x108  }
0x21: {  	s3 =	sadd.s32 s3, s9;
	s6 =	sadd.s32 @!p0 $0x88, s6;
	s7 =	simm.s32 @p2 $0x1082  }
0x22: {  	[simem:s7], [sflag:s8] =	dma.local @!p0 [hbm:s6], $0xF7A  }
0x23: {  	s9 =	sor.u32 $0xD0000000, s2;
	s6 =	simm.s32 $0x108;
	_ =	swait.ge @!p0 [sflag:s8], $0x0  }
0x24: {  	s3 =	sadd.s32 $0x88, s3;
	s6 =	simm.s32 @!p1 $0x1082;
	[sflag:s4] =	ssyncset.s32 $0xFFFFF086  }
0x25: {  	[simem:s6], [sflag:s4] =	dma.local [hbm:s3], $0xF7A  }
0x26: {  	[smem:$0x3F87] =	sst s1;
	(tag) =	ssettag s2;
	_ =	strace s9  }
0x27: {  	s1 =	sld [smem:$0x3F97]  }
0x28: {  	s2 =	sld [smem:$0x3F98]  }
0x29: {  	s4 =	sld [smem:$0x3F9A]  }
0x2a: {  	p0 =	seq.s32 s5, $0x0;
	s5 =	sld [smem:$0x3F9B]  }
0x2b: {  	s6 =	sld [smem:$0x3F9C]  }
0x2c: {  	s7 =	sld [smem:$0x3F9D]  }
0x2d: {  	s3 =	simm.s32 $0x108;
	s8 =	sld [smem:$0x3F9E]  }
0x2e: {  	s3 =	simm.s32 @!p0 $0x1082;
	s9 =	sld [smem:$0x3F9F]  }
0x2f: {  	lr =	sadd.s32 s0, s3;
	s0 =	sld [smem:$0x3F96]  }
0x30: {  	s3 =	sld [smem:$0x3F99]  }
0x31: {  	[smem:$0x3FA2] =	sst s10  }
0x32: {  	s10 =	sld [smem:$0x3FA0];
	_ =	sdelay $0x3  }
0x33: {  	p0 =	seq.s32 s10, $0x1;
	s10 =	sld [smem:$0x3FA2];
	_ =	sdelay $0x3  }
0x34: {  	[smem:$0x3FA2] =	sst s10  }
0x35: {  	s10 =	sld [smem:$0x3FA1];
	_ =	sdelay $0x3  }
0x36: {  	p1 =	seq.s32 s10, $0x1;
	s10 =	sld [smem:$0x3FA2];
	_ =	sdelay $0x3  }
0x37: {  	[smem:$0x3FA2] =	sst s10  }
0x38: {  	s10 =	sld [smem:$0x3FA3]  }
0x39: {  	_ = 	snop;
	(pc) =	sbr.ind lr, $3  }
0x3a: {  	_ = 	snop  }
0x3b: {  	_ = 	snop  }
0x3c: {  	p2 =	seq.s32 s10, $0x1;
	s10 =	sld [smem:$0x3FA2]  }
0x3d: {  	_ =	shalt  }
0x3e: {  	_ =	shalt  }
0x3f: {  	_ =	shalt  }
0x40: {  	_ =	shalt  }
0x41: {  	_ =	shalt  }
0x42: {  	_ =	shalt  }
0x43: {  	_ =	shalt  }
0x44: {  	_ =	shalt  }
0x45: {  	_ =	shalt  }
0x46: {  	_ =	shalt  }
0x47: {  	_ =	shalt  }
0x48: {  	_ =	shalt  }
0x49: {  	_ =	shalt  }
0x4a: {  	_ =	shalt  }
0x4b: {  	_ =	shalt  }
0x4c: {  	_ =	shalt  }
0x4d: {  	_ =	shalt  }
0x4e: {  	_ =	shalt  }
0x4f: {  	_ =	shalt  }
0x50: {  	_ =	shalt  }
0x51: {  	_ =	shalt  }
0x52: {  	_ =	shalt  }
0x53: {  	_ =	shalt  }
0x54: {  	_ =	shalt  }
0x55: {  	_ =	shalt  }
0x56: {  	_ =	shalt  }
0x57: {  	_ =	shalt  }
0x58: {  	_ =	shalt  }
0x59: {  	_ =	shalt  }
0x5a: {  	_ =	shalt  }
0x5b: {  	_ =	shalt  }
0x5c: {  	_ =	shalt  }
0x5d: {  	_ =	shalt  }
0x5e: {  	_ =	shalt  }
0x5f: {  	_ =	shalt  }
0x60: {  	_ =	shalt  }
0x61: {  	_ =	shalt  }
0x62: {  	_ =	shalt  }
0x63: {  	_ =	shalt  }
0x64: {  	_ =	shalt  }
0x65: {  	_ =	shalt  }
0x66: {  	_ =	shalt  }
0x67: {  	_ =	shalt  }
0x68: {  	_ =	shalt  }
0x69: {  	_ =	shalt  }
0x6a: {  	_ =	shalt  }
0x6b: {  	_ =	shalt  }
0x6c: {  	_ =	shalt  }
0x6d: {  	_ =	shalt  }
0x6e: {  	_ =	shalt  }
0x6f: {  	_ =	shalt  }
0x70: {  	_ =	shalt  }
0x71: {  	_ =	shalt  }
0x72: {  	_ =	shalt  }
0x73: {  	_ =	shalt  }
0x74: {  	_ =	shalt  }
0x75: {  	_ =	shalt  }
0x76: {  	_ =	shalt  }
0x77: {  	_ =	shalt  }
0x78: {  	_ =	shalt  }
0x79: {  	_ =	shalt  }
0x7a: {  	_ =	shalt  }
0x7b: {  	_ =	shalt  }
0x7c: {  	_ =	shalt  }
0x7d: {  	_ =	shalt  }
0x7e: {  	_ =	shalt  }
0x7f: {  	_ =	shalt  }
0x80: {  	_ =	shalt  }
0x81: {  	_ =	shalt  }
0x82: {  	_ =	shalt  }
0x83: {  	_ =	shalt  }
0x84: {  	_ =	shalt  }
0x85: {  	_ =	shalt  }
0x86: {  	_ =	shalt  }
0x87: {  	_ =	shalt  }
.Lfunc_end0:
.L_simem_size_0:
called_computation_lowered:
.L_overlay_start_0:
0x88: {  	s2 =	sld [smem:$0x3FD9]  }
0x89: {  	s3 =	sld [smem:$0x3FFE];
	_ =	sdelay $0x1  }
0x8a: {  	s1 =	srdreg.scid  }
0x8b: {  	s0 =	sand.u32 $0x1, s1  }
0x8c: {  	s17 =	sshll.u32 s0, $0xA;
	s2 =	sadd.s32 s3, s2  }
0x8d: {  	s2 =	sadd.s32 s2, s17  }
0x8e: {  	[smem:$0x3FAE] =	sst s2  }
0x8f: {  	_ = 	snop  }
0x90: {  	s2 =	sld [smem:$0x3FC9];
	(tm) =	ssettm $0x1  }
0x91: {  	s18 =	sld [smem:$0x3FFB];
	_ =	sdelay $0x3  }
0x92: {  	_ =	strace s18  }
0x93: {  	s3 =	sld [smem:$0x3FFC];
	_ =	sdelay $0x3  }
0x94: {  	_ =	strace s3  }
0x95: {  	s3 =	sld [smem:$0x3FFD];
	_ =	sdelay $0x3  }
0x96: {  	_ =	strace s3  }
0x97: {  	_ =	strace $0x8FFFFFFF  }
0x98: {  	s19 =	sld [smem:$0x3FDB];
	_ =	sdelay $0x1  }
0x99: {  	s4 =	simm.s32 $_scs_section_size  }
0x9a: {  	s5 =	simm.s32 $_size__tile_overlayer_lowered;
	s6 =	simm.s32 $_tile_overlayer_lowered  }
0x9b: {  	s22 =	simm.s32 $0x1BFF;
	s21 =	sshll.u32 s6, $0x1;
	s3 =	sadd.s32 s4, s19  }
0x9c: {  	s7 =	simm.s32 $0x0;
	s20 =	sshll.u32 s5, $0x1;
	s5 =	sadd.s32 s21, s3  }
0x9d: {  	[timem:s7], [sflag:s22] =	dma.local [hbm:s5], s20  }
0x9e: {  	_ =	swait.ge [sflag:s22], s20  }
0x9f: {  	s4 =	ssub.s32 $0x0, s20;
	[sflag:s22] =	ssyncset.done $0x0  }
0xa0: {  	[sflag:s22] =	ssyncadd.s32 s4;
	_ =	sdelay $0x1  }
0xa1: {  	s23 =	simm.s32 $0x1B8B  }
0xa2: {  	_ =	swait.ge [sflag:s23], $0x1  }
0xa3: {  	[sflag:s23] =	ssyncset.done $0x0  }
0xa4: {  	s25 =	simm.s32 $0x1B8E;
	s24 =	sld [smem:$0x3FFE];
	[sflag:s23] =	ssyncadd.s32 $0xFFFFFFFF  }
0xa5: {  	s26 =	simm.s32 $execute0_lowered;
	[smem:$0x3FD2] =	sst s25  }
0xa6: {  	s5 =	sshll.u32 s26, $0x1;
	_ =	strace $0x80000046;
	[dreg:$0x1] =	wrdreg $0xFFFFFFFF  }
0xa7: {  	s28 =	simm.s32 $_size_execute0_lowered;
	s3 =	sadd.s32 s3, s5;
	[dreg:$0x0] =	wrdreg $0x0  }
0xa8: {  	s5 =	sshll.u32 s28, $0x1;
	[dreg:$0x2] =	wrdreg s3  }
0xa9: {  	[dreg:$0x3] =	wrdreg s5  }
0xaa: {  	[dreg:$0x4] =	wrdreg $0xC0  }
0xab: {  	_ =	task [dreg:s7], $0x5FFFF  }
0xac: {  	[dreg:$0x1] =	wrdreg $0xFFFFFFFF  }
0xad: {  	[dreg:$0x0] =	wrdreg $0x60  }
0xae: {  	[dreg:$0x2] =	wrdreg s2  }
0xaf: {  	[dreg:$0x3] =	wrdreg s24  }
0xb0: {  	[dreg:$0x4] =	wrdreg $0x0  }
0xb1: {  	[dreg:$0x5] =	wrdreg $0x9  }
0xb2: {  	_ =	task.clear_ibuf [dreg:s7], $0x6FFFF;
	_ =	strace $0x90000046  }
0xb3: {  	s29 =	simm.s32 $0x9;
	_ =	strace $0x80000048  }
0xb4: {  	_ =	swait.ge [sflag:s29], $0x1  }
0xb5: {  	[sflag:s29] =	ssyncadd.s32 $0xFFFFFFFF  }
0xb6: {  	_ =	strace $0x90000048  }
0xb7: {  	_ =	sfence  }
0xb8: {  	s30 =	sld [smem:$0x0];
	_ =	sdelay $0x2  }
0xb9: {  	s31 =	sshll.u32 s1, $0xD;
	s1 =	sshrl.u32 s1, $0x2  }
0xba: {  	s3 =	sand.u32 $0x4000, s31;
	s1 =	sadd.s32 s1, s30  }
0xbb: {  	s0 =	sor.u32 s3, s0;
	s1 =	sshll.u32 s1, $0x11  }
0xbc: {  	s0 =	sor.u32 s1, s0  }
0xbd: {  	s0 =	sadd.s32 $0x8F2B, s0  }
0xbe: {  	[sflag:s0] =	ssyncadd.remote.s32 $0x1  }
0xbf: {  	_ =	sfence.sel $0xFFFF  }
0xc0: {  	[dreg:$0x0] =	wrdreg $0xFFFFFFFF;
	(pc) =	sbr.abs _section_cstart, $3  }
0xc1: {  	[dreg:$0x1] =	wrdreg $0xFFFFFFFF  }
0xc2: {  	_ =	task.clear_ibuf [dreg:s7], $0x2FFFF;
	_ =	strace $0x9FFFFFFF  }
0xc3: {  	(tm) =	ssettm $0x7FFFFFFF  }
tec
execute0_lowered:
.L_overlay_start_1:
0x0: {  	(tag) =	ssettag $0x1  }
0x1: {  	s0 =	rddreg [dreg:$0x0]  }
0x2: {  	s3 =	rddreg [dreg:$0x1]  }
0x3: {  	s1 =	rddreg [dreg:$0x2];
	s2 =	simm.s32 $0x0  }
0x4: {  	s4 =	srdreg.scid;
	s12 =	stileid.u32;
	s30 =	simm.s32 $0x1E300  }
0x5: {  	s28 =	simm.s32 $0x1DC80;
	s29 =	simm.s32 $0x2;
	s31 =	simm.s32 $0x4  }
0x6: {  	[smem:$0x7FF] =	sst s2;
	s4 =	sand.u32 $0x1, s4;
	s7 =	smul.u32 $0x13C00, s12  }
0x7: {  	s5 =	sadd.s32 $0x15C00, s3;
	s9 =	sshll.u32 s12, $0xE;
	s6 =	smul.u32 $0x13C000, s4  }
0x8: {  	s10 =	sadd.s32 $0x5C00, s3;
	s8 =	sshll.u32 s4, $0x12;
	s4 =	ssub.s32 $0x2, s4  }
0x9: {  	s8 =	sor.u32 s9, s8;
	s15 =	sshrl.u32 s4, $0x1;
	s6 =	sadd.s32 s7, s6  }
0xa: {  	s9 =	sshrl.u32 s8, $0x3;
	s4 =	ssub.s32 s4, s15;
	s8 =	sor.u32 $0x400, s8  }
0xb: {  	s16 =	sadd.s32 s5, s9;
	s17 =	sor.u32 $0x10, s9;
	s11 =	sadd.s32 s10, s9  }
0xc: {  	s19 =	sor.u32 $0x20, s9;
	s21 =	sor.u32 $0x30, s9;
	[dreg:$0x4] =	wrdreg s16  }
0xd: {  	s23 =	sor.u32 $0x40, s9;
	[dreg:$0x5] =	wrdreg s11;
	s18 =	sadd.s32 s5, s17  }
0xe: {  	s25 =	sor.u32 $0x50, s9;
	s7 =	sadd.s32 s10, s17;
	[dreg:$0x6] =	wrdreg s18  }
0xf: {  	s13 =	sor.u32 $0x60, s9;
	s20 =	sadd.s32 s5, s19;
	[dreg:$0x7] =	wrdreg s7  }
0x10: {  	s15 =	sor.u32 $0x70, s9;
	s11 =	sadd.s32 s10, s19;
	[dreg:$0x8] =	wrdreg s20  }
0x11: {  	s9 =	simm.s32 $0xE;
	s22 =	sadd.s32 s5, s21;
	[dreg:$0x9] =	wrdreg s11  }
0x12: {  	s24 =	sadd.s32 s5, s23;
	s26 =	sadd.s32 s5, s25;
	[dreg:$0xa] =	wrdreg s22  }
0x13: {  	s14 =	sadd.s32 s5, s13;
	s16 =	sadd.s32 s10, s13;
	[dreg:$0xc] =	wrdreg s24  }
0x14: {  	s17 =	sadd.s32 s5, s15;
	s19 =	smul.u32 $0x4F000, s12;
	[dreg:$0xe] =	wrdreg s26  }
0x15: {  	s12 =	simm.s32 $0x50;
	s13 =	simm.s32 $0x13C00;
	[dreg:$0x10] =	wrdreg s14  }
0x16: {  	s7 =	sadd.s32 s10, s21;
	s11 =	sadd.s32 s10, s23;
	[dreg:$0x11] =	wrdreg s16  }
0x17: {  	[dreg:$0x12] =	wrdreg s17;
	s18 =	sshrl.u32 s8, $0x3;
	s20 =	sshrl.u32 s6, $0x3  }
0x18: {  	s26 =	smax.u32 s4, $0x1;
	s16 =	simm.s32 $0x9;
	s14 =	simm.s32 $0x18C00  }
0x19: {  	s8 =	simm.s32 $0x13;
	s4 =	simm.s32 $0x14;
	[dreg:$0xb] =	wrdreg s7  }
0x1a: {  	[dreg:$0xd] =	wrdreg s11;
	s7 =	sadd.s32 s10, s25;
	s21 =	sadd.s32 s18, s5  }
0x1b: {  	s22 =	sadd.s32 s18, s10;
	s23 =	sshrl.u32 s19, $0x2;
	s5 =	sadd.s32 s20, s3  }
0x1c: {  	s3 =	sadd.s32 $0x25C00, s3;
	[dreg:$0xf] =	wrdreg s7;
	s7 =	sadd.s32 s10, s15  }
0x1d: {  	s19 =	simm.s32 $0x1E080;
	s24 =	sadd.s32 s23, s1;
	[dreg:$0x13] =	wrdreg s7  }
.Ltmp0:
0x1e: {  	_ =	strace $0x80000047;
	[dreg:$0x14] =	wrdreg s3;
	(pc) =	sbr.rel .LBB2_1-.Ltmp0, $4  }
0x1f: {  	s18 =	simm.s32 $0xB;
	s25 =	sadd.s32 $0x28400, s5;
	[dreg:$0x15] =	wrdreg s24  }
0x20: {  	s20 =	simm.s32 $0x1B400;
	s23 =	simm.s32 $0x15;
	[dreg:$0x16] =	wrdreg s25  }
0x21: {  	s5 =	simm.s32 $0x0;
	s7 =	simm.s32 $0xF;
	[dreg:$0x17] =	wrdreg s26  }
0x22: {  	s25 =	simm.s32 $0x16400;
	s24 =	simm.s32 $0x1;
	s26 =	simm.s32 $0x16400  }
.LBB2_4:
0x23: {  	_ =	swait.ge [sflag:s24], $0x2800  }
0x24: {  	[sflag:s24] =	ssyncset.done $0x0  }
0x25: {  	[sflag:s24] =	ssyncadd.s32 $0xFFFFD800  }
0x26: {  	_ =	swait.ge [sflag:s9], $0x80  }
0x27: {  	[sflag:s9] =	ssyncset.done $0x0  }
0x28: {  	[sflag:s9] =	ssyncadd.s32 $0xFFFFFF80  }
0x29: {  	[spmem:s1] =	stream.indirect.scatter.add.f32 [tilespmem:s13], [sflag:$0x15], $0x80, s19, s12, $0xb8;
	[tilespmem:$0x1E400] =	vst v63  }
0x2a: {  	_ =	swait.ge [sflag:s23], $0x2800  }
0x2b: {  	[sflag:s23] =	ssyncset.done $0x0  }
0x2c: {  	s28 =	simm.s32 $0x1DC80;
	s25 =	simm.s32 $0x16400;
	[sflag:s23] =	ssyncadd.s32 $0xFFFFD800  }
.LBB2_5:
0x2d: {  	[bflag:$0x0] =	sbarrier.arrive $0xFFFF  }
0x2e: {  	s3 =	rddreg [dreg:$0x16]  }
0x2f: {  	s5 =	rddreg [dreg:$0x19]  }
0x30: {  	s6 =	rddreg [dreg:$0x1a]  }
0x31: {  	[hbm:s3], [sflag:s5] =	dma.local [spmem:s6], $0x2780  }
0x32: {  	_ =	swait.ge [sflag:s23], $0x2780  }
0x33: {  	s15 =	rddreg [dreg:$0x18]  }
0x34: {  	s17 =	rddreg [dreg:$0x17];
	s5 =	sadd.s32 $0x1, s15  }
0x35: {  	p0 =	sne.s32 s5, s17  }
.Ltmp1:
0x36: {  	_ = 	snop;
	(pc) =	sbr.rel @!p0 .LBB2_6-.Ltmp1, $3  }
0x37: {  	_ =	sdelay $0x1  }
0x38: {  	[sflag:s23] =	ssyncset.done $0x0  }
0x39: {  	[sflag:s23] =	ssyncadd.s32 $0xFFFFD880  }
.LBB2_1:
0x3a: {  	[dreg:$0x18] =	wrdreg s5  }
0x3b: {  	s3 =	rddreg [dreg:$0x4];
	s5 =	simm.s32 $0x1DC00  }
0x3c: {  	[tilespmem:s5], [sflag:$0x5] =	stream.linear.gather [hbm4b:s3+s2], $0x80, $0x38;
	[tilespmem:$0x1E400] =	vst v63  }
0x3d: {  	s17 =	rddreg [dreg:$0x5];
	s6 =	simm.s32 $0x1E000  }
0x3e: {  	[tilespmem:s6], [sflag:$0xD] =	stream.linear.gather [hbm4b:s17+s2], $0x80, $0x38;
	[tilespmem:$0x1E400] =	vst v63  }
0x3f: {  	s10 =	rddreg [dreg:$0x6];
	s6 =	simm.s32 $0x1DD00  }
0x40: {  	[tilespmem:s6], [sflag:$0x7] =	stream.linear.gather [hbm4b:s10+s2], $0x80, $0x38;
	[tilespmem:$0x1E400] =	vst v63  }
0x41: {  	s11 =	rddreg [dreg:$0x7];
	s10 =	simm.s32 $0x1E100  }
0x42: {  	[tilespmem:s10], [sflag:$0xF] =	stream.linear.gather [hbm4b:s11+s2], $0x80, $0x38;
	[tilespmem:$0x1E400] =	vst v63  }
0x43: {  	s15 =	rddreg [dreg:$0x8];
	s10 =	simm.s32 $0x1DE00  }
0x44: {  	[tilespmem:s10], [sflag:$0x9] =	stream.linear.gather [hbm4b:s15+s2], $0x80, $0x38;
	[tilespmem:$0x1E400] =	vst v63  }
0x45: {  	s17 =	rddreg [dreg:$0x9];
	s11 =	simm.s32 $0x1E200  }
0x46: {  	[tilespmem:s11], [sflag:$0x11] =	stream.linear.gather [hbm4b:s17+s2], $0x80, $0x38;
	[tilespmem:$0x1E400] =	vst v63  }
0x47: {  	s15 =	rddreg [dreg:$0xa];
	s11 =	simm.s32 $0x1DF00  }
0x48: {  	[tilespmem:s11], [sflag:$0xB] =	stream.linear.gather [hbm4b:s15+s2], $0x80, $0x38;
	[tilespmem:$0x1E400] =	vst v63  }
0x49: {  	s17 =	rddreg [dreg:$0xb]  }
0x4a: {  	[tilespmem:s30], [sflag:$0x13] =	stream.linear.gather [hbm4b:s17+s2], $0x80, $0x38;
	[tilespmem:$0x1E400] =	vst v63  }
0x4b: {  	s15 =	rddreg [dreg:$0xc]  }
0x4c: {  	[tilespmem:s28], [sflag:$0x6] =	stream.linear.gather [hbm4b:s15+s2], $0x80, $0x38;
	[tilespmem:$0x1E400] =	vst v63  }
0x4d: {  	s17 =	rddreg [dreg:$0xd]  }
0x4e: {  	[tilespmem:s19], [sflag:$0xE] =	stream.linear.gather [hbm4b:s17+s2], $0x80, $0x38;
	[tilespmem:$0x1E400] =	vst v63  }
0x4f: {  	s30 =	rddreg [dreg:$0xe];
	s15 =	simm.s32 $0x1DD80  }
0x50: {  	[tilespmem:s15], [sflag:$0x8] =	stream.linear.gather [hbm4b:s30+s2], $0x80, $0x38;
	[tilespmem:$0x1E400] =	vst v63  }
0x51: {  	s17 =	rddreg [dreg:$0xf];
	s30 =	simm.s32 $0x1E180  }
0x52: {  	[tilespmem:s30], [sflag:$0x10] =	stream.linear.gather [hbm4b:s17+s2], $0x80, $0x38;
	[tilespmem:$0x1E400] =	vst v63  }
0x53: {  	s17 =	rddreg [dreg:$0x10];
	s30 =	simm.s32 $0x1DE80  }
0x54: {  	[tilespmem:s30], [sflag:$0xA] =	stream.linear.gather [hbm4b:s17+s2], $0x80, $0x38;
	[tilespmem:$0x1E400] =	vst v63  }
0x55: {  	s17 =	rddreg [dreg:$0x11];
	s30 =	simm.s32 $0x1E280  }
0x56: {  	[tilespmem:s30], [sflag:$0x12] =	stream.linear.gather [hbm4b:s17+s2], $0x80, $0x38;
	[tilespmem:$0x1E400] =	vst v63  }
0x57: {  	s17 =	rddreg [dreg:$0x12];
	s30 =	simm.s32 $0x1DF80  }
0x58: {  	[tilespmem:s30], [sflag:$0xC] =	stream.linear.gather [hbm4b:s17+s2], $0x80, $0x38;
	[tilespmem:$0x1E400] =	vst v63  }
0x59: {  	s15 =	rddreg [dreg:$0x13];
	s17 =	simm.s32 $0x1E380;
	s30 =	simm.s32 $0x5  }
0x5a: {  	[tilespmem:s17], [sflag:$0x14] =	stream.linear.gather [hbm4b:s15+s2], $0x80, $0x38;
	[tilespmem:$0x1E400] =	vst v63  }
0x5b: {  	_ =	swait.ge [sflag:s30], $0x80  }
0x5c: {  	[sflag:s30] =	ssyncset.done $0x0  }
0x5d: {  	[sflag:s30] =	ssyncadd.s32 $0xFFFFFF80  }
0x5e: {  	[tilespmem:s13], [sflag:$0x1] =	stream.indirect.gather [hbm4b:s0+s12], $0x80, s5, s12, $0xb8;
	[tilespmem:$0x1E400] =	vst v63  }
0x5f: {  	s5 =	simm.s32 $0x7  }
0x60: {  	_ =	swait.ge [sflag:s5], $0x80  }
0x61: {  	[sflag:s5] =	ssyncset.done $0x0  }
0x62: {  	[sflag:s5] =	ssyncadd.s32 $0xFFFFFF80  }
0x63: {  	[tilespmem:s25], [sflag:$0x2] =	stream.indirect.gather [hbm4b:s0+s12], $0x80, s6, s12, $0xb8;
	[tilespmem:$0x1E400] =	vst v63  }
0x64: {  	_ =	swait.ge [sflag:s16], $0x80  }
0x65: {  	[sflag:s16] =	ssyncset.done $0x0  }
0x66: {  	[sflag:s16] =	ssyncadd.s32 $0xFFFFFF80  }
0x67: {  	[tilespmem:s14], [sflag:$0x3] =	stream.indirect.gather [hbm4b:s0+s12], $0x80, s10, s12, $0xb8;
	[tilespmem:$0x1E400] =	vst v63  }
0x68: {  	s10 =	stileid.u32;
	_ =	swait.ge [sflag:s18], $0x80  }
0x69: {  	s3 =	sshll.u32 s10, $0x6;
	[sflag:s18] =	ssyncset.done $0x0;
	s15 =	rddreg [dreg:$0x15]  }
0x6a: {  	s30 =	rddreg [dreg:$0x14];
	[sflag:s18] =	ssyncadd.s32 $0xFFFFFF80;
	s17 =	sshrl.u32 s15, $0x3  }
0x6b: {  	[tilespmem:s20], [sflag:$0x4] =	stream.indirect.gather [hbm4b:s0+s12], $0x80, s11, s12, $0xb8;
	[tilespmem:$0x1E400] =	vst v63  }
0x6c: {  	s11 =	sor.u32 $0x1C15, s3;
	[dreg:$0x1a] =	wrdreg s17  }
0x6d: {  	[dreg:$0x19] =	wrdreg s11  }
0x6e: {  	[spmem:s17], [sflag:s11] =	dma.local [hbm:s30], $0x2780  }
0x6f: {  	_ =	swait.ge [sflag:s23], $0x2780  }
0x70: {  	[sflag:s23] =	ssyncset.done $0x0  }
0x71: {  	[sflag:s23] =	ssyncadd.s32 $0xFFFFD880  }
0x72: {  	s5 =	simm.s32 $0x0;
	s6 =	simm.s32 $0x0;
	[bflag:$0x0] =	sbarrier.arrive $0xFFFF  }
.LBB2_2:
0x73: {  	_ =	swait.ge [sflag:s24], $0x2800  }
0x74: {  	[sflag:s24] =	ssyncset.done $0x0  }
0x75: {  	s3 =	simm.s32 $0xD;
	[sflag:s24] =	ssyncadd.s32 $0xFFFFD800  }
0x76: {  	_ =	swait.ge [sflag:s3], $0x80  }
0x77: {  	[sflag:s3] =	ssyncset.done $0x0  }
0x78: {  	s10 =	simm.s32 $0x1E000;
	[sflag:s3] =	ssyncadd.s32 $0xFFFFFF80  }
0x79: {  	[spmem:s1] =	stream.indirect.scatter.add.f32 [tilespmem:s13], [sflag:$0x15], $0x80, s10, s12, $0xb8;
	[tilespmem:$0x1E400] =	vst v63  }
0x7a: {  	p0 =	seq.s32 s5, $0x780;
	_ =	swait.ge [sflag:s23], $0x2800  }
0x7b: {  	s17 =	sadd.s32 @!p0 s5, s21;
	[sflag:s23] =	ssyncset.done $0x0  }
0x7c: {  	s15 =	simm.s32 @!p0 $0x1DC00;
	s3 =	simm.s32 @!p0 $0x0;
	[sflag:s23] =	ssyncadd.s32 $0xFFFFD800  }
0x7d: {  	[tilespmem:s15], [sflag:$0x5] =	stream.linear.gather @!p0 [hbm4b:s17+s3], $0x80, $0x38;
	[tilespmem:$0x1E400] =	vst v63  }
0x7e: {  	s11 =	simm.s32 $0x6;
	s10 =	simm.s32 @!p0 $0x1E000;
	s15 =	sadd.s32 @!p0 s5, s22  }
0x7f: {  	[tilespmem:s10], [sflag:$0xD] =	stream.linear.gather @!p0 [hbm4b:s15+s3], $0x80, $0x38;
	[tilespmem:$0x1E400] =	vst v63  }
0x80: {  	_ =	swait.ge [sflag:s11], $0x80  }
0x81: {  	[sflag:s11] =	ssyncset.done $0x0  }
0x82: {  	[sflag:s11] =	ssyncadd.s32 $0xFFFFFF80  }
0x83: {  	[tilespmem:s13], [sflag:$0x1] =	stream.indirect.gather [hbm4b:s0+s12], $0x80, s28, s12, $0xb8;
	[tilespmem:$0x1E400] =	vst v63  }
0x84: {  	_ =	swait.ge [sflag:s29], $0x2800  }
0x85: {  	[sflag:s29] =	ssyncset.done $0x0  }
0x86: {  	[sflag:s29] =	ssyncadd.s32 $0xFFFFD800  }
0x87: {  	_ =	swait.ge [sflag:s7], $0x80  }
0x88: {  	[sflag:s7] =	ssyncset.done $0x0  }
0x89: {  	s28 =	simm.s32 $0x1E100;
	[sflag:s7] =	ssyncadd.s32 $0xFFFFFF80  }
0x8a: {  	[spmem:s1] =	stream.indirect.scatter.add.f32 [tilespmem:s25], [sflag:$0x15], $0x80, s28, s12, $0xb8;
	[tilespmem:$0x1E400] =	vst v63  }
0x8b: {  	_ =	swait.ge [sflag:s23], $0x2800  }
0x8c: {  	[sflag:s23] =	ssyncset.done $0x0  }
0x8d: {  	s10 =	simm.s32 @p0 $0x3;
	[sflag:s23] =	ssyncadd.s32 $0xFFFFD800  }
0x8e: {  	_ =	swait.ge @p0 [sflag:s10], $0x2800  }
0x8f: {  	[sflag:s10] =	ssyncset.done @p0 $0x0  }
0x90: {  	[sflag:s10] =	ssyncadd.s32 @p0 $0xFFFFD800;
	s10 =	simm.s32 @p0 $0x11  }
0x91: {  	_ =	swait.ge @p0 [sflag:s10], $0x80  }
0x92: {  	s11 =	simm.s32 @p0 $0x1E200;
	[sflag:s10] =	ssyncset.done @p0 $0x0  }
0x93: {  	s28 =	simm.s32 @p0 $0x18C00;
	[sflag:s10] =	ssyncadd.s32 @p0 $0xFFFFFF80;
	s10 =	simm.s32 @p0 $0x50  }
0x94: {  	[spmem:s1] =	stream.indirect.scatter.add.f32 @p0 [tilespmem:s28], [sflag:$0x15], $0x80, s11, s10, $0xb8;
	[tilespmem:$0x1E400] =	vst v63  }
0x95: {  	s10 =	simm.s32 @p0 $0x15  }
0x96: {  	_ =	swait.ge @p0 [sflag:s10], $0x2800  }
0x97: {  	[sflag:s10] =	ssyncset.done @p0 $0x0  }
0x98: {  	s11 =	simm.s32 @!p0 $0x1DD00;
	[sflag:s10] =	ssyncadd.s32 @p0 $0xFFFFD800;
	s10 =	sadd.s32 @!p0 $0x10, s17  }
0x99: {  	[tilespmem:s11], [sflag:$0x7] =	stream.linear.gather @!p0 [hbm4b:s10+s3], $0x80, $0x38;
	[tilespmem:$0x1E400] =	vst v63  }
0x9a: {  	s10 =	sadd.s32 @!p0 $0x10, s15;
	s11 =	simm.s32 @!p0 $0x1E100  }
0x9b: {  	[tilespmem:s11], [sflag:$0xF] =	stream.linear.gather @!p0 [hbm4b:s10+s3], $0x80, $0x38;
	[tilespmem:$0x1E400] =	vst v63  }
0x9c: {  	s10 =	simm.s32 @!p0 $0x8  }
0x9d: {  	_ =	swait.ge @!p0 [sflag:s10], $0x80  }
0x9e: {  	s28 =	simm.s32 @!p0 $0x16400;
	[sflag:s10] =	ssyncset.done @!p0 $0x0  }
0x9f: {  	s11 =	simm.s32 @!p0 $0x1DD80;
	[sflag:s10] =	ssyncadd.s32 @!p0 $0xFFFFFF80;
	s10 =	simm.s32 @!p0 $0x50  }
0xa0: {  	[tilespmem:s28], [sflag:$0x2] =	stream.indirect.gather @!p0 [hbm4b:s0+s10], $0x80, s11, s10, $0xb8;
	[tilespmem:$0x1E400] =	vst v63  }
0xa1: {  	s11 =	simm.s32 @!p0 $0x3  }
0xa2: {  	_ =	swait.ge @!p0 [sflag:s11], $0x2800  }
0xa3: {  	[sflag:s11] =	ssyncset.done @!p0 $0x0  }
0xa4: {  	[sflag:s11] =	ssyncadd.s32 @!p0 $0xFFFFD800;
	s11 =	simm.s32 @!p0 $0x11  }
0xa5: {  	_ =	swait.ge @!p0 [sflag:s11], $0x80  }
0xa6: {  	s30 =	simm.s32 @!p0 $0x15;
	[sflag:s11] =	ssyncset.done @!p0 $0x0  }
0xa7: {  	s28 =	simm.s32 @!p0 $0x18C00;
	[sflag:s11] =	ssyncadd.s32 @!p0 $0xFFFFFF80;
	s11 =	simm.s32 @!p0 $0x1E200  }
0xa8: {  	[spmem:s1] =	stream.indirect.scatter.add.f32 @!p0 [tilespmem:s28], [sflag:$0x15], $0x80, s11, s10, $0xb8;
	[tilespmem:$0x1E400] =	vst v63  }
0xa9: {  	_ =	swait.ge @!p0 [sflag:s30], $0x2800  }
0xaa: {  	[sflag:s30] =	ssyncset.done @!p0 $0x0  }
0xab: {  	s17 =	sadd.s32 @!p0 $0x20, s17;
	[sflag:s30] =	ssyncadd.s32 @!p0 $0xFFFFD800;
	s30 =	simm.s32 @!p0 $0x1DE00  }
0xac: {  	[tilespmem:s30], [sflag:$0x9] =	stream.linear.gather @!p0 [hbm4b:s17+s3], $0x80, $0x38;
	[tilespmem:$0x1E400] =	vst v63  }
0xad: {  	s15 =	sadd.s32 @!p0 $0x20, s15  }
0xae: {  	[tilespmem:s11], [sflag:$0x11] =	stream.linear.gather @!p0 [hbm4b:s15+s3], $0x80, $0x38;
	[tilespmem:$0x1E400] =	vst v63  }
0xaf: {  	s3 =	simm.s32 @!p0 $0xA  }
0xb0: {  	_ =	swait.ge @!p0 [sflag:s3], $0x80  }
0xb1: {  	[sflag:s3] =	ssyncset.done @!p0 $0x0  }
0xb2: {  	[sflag:s3] =	ssyncadd.s32 @!p0 $0xFFFFFF80;
	s3 =	simm.s32 @!p0 $0x1DE80  }
0xb3: {  	[tilespmem:s28], [sflag:$0x3] =	stream.indirect.gather @!p0 [hbm4b:s0+s10], $0x80, s3, s10, $0xb8;
	[tilespmem:$0x1E400] =	vst v63  }
0xb4: {  	_ =	swait.ge [sflag:s31], $0x2800  }
0xb5: {  	[sflag:s31] =	ssyncset.done $0x0  }
0xb6: {  	[sflag:s31] =	ssyncadd.s32 $0xFFFFD800  }
0xb7: {  	_ =	swait.ge [sflag:s8], $0x80  }
0xb8: {  	[sflag:s8] =	ssyncset.done $0x0  }
.Ltmp2:
0xb9: {  	s30 =	simm.s32 $0x1E300;
	[sflag:s8] =	ssyncadd.s32 $0xFFFFFF80;
	(pc) =	sbr.rel @p0 .LBB2_4-.Ltmp2, $4  }
0xba: {  	[spmem:s1] =	stream.indirect.scatter.add.f32 [tilespmem:s20], [sflag:$0x15], $0x80, s30, s12, $0xb8;
	[tilespmem:$0x1E400] =	vst v63  }
0xbb: {  	_ =	swait.ge [sflag:s23], $0x2800  }
0xbc: {  	[sflag:s23] =	ssyncset.done $0x0  }
0xbd: {  	s25 =	simm.s32 $0x1DC80;
	[sflag:s23] =	ssyncadd.s32 $0xFFFFD800  }
0xbe: {  	s3 =	sadd.s32 s5, s21  }
0xbf: {  	s28 =	simm.s32 $0x1DF00;
	s15 =	sadd.s32 s5, s22;
	s10 =	sadd.s32 $0x30, s3  }
0xc0: {  	[tilespmem:s28], [sflag:$0xB] =	stream.linear.gather [hbm4b:s10+s2], $0x80, $0x38;
	[tilespmem:$0x1E400] =	vst v63  }
0xc1: {  	s17 =	simm.s32 $0xC;
	s11 =	sadd.s32 $0x30, s15  }
0xc2: {  	[tilespmem:s30], [sflag:$0x13] =	stream.linear.gather [hbm4b:s11+s2], $0x80, $0x38;
	[tilespmem:$0x1E400] =	vst v63  }
0xc3: {  	_ =	swait.ge [sflag:s17], $0x80  }
0xc4: {  	[sflag:s17] =	ssyncset.done $0x0  }
0xc5: {  	s19 =	simm.s32 $0x1DF80;
	[sflag:s17] =	ssyncadd.s32 $0xFFFFFF80  }
0xc6: {  	[tilespmem:s20], [sflag:$0x4] =	stream.indirect.gather [hbm4b:s0+s12], $0x80, s19, s12, $0xb8;
	[tilespmem:$0x1E400] =	vst v63  }
0xc7: {  	_ =	swait.ge [sflag:s24], $0x2800  }
0xc8: {  	[sflag:s24] =	ssyncset.done $0x0  }
0xc9: {  	[sflag:s24] =	ssyncadd.s32 $0xFFFFD800  }
0xca: {  	_ =	swait.ge [sflag:s9], $0x80  }
0xcb: {  	[sflag:s9] =	ssyncset.done $0x0  }
0xcc: {  	s14 =	simm.s32 $0x1E080;
	[sflag:s9] =	ssyncadd.s32 $0xFFFFFF80  }
0xcd: {  	[spmem:s1] =	stream.indirect.scatter.add.f32 [tilespmem:s13], [sflag:$0x15], $0x80, s14, s12, $0xb8;
	[tilespmem:$0x1E400] =	vst v63  }
0xce: {  	_ =	swait.ge [sflag:s23], $0x2800  }
0xcf: {  	[sflag:s23] =	ssyncset.done $0x0  }
0xd0: {  	s3 =	sadd.s32 $0x40, s3;
	[sflag:s23] =	ssyncadd.s32 $0xFFFFD800  }
0xd1: {  	[tilespmem:s25], [sflag:$0x6] =	stream.linear.gather [hbm4b:s3+s2], $0x80, $0x38;
	[tilespmem:$0x1E400] =	vst v63  }
0xd2: {  	s15 =	sadd.s32 $0x40, s15;
	s17 =	simm.s32 $0x5  }
0xd3: {  	[tilespmem:s14], [sflag:$0xE] =	stream.linear.gather [hbm4b:s15+s2], $0x80, $0x38;
	[tilespmem:$0x1E400] =	vst v63  }
0xd4: {  	_ =	swait.ge [sflag:s17], $0x80  }
0xd5: {  	[sflag:s17] =	ssyncset.done $0x0  }
0xd6: {  	s25 =	simm.s32 $0x1DC00;
	[sflag:s17] =	ssyncadd.s32 $0xFFFFFF80  }
0xd7: {  	[tilespmem:s13], [sflag:$0x1] =	stream.indirect.gather [hbm4b:s0+s12], $0x80, s25, s12, $0xb8;
	[tilespmem:$0x1E400] =	vst v63  }
0xd8: {  	_ =	swait.ge [sflag:s29], $0x2800  }
0xd9: {  	[sflag:s29] =	ssyncset.done $0x0  }
0xda: {  	s10 =	simm.s32 $0x10;
	[sflag:s29] =	ssyncadd.s32 $0xFFFFD800  }
0xdb: {  	_ =	swait.ge [sflag:s10], $0x80  }
0xdc: {  	[sflag:s10] =	ssyncset.done $0x0  }
0xdd: {  	s11 =	simm.s32 $0x1E180;
	[sflag:s10] =	ssyncadd.s32 $0xFFFFFF80  }
0xde: {  	[spmem:s1] =	stream.indirect.scatter.add.f32 [tilespmem:s26], [sflag:$0x15], $0x80, s11, s12, $0xb8;
	[tilespmem:$0x1E400] =	vst v63  }
0xdf: {  	p0 =	sgt.u32 s6, $0xD;
	_ =	swait.ge [sflag:s23], $0x2800  }
0xe0: {  	s3 =	sadd.s32 @!p0 s5, s21;
	s15 =	simm.s32 @!p0 $0x1DD80;
	[sflag:s23] =	ssyncset.done $0x0  }
0xe1: {  	s10 =	sadd.s32 @!p0 $0x50, s3;
	s11 =	simm.s32 @!p0 $0x0;
	[sflag:s23] =	ssyncadd.s32 $0xFFFFD800  }
0xe2: {  	[tilespmem:s15], [sflag:$0x8] =	stream.linear.gather @!p0 [hbm4b:s10+s11], $0x80, $0x38;
	[tilespmem:$0x1E400] =	vst v63  }
0xe3: {  	s10 =	sadd.s32 @!p0 s5, s22  }
0xe4: {  	s14 =	simm.s32 $0x7;
	s17 =	simm.s32 @!p0 $0x1E180;
	s15 =	sadd.s32 @!p0 $0x50, s10  }
0xe5: {  	[tilespmem:s17], [sflag:$0x10] =	stream.linear.gather @!p0 [hbm4b:s15+s11], $0x80, $0x38;
	[tilespmem:$0x1E400] =	vst v63  }
0xe6: {  	_ =	swait.ge [sflag:s14], $0x80  }
0xe7: {  	[sflag:s14] =	ssyncset.done $0x0  }
0xe8: {  	s17 =	simm.s32 $0x3;
	[sflag:s14] =	ssyncadd.s32 $0xFFFFFF80;
	s14 =	simm.s32 $0x1DD00  }
0xe9: {  	[tilespmem:s26], [sflag:$0x2] =	stream.indirect.gather [hbm4b:s0+s12], $0x80, s14, s12, $0xb8;
	[tilespmem:$0x1E400] =	vst v63  }
0xea: {  	_ =	swait.ge [sflag:s17], $0x2800  }
0xeb: {  	[sflag:s17] =	ssyncset.done $0x0  }
0xec: {  	s25 =	simm.s32 $0x12;
	[sflag:s17] =	ssyncadd.s32 $0xFFFFD800  }
0xed: {  	_ =	swait.ge [sflag:s25], $0x80  }
0xee: {  	[sflag:s25] =	ssyncset.done $0x0  }
0xef: {  	s14 =	simm.s32 $0x1E280;
	[sflag:s25] =	ssyncadd.s32 $0xFFFFFF80;
	s25 =	simm.s32 $0x18C00  }
0xf0: {  	[spmem:s1] =	stream.indirect.scatter.add.f32 [tilespmem:s25], [sflag:$0x15], $0x80, s14, s12, $0xb8;
	[tilespmem:$0x1E400] =	vst v63  }
0xf1: {  	_ =	swait.ge [sflag:s23], $0x2800  }
0xf2: {  	[sflag:s23] =	ssyncset.done $0x0  }
0xf3: {  	s15 =	sadd.s32 @!p0 $0x60, s3;
	s17 =	simm.s32 @!p0 $0x1DE80;
	[sflag:s23] =	ssyncadd.s32 $0xFFFFD800  }
0xf4: {  	[tilespmem:s17], [sflag:$0xA] =	stream.linear.gather @!p0 [hbm4b:s15+s11], $0x80, $0x38;
	[tilespmem:$0x1E400] =	vst v63  }
0xf5: {  	s15 =	sadd.s32 @!p0 $0x60, s10;
	s17 =	simm.s32 @!p0 $0x1E280  }
0xf6: {  	[tilespmem:s17], [sflag:$0x12] =	stream.linear.gather @!p0 [hbm4b:s15+s11], $0x80, $0x38;
	[tilespmem:$0x1E400] =	vst v63  }
0xf7: {  	_ =	swait.ge [sflag:s16], $0x80  }
0xf8: {  	[sflag:s16] =	ssyncset.done $0x0  }
0xf9: {  	s17 =	simm.s32 $0x1DE00;
	[sflag:s16] =	ssyncadd.s32 $0xFFFFFF80  }
0xfa: {  	[tilespmem:s25], [sflag:$0x3] =	stream.indirect.gather [hbm4b:s0+s12], $0x80, s17, s12, $0xb8;
	[tilespmem:$0x1E400] =	vst v63  }
0xfb: {  	_ =	swait.ge [sflag:s31], $0x2800  }
0xfc: {  	[sflag:s31] =	ssyncset.done $0x0  }
0xfd: {  	[sflag:s31] =	ssyncadd.s32 $0xFFFFD800  }
0xfe: {  	_ =	swait.ge [sflag:s4], $0x80  }
0xff: {  	[sflag:s4] =	ssyncset.done $0x0  }
0x100: {  	s25 =	simm.s32 $0x1E380;
	[sflag:s4] =	ssyncadd.s32 $0xFFFFFF80  }
0x101: {  	[spmem:s1] =	stream.indirect.scatter.add.f32 [tilespmem:s20], [sflag:$0x15], $0x80, s25, s12, $0xb8;
	[tilespmem:$0x1E400] =	vst v63  }
0x102: {  	_ =	swait.ge [sflag:s23], $0x2800  }
0x103: {  	[sflag:s23] =	ssyncset.done $0x0  }
0x104: {  	s3 =	sadd.s32 @!p0 $0x70, s3;
	s15 =	simm.s32 @!p0 $0x1DF80;
	[sflag:s23] =	ssyncadd.s32 $0xFFFFD800  }
0x105: {  	[tilespmem:s15], [sflag:$0xC] =	stream.linear.gather @!p0 [hbm4b:s3+s11], $0x80, $0x38;
	[tilespmem:$0x1E400] =	vst v63  }
0x106: {  	s5 =	sadd.s32 $0x80, s5;
	s3 =	sadd.s32 @!p0 $0x70, s10;
	s10 =	simm.s32 @!p0 $0x1E380  }
0x107: {  	[tilespmem:s10], [sflag:$0x14] =	stream.linear.gather @!p0 [hbm4b:s3+s11], $0x80, $0x38;
	[tilespmem:$0x1E400] =	vst v63  }
0x108: {  	p0 =	seq.s32 s5, $0x800  }
.Ltmp3:
0x109: {  	_ =	swait.ge [sflag:s18], $0x80;
	(pc) =	sbr.rel @!p0 .LBB2_2-.Ltmp3, $4  }
.Ltmp4:
0x10a: {  	[sflag:s18] =	ssyncset.done $0x0;
	(pc) =	sbr.rel @p0 .LBB2_5-.Ltmp4, $4  }
0x10b: {  	s6 =	sadd.s32 $0x1, s6;
	s19 =	simm.s32 $0x1E080;
	[sflag:s18] =	ssyncadd.s32 $0xFFFFFF80  }
0x10c: {  	[tilespmem:s20], [sflag:$0x4] =	stream.indirect.gather [hbm4b:s0+s12], $0x80, s28, s12, $0xb8;
	[tilespmem:$0x1E400] =	vst v63  }
0x10d: {  	s14 =	simm.s32 $0x18C00;
	s25 =	simm.s32 $0x16400;
	s28 =	simm.s32 $0x1DC80  }
0x10e: {  	_ = 	snop  }
.LBB2_6:
0x10f: {  	_ =	sfence.sel $0x180000  }
0x110: {  	[bflag:$0x0] =	sbarrier.arrive $0xFFFF  }
0x111: {  	_ =	strace $0x90000047  }
0x112: {  	s0 =	stileid.u32;
	[bflag:$0x2] =	sbarrier.arrive $0xFFFF  }
0x113: {  	p0 =	sne.s32 s0, $0x0;
	s0 =	rddreg [dreg:$0x3]  }
0x114: {  	s0 =	sadd.s32 @!p0 $0x100000, s0  }
0x115: {  	[sflag:s0] =	ssyncadd.tile.s32 @!p0 $0x1;
	_ =	shalt  }
.Lfunc_end2:
_tile_overlayer_lowered:
.L_overlay_start_2:
0x116: {  	(tag) =	ssettag $0x2  }
0x117: {  	s0 =	rddreg [dreg:$0x0];
	s2 =	stileid.u32  }
0x118: {  	s1 =	rddreg [dreg:$0x1];
	p0 =	sne.s32 s2, $0x0  }
0x119: {  	s3 =	rddreg [dreg:$0x2];
	[bflag:$0x3] =	sbarrier.arrive $0xFFFF;
	s2 =	simm.s32 @!p0 $0x1C15  }
0x11a: {  	[timem:s3], [sflag:s2] =	dma.local @!p0 [hbm:s0], s1  }
0x11b: {  	s0 =	simm.s32 @!p0 $0x15  }
0x11c: {  	_ =	swait.ge @!p0 [sflag:s0], s1  }
0x11d: {  	s1 =	ssub.s32 @!p0 $0x0, s1;
	[sflag:s0] =	ssyncset.done @!p0 $0x0  }
0x11e: {  	[sflag:s0] =	ssyncadd.s32 @!p0 s1  }
0x11f: {  	[bflag:$0x3] =	sbarrier.arrive $0xFFFF  }
0x120: {  	_ =	shalt  }

</sc_bundles>
